<compile_context>
chip_gen: v7x
topology: tpu7x:2x2x1
jax: 0.10.2.dev20260603
libtpu: 0.0.44.dev20260713+nightly
codegen_flags: <defaults>
</compile_context>

<pallas_src>
import dataclasses
import functools

import jax
import jax.numpy as jnp
from jax import lax
from jax.experimental import pallas as pl
from jax.experimental.pallas import tpu as pltpu
from jax.experimental.pallas import tpu_sc as plsc

NC = 2
NS = 16
NW = NC * NS


def _sc_mesh():
    return plsc.VectorSubcoreMesh(core_axis_name="c", subcore_axis_name="s")


def _sc_no_layout_params():
    cp = pltpu.CompilerParams()
    if "needs_layout_passes" in pltpu.CompilerParams.__dataclass_fields__:
        cp = dataclasses.replace(cp, needs_layout_passes=False)
    return cp


def _sc_degrees(es, ed, zeros_n):
    e = es.shape[0]
    n = zeros_n.shape[0]
    per_tile = e // NW
    ch = 1000
    n_ch = per_tile // ch

    @functools.partial(
        pl.kernel,
        out_type=(jax.ShapeDtypeStruct((NC, 1, n), jnp.float32),
                  jax.ShapeDtypeStruct((NC, 1, n), jnp.float32)),
        mesh=_sc_mesh(),
        scratch_types=[
            pltpu.VMEM((ch,), jnp.int32),
            pltpu.VMEM((ch,), jnp.int32),
            pltpu.VMEM((ch,), jnp.int32),
            pltpu.VMEM((ch,), jnp.int32),
            pltpu.VMEM((ch,), jnp.float32),
            pltpu.VMEM_SHARED((n,), jnp.float32),
            pltpu.VMEM_SHARED((n,), jnp.float32),
            pltpu.SemaphoreType.DMA,
            pltpu.SemaphoreType.DMA,
        ],
    )
    def k(es_hbm, ed_hbm, z_hbm, od_hbm, id_hbm,
          es_a, ed_a, es_b, ed_b, ones_v, od_sh, id_sh, sem_a, sem_b):
        c = lax.axis_index("c")
        s = lax.axis_index("s")
        base = (c * NS + s) * per_tile

        def idx_start(j, ese, ede, sem):
            off = base + j * ch
            pltpu.async_copy(es_hbm.at[pl.ds(off, ch)], ese, sem)
            pltpu.async_copy(ed_hbm.at[pl.ds(off, ch)], ede, sem)

        def idx_wait(ese, ede, sem):
            pltpu.make_async_copy(es_hbm.at[pl.ds(base, ch)], ese, sem).wait()
            pltpu.make_async_copy(ed_hbm.at[pl.ds(base, ch)], ede, sem).wait()

        idx_start(0, es_a, ed_a, sem_a)
        if n_ch > 1:
            idx_start(1, es_b, ed_b, sem_b)

        @pl.loop(0, ch, step=16)
        def _(i):
            ones_v[pl.ds(i, 16)] = jnp.full((16,), 1.0, jnp.float32)

        @pl.when(s == 0)
        def _():
            pltpu.sync_copy(z_hbm, od_sh)
            pltpu.sync_copy(z_hbm, id_sh)

        plsc.subcore_barrier()

        @pl.loop(0, n_ch, step=2)
        def _(i):
            idx_wait(es_a, ed_a, sem_a)
            pltpu.sync_copy(ones_v, od_sh.at[es_a], add=True)
            pltpu.sync_copy(ones_v, id_sh.at[ed_a], add=True)

            @pl.when(i + 2 < n_ch)
            def _():
                idx_start(i + 2, es_a, ed_a, sem_a)

            @pl.when(i + 1 < n_ch)
            def _():
                idx_wait(es_b, ed_b, sem_b)
                pltpu.sync_copy(ones_v, od_sh.at[es_b], add=True)
                pltpu.sync_copy(ones_v, id_sh.at[ed_b], add=True)

                @pl.when(i + 3 < n_ch)
                def _():
                    idx_start(i + 3, es_b, ed_b, sem_b)

        plsc.subcore_barrier()

        @pl.when(s == 0)
        def _():
            pltpu.sync_copy(od_sh, od_hbm.at[c, 0])
            pltpu.sync_copy(id_sh, id_hbm.at[c, 0])

    return k(es, ed, zeros_n)


def _tc_norms_scale(od_p, id_p, x_p):
    n_pad, d = x_p.shape
    bn = 2048

    def body(od_ref, id_ref, x_ref, h0_ref, on_ref, in_ref):
        sl = pl.ds(pl.program_id(0) * bn, bn)
        od = od_ref[0, 0, :] + od_ref[1, 0, :]
        idg = id_ref[0, 0, :] + id_ref[1, 0, :]
        on = lax.rsqrt(jnp.maximum(od, 1.0))
        inn = lax.rsqrt(jnp.maximum(idg, 1.0))
        on_ref[sl] = on
        in_ref[sl] = inn
        h0_ref[...] = x_ref[...] * on[:, None]

    return pl.pallas_call(
        body,
        grid=(n_pad // bn,),
        in_specs=[
            pl.BlockSpec((NC, 1, bn), lambda i: (0, 0, i)),
            pl.BlockSpec((NC, 1, bn), lambda i: (0, 0, i)),
            pl.BlockSpec((bn, d), lambda i: (i, 0)),
        ],
        out_specs=[
            pl.BlockSpec((bn, d), lambda i: (i, 0)),
            pl.BlockSpec((n_pad,), lambda i: (0,)),
            pl.BlockSpec((n_pad,), lambda i: (0,)),
        ],
        out_shape=[
            jax.ShapeDtypeStruct((n_pad, d), jnp.float32),
            jax.ShapeDtypeStruct((n_pad,), jnp.float32),
            jax.ShapeDtypeStruct((n_pad,), jnp.float32),
        ],
    )(od_p, id_p, x_p)


def _sc_aggregate(h, es, ed):
    n, d = h.shape
    e = es.shape[0]
    per_tile = e // NW
    ch = 184
    n_ch = per_tile // ch
    tail = per_tile - n_ch * ch
    rows_per_sub = n // NS

    @functools.partial(
        pl.kernel,
        out_type=jax.ShapeDtypeStruct((NC, n, d), jnp.float32),
        mesh=_sc_mesh(),
        scratch_types=[
            pltpu.VMEM((ch,), jnp.int32),
            pltpu.VMEM((ch,), jnp.int32),
            pltpu.VMEM((ch,), jnp.int32),
            pltpu.VMEM((ch,), jnp.int32),
            pltpu.VMEM((max(tail, 8),), jnp.int32),
            pltpu.VMEM((max(tail, 8),), jnp.int32),
            pltpu.VMEM((ch, d), jnp.float32),
            pltpu.VMEM((ch, d), jnp.float32),
            pltpu.VMEM_SHARED((n, d), jnp.float32),
            pltpu.SemaphoreType.DMA,
            pltpu.SemaphoreType.DMA,
            pltpu.SemaphoreType.DMA,
            pltpu.SemaphoreType.DMA,
        ],
    )
    def k(h_hbm, es_hbm, ed_hbm, out_hbm,
          es_a, ed_a, es_b, ed_b, es_t, ed_t, rows_a, rows_b, acc_sh,
          sem_ia, sem_ib, sem_ga, sem_gb):
        c = lax.axis_index("c")
        s = lax.axis_index("s")
        r0 = pl.multiple_of(s * rows_per_sub, 8)

        zv = jnp.zeros((16,), jnp.float32)

        @pl.loop(0, ch)
        def _(r):
            for dd in range(d // 16):
                rows_a[r, pl.ds(dd * 16, 16)] = zv

        done = 0
        while done < rows_per_sub:
            step = min(ch, rows_per_sub - done)
            pltpu.sync_copy(
                rows_a.at[pl.ds(0, step)],
                acc_sh.at[pl.ds(pl.multiple_of(r0 + done, 8), step)])
            done += step
        plsc.subcore_barrier()
        base = (c * NS + s) * per_tile

        def idx_start(j, ese, ede, sem):
            off = base + j * ch
            pltpu.async_copy(es_hbm.at[pl.ds(off, ch)], ese, sem)
            pltpu.async_copy(ed_hbm.at[pl.ds(off, ch)], ede, sem)

        def idx_wait(ese, ede, sem):
            pltpu.make_async_copy(es_hbm.at[pl.ds(base, ch)], ese, sem).wait()
            pltpu.make_async_copy(ed_hbm.at[pl.ds(base, ch)], ede, sem).wait()

        def gather_start(ese, rows, sem):
            pltpu.async_copy(h_hbm.at[ese], rows, sem)

        def gather_wait(ese, rows, sem):
            pltpu.make_async_copy(h_hbm.at[ese], rows, sem).wait()

        idx_start(0, es_a, ed_a, sem_ia)
        idx_wait(es_a, ed_a, sem_ia)
        gather_start(es_a, rows_a, sem_ga)
        idx_start(1, es_b, ed_b, sem_ib)

        @pl.loop(0, n_ch, step=2)
        def _(i):
            idx_wait(es_b, ed_b, sem_ib)
            gather_start(es_b, rows_b, sem_gb)
            gather_wait(es_a, rows_a, sem_ga)
            pltpu.sync_copy(rows_a, acc_sh.at[ed_a], add=True)

            @pl.when(i + 2 < n_ch)
            def _():
                idx_start(i + 2, es_a, ed_a, sem_ia)
                idx_wait(es_a, ed_a, sem_ia)
                gather_start(es_a, rows_a, sem_ga)

            gather_wait(es_b, rows_b, sem_gb)
            pltpu.sync_copy(rows_b, acc_sh.at[ed_b], add=True)

            @pl.when(i + 3 < n_ch)
            def _():
                idx_start(i + 3, es_b, ed_b, sem_ib)

        if tail:
            toff = base + n_ch * ch
            pltpu.sync_copy(es_hbm.at[pl.ds(toff, tail)], es_t)
            pltpu.sync_copy(ed_hbm.at[pl.ds(toff, tail)], ed_t)
            pltpu.async_copy(h_hbm.at[es_t], rows_a.at[pl.ds(0, tail)],
                             sem_ga).wait()
            pltpu.sync_copy(rows_a.at[pl.ds(0, tail)], acc_sh.at[ed_t],
                            add=True)

        plsc.subcore_barrier()
        pltpu.sync_copy(acc_sh.at[pl.ds(r0, rows_per_sub)],
                        out_hbm.at[c, pl.ds(r0, rows_per_sub)])

    return k(h, es, ed)


def _tc_layer(agg_p, inorm, w, b2d, onorm=None):
    _, n_pad, d = agg_p.shape
    bn = 2048

    def body(p_ref, in_ref, w_ref, b_ref, *rest):
        if onorm is not None:
            on_ref, o_ref = rest
        else:
            (o_ref,) = rest
        sl = pl.ds(pl.program_id(0) * bn, bn)
        agg = (p_ref[0] + p_ref[1]) * in_ref[sl][:, None]
        y = jnp.dot(agg, w_ref[...], preferred_element_type=jnp.float32)
        y = y + b_ref[...]
        if onorm is not None:
            y = jnp.maximum(y, 0.0) * on_ref[sl][:, None]
        o_ref[...] = y

    in_specs = [
        pl.BlockSpec((NC, bn, d), lambda i: (0, i, 0)),
        pl.BlockSpec((n_pad,), lambda i: (0,)),
        pl.BlockSpec((d, d), lambda i: (0, 0)),
        pl.BlockSpec((1, d), lambda i: (0, 0)),
    ]
    args = [agg_p, inorm, w, b2d]
    if onorm is not None:
        in_specs.append(pl.BlockSpec((n_pad,), lambda i: (0,)))
        args.append(onorm)
    return pl.pallas_call(
        body,
        grid=(n_pad // bn,),
        in_specs=in_specs,
        out_specs=pl.BlockSpec((bn, d), lambda i: (i, 0)),
        out_shape=jax.ShapeDtypeStruct((n_pad, d), jnp.float32),
    )(*args)


def _sc_edge_scores(h, src, dst):
    n, d = h.shape
    q = src.shape[0]
    ch = 160
    n_ch = q // ch
    nd16 = d // 16

    @functools.partial(
        pl.kernel,
        out_type=jax.ShapeDtypeStruct((q,), jnp.float32),
        mesh=_sc_mesh(),
        compiler_params=_sc_no_layout_params(),
        scratch_types=[
            pltpu.VMEM((ch,), jnp.int32),
            pltpu.VMEM((ch,), jnp.int32),
            pltpu.VMEM((ch,), jnp.int32),
            pltpu.VMEM((ch,), jnp.int32),
            pltpu.VMEM((ch, d), jnp.float32),
            pltpu.VMEM((ch, d), jnp.float32),
            pltpu.VMEM((ch, d), jnp.float32),
            pltpu.VMEM((ch, d), jnp.float32),
            pltpu.VMEM((ch, 16), jnp.float32),
            pltpu.VMEM((ch,), jnp.float32),
            pltpu.SemaphoreType.DMA,
            pltpu.SemaphoreType.DMA,
            pltpu.SemaphoreType.DMA,
            pltpu.SemaphoreType.DMA,
        ],
    )
    def k(h_hbm, src_hbm, dst_hbm, out_hbm,
          si_a, di_a, si_b, di_b, srows_a, drows_a, srows_b, drows_b,
          cum_v, out_v, sem_ia, sem_ib, sem_ga, sem_gb):
        c = lax.axis_index("c")
        s = lax.axis_index("s")
        wid = c * NS + s
        n_my = (n_ch - wid + NW - 1) // NW

        def chunk_of(k_):
            return wid + k_ * NW

        def idx_start(j, si, di, sem):
            off = j * ch
            pltpu.async_copy(src_hbm.at[pl.ds(off, ch)], si, sem)
            pltpu.async_copy(dst_hbm.at[pl.ds(off, ch)], di, sem)

        def idx_wait(si, di, sem):
            pltpu.make_async_copy(src_hbm.at[pl.ds(0, ch)], si, sem).wait()
            pltpu.make_async_copy(dst_hbm.at[pl.ds(0, ch)], di, sem).wait()

        def g_start(si, di, srows, drows, sem):
            pltpu.async_copy(h_hbm.at[si], srows, sem)
            pltpu.async_copy(h_hbm.at[di], drows, sem)

        def g_wait(si, di, srows, drows, sem):
            pltpu.make_async_copy(h_hbm.at[si], srows, sem).wait()
            pltpu.make_async_copy(h_hbm.at[di], drows, sem).wait()

        cols15 = jnp.full((16,), 15, jnp.int32)

        def compute_and_store(j, srows, drows):
            @plsc.parallel_loop(0, ch, unroll=4)
            def _(qq):
                p = srows[qq, pl.ds(0, 16)] * drows[qq, pl.ds(0, 16)]
                for t in range(1, nd16):
                    p = p + (srows[qq, pl.ds(t * 16, 16)]
                             * drows[qq, pl.ds(t * 16, 16)])
                cum_v[qq, pl.ds(0, 16)] = plsc.cumsum(p)

            @plsc.parallel_loop(0, ch, step=16, unroll=2)
            def _(q0):
                qv = q0 + lax.iota(jnp.int32, 16)
                v = plsc.load_gather(cum_v, [qv, cols15])
                out_v[pl.ds(q0, 16)] = 1.0 / (1.0 + jnp.exp(-v))

            pltpu.sync_copy(out_v, out_hbm.at[pl.ds(j * ch, ch)])

        @pl.when(n_my > 0)
        def _():
            idx_start(chunk_of(0), si_a, di_a, sem_ia)
            idx_wait(si_a, di_a, sem_ia)
            g_start(si_a, di_a, srows_a, drows_a, sem_ga)

            @pl.when(n_my > 1)
            def _():
                idx_start(chunk_of(1), si_b, di_b, sem_ib)

            @pl.loop(0, n_my, step=2)
            def _(k_):
                @pl.when(k_ + 1 < n_my)
                def _():
                    idx_wait(si_b, di_b, sem_ib)
                    g_start(si_b, di_b, srows_b, drows_b, sem_gb)

                g_wait(si_a, di_a, srows_a, drows_a, sem_ga)
                compute_and_store(chunk_of(k_), srows_a, drows_a)

                @pl.when(k_ + 2 < n_my)
                def _():
                    idx_start(chunk_of(k_ + 2), si_a, di_a, sem_ia)
                    idx_wait(si_a, di_a, sem_ia)
                    g_start(si_a, di_a, srows_a, drows_a, sem_ga)

                @pl.when(k_ + 1 < n_my)
                def _():
                    g_wait(si_b, di_b, srows_b, drows_b, sem_gb)
                    compute_and_store(chunk_of(k_ + 1), srows_b, drows_b)

                    @pl.when(k_ + 3 < n_my)
                    def _():
                        idx_start(chunk_of(k_ + 3), si_b, di_b, sem_ib)

    return k(h, src, dst)


def kernel(x, edge_index, src, dst, W1, b1, W2, b2):
    n, d = x.shape
    n_pad = (n + 2047) // 2048 * 2048
    es = edge_index[0]
    ed = edge_index[1]
    x_p = jnp.pad(x, ((0, n_pad - n), (0, 0)))
    zeros_n = jnp.zeros((n_pad,), jnp.float32)

    od_p, id_p = _sc_degrees(es, ed, zeros_n)
    h0, onorm, inorm = _tc_norms_scale(od_p, id_p, x_p)
    agg1 = _sc_aggregate(h0, es, ed)
    h1 = _tc_layer(agg1, inorm, W1, b1.reshape(1, d), onorm)
    agg2 = _sc_aggregate(h1, es, ed)
    h2 = _tc_layer(agg2, inorm, W2, b2.reshape(1, d))

    return _sc_edge_scores(h2, src, dst)

# --- scband reference (transcript-rebuilt; emitter-appended) ---
"""Pipeline reference for scband-gcn-70875550319061 (READ-ONLY COPY).

The authoritative reference and input builder live on the scoring server;
editing this copy changes nothing except your own understanding.
"""

import jax, jax.numpy as jnp
import numpy as np

N, E, Q, D = 10000, 320000, 100000, 128

def setup_inputs(seed: int = 0) -> dict:
    key = jax.random.key(seed)
    ks = jax.random.split(key, 8)
    x = jax.random.normal(ks[0], (N, D), dtype=jnp.float32)
    edge_index = jax.random.randint(ks[1], (2, E), 0, N, dtype=jnp.int32)
    src = jax.random.randint(ks[2], (Q,), 0, N, dtype=jnp.int32)
    dst = jax.random.randint(ks[3], (Q,), 0, N, dtype=jnp.int32)
    s = 1.0 / np.sqrt(D)
    W1 = jax.random.normal(ks[4], (D, D), dtype=jnp.float32) * s
    b1 = jnp.zeros((D,), dtype=jnp.float32)
    W2 = jax.random.normal(ks[5], (D, D), dtype=jnp.float32) * s
    b2 = jnp.zeros((D,), dtype=jnp.float32)
    return {"x": x, "edge_index": edge_index, "src": src, "dst": dst,
            "W1": W1, "b1": b1, "W2": W2, "b2": b2}

def reference(x, edge_index, src, dst, W1, b1, W2, b2):
    n = x.shape[0]
    es = edge_index[0]
    ed = edge_index[1]
    # DGL GraphConv norm='both': degrees clamped to min 1
    out_deg = jnp.clip(jnp.bincount(es, length=n), 1, None).astype(x.dtype)
    in_deg = jnp.clip(jnp.bincount(ed, length=n), 1, None).astype(x.dtype)
    out_norm = out_deg ** -0.5
    in_norm = in_deg ** -0.5

    def conv(h, W, b):
        h = h * out_norm[:, None]
        msgs = h[es]                       # gather on src nodes
        agg = jax.ops.segment_sum(msgs, ed, num_segments=n)  # scatter-add on dst
        agg = agg * in_norm[:, None]
        return agg @ W + b

    h = conv(x, W1, b1)
    h = jax.nn.relu(h)  # dropout p=0.0 -> identity
    h = conv(h, W2, b2)
    src_h = h[src]
    dst_h = h[dst]
    edge_scores = jnp.sum(src_h * dst_h, axis=-1)
    edge_scores = jax.nn.sigmoid(edge_scores)
    return edge_scores

if __name__ == "__main__":
    import jax
    _d = setup_inputs()
    print(jax.jit(kernel)(*tuple(_d.values())))

</pallas_src>

<mosaic_0001>
#map = affine_map<(d0, d1) -> (0)>
#map1 = affine_map<(d0, d1) -> (0, 0, 0)>
module attributes {stable_mosaic.version = 14 : i64} {
  func.func @k(%arg0: i32, %arg1: i32, %arg2: memref<320000xi32, #tpu.memory_space<hbm>>, %arg3: memref<320000xi32, #tpu.memory_space<hbm>>, %arg4: memref<10240xf32, #tpu.memory_space<hbm>>, %arg5: memref<2x1x10240xf32, #tpu.memory_space<hbm>>, %arg6: memref<2x1x10240xf32, #tpu.memory_space<hbm>>, %arg7: memref<1000xi32, #tpu.memory_space<vmem>>, %arg8: memref<1000xi32, #tpu.memory_space<vmem>>, %arg9: memref<1000xi32, #tpu.memory_space<vmem>>, %arg10: memref<1000xi32, #tpu.memory_space<vmem>>, %arg11: memref<1000xf32, #tpu.memory_space<vmem>>, %arg12: memref<10240xf32, #tpu.memory_space<vmem_shared>>, %arg13: memref<10240xf32, #tpu.memory_space<vmem_shared>>, %arg14: memref<!tpu.dma_semaphore, #tpu.memory_space<semaphore_mem>>, %arg15: memref<!tpu.dma_semaphore, #tpu.memory_space<semaphore_mem>>) attributes {dimension_semantics = [#tpu.dimension_semantics<core_parallel>, #tpu.dimension_semantics<subcore_parallel>], iteration_bounds = array<i64: 2, 16>, scalar_prefetch = 0 : i64, scratch_operands = 9 : i64, tpu.core_type = #tpu.core_type<sc_vector_subcore>, window_params = [{transform_indices = #map}, {transform_indices = #map}, {transform_indices = #map}, {transform_indices = #map1}, {transform_indices = #map1}]} {
    %mul3A = arith.constant 16 : i32
    %mul3A_0 = arith.muli %arg0, %mul3A : i32
    %add3A = arith.addi %mul3A_0, %arg1 : i32
    %mul3A_1 = arith.constant 10000 : i32
    %mul3A_2 = arith.muli %add3A, %mul3A_1 : i32
    %add3A_3 = arith.constant 0 : i32
    %add3A_4 = arith.addi %mul3A_2, %add3A_3 : i32
    %dma_start3A = tpu.memref_slice %arg2[%add3A_4] : memref<320000xi32, #tpu.memory_space<hbm>> -> memref<1000xi32, #tpu.memory_space<hbm>>
    %dma_start3A_5 = tpu.memref_slice %arg2[%add3A_4] : memref<320000xi32, #tpu.memory_space<hbm>> -> memref<1000xi32, #tpu.memory_space<hbm>>
    tpu.enqueue_dma source(%dma_start3A_5 : memref<1000xi32, #tpu.memory_space<hbm>>) target(%arg7 : memref<1000xi32, #tpu.memory_space<vmem>>) target_semaphore(%arg14 : memref<!tpu.dma_semaphore, #tpu.memory_space<semaphore_mem>>)
    %dma_start3A_6 = tpu.memref_slice %arg3[%add3A_4] : memref<320000xi32, #tpu.memory_space<hbm>> -> memref<1000xi32, #tpu.memory_space<hbm>>
    %dma_start3A_7 = tpu.memref_slice %arg3[%add3A_4] : memref<320000xi32, #tpu.memory_space<hbm>> -> memref<1000xi32, #tpu.memory_space<hbm>>
    tpu.enqueue_dma source(%dma_start3A_7 : memref<1000xi32, #tpu.memory_space<hbm>>) target(%arg8 : memref<1000xi32, #tpu.memory_space<vmem>>) target_semaphore(%arg14 : memref<!tpu.dma_semaphore, #tpu.memory_space<semaphore_mem>>)
    %add3A_8 = arith.constant 1000 : i32
    %add3A_9 = arith.addi %mul3A_2, %add3A_8 : i32
    %dma_start3A_10 = tpu.memref_slice %arg2[%add3A_9] : memref<320000xi32, #tpu.memory_space<hbm>> -> memref<1000xi32, #tpu.memory_space<hbm>>
    %dma_start3A_11 = tpu.memref_slice %arg2[%add3A_9] : memref<320000xi32, #tpu.memory_space<hbm>> -> memref<1000xi32, #tpu.memory_space<hbm>>
    tpu.enqueue_dma source(%dma_start3A_11 : memref<1000xi32, #tpu.memory_space<hbm>>) target(%arg9 : memref<1000xi32, #tpu.memory_space<vmem>>) target_semaphore(%arg15 : memref<!tpu.dma_semaphore, #tpu.memory_space<semaphore_mem>>)
    %dma_start3A_12 = tpu.memref_slice %arg3[%add3A_9] : memref<320000xi32, #tpu.memory_space<hbm>> -> memref<1000xi32, #tpu.memory_space<hbm>>
    %dma_start3A_13 = tpu.memref_slice %arg3[%add3A_9] : memref<320000xi32, #tpu.memory_space<hbm>> -> memref<1000xi32, #tpu.memory_space<hbm>>
    tpu.enqueue_dma source(%dma_start3A_13 : memref<1000xi32, #tpu.memory_space<hbm>>) target(%arg10 : memref<1000xi32, #tpu.memory_space<vmem>>) target_semaphore(%arg15 : memref<!tpu.dma_semaphore, #tpu.memory_space<semaphore_mem>>)
    %scan3A = arith.constant 0 : i32
    %scan3A_14 = arith.constant 63 : i32
    %scan3A_15 = arith.addi %scan3A, %scan3A_14 : i32
    %scan3A_16 = arith.constant 1 : i32
    scf.for %scan3A_31 = %scan3A to %scan3A_15 step %scan3A_16  : i32 {
      %mul3A_32 = arith.constant 16 : i32
      %mul3A_33 = arith.muli %scan3A_31, %mul3A_32 : i32
      %add3A_34 = arith.constant 0 : i32
      %add3A_35 = arith.addi %add3A_34, %mul3A_33 : i32
      %broadcast_in_dim3A = arith.constant 1.000000e+00 : f32
      %broadcast_in_dim3A_36 = vector.broadcast %broadcast_in_dim3A : f32 to vector<16xf32>
      %swap3A = arith.index_cast %add3A_35 : i32 to index
      %swap3A_37 = tpu.vector_load %arg11[%swap3A] {strides = array<i32>} : memref<1000xf32, #tpu.memory_space<vmem>>, vector<16xf32>,
      %swap3A_38 = vector.shape_cast %swap3A_37 : vector<16xf32> to vector<16xf32>
      %swap3A_39 = vector.shape_cast %broadcast_in_dim3A_36 : vector<16xf32> to vector<16xf32>
      tpu.vector_store %arg11[%swap3A], %swap3A_39 {strides = array<i32>} : memref<1000xf32, #tpu.memory_space<vmem>>, vector<16xf32>,
    }
    %scan3A_17 = arith.constant 63 : i32
    %eq3A = arith.constant 0 : i32
    %eq3A_18 = arith.cmpi eq, %arg1, %eq3A : i32
    %convert_element_type3A = arith.extui %eq3A_18 : i1 to i32
    %cond3A = arith.constant 0 : i32
    %cond3A_19 = arith.cmpi ne, %convert_element_type3A, %cond3A : i32
    scf.if %cond3A_19 {
      "tpu.region"() ({
        %run_scoped3A = tpu.sem_alloc : memref<!tpu.dma_semaphore, #tpu.memory_space<semaphore_mem>>
        tpu.enqueue_dma source(%arg4 : memref<10240xf32, #tpu.memory_space<hbm>>) target(%arg12 : memref<10240xf32, #tpu.memory_space<vmem_shared>>) target_semaphore(%run_scoped3A : memref<!tpu.dma_semaphore, #tpu.memory_space<semaphore_mem>>)
        tpu.wait_dma2 semaphore(%run_scoped3A : memref<!tpu.dma_semaphore, #tpu.memory_space<semaphore_mem>>) src(%arg4 : memref<10240xf32, #tpu.memory_space<hbm>>) dst(%arg12 : memref<10240xf32, #tpu.memory_space<vmem_shared>>)
        tpu.yield
      }) : () -> ()
      "tpu.region"() ({
        %run_scoped3A = tpu.sem_alloc : memref<!tpu.dma_semaphore, #tpu.memory_space<semaphore_mem>>
        tpu.enqueue_dma source(%arg4 : memref<10240xf32, #tpu.memory_space<hbm>>) target(%arg13 : memref<10240xf32, #tpu.memory_space<vmem_shared>>) target_semaphore(%run_scoped3A : memref<!tpu.dma_semaphore, #tpu.memory_space<semaphore_mem>>)
        tpu.wait_dma2 semaphore(%run_scoped3A : memref<!tpu.dma_semaphore, #tpu.memory_space<semaphore_mem>>) src(%arg4 : memref<10240xf32, #tpu.memory_space<hbm>>) dst(%arg13 : memref<10240xf32, #tpu.memory_space<vmem_shared>>)
        tpu.yield
      }) : () -> ()
    } else {
    }
    %barrier3A = arith.constant 0 : index
    tpu.barrier barrier_id(%barrier3A)
    %scan3A_20 = arith.constant 0 : i32
    %scan3A_21 = arith.constant 5 : i32
    %scan3A_22 = arith.addi %scan3A_20, %scan3A_21 : i32
    %scan3A_23 = arith.constant 1 : i32
    scf.for %scan3A_31 = %scan3A_20 to %scan3A_22 step %scan3A_23  : i32 {
      %mul3A_32 = arith.constant 2 : i32
      %mul3A_33 = arith.muli %scan3A_31, %mul3A_32 : i32
      %add3A_34 = arith.constant 0 : i32
      %add3A_35 = arith.addi %add3A_34, %mul3A_33 : i32
      %dma_wait3A = tpu.memref_slice %arg2[%mul3A_2] : memref<320000xi32, #tpu.memory_space<hbm>> -> memref<1000xi32, #tpu.memory_space<hbm>>
      %dma_wait3A_36 = tpu.memref_slice %arg2[%mul3A_2] : memref<320000xi32, #tpu.memory_space<hbm>> -> memref<1000xi32, #tpu.memory_space<hbm>>
      tpu.wait_dma2 semaphore(%arg14 : memref<!tpu.dma_semaphore, #tpu.memory_space<semaphore_mem>>) src(%dma_wait3A_36 : memref<1000xi32, #tpu.memory_space<hbm>>) dst(%arg7 : memref<1000xi32, #tpu.memory_space<vmem>>)
      %dma_wait3A_37 = tpu.memref_slice %arg3[%mul3A_2] : memref<320000xi32, #tpu.memory_space<hbm>> -> memref<1000xi32, #tpu.memory_space<hbm>>
      %dma_wait3A_38 = tpu.memref_slice %arg3[%mul3A_2] : memref<320000xi32, #tpu.memory_space<hbm>> -> memref<1000xi32, #tpu.memory_space<hbm>>
      tpu.wait_dma2 semaphore(%arg14 : memref<!tpu.dma_semaphore, #tpu.memory_space<semaphore_mem>>) src(%dma_wait3A_38 : memref<1000xi32, #tpu.memory_space<hbm>>) dst(%arg8 : memref<1000xi32, #tpu.memory_space<vmem>>)
      "tpu.region"() ({
        %run_scoped3A = tpu.sem_alloc : memref<!tpu.dma_semaphore, #tpu.memory_space<semaphore_mem>>
        %dma_start3A_52 = arith.constant 0 : i32
        %dma_start3A_53 = tpu.memref_slice %arg12[%dma_start3A_52] : memref<10240xf32, #tpu.memory_space<vmem_shared>> -> memref<10240xf32, #tpu.memory_space<vmem_shared>>
        tpu.enqueue_indirect_dma source(%arg11 : memref<1000xf32, #tpu.memory_space<vmem>>) target(%dma_start3A_53 : memref<10240xf32, #tpu.memory_space<vmem_shared>>) offsets(%arg7 : memref<1000xi32, #tpu.memory_space<vmem>>) semaphore(%run_scoped3A : memref<!tpu.dma_semaphore, #tpu.memory_space<semaphore_mem>>) {add = true}
        %dma_wait3A_54 = arith.constant 0 : i32
        %dma_wait3A_55 = tpu.memref_slice %arg12[%dma_wait3A_54] : memref<10240xf32, #tpu.memory_space<vmem_shared>> -> memref<10240xf32, #tpu.memory_space<vmem_shared>>
        tpu.wait_indirect_dma semaphore(%run_scoped3A : memref<!tpu.dma_semaphore, #tpu.memory_space<semaphore_mem>>) src(%arg11 : memref<1000xf32, #tpu.memory_space<vmem>>) dst(%dma_wait3A_55 : memref<10240xf32, #tpu.memory_space<vmem_shared>>)
        tpu.yield
      }) : () -> ()
      "tpu.region"() ({
        %run_scoped3A = tpu.sem_alloc : memref<!tpu.dma_semaphore, #tpu.memory_space<semaphore_mem>>
        %dma_start3A_52 = arith.constant 0 : i32
        %dma_start3A_53 = tpu.memref_slice %arg13[%dma_start3A_52] : memref<10240xf32, #tpu.memory_space<vmem_shared>> -> memref<10240xf32, #tpu.memory_space<vmem_shared>>
        tpu.enqueue_indirect_dma source(%arg11 : memref<1000xf32, #tpu.memory_space<vmem>>) target(%dma_start3A_53 : memref<10240xf32, #tpu.memory_space<vmem_shared>>) offsets(%arg8 : memref<1000xi32, #tpu.memory_space<vmem>>) semaphore(%run_scoped3A : memref<!tpu.dma_semaphore, #tpu.memory_space<semaphore_mem>>) {add = true}
        %dma_wait3A_54 = arith.constant 0 : i32
        %dma_wait3A_55 = tpu.memref_slice %arg13[%dma_wait3A_54] : memref<10240xf32, #tpu.memory_space<vmem_shared>> -> memref<10240xf32, #tpu.memory_space<vmem_shared>>
        tpu.wait_indirect_dma semaphore(%run_scoped3A : memref<!tpu.dma_semaphore, #tpu.memory_space<semaphore_mem>>) src(%arg11 : memref<1000xf32, #tpu.memory_space<vmem>>) dst(%dma_wait3A_55 : memref<10240xf32, #tpu.memory_space<vmem_shared>>)
        tpu.yield
      }) : () -> ()
      %add3A_39 = arith.constant 2 : i32
      %add3A_40 = arith.addi %add3A_35, %add3A_39 : i32
      %lt3A = arith.constant 10 : i32
      %lt3A_41 = arith.cmpi slt, %add3A_40, %lt3A : i32
      %convert_element_type3A_42 = arith.extui %lt3A_41 : i1 to i32
      %cond3A_43 = arith.constant 0 : i32
      %cond3A_44 = arith.cmpi ne, %convert_element_type3A_42, %cond3A_43 : i32
      scf.if %cond3A_44 {
        %add3A_52 = arith.constant 2 : i32
        %add3A_53 = arith.addi %add3A_35, %add3A_52 : i32
        %mul3A_54 = arith.constant 1000 : i32
        %mul3A_55 = arith.muli %add3A_53, %mul3A_54 : i32
        %add3A_56 = arith.addi %mul3A_2, %mul3A_55 : i32
        %dma_start3A_57 = tpu.memref_slice %arg2[%add3A_56] : memref<320000xi32, #tpu.memory_space<hbm>> -> memref<1000xi32, #tpu.memory_space<hbm>>
        %dma_start3A_58 = tpu.memref_slice %arg2[%add3A_56] : memref<320000xi32, #tpu.memory_space<hbm>> -> memref<1000xi32, #tpu.memory_space<hbm>>
        tpu.enqueue_dma source(%dma_start3A_58 : memref<1000xi32, #tpu.memory_space<hbm>>) target(%arg7 : memref<1000xi32, #tpu.memory_space<vmem>>) target_semaphore(%arg14 : memref<!tpu.dma_semaphore, #tpu.memory_space<semaphore_mem>>)
        %dma_start3A_59 = tpu.memref_slice %arg3[%add3A_56] : memref<320000xi32, #tpu.memory_space<hbm>> -> memref<1000xi32, #tpu.memory_space<hbm>>
        %dma_start3A_60 = tpu.memref_slice %arg3[%add3A_56] : memref<320000xi32, #tpu.memory_space<hbm>> -> memref<1000xi32, #tpu.memory_space<hbm>>
        tpu.enqueue_dma source(%dma_start3A_60 : memref<1000xi32, #tpu.memory_space<hbm>>) target(%arg8 : memref<1000xi32, #tpu.memory_space<vmem>>) target_semaphore(%arg14 : memref<!tpu.dma_semaphore, #tpu.memory_space<semaphore_mem>>)
      } else {
      }
      %add3A_45 = arith.constant 1 : i32
      %add3A_46 = arith.addi %add3A_35, %add3A_45 : i32
      %lt3A_47 = arith.constant 10 : i32
      %lt3A_48 = arith.cmpi slt, %add3A_46, %lt3A_47 : i32
      %convert_element_type3A_49 = arith.extui %lt3A_48 : i1 to i32
      %cond3A_50 = arith.constant 0 : i32
      %cond3A_51 = arith.cmpi ne, %convert_element_type3A_49, %cond3A_50 : i32
      scf.if %cond3A_51 {
        %dma_wait3A_52 = tpu.memref_slice %arg2[%mul3A_2] : memref<320000xi32, #tpu.memory_space<hbm>> -> memref<1000xi32, #tpu.memory_space<hbm>>
        %dma_wait3A_53 = tpu.memref_slice %arg2[%mul3A_2] : memref<320000xi32, #tpu.memory_space<hbm>> -> memref<1000xi32, #tpu.memory_space<hbm>>
        tpu.wait_dma2 semaphore(%arg15 : memref<!tpu.dma_semaphore, #tpu.memory_space<semaphore_mem>>) src(%dma_wait3A_53 : memref<1000xi32, #tpu.memory_space<hbm>>) dst(%arg9 : memref<1000xi32, #tpu.memory_space<vmem>>)
        %dma_wait3A_54 = tpu.memref_slice %arg3[%mul3A_2] : memref<320000xi32, #tpu.memory_space<hbm>> -> memref<1000xi32, #tpu.memory_space<hbm>>
        %dma_wait3A_55 = tpu.memref_slice %arg3[%mul3A_2] : memref<320000xi32, #tpu.memory_space<hbm>> -> memref<1000xi32, #tpu.memory_space<hbm>>
        tpu.wait_dma2 semaphore(%arg15 : memref<!tpu.dma_semaphore, #tpu.memory_space<semaphore_mem>>) src(%dma_wait3A_55 : memref<1000xi32, #tpu.memory_space<hbm>>) dst(%arg10 : memref<1000xi32, #tpu.memory_space<vmem>>)
        "tpu.region"() ({
          %run_scoped3A = tpu.sem_alloc : memref<!tpu.dma_semaphore, #tpu.memory_space<semaphore_mem>>
          %dma_start3A_63 = arith.constant 0 : i32
          %dma_start3A_64 = tpu.memref_slice %arg12[%dma_start3A_63] : memref<10240xf32, #tpu.memory_space<vmem_shared>> -> memref<10240xf32, #tpu.memory_space<vmem_shared>>
          tpu.enqueue_indirect_dma source(%arg11 : memref<1000xf32, #tpu.memory_space<vmem>>) target(%dma_start3A_64 : memref<10240xf32, #tpu.memory_space<vmem_shared>>) offsets(%arg9 : memref<1000xi32, #tpu.memory_space<vmem>>) semaphore(%run_scoped3A : memref<!tpu.dma_semaphore, #tpu.memory_space<semaphore_mem>>) {add = true}
          %dma_wait3A_65 = arith.constant 0 : i32
          %dma_wait3A_66 = tpu.memref_slice %arg12[%dma_wait3A_65] : memref<10240xf32, #tpu.memory_space<vmem_shared>> -> memref<10240xf32, #tpu.memory_space<vmem_shared>>
          tpu.wait_indirect_dma semaphore(%run_scoped3A : memref<!tpu.dma_semaphore, #tpu.memory_space<semaphore_mem>>) src(%arg11 : memref<1000xf32, #tpu.memory_space<vmem>>) dst(%dma_wait3A_66 : memref<10240xf32, #tpu.memory_space<vmem_shared>>)
          tpu.yield
        }) : () -> ()
        "tpu.region"() ({
          %run_scoped3A = tpu.sem_alloc : memref<!tpu.dma_semaphore, #tpu.memory_space<semaphore_mem>>
          %dma_start3A_63 = arith.constant 0 : i32
          %dma_start3A_64 = tpu.memref_slice %arg13[%dma_start3A_63] : memref<10240xf32, #tpu.memory_space<vmem_shared>> -> memref<10240xf32, #tpu.memory_space<vmem_shared>>
          tpu.enqueue_indirect_dma source(%arg11 : memref<1000xf32, #tpu.memory_space<vmem>>) target(%dma_start3A_64 : memref<10240xf32, #tpu.memory_space<vmem_shared>>) offsets(%arg10 : memref<1000xi32, #tpu.memory_space<vmem>>) semaphore(%run_scoped3A : memref<!tpu.dma_semaphore, #tpu.memory_space<semaphore_mem>>) {add = true}
          %dma_wait3A_65 = arith.constant 0 : i32
          %dma_wait3A_66 = tpu.memref_slice %arg13[%dma_wait3A_65] : memref<10240xf32, #tpu.memory_space<vmem_shared>> -> memref<10240xf32, #tpu.memory_space<vmem_shared>>
          tpu.wait_indirect_dma semaphore(%run_scoped3A : memref<!tpu.dma_semaphore, #tpu.memory_space<semaphore_mem>>) src(%arg11 : memref<1000xf32, #tpu.memory_space<vmem>>) dst(%dma_wait3A_66 : memref<10240xf32, #tpu.memory_space<vmem_shared>>)
          tpu.yield
        }) : () -> ()
        %add3A_56 = arith.constant 3 : i32
        %add3A_57 = arith.addi %add3A_35, %add3A_56 : i32
        %lt3A_58 = arith.constant 10 : i32
        %lt3A_59 = arith.cmpi slt, %add3A_57, %lt3A_58 : i32
        %convert_element_type3A_60 = arith.extui %lt3A_59 : i1 to i32
        %cond3A_61 = arith.constant 0 : i32
        %cond3A_62 = arith.cmpi ne, %convert_element_type3A_60, %cond3A_61 : i32
        scf.if %cond3A_62 {
          %add3A_63 = arith.constant 3 : i32
          %add3A_64 = arith.addi %add3A_35, %add3A_63 : i32
          %mul3A_65 = arith.constant 1000 : i32
          %mul3A_66 = arith.muli %add3A_64, %mul3A_65 : i32
          %add3A_67 = arith.addi %mul3A_2, %mul3A_66 : i32
          %dma_start3A_68 = tpu.memref_slice %arg2[%add3A_67] : memref<320000xi32, #tpu.memory_space<hbm>> -> memref<1000xi32, #tpu.memory_space<hbm>>
          %dma_start3A_69 = tpu.memref_slice %arg2[%add3A_67] : memref<320000xi32, #tpu.memory_space<hbm>> -> memref<1000xi32, #tpu.memory_space<hbm>>
          tpu.enqueue_dma source(%dma_start3A_69 : memref<1000xi32, #tpu.memory_space<hbm>>) target(%arg9 : memref<1000xi32, #tpu.memory_space<vmem>>) target_semaphore(%arg15 : memref<!tpu.dma_semaphore, #tpu.memory_space<semaphore_mem>>)
          %dma_start3A_70 = tpu.memref_slice %arg3[%add3A_67] : memref<320000xi32, #tpu.memory_space<hbm>> -> memref<1000xi32, #tpu.memory_space<hbm>>
          %dma_start3A_71 = tpu.memref_slice %arg3[%add3A_67] : memref<320000xi32, #tpu.memory_space<hbm>> -> memref<1000xi32, #tpu.memory_space<hbm>>
          tpu.enqueue_dma source(%dma_start3A_71 : memref<1000xi32, #tpu.memory_space<hbm>>) target(%arg10 : memref<1000xi32, #tpu.memory_space<vmem>>) target_semaphore(%arg15 : memref<!tpu.dma_semaphore, #tpu.memory_space<semaphore_mem>>)
        } else {
        }
      } else {
      }
    }
    %scan3A_24 = arith.constant 5 : i32
    %barrier3A_25 = arith.constant 0 : index
    tpu.barrier barrier_id(%barrier3A_25)
    %eq3A_26 = arith.constant 0 : i32
    %eq3A_27 = arith.cmpi eq, %arg1, %eq3A_26 : i32
    %convert_element_type3A_28 = arith.extui %eq3A_27 : i1 to i32
    %cond3A_29 = arith.constant 0 : i32
    %cond3A_30 = arith.cmpi ne, %convert_element_type3A_28, %cond3A_29 : i32
    scf.if %cond3A_30 {
      %run_scoped3A = arith.constant 0 : i32
      "tpu.region"() ({
        %run_scoped3A_32 = tpu.sem_alloc : memref<!tpu.dma_semaphore, #tpu.memory_space<semaphore_mem>>
        %dma_start3A_33 = arith.constant 0 : i32
        %dma_start3A_34 = tpu.memref_slice %arg5[%arg0, %run_scoped3A, %dma_start3A_33] : memref<2x1x10240xf32, #tpu.memory_space<hbm>> -> memref<1x1x10240xf32, #tpu.memory_space<hbm>>
        %dma_start3A_35 = tpu.memref_squeeze %dma_start3A_34 : memref<1x1x10240xf32, #tpu.memory_space<hbm>> -> memref<10240xf32, #tpu.memory_space<hbm>>
        tpu.enqueue_dma source(%arg12 : memref<10240xf32, #tpu.memory_space<vmem_shared>>) target(%dma_start3A_35 : memref<10240xf32, #tpu.memory_space<hbm>>) target_semaphore(%run_scoped3A_32 : memref<!tpu.dma_semaphore, #tpu.memory_space<semaphore_mem>>)
        %dma_wait3A = arith.constant 0 : i32
        %dma_wait3A_36 = tpu.memref_slice %arg5[%arg0, %run_scoped3A, %dma_wait3A] : memref<2x1x10240xf32, #tpu.memory_space<hbm>> -> memref<1x1x10240xf32, #tpu.memory_space<hbm>>
        %dma_wait3A_37 = tpu.memref_squeeze %dma_wait3A_36 : memref<1x1x10240xf32, #tpu.memory_space<hbm>> -> memref<10240xf32, #tpu.memory_space<hbm>>
        tpu.wait_dma2 semaphore(%run_scoped3A_32 : memref<!tpu.dma_semaphore, #tpu.memory_space<semaphore_mem>>) src(%arg12 : memref<10240xf32, #tpu.memory_space<vmem_shared>>) dst(%dma_wait3A_37 : memref<10240xf32, #tpu.memory_space<hbm>>)
        tpu.yield
      }) : () -> ()
      %run_scoped3A_31 = arith.constant 0 : i32
      "tpu.region"() ({
        %run_scoped3A_32 = tpu.sem_alloc : memref<!tpu.dma_semaphore, #tpu.memory_space<semaphore_mem>>
        %dma_start3A_33 = arith.constant 0 : i32
        %dma_start3A_34 = tpu.memref_slice %arg6[%arg0, %run_scoped3A_31, %dma_start3A_33] : memref<2x1x10240xf32, #tpu.memory_space<hbm>> -> memref<1x1x10240xf32, #tpu.memory_space<hbm>>
        %dma_start3A_35 = tpu.memref_squeeze %dma_start3A_34 : memref<1x1x10240xf32, #tpu.memory_space<hbm>> -> memref<10240xf32, #tpu.memory_space<hbm>>
        tpu.enqueue_dma source(%arg13 : memref<10240xf32, #tpu.memory_space<vmem_shared>>) target(%dma_start3A_35 : memref<10240xf32, #tpu.memory_space<hbm>>) target_semaphore(%run_scoped3A_32 : memref<!tpu.dma_semaphore, #tpu.memory_space<semaphore_mem>>)
        %dma_wait3A = arith.constant 0 : i32
        %dma_wait3A_36 = tpu.memref_slice %arg6[%arg0, %run_scoped3A_31, %dma_wait3A] : memref<2x1x10240xf32, #tpu.memory_space<hbm>> -> memref<1x1x10240xf32, #tpu.memory_space<hbm>>
        %dma_wait3A_37 = tpu.memref_squeeze %dma_wait3A_36 : memref<1x1x10240xf32, #tpu.memory_space<hbm>> -> memref<10240xf32, #tpu.memory_space<hbm>>
        tpu.wait_dma2 semaphore(%run_scoped3A_32 : memref<!tpu.dma_semaphore, #tpu.memory_space<semaphore_mem>>) src(%arg13 : memref<10240xf32, #tpu.memory_space<vmem_shared>>) dst(%dma_wait3A_37 : memref<10240xf32, #tpu.memory_space<hbm>>)
        tpu.yield
      }) : () -> ()
    } else {
    }
    return
  }
}

#map = affine_map<(d0, d1) -> (0, 0)>
#map1 = affine_map<(d0, d1) -> (0)>
#map2 = affine_map<(d0, d1) -> (0, 0, 0)>
module attributes {stable_mosaic.version = 14 : i64} {
  func.func @k(%arg0: i32, %arg1: i32, %arg2: memref<10240x128xf32, #tpu.memory_space<hbm>>, %arg3: memref<320000xi32, #tpu.memory_space<hbm>>, %arg4: memref<320000xi32, #tpu.memory_space<hbm>>, %arg5: memref<2x10240x128xf32, #tpu.memory_space<hbm>>, %arg6: memref<184xi32, #tpu.memory_space<vmem>>, %arg7: memref<184xi32, #tpu.memory_space<vmem>>, %arg8: memref<184xi32, #tpu.memory_space<vmem>>, %arg9: memref<184xi32, #tpu.memory_space<vmem>>, %arg10: memref<64xi32, #tpu.memory_space<vmem>>, %arg11: memref<64xi32, #tpu.memory_space<vmem>>, %arg12: memref<184x128xf32, #tpu.memory_space<vmem>>, %arg13: memref<184x128xf32, #tpu.memory_space<vmem>>, %arg14: memref<10240x128xf32, #tpu.memory_space<vmem_shared>>, %arg15: memref<!tpu.dma_semaphore, #tpu.memory_space<semaphore_mem>>, %arg16: memref<!tpu.dma_semaphore, #tpu.memory_space<semaphore_mem>>, %arg17: memref<!tpu.dma_semaphore, #tpu.memory_space<semaphore_mem>>, %arg18: memref<!tpu.dma_semaphore, #tpu.memory_space<semaphore_mem>>) attributes {dimension_semantics = [#tpu.dimension_semantics<core_parallel>, #tpu.dimension_semantics<subcore_parallel>], iteration_bounds = array<i64: 2, 16>, scalar_prefetch = 0 : i64, scratch_operands = 13 : i64, tpu.core_type = #tpu.core_type<sc_vector_subcore>, window_params = [{transform_indices = #map}, {transform_indices = #map1}, {transform_indices = #map1}, {transform_indices = #map2}]} {
    %mul3A = arith.constant 640 : i32
    %mul3A_0 = arith.muli %arg1, %mul3A : i32
    %multiple_of3A = tpu.assume_multiple %mul3A_0, 8 : i32
    %broadcast_in_dim3A = arith.constant 0.000000e+00 : f32
    %broadcast_in_dim3A_1 = vector.broadcast %broadcast_in_dim3A : f32 to vector<16xf32>
    %scan3A = arith.constant 0 : i32
    %scan3A_2 = arith.constant 184 : i32
    %scan3A_3 = arith.addi %scan3A, %scan3A_2 : i32
    %scan3A_4 = arith.constant 1 : i32
    scf.for %scan3A_59 = %scan3A to %scan3A_3 step %scan3A_4  : i32 {
      %mul3A_60 = arith.constant 1 : i32
      %mul3A_61 = arith.muli %scan3A_59, %mul3A_60 : i32
      %add3A_62 = arith.constant 0 : i32
      %add3A_63 = arith.addi %add3A_62, %mul3A_61 : i32
      %swap3A = arith.index_cast %add3A_63 : i32 to index
      %swap3A_64 = arith.constant 0 : index
      %swap3A_65 = tpu.vector_load %arg12[%swap3A, %swap3A_64] {strides = array<i32>} : memref<184x128xf32, #tpu.memory_space<vmem>>, vector<1x16xf32>,
      %swap3A_66 = vector.shape_cast %swap3A_65 : vector<1x16xf32> to vector<16xf32>
      %swap3A_67 = vector.shape_cast %broadcast_in_dim3A_1 : vector<16xf32> to vector<1x16xf32>
      tpu.vector_store %arg12[%swap3A, %swap3A_64], %swap3A_67 {strides = array<i32>} : memref<184x128xf32, #tpu.memory_space<vmem>>, vector<1x16xf32>,
      %swap3A_68 = arith.index_cast %add3A_63 : i32 to index
      %swap3A_69 = arith.constant 16 : index
      %swap3A_70 = tpu.vector_load %arg12[%swap3A_68, %swap3A_69] {strides = array<i32>} : memref<184x128xf32, #tpu.memory_space<vmem>>, vector<1x16xf32>,
      %swap3A_71 = vector.shape_cast %swap3A_70 : vector<1x16xf32> to vector<16xf32>
      %swap3A_72 = vector.shape_cast %broadcast_in_dim3A_1 : vector<16xf32> to vector<1x16xf32>
      tpu.vector_store %arg12[%swap3A_68, %swap3A_69], %swap3A_72 {strides = array<i32>} : memref<184x128xf32, #tpu.memory_space<vmem>>, vector<1x16xf32>,
      %swap3A_73 = arith.index_cast %add3A_63 : i32 to index
      %swap3A_74 = arith.constant 32 : index
      %swap3A_75 = tpu.vector_load %arg12[%swap3A_73, %swap3A_74] {strides = array<i32>} : memref<184x128xf32, #tpu.memory_space<vmem>>, vector<1x16xf32>,
      %swap3A_76 = vector.shape_cast %swap3A_75 : vector<1x16xf32> to vector<16xf32>
      %swap3A_77 = vector.shape_cast %broadcast_in_dim3A_1 : vector<16xf32> to vector<1x16xf32>
      tpu.vector_store %arg12[%swap3A_73, %swap3A_74], %swap3A_77 {strides = array<i32>} : memref<184x128xf32, #tpu.memory_space<vmem>>, vector<1x16xf32>,
      %swap3A_78 = arith.index_cast %add3A_63 : i32 to index
      %swap3A_79 = arith.constant 48 : index
      %swap3A_80 = tpu.vector_load %arg12[%swap3A_78, %swap3A_79] {strides = array<i32>} : memref<184x128xf32, #tpu.memory_space<vmem>>, vector<1x16xf32>,
      %swap3A_81 = vector.shape_cast %swap3A_80 : vector<1x16xf32> to vector<16xf32>
      %swap3A_82 = vector.shape_cast %broadcast_in_dim3A_1 : vector<16xf32> to vector<1x16xf32>
      tpu.vector_store %arg12[%swap3A_78, %swap3A_79], %swap3A_82 {strides = array<i32>} : memref<184x128xf32, #tpu.memory_space<vmem>>, vector<1x16xf32>,
      %swap3A_83 = arith.index_cast %add3A_63 : i32 to index
      %swap3A_84 = arith.constant 64 : index
      %swap3A_85 = tpu.vector_load %arg12[%swap3A_83, %swap3A_84] {strides = array<i32>} : memref<184x128xf32, #tpu.memory_space<vmem>>, vector<1x16xf32>,
      %swap3A_86 = vector.shape_cast %swap3A_85 : vector<1x16xf32> to vector<16xf32>
      %swap3A_87 = vector.shape_cast %broadcast_in_dim3A_1 : vector<16xf32> to vector<1x16xf32>
      tpu.vector_store %arg12[%swap3A_83, %swap3A_84], %swap3A_87 {strides = array<i32>} : memref<184x128xf32, #tpu.memory_space<vmem>>, vector<1x16xf32>,
      %swap3A_88 = arith.index_cast %add3A_63 : i32 to index
      %swap3A_89 = arith.constant 80 : index
      %swap3A_90 = tpu.vector_load %arg12[%swap3A_88, %swap3A_89] {strides = array<i32>} : memref<184x128xf32, #tpu.memory_space<vmem>>, vector<1x16xf32>,
      %swap3A_91 = vector.shape_cast %swap3A_90 : vector<1x16xf32> to vector<16xf32>
      %swap3A_92 = vector.shape_cast %broadcast_in_dim3A_1 : vector<16xf32> to vector<1x16xf32>
      tpu.vector_store %arg12[%swap3A_88, %swap3A_89], %swap3A_92 {strides = array<i32>} : memref<184x128xf32, #tpu.memory_space<vmem>>, vector<1x16xf32>,
      %swap3A_93 = arith.index_cast %add3A_63 : i32 to index
      %swap3A_94 = arith.constant 96 : index
      %swap3A_95 = tpu.vector_load %arg12[%swap3A_93, %swap3A_94] {strides = array<i32>} : memref<184x128xf32, #tpu.memory_space<vmem>>, vector<1x16xf32>,
      %swap3A_96 = vector.shape_cast %swap3A_95 : vector<1x16xf32> to vector<16xf32>
      %swap3A_97 = vector.shape_cast %broadcast_in_dim3A_1 : vector<16xf32> to vector<1x16xf32>
      tpu.vector_store %arg12[%swap3A_93, %swap3A_94], %swap3A_97 {strides = array<i32>} : memref<184x128xf32, #tpu.memory_space<vmem>>, vector<1x16xf32>,
      %swap3A_98 = arith.index_cast %add3A_63 : i32 to index
      %swap3A_99 = arith.constant 112 : index
      %swap3A_100 = tpu.vector_load %arg12[%swap3A_98, %swap3A_99] {strides = array<i32>} : memref<184x128xf32, #tpu.memory_space<vmem>>, vector<1x16xf32>,
      %swap3A_101 = vector.shape_cast %swap3A_100 : vector<1x16xf32> to vector<16xf32>
      %swap3A_102 = vector.shape_cast %broadcast_in_dim3A_1 : vector<16xf32> to vector<1x16xf32>
      tpu.vector_store %arg12[%swap3A_98, %swap3A_99], %swap3A_102 {strides = array<i32>} : memref<184x128xf32, #tpu.memory_space<vmem>>, vector<1x16xf32>,
    }
    %scan3A_5 = arith.constant 184 : i32
    %add3A = arith.constant 0 : i32
    %add3A_6 = arith.addi %multiple_of3A, %add3A : i32
    %multiple_of3A_7 = tpu.assume_multiple %add3A_6, 8 : i32
    "tpu.region"() ({
      %run_scoped3A = tpu.sem_alloc : memref<!tpu.dma_semaphore, #tpu.memory_space<semaphore_mem>>
      %dma_start3A_59 = arith.constant 0 : i32
      %dma_start3A_60 = arith.constant 0 : i32
      %dma_start3A_61 = tpu.memref_slice %arg12[%dma_start3A_59, %dma_start3A_60] : memref<184x128xf32, #tpu.memory_space<vmem>> -> memref<184x128xf32, #tpu.memory_space<vmem>>
      %dma_start3A_62 = arith.constant 0 : i32
      %dma_start3A_63 = tpu.memref_slice %arg14[%multiple_of3A_7, %dma_start3A_62] : memref<10240x128xf32, #tpu.memory_space<vmem_shared>> -> memref<184x128xf32, #tpu.memory_space<vmem_shared>>
      %dma_start3A_64 = arith.constant 0 : i32
      %dma_start3A_65 = tpu.memref_slice %arg14[%multiple_of3A_7, %dma_start3A_64] : memref<10240x128xf32, #tpu.memory_space<vmem_shared>> -> memref<184x128xf32, #tpu.memory_space<vmem_shared>>
      %dma_start3A_66 = arith.constant 0 : i32
      %dma_start3A_67 = arith.constant 0 : i32
      %dma_start3A_68 = tpu.memref_slice %arg12[%dma_start3A_66, %dma_start3A_67] : memref<184x128xf32, #tpu.memory_space<vmem>> -> memref<184x128xf32, #tpu.memory_space<vmem>>
      tpu.enqueue_dma source(%dma_start3A_68 : memref<184x128xf32, #tpu.memory_space<vmem>>) target(%dma_start3A_65 : memref<184x128xf32, #tpu.memory_space<vmem_shared>>) target_semaphore(%run_scoped3A : memref<!tpu.dma_semaphore, #tpu.memory_space<semaphore_mem>>)
      %dma_wait3A_69 = arith.constant 0 : i32
      %dma_wait3A_70 = arith.constant 0 : i32
      %dma_wait3A_71 = tpu.memref_slice %arg12[%dma_wait3A_69, %dma_wait3A_70] : memref<184x128xf32, #tpu.memory_space<vmem>> -> memref<184x128xf32, #tpu.memory_space<vmem>>
      %dma_wait3A_72 = arith.constant 0 : i32
      %dma_wait3A_73 = tpu.memref_slice %arg14[%multiple_of3A_7, %dma_wait3A_72] : memref<10240x128xf32, #tpu.memory_space<vmem_shared>> -> memref<184x128xf32, #tpu.memory_space<vmem_shared>>
      %dma_wait3A_74 = arith.constant 0 : i32
      %dma_wait3A_75 = tpu.memref_slice %arg14[%multiple_of3A_7, %dma_wait3A_74] : memref<10240x128xf32, #tpu.memory_space<vmem_shared>> -> memref<184x128xf32, #tpu.memory_space<vmem_shared>>
      %dma_wait3A_76 = arith.constant 0 : i32
      %dma_wait3A_77 = arith.constant 0 : i32
      %dma_wait3A_78 = tpu.memref_slice %arg12[%dma_wait3A_76, %dma_wait3A_77] : memref<184x128xf32, #tpu.memory_space<vmem>> -> memref<184x128xf32, #tpu.memory_space<vmem>>
      tpu.wait_dma2 semaphore(%run_scoped3A : memref<!tpu.dma_semaphore, #tpu.memory_space<semaphore_mem>>) src(%dma_wait3A_78 : memref<184x128xf32, #tpu.memory_space<vmem>>) dst(%dma_wait3A_75 : memref<184x128xf32, #tpu.memory_space<vmem_shared>>)
      tpu.yield
    }) : () -> ()
    %add3A_8 = arith.constant 184 : i32
    %add3A_9 = arith.addi %multiple_of3A, %add3A_8 : i32
    %multiple_of3A_10 = tpu.assume_multiple %add3A_9, 8 : i32
    "tpu.region"() ({
      %run_scoped3A = tpu.sem_alloc : memref<!tpu.dma_semaphore, #tpu.memory_space<semaphore_mem>>
      %dma_start3A_59 = arith.constant 0 : i32
      %dma_start3A_60 = arith.constant 0 : i32
      %dma_start3A_61 = tpu.memref_slice %arg12[%dma_start3A_59, %dma_start3A_60] : memref<184x128xf32, #tpu.memory_space<vmem>> -> memref<184x128xf32, #tpu.memory_space<vmem>>
      %dma_start3A_62 = arith.constant 0 : i32
      %dma_start3A_63 = tpu.memref_slice %arg14[%multiple_of3A_10, %dma_start3A_62] : memref<10240x128xf32, #tpu.memory_space<vmem_shared>> -> memref<184x128xf32, #tpu.memory_space<vmem_shared>>
      %dma_start3A_64 = arith.constant 0 : i32
      %dma_start3A_65 = tpu.memref_slice %arg14[%multiple_of3A_10, %dma_start3A_64] : memref<10240x128xf32, #tpu.memory_space<vmem_shared>> -> memref<184x128xf32, #tpu.memory_space<vmem_shared>>
      %dma_start3A_66 = arith.constant 0 : i32
      %dma_start3A_67 = arith.constant 0 : i32
      %dma_start3A_68 = tpu.memref_slice %arg12[%dma_start3A_66, %dma_start3A_67] : memref<184x128xf32, #tpu.memory_space<vmem>> -> memref<184x128xf32, #tpu.memory_space<vmem>>
      tpu.enqueue_dma source(%dma_start3A_68 : memref<184x128xf32, #tpu.memory_space<vmem>>) target(%dma_start3A_65 : memref<184x128xf32, #tpu.memory_space<vmem_shared>>) target_semaphore(%run_scoped3A : memref<!tpu.dma_semaphore, #tpu.memory_space<semaphore_mem>>)
      %dma_wait3A_69 = arith.constant 0 : i32
      %dma_wait3A_70 = arith.constant 0 : i32
      %dma_wait3A_71 = tpu.memref_slice %arg12[%dma_wait3A_69, %dma_wait3A_70] : memref<184x128xf32, #tpu.memory_space<vmem>> -> memref<184x128xf32, #tpu.memory_space<vmem>>
      %dma_wait3A_72 = arith.constant 0 : i32
      %dma_wait3A_73 = tpu.memref_slice %arg14[%multiple_of3A_10, %dma_wait3A_72] : memref<10240x128xf32, #tpu.memory_space<vmem_shared>> -> memref<184x128xf32, #tpu.memory_space<vmem_shared>>
      %dma_wait3A_74 = arith.constant 0 : i32
      %dma_wait3A_75 = tpu.memref_slice %arg14[%multiple_of3A_10, %dma_wait3A_74] : memref<10240x128xf32, #tpu.memory_space<vmem_shared>> -> memref<184x128xf32, #tpu.memory_space<vmem_shared>>
      %dma_wait3A_76 = arith.constant 0 : i32
      %dma_wait3A_77 = arith.constant 0 : i32
      %dma_wait3A_78 = tpu.memref_slice %arg12[%dma_wait3A_76, %dma_wait3A_77] : memref<184x128xf32, #tpu.memory_space<vmem>> -> memref<184x128xf32, #tpu.memory_space<vmem>>
      tpu.wait_dma2 semaphore(%run_scoped3A : memref<!tpu.dma_semaphore, #tpu.memory_space<semaphore_mem>>) src(%dma_wait3A_78 : memref<184x128xf32, #tpu.memory_space<vmem>>) dst(%dma_wait3A_75 : memref<184x128xf32, #tpu.memory_space<vmem_shared>>)
      tpu.yield
    }) : () -> ()
    %add3A_11 = arith.constant 368 : i32
    %add3A_12 = arith.addi %multiple_of3A, %add3A_11 : i32
    %multiple_of3A_13 = tpu.assume_multiple %add3A_12, 8 : i32
    "tpu.region"() ({
      %run_scoped3A = tpu.sem_alloc : memref<!tpu.dma_semaphore, #tpu.memory_space<semaphore_mem>>
      %dma_start3A_59 = arith.constant 0 : i32
      %dma_start3A_60 = arith.constant 0 : i32
      %dma_start3A_61 = tpu.memref_slice %arg12[%dma_start3A_59, %dma_start3A_60] : memref<184x128xf32, #tpu.memory_space<vmem>> -> memref<184x128xf32, #tpu.memory_space<vmem>>
      %dma_start3A_62 = arith.constant 0 : i32
      %dma_start3A_63 = tpu.memref_slice %arg14[%multiple_of3A_13, %dma_start3A_62] : memref<10240x128xf32, #tpu.memory_space<vmem_shared>> -> memref<184x128xf32, #tpu.memory_space<vmem_shared>>
      %dma_start3A_64 = arith.constant 0 : i32
      %dma_start3A_65 = tpu.memref_slice %arg14[%multiple_of3A_13, %dma_start3A_64] : memref<10240x128xf32, #tpu.memory_space<vmem_shared>> -> memref<184x128xf32, #tpu.memory_space<vmem_shared>>
      %dma_start3A_66 = arith.constant 0 : i32
      %dma_start3A_67 = arith.constant 0 : i32
      %dma_start3A_68 = tpu.memref_slice %arg12[%dma_start3A_66, %dma_start3A_67] : memref<184x128xf32, #tpu.memory_space<vmem>> -> memref<184x128xf32, #tpu.memory_space<vmem>>
      tpu.enqueue_dma source(%dma_start3A_68 : memref<184x128xf32, #tpu.memory_space<vmem>>) target(%dma_start3A_65 : memref<184x128xf32, #tpu.memory_space<vmem_shared>>) target_semaphore(%run_scoped3A : memref<!tpu.dma_semaphore, #tpu.memory_space<semaphore_mem>>)
      %dma_wait3A_69 = arith.constant 0 : i32
      %dma_wait3A_70 = arith.constant 0 : i32
      %dma_wait3A_71 = tpu.memref_slice %arg12[%dma_wait3A_69, %dma_wait3A_70] : memref<184x128xf32, #tpu.memory_space<vmem>> -> memref<184x128xf32, #tpu.memory_space<vmem>>
      %dma_wait3A_72 = arith.constant 0 : i32
      %dma_wait3A_73 = tpu.memref_slice %arg14[%multiple_of3A_13, %dma_wait3A_72] : memref<10240x128xf32, #tpu.memory_space<vmem_shared>> -> memref<184x128xf32, #tpu.memory_space<vmem_shared>>
      %dma_wait3A_74 = arith.constant 0 : i32
      %dma_wait3A_75 = tpu.memref_slice %arg14[%multiple_of3A_13, %dma_wait3A_74] : memref<10240x128xf32, #tpu.memory_space<vmem_shared>> -> memref<184x128xf32, #tpu.memory_space<vmem_shared>>
      %dma_wait3A_76 = arith.constant 0 : i32
      %dma_wait3A_77 = arith.constant 0 : i32
      %dma_wait3A_78 = tpu.memref_slice %arg12[%dma_wait3A_76, %dma_wait3A_77] : memref<184x128xf32, #tpu.memory_space<vmem>> -> memref<184x128xf32, #tpu.memory_space<vmem>>
      tpu.wait_dma2 semaphore(%run_scoped3A : memref<!tpu.dma_semaphore, #tpu.memory_space<semaphore_mem>>) src(%dma_wait3A_78 : memref<184x128xf32, #tpu.memory_space<vmem>>) dst(%dma_wait3A_75 : memref<184x128xf32, #tpu.memory_space<vmem_shared>>)
      tpu.yield
    }) : () -> ()
    %add3A_14 = arith.constant 552 : i32
    %add3A_15 = arith.addi %multiple_of3A, %add3A_14 : i32
    %multiple_of3A_16 = tpu.assume_multiple %add3A_15, 8 : i32
    "tpu.region"() ({
      %run_scoped3A = tpu.sem_alloc : memref<!tpu.dma_semaphore, #tpu.memory_space<semaphore_mem>>
      %dma_start3A_59 = arith.constant 0 : i32
      %dma_start3A_60 = arith.constant 0 : i32
      %dma_start3A_61 = tpu.memref_slice %arg12[%dma_start3A_59, %dma_start3A_60] : memref<184x128xf32, #tpu.memory_space<vmem>> -> memref<88x128xf32, #tpu.memory_space<vmem>>
      %dma_start3A_62 = arith.constant 0 : i32
      %dma_start3A_63 = tpu.memref_slice %arg14[%multiple_of3A_16, %dma_start3A_62] : memref<10240x128xf32, #tpu.memory_space<vmem_shared>> -> memref<88x128xf32, #tpu.memory_space<vmem_shared>>
      %dma_start3A_64 = arith.constant 0 : i32
      %dma_start3A_65 = tpu.memref_slice %arg14[%multiple_of3A_16, %dma_start3A_64] : memref<10240x128xf32, #tpu.memory_space<vmem_shared>> -> memref<88x128xf32, #tpu.memory_space<vmem_shared>>
      %dma_start3A_66 = arith.constant 0 : i32
      %dma_start3A_67 = arith.constant 0 : i32
      %dma_start3A_68 = tpu.memref_slice %arg12[%dma_start3A_66, %dma_start3A_67] : memref<184x128xf32, #tpu.memory_space<vmem>> -> memref<88x128xf32, #tpu.memory_space<vmem>>
      tpu.enqueue_dma source(%dma_start3A_68 : memref<88x128xf32, #tpu.memory_space<vmem>>) target(%dma_start3A_65 : memref<88x128xf32, #tpu.memory_space<vmem_shared>>) target_semaphore(%run_scoped3A : memref<!tpu.dma_semaphore, #tpu.memory_space<semaphore_mem>>)
      %dma_wait3A_69 = arith.constant 0 : i32
      %dma_wait3A_70 = arith.constant 0 : i32
      %dma_wait3A_71 = tpu.memref_slice %arg12[%dma_wait3A_69, %dma_wait3A_70] : memref<184x128xf32, #tpu.memory_space<vmem>> -> memref<88x128xf32, #tpu.memory_space<vmem>>
      %dma_wait3A_72 = arith.constant 0 : i32
      %dma_wait3A_73 = tpu.memref_slice %arg14[%multiple_of3A_16, %dma_wait3A_72] : memref<10240x128xf32, #tpu.memory_space<vmem_shared>> -> memref<88x128xf32, #tpu.memory_space<vmem_shared>>
      %dma_wait3A_74 = arith.constant 0 : i32
      %dma_wait3A_75 = tpu.memref_slice %arg14[%multiple_of3A_16, %dma_wait3A_74] : memref<10240x128xf32, #tpu.memory_space<vmem_shared>> -> memref<88x128xf32, #tpu.memory_space<vmem_shared>>
      %dma_wait3A_76 = arith.constant 0 : i32
      %dma_wait3A_77 = arith.constant 0 : i32
      %dma_wait3A_78 = tpu.memref_slice %arg12[%dma_wait3A_76, %dma_wait3A_77] : memref<184x128xf32, #tpu.memory_space<vmem>> -> memref<88x128xf32, #tpu.memory_space<vmem>>
      tpu.wait_dma2 semaphore(%run_scoped3A : memref<!tpu.dma_semaphore, #tpu.memory_space<semaphore_mem>>) src(%dma_wait3A_78 : memref<88x128xf32, #tpu.memory_space<vmem>>) dst(%dma_wait3A_75 : memref<88x128xf32, #tpu.memory_space<vmem_shared>>)
      tpu.yield
    }) : () -> ()
    %barrier3A = arith.constant 0 : index
    tpu.barrier barrier_id(%barrier3A)
    %mul3A_17 = arith.constant 16 : i32
    %mul3A_18 = arith.muli %arg0, %mul3A_17 : i32
    %add3A_19 = arith.addi %mul3A_18, %arg1 : i32
    %mul3A_20 = arith.constant 10000 : i32
    %mul3A_21 = arith.muli %add3A_19, %mul3A_20 : i32
    %add3A_22 = arith.constant 0 : i32
    %add3A_23 = arith.addi %mul3A_21, %add3A_22 : i32
    %dma_start3A = tpu.memref_slice %arg3[%add3A_23] : memref<320000xi32, #tpu.memory_space<hbm>> -> memref<184xi32, #tpu.memory_space<hbm>>
    %dma_start3A_24 = tpu.memref_slice %arg3[%add3A_23] : memref<320000xi32, #tpu.memory_space<hbm>> -> memref<184xi32, #tpu.memory_space<hbm>>
    tpu.enqueue_dma source(%dma_start3A_24 : memref<184xi32, #tpu.memory_space<hbm>>) target(%arg6 : memref<184xi32, #tpu.memory_space<vmem>>) target_semaphore(%arg15 : memref<!tpu.dma_semaphore, #tpu.memory_space<semaphore_mem>>)
    %dma_start3A_25 = tpu.memref_slice %arg4[%add3A_23] : memref<320000xi32, #tpu.memory_space<hbm>> -> memref<184xi32, #tpu.memory_space<hbm>>
    %dma_start3A_26 = tpu.memref_slice %arg4[%add3A_23] : memref<320000xi32, #tpu.memory_space<hbm>> -> memref<184xi32, #tpu.memory_space<hbm>>
    tpu.enqueue_dma source(%dma_start3A_26 : memref<184xi32, #tpu.memory_space<hbm>>) target(%arg7 : memref<184xi32, #tpu.memory_space<vmem>>) target_semaphore(%arg15 : memref<!tpu.dma_semaphore, #tpu.memory_space<semaphore_mem>>)
    %dma_wait3A = tpu.memref_slice %arg3[%mul3A_21] : memref<320000xi32, #tpu.memory_space<hbm>> -> memref<184xi32, #tpu.memory_space<hbm>>
    %dma_wait3A_27 = tpu.memref_slice %arg3[%mul3A_21] : memref<320000xi32, #tpu.memory_space<hbm>> -> memref<184xi32, #tpu.memory_space<hbm>>
    tpu.wait_dma2 semaphore(%arg15 : memref<!tpu.dma_semaphore, #tpu.memory_space<semaphore_mem>>) src(%dma_wait3A_27 : memref<184xi32, #tpu.memory_space<hbm>>) dst(%arg6 : memref<184xi32, #tpu.memory_space<vmem>>)
    %dma_wait3A_28 = tpu.memref_slice %arg4[%mul3A_21] : memref<320000xi32, #tpu.memory_space<hbm>> -> memref<184xi32, #tpu.memory_space<hbm>>
    %dma_wait3A_29 = tpu.memref_slice %arg4[%mul3A_21] : memref<320000xi32, #tpu.memory_space<hbm>> -> memref<184xi32, #tpu.memory_space<hbm>>
    tpu.wait_dma2 semaphore(%arg15 : memref<!tpu.dma_semaphore, #tpu.memory_space<semaphore_mem>>) src(%dma_wait3A_29 : memref<184xi32, #tpu.memory_space<hbm>>) dst(%arg7 : memref<184xi32, #tpu.memory_space<vmem>>)
    %dma_start3A_30 = arith.constant 0 : i32
    %dma_start3A_31 = arith.constant 0 : i32
    %dma_start3A_32 = tpu.memref_slice %arg2[%dma_start3A_30, %dma_start3A_31] : memref<10240x128xf32, #tpu.memory_space<hbm>> -> memref<10240x128xf32, #tpu.memory_space<hbm>>
    tpu.enqueue_indirect_dma source(%dma_start3A_32 : memref<10240x128xf32, #tpu.memory_space<hbm>>) target(%arg12 : memref<184x128xf32, #tpu.memory_space<vmem>>) offsets(%arg6 : memref<184xi32, #tpu.memory_space<vmem>>) semaphore(%arg17 : memref<!tpu.dma_semaphore, #tpu.memory_space<semaphore_mem>>)
    %add3A_33 = arith.constant 184 : i32
    %add3A_34 = arith.addi %mul3A_21, %add3A_33 : i32
    %dma_start3A_35 = tpu.memref_slice %arg3[%add3A_34] : memref<320000xi32, #tpu.memory_space<hbm>> -> memref<184xi32, #tpu.memory_space<hbm>>
    %dma_start3A_36 = tpu.memref_slice %arg3[%add3A_34] : memref<320000xi32, #tpu.memory_space<hbm>> -> memref<184xi32, #tpu.memory_space<hbm>>
    tpu.enqueue_dma source(%dma_start3A_36 : memref<184xi32, #tpu.memory_space<hbm>>) target(%arg8 : memref<184xi32, #tpu.memory_space<vmem>>) target_semaphore(%arg16 : memref<!tpu.dma_semaphore, #tpu.memory_space<semaphore_mem>>)
    %dma_start3A_37 = tpu.memref_slice %arg4[%add3A_34] : memref<320000xi32, #tpu.memory_space<hbm>> -> memref<184xi32, #tpu.memory_space<hbm>>
    %dma_start3A_38 = tpu.memref_slice %arg4[%add3A_34] : memref<320000xi32, #tpu.memory_space<hbm>> -> memref<184xi32, #tpu.memory_space<hbm>>
    tpu.enqueue_dma source(%dma_start3A_38 : memref<184xi32, #tpu.memory_space<hbm>>) target(%arg9 : memref<184xi32, #tpu.memory_space<vmem>>) target_semaphore(%arg16 : memref<!tpu.dma_semaphore, #tpu.memory_space<semaphore_mem>>)
    %scan3A_39 = arith.constant 0 : i32
    %scan3A_40 = arith.constant 27 : i32
    %scan3A_41 = arith.addi %scan3A_39, %scan3A_40 : i32
    %scan3A_42 = arith.constant 1 : i32
    scf.for %scan3A_59 = %scan3A_39 to %scan3A_41 step %scan3A_42  : i32 {
      %mul3A_60 = arith.constant 2 : i32
      %mul3A_61 = arith.muli %scan3A_59, %mul3A_60 : i32
      %add3A_62 = arith.constant 0 : i32
      %add3A_63 = arith.addi %add3A_62, %mul3A_61 : i32
      %dma_wait3A_64 = tpu.memref_slice %arg3[%mul3A_21] : memref<320000xi32, #tpu.memory_space<hbm>> -> memref<184xi32, #tpu.memory_space<hbm>>
      %dma_wait3A_65 = tpu.memref_slice %arg3[%mul3A_21] : memref<320000xi32, #tpu.memory_space<hbm>> -> memref<184xi32, #tpu.memory_space<hbm>>
      tpu.wait_dma2 semaphore(%arg16 : memref<!tpu.dma_semaphore, #tpu.memory_space<semaphore_mem>>) src(%dma_wait3A_65 : memref<184xi32, #tpu.memory_space<hbm>>) dst(%arg8 : memref<184xi32, #tpu.memory_space<vmem>>)
      %dma_wait3A_66 = tpu.memref_slice %arg4[%mul3A_21] : memref<320000xi32, #tpu.memory_space<hbm>> -> memref<184xi32, #tpu.memory_space<hbm>>
      %dma_wait3A_67 = tpu.memref_slice %arg4[%mul3A_21] : memref<320000xi32, #tpu.memory_space<hbm>> -> memref<184xi32, #tpu.memory_space<hbm>>
      tpu.wait_dma2 semaphore(%arg16 : memref<!tpu.dma_semaphore, #tpu.memory_space<semaphore_mem>>) src(%dma_wait3A_67 : memref<184xi32, #tpu.memory_space<hbm>>) dst(%arg9 : memref<184xi32, #tpu.memory_space<vmem>>)
      %dma_start3A_68 = arith.constant 0 : i32
      %dma_start3A_69 = arith.constant 0 : i32
      %dma_start3A_70 = tpu.memref_slice %arg2[%dma_start3A_68, %dma_start3A_69] : memref<10240x128xf32, #tpu.memory_space<hbm>> -> memref<10240x128xf32, #tpu.memory_space<hbm>>
      tpu.enqueue_indirect_dma source(%dma_start3A_70 : memref<10240x128xf32, #tpu.memory_space<hbm>>) target(%arg13 : memref<184x128xf32, #tpu.memory_space<vmem>>) offsets(%arg8 : memref<184xi32, #tpu.memory_space<vmem>>) semaphore(%arg18 : memref<!tpu.dma_semaphore, #tpu.memory_space<semaphore_mem>>)
      %dma_wait3A_71 = arith.constant 0 : i32
      %dma_wait3A_72 = arith.constant 0 : i32
      %dma_wait3A_73 = tpu.memref_slice %arg2[%dma_wait3A_71, %dma_wait3A_72] : memref<10240x128xf32, #tpu.memory_space<hbm>> -> memref<10240x128xf32, #tpu.memory_space<hbm>>
      tpu.wait_indirect_dma semaphore(%arg17 : memref<!tpu.dma_semaphore, #tpu.memory_space<semaphore_mem>>) src(%dma_wait3A_73 : memref<10240x128xf32, #tpu.memory_space<hbm>>) dst(%arg12 : memref<184x128xf32, #tpu.memory_space<vmem>>)
      "tpu.region"() ({
        %run_scoped3A = tpu.sem_alloc : memref<!tpu.dma_semaphore, #tpu.memory_space<semaphore_mem>>
        %dma_start3A_88 = arith.constant 0 : i32
        %dma_start3A_89 = arith.constant 0 : i32
        %dma_start3A_90 = tpu.memref_slice %arg14[%dma_start3A_88, %dma_start3A_89] : memref<10240x128xf32, #tpu.memory_space<vmem_shared>> -> memref<10240x128xf32, #tpu.memory_space<vmem_shared>>
        tpu.enqueue_indirect_dma source(%arg12 : memref<184x128xf32, #tpu.memory_space<vmem>>) target(%dma_start3A_90 : memref<10240x128xf32, #tpu.memory_space<vmem_shared>>) offsets(%arg7 : memref<184xi32, #tpu.memory_space<vmem>>) semaphore(%run_scoped3A : memref<!tpu.dma_semaphore, #tpu.memory_space<semaphore_mem>>) {add = true}
        %dma_wait3A_91 = arith.constant 0 : i32
        %dma_wait3A_92 = arith.constant 0 : i32
        %dma_wait3A_93 = tpu.memref_slice %arg14[%dma_wait3A_91, %dma_wait3A_92] : memref<10240x128xf32, #tpu.memory_space<vmem_shared>> -> memref<10240x128xf32, #tpu.memory_space<vmem_shared>>
        tpu.wait_indirect_dma semaphore(%run_scoped3A : memref<!tpu.dma_semaphore, #tpu.memory_space<semaphore_mem>>) src(%arg12 : memref<184x128xf32, #tpu.memory_space<vmem>>) dst(%dma_wait3A_93 : memref<10240x128xf32, #tpu.memory_space<vmem_shared>>)
        tpu.yield
      }) : () -> ()
      %add3A_74 = arith.constant 2 : i32
      %add3A_75 = arith.addi %add3A_63, %add3A_74 : i32
      %lt3A = arith.constant 54 : i32
      %lt3A_76 = arith.cmpi slt, %add3A_75, %lt3A : i32
      %convert_element_type3A = arith.extui %lt3A_76 : i1 to i32
      %cond3A = arith.constant 0 : i32
      %cond3A_77 = arith.cmpi ne, %convert_element_type3A, %cond3A : i32
      scf.if %cond3A_77 {
        %add3A_88 = arith.constant 2 : i32
        %add3A_89 = arith.addi %add3A_63, %add3A_88 : i32
        %mul3A_90 = arith.constant 184 : i32
        %mul3A_91 = arith.muli %add3A_89, %mul3A_90 : i32
        %add3A_92 = arith.addi %mul3A_21, %mul3A_91 : i32
        %dma_start3A_93 = tpu.memref_slice %arg3[%add3A_92] : memref<320000xi32, #tpu.memory_space<hbm>> -> memref<184xi32, #tpu.memory_space<hbm>>
        %dma_start3A_94 = tpu.memref_slice %arg3[%add3A_92] : memref<320000xi32, #tpu.memory_space<hbm>> -> memref<184xi32, #tpu.memory_space<hbm>>
        tpu.enqueue_dma source(%dma_start3A_94 : memref<184xi32, #tpu.memory_space<hbm>>) target(%arg6 : memref<184xi32, #tpu.memory_space<vmem>>) target_semaphore(%arg15 : memref<!tpu.dma_semaphore, #tpu.memory_space<semaphore_mem>>)
        %dma_start3A_95 = tpu.memref_slice %arg4[%add3A_92] : memref<320000xi32, #tpu.memory_space<hbm>> -> memref<184xi32, #tpu.memory_space<hbm>>
        %dma_start3A_96 = tpu.memref_slice %arg4[%add3A_92] : memref<320000xi32, #tpu.memory_space<hbm>> -> memref<184xi32, #tpu.memory_space<hbm>>
        tpu.enqueue_dma source(%dma_start3A_96 : memref<184xi32, #tpu.memory_space<hbm>>) target(%arg7 : memref<184xi32, #tpu.memory_space<vmem>>) target_semaphore(%arg15 : memref<!tpu.dma_semaphore, #tpu.memory_space<semaphore_mem>>)
        %dma_wait3A_97 = tpu.memref_slice %arg3[%mul3A_21] : memref<320000xi32, #tpu.memory_space<hbm>> -> memref<184xi32, #tpu.memory_space<hbm>>
        %dma_wait3A_98 = tpu.memref_slice %arg3[%mul3A_21] : memref<320000xi32, #tpu.memory_space<hbm>> -> memref<184xi32, #tpu.memory_space<hbm>>
        tpu.wait_dma2 semaphore(%arg15 : memref<!tpu.dma_semaphore, #tpu.memory_space<semaphore_mem>>) src(%dma_wait3A_98 : memref<184xi32, #tpu.memory_space<hbm>>) dst(%arg6 : memref<184xi32, #tpu.memory_space<vmem>>)
        %dma_wait3A_99 = tpu.memref_slice %arg4[%mul3A_21] : memref<320000xi32, #tpu.memory_space<hbm>> -> memref<184xi32, #tpu.memory_space<hbm>>
        %dma_wait3A_100 = tpu.memref_slice %arg4[%mul3A_21] : memref<320000xi32, #tpu.memory_space<hbm>> -> memref<184xi32, #tpu.memory_space<hbm>>
        tpu.wait_dma2 semaphore(%arg15 : memref<!tpu.dma_semaphore, #tpu.memory_space<semaphore_mem>>) src(%dma_wait3A_100 : memref<184xi32, #tpu.memory_space<hbm>>) dst(%arg7 : memref<184xi32, #tpu.memory_space<vmem>>)
        %dma_start3A_101 = arith.constant 0 : i32
        %dma_start3A_102 = arith.constant 0 : i32
        %dma_start3A_103 = tpu.memref_slice %arg2[%dma_start3A_101, %dma_start3A_102] : memref<10240x128xf32, #tpu.memory_space<hbm>> -> memref<10240x128xf32, #tpu.memory_space<hbm>>
        tpu.enqueue_indirect_dma source(%dma_start3A_103 : memref<10240x128xf32, #tpu.memory_space<hbm>>) target(%arg12 : memref<184x128xf32, #tpu.memory_space<vmem>>) offsets(%arg6 : memref<184xi32, #tpu.memory_space<vmem>>) semaphore(%arg17 : memref<!tpu.dma_semaphore, #tpu.memory_space<semaphore_mem>>)
      } else {
      }
      %dma_wait3A_78 = arith.constant 0 : i32
      %dma_wait3A_79 = arith.constant 0 : i32
      %dma_wait3A_80 = tpu.memref_slice %arg2[%dma_wait3A_78, %dma_wait3A_79] : memref<10240x128xf32, #tpu.memory_space<hbm>> -> memref<10240x128xf32, #tpu.memory_space<hbm>>
      tpu.wait_indirect_dma semaphore(%arg18 : memref<!tpu.dma_semaphore, #tpu.memory_space<semaphore_mem>>) src(%dma_wait3A_80 : memref<10240x128xf32, #tpu.memory_space<hbm>>) dst(%arg13 : memref<184x128xf32, #tpu.memory_space<vmem>>)
      "tpu.region"() ({
        %run_scoped3A = tpu.sem_alloc : memref<!tpu.dma_semaphore, #tpu.memory_space<semaphore_mem>>
        %dma_start3A_88 = arith.constant 0 : i32
        %dma_start3A_89 = arith.constant 0 : i32
        %dma_start3A_90 = tpu.memref_slice %arg14[%dma_start3A_88, %dma_start3A_89] : memref<10240x128xf32, #tpu.memory_space<vmem_shared>> -> memref<10240x128xf32, #tpu.memory_space<vmem_shared>>
        tpu.enqueue_indirect_dma source(%arg13 : memref<184x128xf32, #tpu.memory_space<vmem>>) target(%dma_start3A_90 : memref<10240x128xf32, #tpu.memory_space<vmem_shared>>) offsets(%arg9 : memref<184xi32, #tpu.memory_space<vmem>>) semaphore(%run_scoped3A : memref<!tpu.dma_semaphore, #tpu.memory_space<semaphore_mem>>) {add = true}
        %dma_wait3A_91 = arith.constant 0 : i32
        %dma_wait3A_92 = arith.constant 0 : i32
        %dma_wait3A_93 = tpu.memref_slice %arg14[%dma_wait3A_91, %dma_wait3A_92] : memref<10240x128xf32, #tpu.memory_space<vmem_shared>> -> memref<10240x128xf32, #tpu.memory_space<vmem_shared>>
        tpu.wait_indirect_dma semaphore(%run_scoped3A : memref<!tpu.dma_semaphore, #tpu.memory_space<semaphore_mem>>) src(%arg13 : memref<184x128xf32, #tpu.memory_space<vmem>>) dst(%dma_wait3A_93 : memref<10240x128xf32, #tpu.memory_space<vmem_shared>>)
        tpu.yield
      }) : () -> ()
      %add3A_81 = arith.constant 3 : i32
      %add3A_82 = arith.addi %add3A_63, %add3A_81 : i32
      %lt3A_83 = arith.constant 54 : i32
      %lt3A_84 = arith.cmpi slt, %add3A_82, %lt3A_83 : i32
      %convert_element_type3A_85 = arith.extui %lt3A_84 : i1 to i32
      %cond3A_86 = arith.constant 0 : i32
      %cond3A_87 = arith.cmpi ne, %convert_element_type3A_85, %cond3A_86 : i32
      scf.if %cond3A_87 {
        %add3A_88 = arith.constant 3 : i32
        %add3A_89 = arith.addi %add3A_63, %add3A_88 : i32
        %mul3A_90 = arith.constant 184 : i32
        %mul3A_91 = arith.muli %add3A_89, %mul3A_90 : i32
        %add3A_92 = arith.addi %mul3A_21, %mul3A_91 : i32
        %dma_start3A_93 = tpu.memref_slice %arg3[%add3A_92] : memref<320000xi32, #tpu.memory_space<hbm>> -> memref<184xi32, #tpu.memory_space<hbm>>
        %dma_start3A_94 = tpu.memref_slice %arg3[%add3A_92] : memref<320000xi32, #tpu.memory_space<hbm>> -> memref<184xi32, #tpu.memory_space<hbm>>
        tpu.enqueue_dma source(%dma_start3A_94 : memref<184xi32, #tpu.memory_space<hbm>>) target(%arg8 : memref<184xi32, #tpu.memory_space<vmem>>) target_semaphore(%arg16 : memref<!tpu.dma_semaphore, #tpu.memory_space<semaphore_mem>>)
        %dma_start3A_95 = tpu.memref_slice %arg4[%add3A_92] : memref<320000xi32, #tpu.memory_space<hbm>> -> memref<184xi32, #tpu.memory_space<hbm>>
        %dma_start3A_96 = tpu.memref_slice %arg4[%add3A_92] : memref<320000xi32, #tpu.memory_space<hbm>> -> memref<184xi32, #tpu.memory_space<hbm>>
        tpu.enqueue_dma source(%dma_start3A_96 : memref<184xi32, #tpu.memory_space<hbm>>) target(%arg9 : memref<184xi32, #tpu.memory_space<vmem>>) target_semaphore(%arg16 : memref<!tpu.dma_semaphore, #tpu.memory_space<semaphore_mem>>)
      } else {
      }
    }
    %scan3A_43 = arith.constant 27 : i32
    %add3A_44 = arith.constant 9936 : i32
    %add3A_45 = arith.addi %mul3A_21, %add3A_44 : i32
    "tpu.region"() ({
      %run_scoped3A = tpu.sem_alloc : memref<!tpu.dma_semaphore, #tpu.memory_space<semaphore_mem>>
      %dma_start3A_59 = tpu.memref_slice %arg3[%add3A_45] : memref<320000xi32, #tpu.memory_space<hbm>> -> memref<64xi32, #tpu.memory_space<hbm>>
      %dma_start3A_60 = tpu.memref_slice %arg3[%add3A_45] : memref<320000xi32, #tpu.memory_space<hbm>> -> memref<64xi32, #tpu.memory_space<hbm>>
      tpu.enqueue_dma source(%dma_start3A_60 : memref<64xi32, #tpu.memory_space<hbm>>) target(%arg10 : memref<64xi32, #tpu.memory_space<vmem>>) target_semaphore(%run_scoped3A : memref<!tpu.dma_semaphore, #tpu.memory_space<semaphore_mem>>)
      %dma_wait3A_61 = tpu.memref_slice %arg3[%add3A_45] : memref<320000xi32, #tpu.memory_space<hbm>> -> memref<64xi32, #tpu.memory_space<hbm>>
      %dma_wait3A_62 = tpu.memref_slice %arg3[%add3A_45] : memref<320000xi32, #tpu.memory_space<hbm>> -> memref<64xi32, #tpu.memory_space<hbm>>
      tpu.wait_dma2 semaphore(%run_scoped3A : memref<!tpu.dma_semaphore, #tpu.memory_space<semaphore_mem>>) src(%dma_wait3A_62 : memref<64xi32, #tpu.memory_space<hbm>>) dst(%arg10 : memref<64xi32, #tpu.memory_space<vmem>>)
      tpu.yield
    }) : () -> ()
    "tpu.region"() ({
      %run_scoped3A = tpu.sem_alloc : memref<!tpu.dma_semaphore, #tpu.memory_space<semaphore_mem>>
      %dma_start3A_59 = tpu.memref_slice %arg4[%add3A_45] : memref<320000xi32, #tpu.memory_space<hbm>> -> memref<64xi32, #tpu.memory_space<hbm>>
      %dma_start3A_60 = tpu.memref_slice %arg4[%add3A_45] : memref<320000xi32, #tpu.memory_space<hbm>> -> memref<64xi32, #tpu.memory_space<hbm>>
      tpu.enqueue_dma source(%dma_start3A_60 : memref<64xi32, #tpu.memory_space<hbm>>) target(%arg11 : memref<64xi32, #tpu.memory_space<vmem>>) target_semaphore(%run_scoped3A : memref<!tpu.dma_semaphore, #tpu.memory_space<semaphore_mem>>)
      %dma_wait3A_61 = tpu.memref_slice %arg4[%add3A_45] : memref<320000xi32, #tpu.memory_space<hbm>> -> memref<64xi32, #tpu.memory_space<hbm>>
      %dma_wait3A_62 = tpu.memref_slice %arg4[%add3A_45] : memref<320000xi32, #tpu.memory_space<hbm>> -> memref<64xi32, #tpu.memory_space<hbm>>
      tpu.wait_dma2 semaphore(%run_scoped3A : memref<!tpu.dma_semaphore, #tpu.memory_space<semaphore_mem>>) src(%dma_wait3A_62 : memref<64xi32, #tpu.memory_space<hbm>>) dst(%arg11 : memref<64xi32, #tpu.memory_space<vmem>>)
      tpu.yield
    }) : () -> ()
    %dma_start3A_46 = arith.constant 0 : i32
    %dma_start3A_47 = arith.constant 0 : i32
    %dma_start3A_48 = tpu.memref_slice %arg12[%dma_start3A_46, %dma_start3A_47] : memref<184x128xf32, #tpu.memory_space<vmem>> -> memref<64x128xf32, #tpu.memory_space<vmem>>
    %dma_start3A_49 = arith.constant 0 : i32
    %dma_start3A_50 = arith.constant 0 : i32
    %dma_start3A_51 = tpu.memref_slice %arg2[%dma_start3A_49, %dma_start3A_50] : memref<10240x128xf32, #tpu.memory_space<hbm>> -> memref<10240x128xf32, #tpu.memory_space<hbm>>
    tpu.enqueue_indirect_dma source(%dma_start3A_51 : memref<10240x128xf32, #tpu.memory_space<hbm>>) target(%dma_start3A_48 : memref<64x128xf32, #tpu.memory_space<vmem>>) offsets(%arg10 : memref<64xi32, #tpu.memory_space<vmem>>) semaphore(%arg17 : memref<!tpu.dma_semaphore, #tpu.memory_space<semaphore_mem>>)
    %dma_wait3A_52 = arith.constant 0 : i32
    %dma_wait3A_53 = arith.constant 0 : i32
    %dma_wait3A_54 = tpu.memref_slice %arg12[%dma_wait3A_52, %dma_wait3A_53] : memref<184x128xf32, #tpu.memory_space<vmem>> -> memref<64x128xf32, #tpu.memory_space<vmem>>
    %dma_wait3A_55 = arith.constant 0 : i32
    %dma_wait3A_56 = arith.constant 0 : i32
    %dma_wait3A_57 = tpu.memref_slice %arg2[%dma_wait3A_55, %dma_wait3A_56] : memref<10240x128xf32, #tpu.memory_space<hbm>> -> memref<10240x128xf32, #tpu.memory_space<hbm>>
    tpu.wait_indirect_dma semaphore(%arg17 : memref<!tpu.dma_semaphore, #tpu.memory_space<semaphore_mem>>) src(%dma_wait3A_57 : memref<10240x128xf32, #tpu.memory_space<hbm>>) dst(%dma_wait3A_54 : memref<64x128xf32, #tpu.memory_space<vmem>>)
    "tpu.region"() ({
      %run_scoped3A = tpu.sem_alloc : memref<!tpu.dma_semaphore, #tpu.memory_space<semaphore_mem>>
      %dma_start3A_59 = arith.constant 0 : i32
      %dma_start3A_60 = arith.constant 0 : i32
      %dma_start3A_61 = tpu.memref_slice %arg12[%dma_start3A_59, %dma_start3A_60] : memref<184x128xf32, #tpu.memory_space<vmem>> -> memref<64x128xf32, #tpu.memory_space<vmem>>
      %dma_start3A_62 = arith.constant 0 : i32
      %dma_start3A_63 = arith.constant 0 : i32
      %dma_start3A_64 = tpu.memref_slice %arg14[%dma_start3A_62, %dma_start3A_63] : memref<10240x128xf32, #tpu.memory_space<vmem_shared>> -> memref<10240x128xf32, #tpu.memory_space<vmem_shared>>
      tpu.enqueue_indirect_dma source(%dma_start3A_61 : memref<64x128xf32, #tpu.memory_space<vmem>>) target(%dma_start3A_64 : memref<10240x128xf32, #tpu.memory_space<vmem_shared>>) offsets(%arg11 : memref<64xi32, #tpu.memory_space<vmem>>) semaphore(%run_scoped3A : memref<!tpu.dma_semaphore, #tpu.memory_space<semaphore_mem>>) {add = true}
      %dma_wait3A_65 = arith.constant 0 : i32
      %dma_wait3A_66 = arith.constant 0 : i32
      %dma_wait3A_67 = tpu.memref_slice %arg12[%dma_wait3A_65, %dma_wait3A_66] : memref<184x128xf32, #tpu.memory_space<vmem>> -> memref<64x128xf32, #tpu.memory_space<vmem>>
      %dma_wait3A_68 = arith.constant 0 : i32
      %dma_wait3A_69 = arith.constant 0 : i32
      %dma_wait3A_70 = tpu.memref_slice %arg14[%dma_wait3A_68, %dma_wait3A_69] : memref<10240x128xf32, #tpu.memory_space<vmem_shared>> -> memref<10240x128xf32, #tpu.memory_space<vmem_shared>>
      tpu.wait_indirect_dma semaphore(%run_scoped3A : memref<!tpu.dma_semaphore, #tpu.memory_space<semaphore_mem>>) src(%dma_wait3A_67 : memref<64x128xf32, #tpu.memory_space<vmem>>) dst(%dma_wait3A_70 : memref<10240x128xf32, #tpu.memory_space<vmem_shared>>)
      tpu.yield
    }) : () -> ()
    %barrier3A_58 = arith.constant 0 : index
    tpu.barrier barrier_id(%barrier3A_58)
    "tpu.region"() ({
      %run_scoped3A = tpu.sem_alloc : memref<!tpu.dma_semaphore, #tpu.memory_space<semaphore_mem>>
      %dma_start3A_59 = arith.constant 0 : i32
      %dma_start3A_60 = tpu.memref_slice %arg5[%arg0, %multiple_of3A, %dma_start3A_59] : memref<2x10240x128xf32, #tpu.memory_space<hbm>> -> memref<1x640x128xf32, #tpu.memory_space<hbm>>
      %dma_start3A_61 = tpu.memref_squeeze %dma_start3A_60 : memref<1x640x128xf32, #tpu.memory_space<hbm>> -> memref<640x128xf32, #tpu.memory_space<hbm>>
      %dma_start3A_62 = arith.constant 0 : i32
      %dma_start3A_63 = tpu.memref_slice %arg14[%multiple_of3A, %dma_start3A_62] : memref<10240x128xf32, #tpu.memory_space<vmem_shared>> -> memref<640x128xf32, #tpu.memory_space<vmem_shared>>
      tpu.enqueue_dma source(%dma_start3A_63 : memref<640x128xf32, #tpu.memory_space<vmem_shared>>) target(%dma_start3A_61 : memref<640x128xf32, #tpu.memory_space<hbm>>) target_semaphore(%run_scoped3A : memref<!tpu.dma_semaphore, #tpu.memory_space<semaphore_mem>>)
      %dma_wait3A_64 = arith.constant 0 : i32
      %dma_wait3A_65 = tpu.memref_slice %arg5[%arg0, %multiple_of3A, %dma_wait3A_64] : memref<2x10240x128xf32, #tpu.memory_space<hbm>> -> memref<1x640x128xf32, #tpu.memory_space<hbm>>
      %dma_wait3A_66 = tpu.memref_squeeze %dma_wait3A_65 : memref<1x640x128xf32, #tpu.memory_space<hbm>> -> memref<640x128xf32, #tpu.memory_space<hbm>>
      %dma_wait3A_67 = arith.constant 0 : i32
      %dma_wait3A_68 = tpu.memref_slice %arg14[%multiple_of3A, %dma_wait3A_67] : memref<10240x128xf32, #tpu.memory_space<vmem_shared>> -> memref<640x128xf32, #tpu.memory_space<vmem_shared>>
      tpu.wait_dma2 semaphore(%run_scoped3A : memref<!tpu.dma_semaphore, #tpu.memory_space<semaphore_mem>>) src(%dma_wait3A_68 : memref<640x128xf32, #tpu.memory_space<vmem_shared>>) dst(%dma_wait3A_66 : memref<640x128xf32, #tpu.memory_space<hbm>>)
      tpu.yield
    }) : () -> ()
    return
  }
}

#map = affine_map<(d0, d1) -> (0, 0)>
#map1 = affine_map<(d0, d1) -> (0)>
#map2 = affine_map<(d0, d1) -> (0, 0, 0)>
module attributes {stable_mosaic.version = 14 : i64} {
  func.func @k(%arg0: i32, %arg1: i32, %arg2: memref<10240x128xf32, #tpu.memory_space<hbm>>, %arg3: memref<320000xi32, #tpu.memory_space<hbm>>, %arg4: memref<320000xi32, #tpu.memory_space<hbm>>, %arg5: memref<2x10240x128xf32, #tpu.memory_space<hbm>>, %arg6: memref<184xi32, #tpu.memory_space<vmem>>, %arg7: memref<184xi32, #tpu.memory_space<vmem>>, %arg8: memref<184xi32, #tpu.memory_space<vmem>>, %arg9: memref<184xi32, #tpu.memory_space<vmem>>, %arg10: memref<64xi32, #tpu.memory_space<vmem>>, %arg11: memref<64xi32, #tpu.memory_space<vmem>>, %arg12: memref<184x128xf32, #tpu.memory_space<vmem>>, %arg13: memref<184x128xf32, #tpu.memory_space<vmem>>, %arg14: memref<10240x128xf32, #tpu.memory_space<vmem_shared>>, %arg15: memref<!tpu.dma_semaphore, #tpu.memory_space<semaphore_mem>>, %arg16: memref<!tpu.dma_semaphore, #tpu.memory_space<semaphore_mem>>, %arg17: memref<!tpu.dma_semaphore, #tpu.memory_space<semaphore_mem>>, %arg18: memref<!tpu.dma_semaphore, #tpu.memory_space<semaphore_mem>>) attributes {dimension_semantics = [#tpu.dimension_semantics<core_parallel>, #tpu.dimension_semantics<subcore_parallel>], iteration_bounds = array<i64: 2, 16>, scalar_prefetch = 0 : i64, scratch_operands = 13 : i64, tpu.core_type = #tpu.core_type<sc_vector_subcore>, window_params = [{transform_indices = #map}, {transform_indices = #map1}, {transform_indices = #map1}, {transform_indices = #map2}]} {
    %mul3A = arith.constant 640 : i32
    %mul3A_0 = arith.muli %arg1, %mul3A : i32
    %multiple_of3A = tpu.assume_multiple %mul3A_0, 8 : i32
    %broadcast_in_dim3A = arith.constant 0.000000e+00 : f32
    %broadcast_in_dim3A_1 = vector.broadcast %broadcast_in_dim3A : f32 to vector<16xf32>
    %scan3A = arith.constant 0 : i32
    %scan3A_2 = arith.constant 184 : i32
    %scan3A_3 = arith.addi %scan3A, %scan3A_2 : i32
    %scan3A_4 = arith.constant 1 : i32
    scf.for %scan3A_59 = %scan3A to %scan3A_3 step %scan3A_4  : i32 {
      %mul3A_60 = arith.constant 1 : i32
      %mul3A_61 = arith.muli %scan3A_59, %mul3A_60 : i32
      %add3A_62 = arith.constant 0 : i32
      %add3A_63 = arith.addi %add3A_62, %mul3A_61 : i32
      %swap3A = arith.index_cast %add3A_63 : i32 to index
      %swap3A_64 = arith.constant 0 : index
      %swap3A_65 = tpu.vector_load %arg12[%swap3A, %swap3A_64] {strides = array<i32>} : memref<184x128xf32, #tpu.memory_space<vmem>>, vector<1x16xf32>,
      %swap3A_66 = vector.shape_cast %swap3A_65 : vector<1x16xf32> to vector<16xf32>
      %swap3A_67 = vector.shape_cast %broadcast_in_dim3A_1 : vector<16xf32> to vector<1x16xf32>
      tpu.vector_store %arg12[%swap3A, %swap3A_64], %swap3A_67 {strides = array<i32>} : memref<184x128xf32, #tpu.memory_space<vmem>>, vector<1x16xf32>,
      %swap3A_68 = arith.index_cast %add3A_63 : i32 to index
      %swap3A_69 = arith.constant 16 : index
      %swap3A_70 = tpu.vector_load %arg12[%swap3A_68, %swap3A_69] {strides = array<i32>} : memref<184x128xf32, #tpu.memory_space<vmem>>, vector<1x16xf32>,
      %swap3A_71 = vector.shape_cast %swap3A_70 : vector<1x16xf32> to vector<16xf32>
      %swap3A_72 = vector.shape_cast %broadcast_in_dim3A_1 : vector<16xf32> to vector<1x16xf32>
      tpu.vector_store %arg12[%swap3A_68, %swap3A_69], %swap3A_72 {strides = array<i32>} : memref<184x128xf32, #tpu.memory_space<vmem>>, vector<1x16xf32>,
      %swap3A_73 = arith.index_cast %add3A_63 : i32 to index
      %swap3A_74 = arith.constant 32 : index
      %swap3A_75 = tpu.vector_load %arg12[%swap3A_73, %swap3A_74] {strides = array<i32>} : memref<184x128xf32, #tpu.memory_space<vmem>>, vector<1x16xf32>,
      %swap3A_76 = vector.shape_cast %swap3A_75 : vector<1x16xf32> to vector<16xf32>
      %swap3A_77 = vector.shape_cast %broadcast_in_dim3A_1 : vector<16xf32> to vector<1x16xf32>
      tpu.vector_store %arg12[%swap3A_73, %swap3A_74], %swap3A_77 {strides = array<i32>} : memref<184x128xf32, #tpu.memory_space<vmem>>, vector<1x16xf32>,
      %swap3A_78 = arith.index_cast %add3A_63 : i32 to index
      %swap3A_79 = arith.constant 48 : index
      %swap3A_80 = tpu.vector_load %arg12[%swap3A_78, %swap3A_79] {strides = array<i32>} : memref<184x128xf32, #tpu.memory_space<vmem>>, vector<1x16xf32>,
      %swap3A_81 = vector.shape_cast %swap3A_80 : vector<1x16xf32> to vector<16xf32>
      %swap3A_82 = vector.shape_cast %broadcast_in_dim3A_1 : vector<16xf32> to vector<1x16xf32>
      tpu.vector_store %arg12[%swap3A_78, %swap3A_79], %swap3A_82 {strides = array<i32>} : memref<184x128xf32, #tpu.memory_space<vmem>>, vector<1x16xf32>,
      %swap3A_83 = arith.index_cast %add3A_63 : i32 to index
      %swap3A_84 = arith.constant 64 : index
      %swap3A_85 = tpu.vector_load %arg12[%swap3A_83, %swap3A_84] {strides = array<i32>} : memref<184x128xf32, #tpu.memory_space<vmem>>, vector<1x16xf32>,
      %swap3A_86 = vector.shape_cast %swap3A_85 : vector<1x16xf32> to vector<16xf32>
      %swap3A_87 = vector.shape_cast %broadcast_in_dim3A_1 : vector<16xf32> to vector<1x16xf32>
      tpu.vector_store %arg12[%swap3A_83, %swap3A_84], %swap3A_87 {strides = array<i32>} : memref<184x128xf32, #tpu.memory_space<vmem>>, vector<1x16xf32>,
      %swap3A_88 = arith.index_cast %add3A_63 : i32 to index
      %swap3A_89 = arith.constant 80 : index
      %swap3A_90 = tpu.vector_load %arg12[%swap3A_88, %swap3A_89] {strides = array<i32>} : memref<184x128xf32, #tpu.memory_space<vmem>>, vector<1x16xf32>,
      %swap3A_91 = vector.shape_cast %swap3A_90 : vector<1x16xf32> to vector<16xf32>
      %swap3A_92 = vector.shape_cast %broadcast_in_dim3A_1 : vector<16xf32> to vector<1x16xf32>
      tpu.vector_store %arg12[%swap3A_88, %swap3A_89], %swap3A_92 {strides = array<i32>} : memref<184x128xf32, #tpu.memory_space<vmem>>, vector<1x16xf32>,
      %swap3A_93 = arith.index_cast %add3A_63 : i32 to index
      %swap3A_94 = arith.constant 96 : index
      %swap3A_95 = tpu.vector_load %arg12[%swap3A_93, %swap3A_94] {strides = array<i32>} : memref<184x128xf32, #tpu.memory_space<vmem>>, vector<1x16xf32>,
      %swap3A_96 = vector.shape_cast %swap3A_95 : vector<1x16xf32> to vector<16xf32>
      %swap3A_97 = vector.shape_cast %broadcast_in_dim3A_1 : vector<16xf32> to vector<1x16xf32>
      tpu.vector_store %arg12[%swap3A_93, %swap3A_94], %swap3A_97 {strides = array<i32>} : memref<184x128xf32, #tpu.memory_space<vmem>>, vector<1x16xf32>,
      %swap3A_98 = arith.index_cast %add3A_63 : i32 to index
      %swap3A_99 = arith.constant 112 : index
      %swap3A_100 = tpu.vector_load %arg12[%swap3A_98, %swap3A_99] {strides = array<i32>} : memref<184x128xf32, #tpu.memory_space<vmem>>, vector<1x16xf32>,
      %swap3A_101 = vector.shape_cast %swap3A_100 : vector<1x16xf32> to vector<16xf32>
      %swap3A_102 = vector.shape_cast %broadcast_in_dim3A_1 : vector<16xf32> to vector<1x16xf32>
      tpu.vector_store %arg12[%swap3A_98, %swap3A_99], %swap3A_102 {strides = array<i32>} : memref<184x128xf32, #tpu.memory_space<vmem>>, vector<1x16xf32>,
    }
    %scan3A_5 = arith.constant 184 : i32
    %add3A = arith.constant 0 : i32
    %add3A_6 = arith.addi %multiple_of3A, %add3A : i32
    %multiple_of3A_7 = tpu.assume_multiple %add3A_6, 8 : i32
    "tpu.region"() ({
      %run_scoped3A = tpu.sem_alloc : memref<!tpu.dma_semaphore, #tpu.memory_space<semaphore_mem>>
      %dma_start3A_59 = arith.constant 0 : i32
      %dma_start3A_60 = arith.constant 0 : i32
      %dma_start3A_61 = tpu.memref_slice %arg12[%dma_start3A_59, %dma_start3A_60] : memref<184x128xf32, #tpu.memory_space<vmem>> -> memref<184x128xf32, #tpu.memory_space<vmem>>
      %dma_start3A_62 = arith.constant 0 : i32
      %dma_start3A_63 = tpu.memref_slice %arg14[%multiple_of3A_7, %dma_start3A_62] : memref<10240x128xf32, #tpu.memory_space<vmem_shared>> -> memref<184x128xf32, #tpu.memory_space<vmem_shared>>
      %dma_start3A_64 = arith.constant 0 : i32
      %dma_start3A_65 = tpu.memref_slice %arg14[%multiple_of3A_7, %dma_start3A_64] : memref<10240x128xf32, #tpu.memory_space<vmem_shared>> -> memref<184x128xf32, #tpu.memory_space<vmem_shared>>
      %dma_start3A_66 = arith.constant 0 : i32
      %dma_start3A_67 = arith.constant 0 : i32
      %dma_start3A_68 = tpu.memref_slice %arg12[%dma_start3A_66, %dma_start3A_67] : memref<184x128xf32, #tpu.memory_space<vmem>> -> memref<184x128xf32, #tpu.memory_space<vmem>>
      tpu.enqueue_dma source(%dma_start3A_68 : memref<184x128xf32, #tpu.memory_space<vmem>>) target(%dma_start3A_65 : memref<184x128xf32, #tpu.memory_space<vmem_shared>>) target_semaphore(%run_scoped3A : memref<!tpu.dma_semaphore, #tpu.memory_space<semaphore_mem>>)
      %dma_wait3A_69 = arith.constant 0 : i32
      %dma_wait3A_70 = arith.constant 0 : i32
      %dma_wait3A_71 = tpu.memref_slice %arg12[%dma_wait3A_69, %dma_wait3A_70] : memref<184x128xf32, #tpu.memory_space<vmem>> -> memref<184x128xf32, #tpu.memory_space<vmem>>
      %dma_wait3A_72 = arith.constant 0 : i32
      %dma_wait3A_73 = tpu.memref_slice %arg14[%multiple_of3A_7, %dma_wait3A_72] : memref<10240x128xf32, #tpu.memory_space<vmem_shared>> -> memref<184x128xf32, #tpu.memory_space<vmem_shared>>
      %dma_wait3A_74 = arith.constant 0 : i32
      %dma_wait3A_75 = tpu.memref_slice %arg14[%multiple_of3A_7, %dma_wait3A_74] : memref<10240x128xf32, #tpu.memory_space<vmem_shared>> -> memref<184x128xf32, #tpu.memory_space<vmem_shared>>
      %dma_wait3A_76 = arith.constant 0 : i32
      %dma_wait3A_77 = arith.constant 0 : i32
      %dma_wait3A_78 = tpu.memref_slice %arg12[%dma_wait3A_76, %dma_wait3A_77] : memref<184x128xf32, #tpu.memory_space<vmem>> -> memref<184x128xf32, #tpu.memory_space<vmem>>
      tpu.wait_dma2 semaphore(%run_scoped3A : memref<!tpu.dma_semaphore, #tpu.memory_space<semaphore_mem>>) src(%dma_wait3A_78 : memref<184x128xf32, #tpu.memory_space<vmem>>) dst(%dma_wait3A_75 : memref<184x128xf32, #tpu.memory_space<vmem_shared>>)
      tpu.yield
    }) : () -> ()
    %add3A_8 = arith.constant 184 : i32
    %add3A_9 = arith.addi %multiple_of3A, %add3A_8 : i32
    %multiple_of3A_10 = tpu.assume_multiple %add3A_9, 8 : i32
    "tpu.region"() ({
      %run_scoped3A = tpu.sem_alloc : memref<!tpu.dma_semaphore, #tpu.memory_space<semaphore_mem>>
      %dma_start3A_59 = arith.constant 0 : i32
      %dma_start3A_60 = arith.constant 0 : i32
      %dma_start3A_61 = tpu.memref_slice %arg12[%dma_start3A_59, %dma_start3A_60] : memref<184x128xf32, #tpu.memory_space<vmem>> -> memref<184x128xf32, #tpu.memory_space<vmem>>
      %dma_start3A_62 = arith.constant 0 : i32
      %dma_start3A_63 = tpu.memref_slice %arg14[%multiple_of3A_10, %dma_start3A_62] : memref<10240x128xf32, #tpu.memory_space<vmem_shared>> -> memref<184x128xf32, #tpu.memory_space<vmem_shared>>
      %dma_start3A_64 = arith.constant 0 : i32
      %dma_start3A_65 = tpu.memref_slice %arg14[%multiple_of3A_10, %dma_start3A_64] : memref<10240x128xf32, #tpu.memory_space<vmem_shared>> -> memref<184x128xf32, #tpu.memory_space<vmem_shared>>
      %dma_start3A_66 = arith.constant 0 : i32
      %dma_start3A_67 = arith.constant 0 : i32
      %dma_start3A_68 = tpu.memref_slice %arg12[%dma_start3A_66, %dma_start3A_67] : memref<184x128xf32, #tpu.memory_space<vmem>> -> memref<184x128xf32, #tpu.memory_space<vmem>>
      tpu.enqueue_dma source(%dma_start3A_68 : memref<184x128xf32, #tpu.memory_space<vmem>>) target(%dma_start3A_65 : memref<184x128xf32, #tpu.memory_space<vmem_shared>>) target_semaphore(%run_scoped3A : memref<!tpu.dma_semaphore, #tpu.memory_space<semaphore_mem>>)
      %dma_wait3A_69 = arith.constant 0 : i32
      %dma_wait3A_70 = arith.constant 0 : i32
      %dma_wait3A_71 = tpu.memref_slice %arg12[%dma_wait3A_69, %dma_wait3A_70] : memref<184x128xf32, #tpu.memory_space<vmem>> -> memref<184x128xf32, #tpu.memory_space<vmem>>
      %dma_wait3A_72 = arith.constant 0 : i32
      %dma_wait3A_73 = tpu.memref_slice %arg14[%multiple_of3A_10, %dma_wait3A_72] : memref<10240x128xf32, #tpu.memory_space<vmem_shared>> -> memref<184x128xf32, #tpu.memory_space<vmem_shared>>
      %dma_wait3A_74 = arith.constant 0 : i32
      %dma_wait3A_75 = tpu.memref_slice %arg14[%multiple_of3A_10, %dma_wait3A_74] : memref<10240x128xf32, #tpu.memory_space<vmem_shared>> -> memref<184x128xf32, #tpu.memory_space<vmem_shared>>
      %dma_wait3A_76 = arith.constant 0 : i32
      %dma_wait3A_77 = arith.constant 0 : i32
      %dma_wait3A_78 = tpu.memref_slice %arg12[%dma_wait3A_76, %dma_wait3A_77] : memref<184x128xf32, #tpu.memory_space<vmem>> -> memref<184x128xf32, #tpu.memory_space<vmem>>
      tpu.wait_dma2 semaphore(%run_scoped3A : memref<!tpu.dma_semaphore, #tpu.memory_space<semaphore_mem>>) src(%dma_wait3A_78 : memref<184x128xf32, #tpu.memory_space<vmem>>) dst(%dma_wait3A_75 : memref<184x128xf32, #tpu.memory_space<vmem_shared>>)
      tpu.yield
    }) : () -> ()
    %add3A_11 = arith.constant 368 : i32
    %add3A_12 = arith.addi %multiple_of3A, %add3A_11 : i32
    %multiple_of3A_13 = tpu.assume_multiple %add3A_12, 8 : i32
    "tpu.region"() ({
      %run_scoped3A = tpu.sem_alloc : memref<!tpu.dma_semaphore, #tpu.memory_space<semaphore_mem>>
      %dma_start3A_59 = arith.constant 0 : i32
      %dma_start3A_60 = arith.constant 0 : i32
      %dma_start3A_61 = tpu.memref_slice %arg12[%dma_start3A_59, %dma_start3A_60] : memref<184x128xf32, #tpu.memory_space<vmem>> -> memref<184x128xf32, #tpu.memory_space<vmem>>
      %dma_start3A_62 = arith.constant 0 : i32
      %dma_start3A_63 = tpu.memref_slice %arg14[%multiple_of3A_13, %dma_start3A_62] : memref<10240x128xf32, #tpu.memory_space<vmem_shared>> -> memref<184x128xf32, #tpu.memory_space<vmem_shared>>
      %dma_start3A_64 = arith.constant 0 : i32
      %dma_start3A_65 = tpu.memref_slice %arg14[%multiple_of3A_13, %dma_start3A_64] : memref<10240x128xf32, #tpu.memory_space<vmem_shared>> -> memref<184x128xf32, #tpu.memory_space<vmem_shared>>
      %dma_start3A_66 = arith.constant 0 : i32
      %dma_start3A_67 = arith.constant 0 : i32
      %dma_start3A_68 = tpu.memref_slice %arg12[%dma_start3A_66, %dma_start3A_67] : memref<184x128xf32, #tpu.memory_space<vmem>> -> memref<184x128xf32, #tpu.memory_space<vmem>>
      tpu.enqueue_dma source(%dma_start3A_68 : memref<184x128xf32, #tpu.memory_space<vmem>>) target(%dma_start3A_65 : memref<184x128xf32, #tpu.memory_space<vmem_shared>>) target_semaphore(%run_scoped3A : memref<!tpu.dma_semaphore, #tpu.memory_space<semaphore_mem>>)
      %dma_wait3A_69 = arith.constant 0 : i32
      %dma_wait3A_70 = arith.constant 0 : i32
      %dma_wait3A_71 = tpu.memref_slice %arg12[%dma_wait3A_69, %dma_wait3A_70] : memref<184x128xf32, #tpu.memory_space<vmem>> -> memref<184x128xf32, #tpu.memory_space<vmem>>
      %dma_wait3A_72 = arith.constant 0 : i32
      %dma_wait3A_73 = tpu.memref_slice %arg14[%multiple_of3A_13, %dma_wait3A_72] : memref<10240x128xf32, #tpu.memory_space<vmem_shared>> -> memref<184x128xf32, #tpu.memory_space<vmem_shared>>
      %dma_wait3A_74 = arith.constant 0 : i32
      %dma_wait3A_75 = tpu.memref_slice %arg14[%multiple_of3A_13, %dma_wait3A_74] : memref<10240x128xf32, #tpu.memory_space<vmem_shared>> -> memref<184x128xf32, #tpu.memory_space<vmem_shared>>
      %dma_wait3A_76 = arith.constant 0 : i32
      %dma_wait3A_77 = arith.constant 0 : i32
      %dma_wait3A_78 = tpu.memref_slice %arg12[%dma_wait3A_76, %dma_wait3A_77] : memref<184x128xf32, #tpu.memory_space<vmem>> -> memref<184x128xf32, #tpu.memory_space<vmem>>
      tpu.wait_dma2 semaphore(%run_scoped3A : memref<!tpu.dma_semaphore, #tpu.memory_space<semaphore_mem>>) src(%dma_wait3A_78 : memref<184x128xf32, #tpu.memory_space<vmem>>) dst(%dma_wait3A_75 : memref<184x128xf32, #tpu.memory_space<vmem_shared>>)
      tpu.yield
    }) : () -> ()
    %add3A_14 = arith.constant 552 : i32
    %add3A_15 = arith.addi %multiple_of3A, %add3A_14 : i32
    %multiple_of3A_16 = tpu.assume_multiple %add3A_15, 8 : i32
    "tpu.region"() ({
      %run_scoped3A = tpu.sem_alloc : memref<!tpu.dma_semaphore, #tpu.memory_space<semaphore_mem>>
      %dma_start3A_59 = arith.constant 0 : i32
      %dma_start3A_60 = arith.constant 0 : i32
      %dma_start3A_61 = tpu.memref_slice %arg12[%dma_start3A_59, %dma_start3A_60] : memref<184x128xf32, #tpu.memory_space<vmem>> -> memref<88x128xf32, #tpu.memory_space<vmem>>
      %dma_start3A_62 = arith.constant 0 : i32
      %dma_start3A_63 = tpu.memref_slice %arg14[%multiple_of3A_16, %dma_start3A_62] : memref<10240x128xf32, #tpu.memory_space<vmem_shared>> -> memref<88x128xf32, #tpu.memory_space<vmem_shared>>
      %dma_start3A_64 = arith.constant 0 : i32
      %dma_start3A_65 = tpu.memref_slice %arg14[%multiple_of3A_16, %dma_start3A_64] : memref<10240x128xf32, #tpu.memory_space<vmem_shared>> -> memref<88x128xf32, #tpu.memory_space<vmem_shared>>
      %dma_start3A_66 = arith.constant 0 : i32
      %dma_start3A_67 = arith.constant 0 : i32
      %dma_start3A_68 = tpu.memref_slice %arg12[%dma_start3A_66, %dma_start3A_67] : memref<184x128xf32, #tpu.memory_space<vmem>> -> memref<88x128xf32, #tpu.memory_space<vmem>>
      tpu.enqueue_dma source(%dma_start3A_68 : memref<88x128xf32, #tpu.memory_space<vmem>>) target(%dma_start3A_65 : memref<88x128xf32, #tpu.memory_space<vmem_shared>>) target_semaphore(%run_scoped3A : memref<!tpu.dma_semaphore, #tpu.memory_space<semaphore_mem>>)
      %dma_wait3A_69 = arith.constant 0 : i32
      %dma_wait3A_70 = arith.constant 0 : i32
      %dma_wait3A_71 = tpu.memref_slice %arg12[%dma_wait3A_69, %dma_wait3A_70] : memref<184x128xf32, #tpu.memory_space<vmem>> -> memref<88x128xf32, #tpu.memory_space<vmem>>
      %dma_wait3A_72 = arith.constant 0 : i32
      %dma_wait3A_73 = tpu.memref_slice %arg14[%multiple_of3A_16, %dma_wait3A_72] : memref<10240x128xf32, #tpu.memory_space<vmem_shared>> -> memref<88x128xf32, #tpu.memory_space<vmem_shared>>
      %dma_wait3A_74 = arith.constant 0 : i32
      %dma_wait3A_75 = tpu.memref_slice %arg14[%multiple_of3A_16, %dma_wait3A_74] : memref<10240x128xf32, #tpu.memory_space<vmem_shared>> -> memref<88x128xf32, #tpu.memory_space<vmem_shared>>
      %dma_wait3A_76 = arith.constant 0 : i32
      %dma_wait3A_77 = arith.constant 0 : i32
      %dma_wait3A_78 = tpu.memref_slice %arg12[%dma_wait3A_76, %dma_wait3A_77] : memref<184x128xf32, #tpu.memory_space<vmem>> -> memref<88x128xf32, #tpu.memory_space<vmem>>
      tpu.wait_dma2 semaphore(%run_scoped3A : memref<!tpu.dma_semaphore, #tpu.memory_space<semaphore_mem>>) src(%dma_wait3A_78 : memref<88x128xf32, #tpu.memory_space<vmem>>) dst(%dma_wait3A_75 : memref<88x128xf32, #tpu.memory_space<vmem_shared>>)
      tpu.yield
    }) : () -> ()
    %barrier3A = arith.constant 0 : index
    tpu.barrier barrier_id(%barrier3A)
    %mul3A_17 = arith.constant 16 : i32
    %mul3A_18 = arith.muli %arg0, %mul3A_17 : i32
    %add3A_19 = arith.addi %mul3A_18, %arg1 : i32
    %mul3A_20 = arith.constant 10000 : i32
    %mul3A_21 = arith.muli %add3A_19, %mul3A_20 : i32
    %add3A_22 = arith.constant 0 : i32
    %add3A_23 = arith.addi %mul3A_21, %add3A_22 : i32
    %dma_start3A = tpu.memref_slice %arg3[%add3A_23] : memref<320000xi32, #tpu.memory_space<hbm>> -> memref<184xi32, #tpu.memory_space<hbm>>
    %dma_start3A_24 = tpu.memref_slice %arg3[%add3A_23] : memref<320000xi32, #tpu.memory_space<hbm>> -> memref<184xi32, #tpu.memory_space<hbm>>
    tpu.enqueue_dma source(%dma_start3A_24 : memref<184xi32, #tpu.memory_space<hbm>>) target(%arg6 : memref<184xi32, #tpu.memory_space<vmem>>) target_semaphore(%arg15 : memref<!tpu.dma_semaphore, #tpu.memory_space<semaphore_mem>>)
    %dma_start3A_25 = tpu.memref_slice %arg4[%add3A_23] : memref<320000xi32, #tpu.memory_space<hbm>> -> memref<184xi32, #tpu.memory_space<hbm>>
    %dma_start3A_26 = tpu.memref_slice %arg4[%add3A_23] : memref<320000xi32, #tpu.memory_space<hbm>> -> memref<184xi32, #tpu.memory_space<hbm>>
    tpu.enqueue_dma source(%dma_start3A_26 : memref<184xi32, #tpu.memory_space<hbm>>) target(%arg7 : memref<184xi32, #tpu.memory_space<vmem>>) target_semaphore(%arg15 : memref<!tpu.dma_semaphore, #tpu.memory_space<semaphore_mem>>)
    %dma_wait3A = tpu.memref_slice %arg3[%mul3A_21] : memref<320000xi32, #tpu.memory_space<hbm>> -> memref<184xi32, #tpu.memory_space<hbm>>
    %dma_wait3A_27 = tpu.memref_slice %arg3[%mul3A_21] : memref<320000xi32, #tpu.memory_space<hbm>> -> memref<184xi32, #tpu.memory_space<hbm>>
    tpu.wait_dma2 semaphore(%arg15 : memref<!tpu.dma_semaphore, #tpu.memory_space<semaphore_mem>>) src(%dma_wait3A_27 : memref<184xi32, #tpu.memory_space<hbm>>) dst(%arg6 : memref<184xi32, #tpu.memory_space<vmem>>)
    %dma_wait3A_28 = tpu.memref_slice %arg4[%mul3A_21] : memref<320000xi32, #tpu.memory_space<hbm>> -> memref<184xi32, #tpu.memory_space<hbm>>
    %dma_wait3A_29 = tpu.memref_slice %arg4[%mul3A_21] : memref<320000xi32, #tpu.memory_space<hbm>> -> memref<184xi32, #tpu.memory_space<hbm>>
    tpu.wait_dma2 semaphore(%arg15 : memref<!tpu.dma_semaphore, #tpu.memory_space<semaphore_mem>>) src(%dma_wait3A_29 : memref<184xi32, #tpu.memory_space<hbm>>) dst(%arg7 : memref<184xi32, #tpu.memory_space<vmem>>)
    %dma_start3A_30 = arith.constant 0 : i32
    %dma_start3A_31 = arith.constant 0 : i32
    %dma_start3A_32 = tpu.memref_slice %arg2[%dma_start3A_30, %dma_start3A_31] : memref<10240x128xf32, #tpu.memory_space<hbm>> -> memref<10240x128xf32, #tpu.memory_space<hbm>>
    tpu.enqueue_indirect_dma source(%dma_start3A_32 : memref<10240x128xf32, #tpu.memory_space<hbm>>) target(%arg12 : memref<184x128xf32, #tpu.memory_space<vmem>>) offsets(%arg6 : memref<184xi32, #tpu.memory_space<vmem>>) semaphore(%arg17 : memref<!tpu.dma_semaphore, #tpu.memory_space<semaphore_mem>>)
    %add3A_33 = arith.constant 184 : i32
    %add3A_34 = arith.addi %mul3A_21, %add3A_33 : i32
    %dma_start3A_35 = tpu.memref_slice %arg3[%add3A_34] : memref<320000xi32, #tpu.memory_space<hbm>> -> memref<184xi32, #tpu.memory_space<hbm>>
    %dma_start3A_36 = tpu.memref_slice %arg3[%add3A_34] : memref<320000xi32, #tpu.memory_space<hbm>> -> memref<184xi32, #tpu.memory_space<hbm>>
    tpu.enqueue_dma source(%dma_start3A_36 : memref<184xi32, #tpu.memory_space<hbm>>) target(%arg8 : memref<184xi32, #tpu.memory_space<vmem>>) target_semaphore(%arg16 : memref<!tpu.dma_semaphore, #tpu.memory_space<semaphore_mem>>)
    %dma_start3A_37 = tpu.memref_slice %arg4[%add3A_34] : memref<320000xi32, #tpu.memory_space<hbm>> -> memref<184xi32, #tpu.memory_space<hbm>>
    %dma_start3A_38 = tpu.memref_slice %arg4[%add3A_34] : memref<320000xi32, #tpu.memory_space<hbm>> -> memref<184xi32, #tpu.memory_space<hbm>>
    tpu.enqueue_dma source(%dma_start3A_38 : memref<184xi32, #tpu.memory_space<hbm>>) target(%arg9 : memref<184xi32, #tpu.memory_space<vmem>>) target_semaphore(%arg16 : memref<!tpu.dma_semaphore, #tpu.memory_space<semaphore_mem>>)
    %scan3A_39 = arith.constant 0 : i32
    %scan3A_40 = arith.constant 27 : i32
    %scan3A_41 = arith.addi %scan3A_39, %scan3A_40 : i32
    %scan3A_42 = arith.constant 1 : i32
    scf.for %scan3A_59 = %scan3A_39 to %scan3A_41 step %scan3A_42  : i32 {
      %mul3A_60 = arith.constant 2 : i32
      %mul3A_61 = arith.muli %scan3A_59, %mul3A_60 : i32
      %add3A_62 = arith.constant 0 : i32
      %add3A_63 = arith.addi %add3A_62, %mul3A_61 : i32
      %dma_wait3A_64 = tpu.memref_slice %arg3[%mul3A_21] : memref<320000xi32, #tpu.memory_space<hbm>> -> memref<184xi32, #tpu.memory_space<hbm>>
      %dma_wait3A_65 = tpu.memref_slice %arg3[%mul3A_21] : memref<320000xi32, #tpu.memory_space<hbm>> -> memref<184xi32, #tpu.memory_space<hbm>>
      tpu.wait_dma2 semaphore(%arg16 : memref<!tpu.dma_semaphore, #tpu.memory_space<semaphore_mem>>) src(%dma_wait3A_65 : memref<184xi32, #tpu.memory_space<hbm>>) dst(%arg8 : memref<184xi32, #tpu.memory_space<vmem>>)
      %dma_wait3A_66 = tpu.memref_slice %arg4[%mul3A_21] : memref<320000xi32, #tpu.memory_space<hbm>> -> memref<184xi32, #tpu.memory_space<hbm>>
      %dma_wait3A_67 = tpu.memref_slice %arg4[%mul3A_21] : memref<320000xi32, #tpu.memory_space<hbm>> -> memref<184xi32, #tpu.memory_space<hbm>>
      tpu.wait_dma2 semaphore(%arg16 : memref<!tpu.dma_semaphore, #tpu.memory_space<semaphore_mem>>) src(%dma_wait3A_67 : memref<184xi32, #tpu.memory_space<hbm>>) dst(%arg9 : memref<184xi32, #tpu.memory_space<vmem>>)
      %dma_start3A_68 = arith.constant 0 : i32
      %dma_start3A_69 = arith.constant 0 : i32
      %dma_start3A_70 = tpu.memref_slice %arg2[%dma_start3A_68, %dma_start3A_69] : memref<10240x128xf32, #tpu.memory_space<hbm>> -> memref<10240x128xf32, #tpu.memory_space<hbm>>
      tpu.enqueue_indirect_dma source(%dma_start3A_70 : memref<10240x128xf32, #tpu.memory_space<hbm>>) target(%arg13 : memref<184x128xf32, #tpu.memory_space<vmem>>) offsets(%arg8 : memref<184xi32, #tpu.memory_space<vmem>>) semaphore(%arg18 : memref<!tpu.dma_semaphore, #tpu.memory_space<semaphore_mem>>)
      %dma_wait3A_71 = arith.constant 0 : i32
      %dma_wait3A_72 = arith.constant 0 : i32
      %dma_wait3A_73 = tpu.memref_slice %arg2[%dma_wait3A_71, %dma_wait3A_72] : memref<10240x128xf32, #tpu.memory_space<hbm>> -> memref<10240x128xf32, #tpu.memory_space<hbm>>
      tpu.wait_indirect_dma semaphore(%arg17 : memref<!tpu.dma_semaphore, #tpu.memory_space<semaphore_mem>>) src(%dma_wait3A_73 : memref<10240x128xf32, #tpu.memory_space<hbm>>) dst(%arg12 : memref<184x128xf32, #tpu.memory_space<vmem>>)
      "tpu.region"() ({
        %run_scoped3A = tpu.sem_alloc : memref<!tpu.dma_semaphore, #tpu.memory_space<semaphore_mem>>
        %dma_start3A_88 = arith.constant 0 : i32
        %dma_start3A_89 = arith.constant 0 : i32
        %dma_start3A_90 = tpu.memref_slice %arg14[%dma_start3A_88, %dma_start3A_89] : memref<10240x128xf32, #tpu.memory_space<vmem_shared>> -> memref<10240x128xf32, #tpu.memory_space<vmem_shared>>
        tpu.enqueue_indirect_dma source(%arg12 : memref<184x128xf32, #tpu.memory_space<vmem>>) target(%dma_start3A_90 : memref<10240x128xf32, #tpu.memory_space<vmem_shared>>) offsets(%arg7 : memref<184xi32, #tpu.memory_space<vmem>>) semaphore(%run_scoped3A : memref<!tpu.dma_semaphore, #tpu.memory_space<semaphore_mem>>) {add = true}
        %dma_wait3A_91 = arith.constant 0 : i32
        %dma_wait3A_92 = arith.constant 0 : i32
        %dma_wait3A_93 = tpu.memref_slice %arg14[%dma_wait3A_91, %dma_wait3A_92] : memref<10240x128xf32, #tpu.memory_space<vmem_shared>> -> memref<10240x128xf32, #tpu.memory_space<vmem_shared>>
        tpu.wait_indirect_dma semaphore(%run_scoped3A : memref<!tpu.dma_semaphore, #tpu.memory_space<semaphore_mem>>) src(%arg12 : memref<184x128xf32, #tpu.memory_space<vmem>>) dst(%dma_wait3A_93 : memref<10240x128xf32, #tpu.memory_space<vmem_shared>>)
        tpu.yield
      }) : () -> ()
      %add3A_74 = arith.constant 2 : i32
      %add3A_75 = arith.addi %add3A_63, %add3A_74 : i32
      %lt3A = arith.constant 54 : i32
      %lt3A_76 = arith.cmpi slt, %add3A_75, %lt3A : i32
      %convert_element_type3A = arith.extui %lt3A_76 : i1 to i32
      %cond3A = arith.constant 0 : i32
      %cond3A_77 = arith.cmpi ne, %convert_element_type3A, %cond3A : i32
      scf.if %cond3A_77 {
        %add3A_88 = arith.constant 2 : i32
        %add3A_89 = arith.addi %add3A_63, %add3A_88 : i32
        %mul3A_90 = arith.constant 184 : i32
        %mul3A_91 = arith.muli %add3A_89, %mul3A_90 : i32
        %add3A_92 = arith.addi %mul3A_21, %mul3A_91 : i32
        %dma_start3A_93 = tpu.memref_slice %arg3[%add3A_92] : memref<320000xi32, #tpu.memory_space<hbm>> -> memref<184xi32, #tpu.memory_space<hbm>>
        %dma_start3A_94 = tpu.memref_slice %arg3[%add3A_92] : memref<320000xi32, #tpu.memory_space<hbm>> -> memref<184xi32, #tpu.memory_space<hbm>>
        tpu.enqueue_dma source(%dma_start3A_94 : memref<184xi32, #tpu.memory_space<hbm>>) target(%arg6 : memref<184xi32, #tpu.memory_space<vmem>>) target_semaphore(%arg15 : memref<!tpu.dma_semaphore, #tpu.memory_space<semaphore_mem>>)
        %dma_start3A_95 = tpu.memref_slice %arg4[%add3A_92] : memref<320000xi32, #tpu.memory_space<hbm>> -> memref<184xi32, #tpu.memory_space<hbm>>
        %dma_start3A_96 = tpu.memref_slice %arg4[%add3A_92] : memref<320000xi32, #tpu.memory_space<hbm>> -> memref<184xi32, #tpu.memory_space<hbm>>
        tpu.enqueue_dma source(%dma_start3A_96 : memref<184xi32, #tpu.memory_space<hbm>>) target(%arg7 : memref<184xi32, #tpu.memory_space<vmem>>) target_semaphore(%arg15 : memref<!tpu.dma_semaphore, #tpu.memory_space<semaphore_mem>>)
        %dma_wait3A_97 = tpu.memref_slice %arg3[%mul3A_21] : memref<320000xi32, #tpu.memory_space<hbm>> -> memref<184xi32, #tpu.memory_space<hbm>>
        %dma_wait3A_98 = tpu.memref_slice %arg3[%mul3A_21] : memref<320000xi32, #tpu.memory_space<hbm>> -> memref<184xi32, #tpu.memory_space<hbm>>
        tpu.wait_dma2 semaphore(%arg15 : memref<!tpu.dma_semaphore, #tpu.memory_space<semaphore_mem>>) src(%dma_wait3A_98 : memref<184xi32, #tpu.memory_space<hbm>>) dst(%arg6 : memref<184xi32, #tpu.memory_space<vmem>>)
        %dma_wait3A_99 = tpu.memref_slice %arg4[%mul3A_21] : memref<320000xi32, #tpu.memory_space<hbm>> -> memref<184xi32, #tpu.memory_space<hbm>>
        %dma_wait3A_100 = tpu.memref_slice %arg4[%mul3A_21] : memref<320000xi32, #tpu.memory_space<hbm>> -> memref<184xi32, #tpu.memory_space<hbm>>
        tpu.wait_dma2 semaphore(%arg15 : memref<!tpu.dma_semaphore, #tpu.memory_space<semaphore_mem>>) src(%dma_wait3A_100 : memref<184xi32, #tpu.memory_space<hbm>>) dst(%arg7 : memref<184xi32, #tpu.memory_space<vmem>>)
        %dma_start3A_101 = arith.constant 0 : i32
        %dma_start3A_102 = arith.constant 0 : i32
        %dma_start3A_103 = tpu.memref_slice %arg2[%dma_start3A_101, %dma_start3A_102] : memref<10240x128xf32, #tpu.memory_space<hbm>> -> memref<10240x128xf32, #tpu.memory_space<hbm>>
        tpu.enqueue_indirect_dma source(%dma_start3A_103 : memref<10240x128xf32, #tpu.memory_space<hbm>>) target(%arg12 : memref<184x128xf32, #tpu.memory_space<vmem>>) offsets(%arg6 : memref<184xi32, #tpu.memory_space<vmem>>) semaphore(%arg17 : memref<!tpu.dma_semaphore, #tpu.memory_space<semaphore_mem>>)
      } else {
      }
      %dma_wait3A_78 = arith.constant 0 : i32
      %dma_wait3A_79 = arith.constant 0 : i32
      %dma_wait3A_80 = tpu.memref_slice %arg2[%dma_wait3A_78, %dma_wait3A_79] : memref<10240x128xf32, #tpu.memory_space<hbm>> -> memref<10240x128xf32, #tpu.memory_space<hbm>>
      tpu.wait_indirect_dma semaphore(%arg18 : memref<!tpu.dma_semaphore, #tpu.memory_space<semaphore_mem>>) src(%dma_wait3A_80 : memref<10240x128xf32, #tpu.memory_space<hbm>>) dst(%arg13 : memref<184x128xf32, #tpu.memory_space<vmem>>)
      "tpu.region"() ({
        %run_scoped3A = tpu.sem_alloc : memref<!tpu.dma_semaphore, #tpu.memory_space<semaphore_mem>>
        %dma_start3A_88 = arith.constant 0 : i32
        %dma_start3A_89 = arith.constant 0 : i32
        %dma_start3A_90 = tpu.memref_slice %arg14[%dma_start3A_88, %dma_start3A_89] : memref<10240x128xf32, #tpu.memory_space<vmem_shared>> -> memref<10240x128xf32, #tpu.memory_space<vmem_shared>>
        tpu.enqueue_indirect_dma source(%arg13 : memref<184x128xf32, #tpu.memory_space<vmem>>) target(%dma_start3A_90 : memref<10240x128xf32, #tpu.memory_space<vmem_shared>>) offsets(%arg9 : memref<184xi32, #tpu.memory_space<vmem>>) semaphore(%run_scoped3A : memref<!tpu.dma_semaphore, #tpu.memory_space<semaphore_mem>>) {add = true}
        %dma_wait3A_91 = arith.constant 0 : i32
        %dma_wait3A_92 = arith.constant 0 : i32
        %dma_wait3A_93 = tpu.memref_slice %arg14[%dma_wait3A_91, %dma_wait3A_92] : memref<10240x128xf32, #tpu.memory_space<vmem_shared>> -> memref<10240x128xf32, #tpu.memory_space<vmem_shared>>
        tpu.wait_indirect_dma semaphore(%run_scoped3A : memref<!tpu.dma_semaphore, #tpu.memory_space<semaphore_mem>>) src(%arg13 : memref<184x128xf32, #tpu.memory_space<vmem>>) dst(%dma_wait3A_93 : memref<10240x128xf32, #tpu.memory_space<vmem_shared>>)
        tpu.yield
      }) : () -> ()
      %add3A_81 = arith.constant 3 : i32
      %add3A_82 = arith.addi %add3A_63, %add3A_81 : i32
      %lt3A_83 = arith.constant 54 : i32
      %lt3A_84 = arith.cmpi slt, %add3A_82, %lt3A_83 : i32
      %convert_element_type3A_85 = arith.extui %lt3A_84 : i1 to i32
      %cond3A_86 = arith.constant 0 : i32
      %cond3A_87 = arith.cmpi ne, %convert_element_type3A_85, %cond3A_86 : i32
      scf.if %cond3A_87 {
        %add3A_88 = arith.constant 3 : i32
        %add3A_89 = arith.addi %add3A_63, %add3A_88 : i32
        %mul3A_90 = arith.constant 184 : i32
        %mul3A_91 = arith.muli %add3A_89, %mul3A_90 : i32
        %add3A_92 = arith.addi %mul3A_21, %mul3A_91 : i32
        %dma_start3A_93 = tpu.memref_slice %arg3[%add3A_92] : memref<320000xi32, #tpu.memory_space<hbm>> -> memref<184xi32, #tpu.memory_space<hbm>>
        %dma_start3A_94 = tpu.memref_slice %arg3[%add3A_92] : memref<320000xi32, #tpu.memory_space<hbm>> -> memref<184xi32, #tpu.memory_space<hbm>>
        tpu.enqueue_dma source(%dma_start3A_94 : memref<184xi32, #tpu.memory_space<hbm>>) target(%arg8 : memref<184xi32, #tpu.memory_space<vmem>>) target_semaphore(%arg16 : memref<!tpu.dma_semaphore, #tpu.memory_space<semaphore_mem>>)
        %dma_start3A_95 = tpu.memref_slice %arg4[%add3A_92] : memref<320000xi32, #tpu.memory_space<hbm>> -> memref<184xi32, #tpu.memory_space<hbm>>
        %dma_start3A_96 = tpu.memref_slice %arg4[%add3A_92] : memref<320000xi32, #tpu.memory_space<hbm>> -> memref<184xi32, #tpu.memory_space<hbm>>
        tpu.enqueue_dma source(%dma_start3A_96 : memref<184xi32, #tpu.memory_space<hbm>>) target(%arg9 : memref<184xi32, #tpu.memory_space<vmem>>) target_semaphore(%arg16 : memref<!tpu.dma_semaphore, #tpu.memory_space<semaphore_mem>>)
      } else {
      }
    }
    %scan3A_43 = arith.constant 27 : i32
    %add3A_44 = arith.constant 9936 : i32
    %add3A_45 = arith.addi %mul3A_21, %add3A_44 : i32
    "tpu.region"() ({
      %run_scoped3A = tpu.sem_alloc : memref<!tpu.dma_semaphore, #tpu.memory_space<semaphore_mem>>
      %dma_start3A_59 = tpu.memref_slice %arg3[%add3A_45] : memref<320000xi32, #tpu.memory_space<hbm>> -> memref<64xi32, #tpu.memory_space<hbm>>
      %dma_start3A_60 = tpu.memref_slice %arg3[%add3A_45] : memref<320000xi32, #tpu.memory_space<hbm>> -> memref<64xi32, #tpu.memory_space<hbm>>
      tpu.enqueue_dma source(%dma_start3A_60 : memref<64xi32, #tpu.memory_space<hbm>>) target(%arg10 : memref<64xi32, #tpu.memory_space<vmem>>) target_semaphore(%run_scoped3A : memref<!tpu.dma_semaphore, #tpu.memory_space<semaphore_mem>>)
      %dma_wait3A_61 = tpu.memref_slice %arg3[%add3A_45] : memref<320000xi32, #tpu.memory_space<hbm>> -> memref<64xi32, #tpu.memory_space<hbm>>
      %dma_wait3A_62 = tpu.memref_slice %arg3[%add3A_45] : memref<320000xi32, #tpu.memory_space<hbm>> -> memref<64xi32, #tpu.memory_space<hbm>>
      tpu.wait_dma2 semaphore(%run_scoped3A : memref<!tpu.dma_semaphore, #tpu.memory_space<semaphore_mem>>) src(%dma_wait3A_62 : memref<64xi32, #tpu.memory_space<hbm>>) dst(%arg10 : memref<64xi32, #tpu.memory_space<vmem>>)
      tpu.yield
    }) : () -> ()
    "tpu.region"() ({
      %run_scoped3A = tpu.sem_alloc : memref<!tpu.dma_semaphore, #tpu.memory_space<semaphore_mem>>
      %dma_start3A_59 = tpu.memref_slice %arg4[%add3A_45] : memref<320000xi32, #tpu.memory_space<hbm>> -> memref<64xi32, #tpu.memory_space<hbm>>
      %dma_start3A_60 = tpu.memref_slice %arg4[%add3A_45] : memref<320000xi32, #tpu.memory_space<hbm>> -> memref<64xi32, #tpu.memory_space<hbm>>
      tpu.enqueue_dma source(%dma_start3A_60 : memref<64xi32, #tpu.memory_space<hbm>>) target(%arg11 : memref<64xi32, #tpu.memory_space<vmem>>) target_semaphore(%run_scoped3A : memref<!tpu.dma_semaphore, #tpu.memory_space<semaphore_mem>>)
      %dma_wait3A_61 = tpu.memref_slice %arg4[%add3A_45] : memref<320000xi32, #tpu.memory_space<hbm>> -> memref<64xi32, #tpu.memory_space<hbm>>
      %dma_wait3A_62 = tpu.memref_slice %arg4[%add3A_45] : memref<320000xi32, #tpu.memory_space<hbm>> -> memref<64xi32, #tpu.memory_space<hbm>>
      tpu.wait_dma2 semaphore(%run_scoped3A : memref<!tpu.dma_semaphore, #tpu.memory_space<semaphore_mem>>) src(%dma_wait3A_62 : memref<64xi32, #tpu.memory_space<hbm>>) dst(%arg11 : memref<64xi32, #tpu.memory_space<vmem>>)
      tpu.yield
    }) : () -> ()
    %dma_start3A_46 = arith.constant 0 : i32
    %dma_start3A_47 = arith.constant 0 : i32
    %dma_start3A_48 = tpu.memref_slice %arg12[%dma_start3A_46, %dma_start3A_47] : memref<184x128xf32, #tpu.memory_space<vmem>> -> memref<64x128xf32, #tpu.memory_space<vmem>>
    %dma_start3A_49 = arith.constant 0 : i32
    %dma_start3A_50 = arith.constant 0 : i32
    %dma_start3A_51 = tpu.memref_slice %arg2[%dma_start3A_49, %dma_start3A_50] : memref<10240x128xf32, #tpu.memory_space<hbm>> -> memref<10240x128xf32, #tpu.memory_space<hbm>>
    tpu.enqueue_indirect_dma source(%dma_start3A_51 : memref<10240x128xf32, #tpu.memory_space<hbm>>) target(%dma_start3A_48 : memref<64x128xf32, #tpu.memory_space<vmem>>) offsets(%arg10 : memref<64xi32, #tpu.memory_space<vmem>>) semaphore(%arg17 : memref<!tpu.dma_semaphore, #tpu.memory_space<semaphore_mem>>)
    %dma_wait3A_52 = arith.constant 0 : i32
    %dma_wait3A_53 = arith.constant 0 : i32
    %dma_wait3A_54 = tpu.memref_slice %arg12[%dma_wait3A_52, %dma_wait3A_53] : memref<184x128xf32, #tpu.memory_space<vmem>> -> memref<64x128xf32, #tpu.memory_space<vmem>>
    %dma_wait3A_55 = arith.constant 0 : i32
    %dma_wait3A_56 = arith.constant 0 : i32
    %dma_wait3A_57 = tpu.memref_slice %arg2[%dma_wait3A_55, %dma_wait3A_56] : memref<10240x128xf32, #tpu.memory_space<hbm>> -> memref<10240x128xf32, #tpu.memory_space<hbm>>
    tpu.wait_indirect_dma semaphore(%arg17 : memref<!tpu.dma_semaphore, #tpu.memory_space<semaphore_mem>>) src(%dma_wait3A_57 : memref<10240x128xf32, #tpu.memory_space<hbm>>) dst(%dma_wait3A_54 : memref<64x128xf32, #tpu.memory_space<vmem>>)
    "tpu.region"() ({
      %run_scoped3A = tpu.sem_alloc : memref<!tpu.dma_semaphore, #tpu.memory_space<semaphore_mem>>
      %dma_start3A_59 = arith.constant 0 : i32
      %dma_start3A_60 = arith.constant 0 : i32
      %dma_start3A_61 = tpu.memref_slice %arg12[%dma_start3A_59, %dma_start3A_60] : memref<184x128xf32, #tpu.memory_space<vmem>> -> memref<64x128xf32, #tpu.memory_space<vmem>>
      %dma_start3A_62 = arith.constant 0 : i32
      %dma_start3A_63 = arith.constant 0 : i32
      %dma_start3A_64 = tpu.memref_slice %arg14[%dma_start3A_62, %dma_start3A_63] : memref<10240x128xf32, #tpu.memory_space<vmem_shared>> -> memref<10240x128xf32, #tpu.memory_space<vmem_shared>>
      tpu.enqueue_indirect_dma source(%dma_start3A_61 : memref<64x128xf32, #tpu.memory_space<vmem>>) target(%dma_start3A_64 : memref<10240x128xf32, #tpu.memory_space<vmem_shared>>) offsets(%arg11 : memref<64xi32, #tpu.memory_space<vmem>>) semaphore(%run_scoped3A : memref<!tpu.dma_semaphore, #tpu.memory_space<semaphore_mem>>) {add = true}
      %dma_wait3A_65 = arith.constant 0 : i32
      %dma_wait3A_66 = arith.constant 0 : i32
      %dma_wait3A_67 = tpu.memref_slice %arg12[%dma_wait3A_65, %dma_wait3A_66] : memref<184x128xf32, #tpu.memory_space<vmem>> -> memref<64x128xf32, #tpu.memory_space<vmem>>
      %dma_wait3A_68 = arith.constant 0 : i32
      %dma_wait3A_69 = arith.constant 0 : i32
      %dma_wait3A_70 = tpu.memref_slice %arg14[%dma_wait3A_68, %dma_wait3A_69] : memref<10240x128xf32, #tpu.memory_space<vmem_shared>> -> memref<10240x128xf32, #tpu.memory_space<vmem_shared>>
      tpu.wait_indirect_dma semaphore(%run_scoped3A : memref<!tpu.dma_semaphore, #tpu.memory_space<semaphore_mem>>) src(%dma_wait3A_67 : memref<64x128xf32, #tpu.memory_space<vmem>>) dst(%dma_wait3A_70 : memref<10240x128xf32, #tpu.memory_space<vmem_shared>>)
      tpu.yield
    }) : () -> ()
    %barrier3A_58 = arith.constant 0 : index
    tpu.barrier barrier_id(%barrier3A_58)
    "tpu.region"() ({
      %run_scoped3A = tpu.sem_alloc : memref<!tpu.dma_semaphore, #tpu.memory_space<semaphore_mem>>
      %dma_start3A_59 = arith.constant 0 : i32
      %dma_start3A_60 = tpu.memref_slice %arg5[%arg0, %multiple_of3A, %dma_start3A_59] : memref<2x10240x128xf32, #tpu.memory_space<hbm>> -> memref<1x640x128xf32, #tpu.memory_space<hbm>>
      %dma_start3A_61 = tpu.memref_squeeze %dma_start3A_60 : memref<1x640x128xf32, #tpu.memory_space<hbm>> -> memref<640x128xf32, #tpu.memory_space<hbm>>
      %dma_start3A_62 = arith.constant 0 : i32
      %dma_start3A_63 = tpu.memref_slice %arg14[%multiple_of3A, %dma_start3A_62] : memref<10240x128xf32, #tpu.memory_space<vmem_shared>> -> memref<640x128xf32, #tpu.memory_space<vmem_shared>>
      tpu.enqueue_dma source(%dma_start3A_63 : memref<640x128xf32, #tpu.memory_space<vmem_shared>>) target(%dma_start3A_61 : memref<640x128xf32, #tpu.memory_space<hbm>>) target_semaphore(%run_scoped3A : memref<!tpu.dma_semaphore, #tpu.memory_space<semaphore_mem>>)
      %dma_wait3A_64 = arith.constant 0 : i32
      %dma_wait3A_65 = tpu.memref_slice %arg5[%arg0, %multiple_of3A, %dma_wait3A_64] : memref<2x10240x128xf32, #tpu.memory_space<hbm>> -> memref<1x640x128xf32, #tpu.memory_space<hbm>>
      %dma_wait3A_66 = tpu.memref_squeeze %dma_wait3A_65 : memref<1x640x128xf32, #tpu.memory_space<hbm>> -> memref<640x128xf32, #tpu.memory_space<hbm>>
      %dma_wait3A_67 = arith.constant 0 : i32
      %dma_wait3A_68 = tpu.memref_slice %arg14[%multiple_of3A, %dma_wait3A_67] : memref<10240x128xf32, #tpu.memory_space<vmem_shared>> -> memref<640x128xf32, #tpu.memory_space<vmem_shared>>
      tpu.wait_dma2 semaphore(%run_scoped3A : memref<!tpu.dma_semaphore, #tpu.memory_space<semaphore_mem>>) src(%dma_wait3A_68 : memref<640x128xf32, #tpu.memory_space<vmem_shared>>) dst(%dma_wait3A_66 : memref<640x128xf32, #tpu.memory_space<hbm>>)
      tpu.yield
    }) : () -> ()
    return
  }
}

#map = affine_map<(d0, d1) -> (0, 0)>
#map1 = affine_map<(d0, d1) -> (0)>
module attributes {stable_mosaic.version = 14 : i64} {
  func.func @k(%arg0: i32, %arg1: i32, %arg2: memref<10240x128xf32, #tpu.memory_space<hbm>>, %arg3: memref<100000xi32, #tpu.memory_space<hbm>>, %arg4: memref<100000xi32, #tpu.memory_space<hbm>>, %arg5: memref<100000xf32, #tpu.memory_space<hbm>>, %arg6: memref<160xi32, #tpu.memory_space<vmem>>, %arg7: memref<160xi32, #tpu.memory_space<vmem>>, %arg8: memref<160xi32, #tpu.memory_space<vmem>>, %arg9: memref<160xi32, #tpu.memory_space<vmem>>, %arg10: memref<160x128xf32, #tpu.memory_space<vmem>>, %arg11: memref<160x128xf32, #tpu.memory_space<vmem>>, %arg12: memref<160x128xf32, #tpu.memory_space<vmem>>, %arg13: memref<160x128xf32, #tpu.memory_space<vmem>>, %arg14: memref<160x16xf32, #tpu.memory_space<vmem>>, %arg15: memref<160xf32, #tpu.memory_space<vmem>>, %arg16: memref<!tpu.dma_semaphore, #tpu.memory_space<semaphore_mem>>, %arg17: memref<!tpu.dma_semaphore, #tpu.memory_space<semaphore_mem>>, %arg18: memref<!tpu.dma_semaphore, #tpu.memory_space<semaphore_mem>>, %arg19: memref<!tpu.dma_semaphore, #tpu.memory_space<semaphore_mem>>) attributes {dimension_semantics = [#tpu.dimension_semantics<core_parallel>, #tpu.dimension_semantics<subcore_parallel>], iteration_bounds = array<i64: 2, 16>, scalar_prefetch = 0 : i64, scratch_operands = 14 : i64, tpu.core_type = #tpu.core_type<sc_vector_subcore>, window_params = [{transform_indices = #map}, {transform_indices = #map1}, {transform_indices = #map1}, {transform_indices = #map1}]} {
    %mul3A = arith.constant 16 : i32
    %mul3A_0 = arith.muli %arg0, %mul3A : i32
    %add3A = arith.addi %mul3A_0, %arg1 : i32
    %sub3A = arith.constant 625 : i32
    %sub3A_1 = arith.subi %sub3A, %add3A : i32
    %add3A_2 = arith.constant 32 : i32
    %add3A_3 = arith.addi %sub3A_1, %add3A_2 : i32
    %sub3A_4 = arith.constant 1 : i32
    %sub3A_5 = arith.subi %add3A_3, %sub3A_4 : i32
    %jit3A = arith.constant 32 : i32
    %div3A = arith.divsi %sub3A_5, %jit3A : i32
    %sign3A = arith.constant 0 : i32
    %sign3A_6 = arith.cmpi sgt, %sub3A_5, %sign3A : i32
    %sign3A_7 = arith.extui %sign3A_6 : i1 to i32
    %sign3A_8 = arith.constant 0 : i32
    %sign3A_9 = arith.cmpi slt, %sub3A_5, %sign3A_8 : i32
    %sign3A_10 = arith.extui %sign3A_9 : i1 to i32
    %sign3A_11 = arith.subi %sign3A_7, %sign3A_10 : i32
    %sign3A_12 = arith.constant 0 : i32
    %sign3A_13 = arith.cmpi sgt, %jit3A, %sign3A_12 : i32
    %sign3A_14 = arith.extui %sign3A_13 : i1 to i32
    %sign3A_15 = arith.constant 0 : i32
    %sign3A_16 = arith.cmpi slt, %jit3A, %sign3A_15 : i32
    %sign3A_17 = arith.extui %sign3A_16 : i1 to i32
    %sign3A_18 = arith.subi %sign3A_14, %sign3A_17 : i32
    %ne3A = arith.cmpi ne, %sign3A_11, %sign3A_18 : i32
    %rem3A = arith.remsi %sub3A_5, %jit3A : i32
    %ne3A_19 = arith.constant 0 : i32
    %ne3A_20 = arith.cmpi ne, %rem3A, %ne3A_19 : i32
    %and3A = arith.andi %ne3A, %ne3A_20 : i1
    %sub3A_21 = arith.constant 1 : i32
    %sub3A_22 = arith.subi %div3A, %sub3A_21 : i32
    %select_n3A = arith.select %and3A, %sub3A_22, %div3A : i32
    %broadcast_in_dim3A = arith.constant 15 : i32
    %broadcast_in_dim3A_23 = vector.broadcast %broadcast_in_dim3A : i32 to vector<16xi32>
    %gt3A = arith.constant 0 : i32
    %gt3A_24 = arith.cmpi sgt, %select_n3A, %gt3A : i32
    %convert_element_type3A = arith.extui %gt3A_24 : i1 to i32
    %cond3A = arith.constant 0 : i32
    %cond3A_25 = arith.cmpi ne, %convert_element_type3A, %cond3A : i32
    scf.if %cond3A_25 {
      %add3A_26 = arith.constant 0 : i32
      %add3A_27 = arith.addi %add3A, %add3A_26 : i32
      %mul3A_28 = arith.constant 160 : i32
      %mul3A_29 = arith.muli %add3A_27, %mul3A_28 : i32
      %dma_start3A = tpu.memref_slice %arg3[%mul3A_29] : memref<100000xi32, #tpu.memory_space<hbm>> -> memref<160xi32, #tpu.memory_space<hbm>>
      %dma_start3A_30 = tpu.memref_slice %arg3[%mul3A_29] : memref<100000xi32, #tpu.memory_space<hbm>> -> memref<160xi32, #tpu.memory_space<hbm>>
      tpu.enqueue_dma source(%dma_start3A_30 : memref<160xi32, #tpu.memory_space<hbm>>) target(%arg6 : memref<160xi32, #tpu.memory_space<vmem>>) target_semaphore(%arg16 : memref<!tpu.dma_semaphore, #tpu.memory_space<semaphore_mem>>)
      %dma_start3A_31 = tpu.memref_slice %arg4[%mul3A_29] : memref<100000xi32, #tpu.memory_space<hbm>> -> memref<160xi32, #tpu.memory_space<hbm>>
      %dma_start3A_32 = tpu.memref_slice %arg4[%mul3A_29] : memref<100000xi32, #tpu.memory_space<hbm>> -> memref<160xi32, #tpu.memory_space<hbm>>
      tpu.enqueue_dma source(%dma_start3A_32 : memref<160xi32, #tpu.memory_space<hbm>>) target(%arg7 : memref<160xi32, #tpu.memory_space<vmem>>) target_semaphore(%arg16 : memref<!tpu.dma_semaphore, #tpu.memory_space<semaphore_mem>>)
      %dma_wait3A = arith.constant 0 : i32
      %dma_wait3A_33 = tpu.memref_slice %arg3[%dma_wait3A] : memref<100000xi32, #tpu.memory_space<hbm>> -> memref<160xi32, #tpu.memory_space<hbm>>
      %dma_wait3A_34 = arith.constant 0 : i32
      %dma_wait3A_35 = tpu.memref_slice %arg3[%dma_wait3A_34] : memref<100000xi32, #tpu.memory_space<hbm>> -> memref<160xi32, #tpu.memory_space<hbm>>
      tpu.wait_dma2 semaphore(%arg16 : memref<!tpu.dma_semaphore, #tpu.memory_space<semaphore_mem>>) src(%dma_wait3A_35 : memref<160xi32, #tpu.memory_space<hbm>>) dst(%arg6 : memref<160xi32, #tpu.memory_space<vmem>>)
      %dma_wait3A_36 = arith.constant 0 : i32
      %dma_wait3A_37 = tpu.memref_slice %arg4[%dma_wait3A_36] : memref<100000xi32, #tpu.memory_space<hbm>> -> memref<160xi32, #tpu.memory_space<hbm>>
      %dma_wait3A_38 = arith.constant 0 : i32
      %dma_wait3A_39 = tpu.memref_slice %arg4[%dma_wait3A_38] : memref<100000xi32, #tpu.memory_space<hbm>> -> memref<160xi32, #tpu.memory_space<hbm>>
      tpu.wait_dma2 semaphore(%arg16 : memref<!tpu.dma_semaphore, #tpu.memory_space<semaphore_mem>>) src(%dma_wait3A_39 : memref<160xi32, #tpu.memory_space<hbm>>) dst(%arg7 : memref<160xi32, #tpu.memory_space<vmem>>)
      %dma_start3A_40 = arith.constant 0 : i32
      %dma_start3A_41 = arith.constant 0 : i32
      %dma_start3A_42 = tpu.memref_slice %arg2[%dma_start3A_40, %dma_start3A_41] : memref<10240x128xf32, #tpu.memory_space<hbm>> -> memref<10240x128xf32, #tpu.memory_space<hbm>>
      tpu.enqueue_indirect_dma source(%dma_start3A_42 : memref<10240x128xf32, #tpu.memory_space<hbm>>) target(%arg10 : memref<160x128xf32, #tpu.memory_space<vmem>>) offsets(%arg6 : memref<160xi32, #tpu.memory_space<vmem>>) semaphore(%arg18 : memref<!tpu.dma_semaphore, #tpu.memory_space<semaphore_mem>>)
      %dma_start3A_43 = arith.constant 0 : i32
      %dma_start3A_44 = arith.constant 0 : i32
      %dma_start3A_45 = tpu.memref_slice %arg2[%dma_start3A_43, %dma_start3A_44] : memref<10240x128xf32, #tpu.memory_space<hbm>> -> memref<10240x128xf32, #tpu.memory_space<hbm>>
      tpu.enqueue_indirect_dma source(%dma_start3A_45 : memref<10240x128xf32, #tpu.memory_space<hbm>>) target(%arg11 : memref<160x128xf32, #tpu.memory_space<vmem>>) offsets(%arg7 : memref<160xi32, #tpu.memory_space<vmem>>) semaphore(%arg18 : memref<!tpu.dma_semaphore, #tpu.memory_space<semaphore_mem>>)
      %gt3A_46 = arith.constant 1 : i32
      %gt3A_47 = arith.cmpi sgt, %select_n3A, %gt3A_46 : i32
      %convert_element_type3A_48 = arith.extui %gt3A_47 : i1 to i32
      %cond3A_49 = arith.constant 0 : i32
      %cond3A_50 = arith.cmpi ne, %convert_element_type3A_48, %cond3A_49 : i32
      scf.if %cond3A_50 {
        %add3A_69 = arith.constant 32 : i32
        %add3A_70 = arith.addi %add3A, %add3A_69 : i32
        %mul3A_71 = arith.constant 160 : i32
        %mul3A_72 = arith.muli %add3A_70, %mul3A_71 : i32
        %dma_start3A_73 = tpu.memref_slice %arg3[%mul3A_72] : memref<100000xi32, #tpu.memory_space<hbm>> -> memref<160xi32, #tpu.memory_space<hbm>>
        %dma_start3A_74 = tpu.memref_slice %arg3[%mul3A_72] : memref<100000xi32, #tpu.memory_space<hbm>> -> memref<160xi32, #tpu.memory_space<hbm>>
        tpu.enqueue_dma source(%dma_start3A_74 : memref<160xi32, #tpu.memory_space<hbm>>) target(%arg8 : memref<160xi32, #tpu.memory_space<vmem>>) target_semaphore(%arg17 : memref<!tpu.dma_semaphore, #tpu.memory_space<semaphore_mem>>)
        %dma_start3A_75 = tpu.memref_slice %arg4[%mul3A_72] : memref<100000xi32, #tpu.memory_space<hbm>> -> memref<160xi32, #tpu.memory_space<hbm>>
        %dma_start3A_76 = tpu.memref_slice %arg4[%mul3A_72] : memref<100000xi32, #tpu.memory_space<hbm>> -> memref<160xi32, #tpu.memory_space<hbm>>
        tpu.enqueue_dma source(%dma_start3A_76 : memref<160xi32, #tpu.memory_space<hbm>>) target(%arg9 : memref<160xi32, #tpu.memory_space<vmem>>) target_semaphore(%arg17 : memref<!tpu.dma_semaphore, #tpu.memory_space<semaphore_mem>>)
      } else {
      }
      %sub3A_51 = arith.constant 0 : i32
      %sub3A_52 = arith.subi %select_n3A, %sub3A_51 : i32
      %sub3A_53 = arith.constant 2 : i32
      %sub3A_54 = arith.constant 1 : i32
      %sub3A_55 = arith.subi %sub3A_53, %sub3A_54 : i32
      %add3A_56 = arith.addi %sub3A_52, %sub3A_55 : i32
      %div3A_57 = arith.constant 2 : i32
      %div3A_58 = arith.divsi %add3A_56, %div3A_57 : i32
      %while3A = arith.constant 2 : i32
      %while3A_59 = arith.constant 0 : i32
      %while3A_60 = arith.constant 0 : i32
      %while3A_61 = arith.subi %div3A_58, %while3A_60 : i32
      %while3A_62 = arith.addi %while3A_60, %while3A_61 : i32
      %while3A_63 = arith.constant 1 : i32
      %while3A_64 = arith.divsi %while3A_61, %while3A_63 : i32
      %while3A_65 = arith.muli %while3A_64, %while3A_63 : i32
      %while3A_66 = arith.addi %while3A_60, %while3A_65 : i32
      %while3A_67 = arith.constant 1 : i32
      scf.for %while3A_69 = %while3A_60 to %while3A_66 step %while3A_67  : i32 {
        %mul3A_70 = arith.muli %while3A_69, %while3A : i32
        %add3A_71 = arith.addi %while3A_59, %mul3A_70 : i32
        %add3A_72 = arith.constant 1 : i32
        %add3A_73 = arith.addi %add3A_71, %add3A_72 : i32
        %lt3A = arith.cmpi slt, %add3A_73, %select_n3A : i32
        %convert_element_type3A_74 = arith.extui %lt3A : i1 to i32
        %cond3A_75 = arith.constant 0 : i32
        %cond3A_76 = arith.cmpi ne, %convert_element_type3A_74, %cond3A_75 : i32
        scf.if %cond3A_76 {
          %dma_wait3A_105 = arith.constant 0 : i32
          %dma_wait3A_106 = tpu.memref_slice %arg3[%dma_wait3A_105] : memref<100000xi32, #tpu.memory_space<hbm>> -> memref<160xi32, #tpu.memory_space<hbm>>
          %dma_wait3A_107 = arith.constant 0 : i32
          %dma_wait3A_108 = tpu.memref_slice %arg3[%dma_wait3A_107] : memref<100000xi32, #tpu.memory_space<hbm>> -> memref<160xi32, #tpu.memory_space<hbm>>
          tpu.wait_dma2 semaphore(%arg17 : memref<!tpu.dma_semaphore, #tpu.memory_space<semaphore_mem>>) src(%dma_wait3A_108 : memref<160xi32, #tpu.memory_space<hbm>>) dst(%arg8 : memref<160xi32, #tpu.memory_space<vmem>>)
          %dma_wait3A_109 = arith.constant 0 : i32
          %dma_wait3A_110 = tpu.memref_slice %arg4[%dma_wait3A_109] : memref<100000xi32, #tpu.memory_space<hbm>> -> memref<160xi32, #tpu.memory_space<hbm>>
          %dma_wait3A_111 = arith.constant 0 : i32
          %dma_wait3A_112 = tpu.memref_slice %arg4[%dma_wait3A_111] : memref<100000xi32, #tpu.memory_space<hbm>> -> memref<160xi32, #tpu.memory_space<hbm>>
          tpu.wait_dma2 semaphore(%arg17 : memref<!tpu.dma_semaphore, #tpu.memory_space<semaphore_mem>>) src(%dma_wait3A_112 : memref<160xi32, #tpu.memory_space<hbm>>) dst(%arg9 : memref<160xi32, #tpu.memory_space<vmem>>)
          %dma_start3A_113 = arith.constant 0 : i32
          %dma_start3A_114 = arith.constant 0 : i32
          %dma_start3A_115 = tpu.memref_slice %arg2[%dma_start3A_113, %dma_start3A_114] : memref<10240x128xf32, #tpu.memory_space<hbm>> -> memref<10240x128xf32, #tpu.memory_space<hbm>>
          tpu.enqueue_indirect_dma source(%dma_start3A_115 : memref<10240x128xf32, #tpu.memory_space<hbm>>) target(%arg12 : memref<160x128xf32, #tpu.memory_space<vmem>>) offsets(%arg8 : memref<160xi32, #tpu.memory_space<vmem>>) semaphore(%arg19 : memref<!tpu.dma_semaphore, #tpu.memory_space<semaphore_mem>>)
          %dma_start3A_116 = arith.constant 0 : i32
          %dma_start3A_117 = arith.constant 0 : i32
          %dma_start3A_118 = tpu.memref_slice %arg2[%dma_start3A_116, %dma_start3A_117] : memref<10240x128xf32, #tpu.memory_space<hbm>> -> memref<10240x128xf32, #tpu.memory_space<hbm>>
          tpu.enqueue_indirect_dma source(%dma_start3A_118 : memref<10240x128xf32, #tpu.memory_space<hbm>>) target(%arg13 : memref<160x128xf32, #tpu.memory_space<vmem>>) offsets(%arg9 : memref<160xi32, #tpu.memory_space<vmem>>) semaphore(%arg19 : memref<!tpu.dma_semaphore, #tpu.memory_space<semaphore_mem>>)
        } else {
        }
        %dma_wait3A_77 = arith.constant 0 : i32
        %dma_wait3A_78 = arith.constant 0 : i32
        %dma_wait3A_79 = tpu.memref_slice %arg2[%dma_wait3A_77, %dma_wait3A_78] : memref<10240x128xf32, #tpu.memory_space<hbm>> -> memref<10240x128xf32, #tpu.memory_space<hbm>>
        tpu.wait_indirect_dma semaphore(%arg18 : memref<!tpu.dma_semaphore, #tpu.memory_space<semaphore_mem>>) src(%dma_wait3A_79 : memref<10240x128xf32, #tpu.memory_space<hbm>>) dst(%arg10 : memref<160x128xf32, #tpu.memory_space<vmem>>)
        %dma_wait3A_80 = arith.constant 0 : i32
        %dma_wait3A_81 = arith.constant 0 : i32
        %dma_wait3A_82 = tpu.memref_slice %arg2[%dma_wait3A_80, %dma_wait3A_81] : memref<10240x128xf32, #tpu.memory_space<hbm>> -> memref<10240x128xf32, #tpu.memory_space<hbm>>
        tpu.wait_indirect_dma semaphore(%arg18 : memref<!tpu.dma_semaphore, #tpu.memory_space<semaphore_mem>>) src(%dma_wait3A_82 : memref<10240x128xf32, #tpu.memory_space<hbm>>) dst(%arg11 : memref<160x128xf32, #tpu.memory_space<vmem>>)
        %mul3A_83 = arith.constant 32 : i32
        %mul3A_84 = arith.muli %add3A_71, %mul3A_83 : i32
        %add3A_85 = arith.addi %add3A, %mul3A_84 : i32
        %parallel_loop3A = arith.constant 0 : i32
        %parallel_loop3A_86 = arith.constant 160 : i32
        %parallel_loop3A_87 = arith.constant 1 : i32
        scf.for %parallel_loop3A_105 = %parallel_loop3A to %parallel_loop3A_86 step %parallel_loop3A_87  : i32 {
          %parallel_loop3A_106 = arith.index_cast %parallel_loop3A_105 : i32 to index
          %parallel_loop3A_107 = arith.constant 0 : index
          %parallel_loop3A_108 = tpu.vector_load %arg10[%parallel_loop3A_106, %parallel_loop3A_107] {strides = array<i32>} : memref<160x128xf32, #tpu.memory_space<vmem>>, vector<16xf32>,
          %parallel_loop3A_109 = arith.index_cast %parallel_loop3A_105 : i32 to index
          %parallel_loop3A_110 = arith.constant 0 : index
          %parallel_loop3A_111 = tpu.vector_load %arg11[%parallel_loop3A_109, %parallel_loop3A_110] {strides = array<i32>} : memref<160x128xf32, #tpu.memory_space<vmem>>, vector<16xf32>,
          %parallel_loop3A_112 = arith.mulf %parallel_loop3A_108, %parallel_loop3A_111 : vector<16xf32>
          %parallel_loop3A_113 = arith.index_cast %parallel_loop3A_105 : i32 to index
          %parallel_loop3A_114 = arith.constant 16 : index
          %parallel_loop3A_115 = tpu.vector_load %arg10[%parallel_loop3A_113, %parallel_loop3A_114] {strides = array<i32>} : memref<160x128xf32, #tpu.memory_space<vmem>>, vector<16xf32>,
          %parallel_loop3A_116 = arith.index_cast %parallel_loop3A_105 : i32 to index
          %parallel_loop3A_117 = arith.constant 16 : index
          %parallel_loop3A_118 = tpu.vector_load %arg11[%parallel_loop3A_116, %parallel_loop3A_117] {strides = array<i32>} : memref<160x128xf32, #tpu.memory_space<vmem>>, vector<16xf32>,
          %parallel_loop3A_119 = arith.mulf %parallel_loop3A_115, %parallel_loop3A_118 : vector<16xf32>
          %parallel_loop3A_120 = arith.addf %parallel_loop3A_112, %parallel_loop3A_119 : vector<16xf32>
          %parallel_loop3A_121 = arith.index_cast %parallel_loop3A_105 : i32 to index
          %parallel_loop3A_122 = arith.constant 32 : index
          %parallel_loop3A_123 = tpu.vector_load %arg10[%parallel_loop3A_121, %parallel_loop3A_122] {strides = array<i32>} : memref<160x128xf32, #tpu.memory_space<vmem>>, vector<16xf32>,
          %parallel_loop3A_124 = arith.index_cast %parallel_loop3A_105 : i32 to index
          %parallel_loop3A_125 = arith.constant 32 : index
          %parallel_loop3A_126 = tpu.vector_load %arg11[%parallel_loop3A_124, %parallel_loop3A_125] {strides = array<i32>} : memref<160x128xf32, #tpu.memory_space<vmem>>, vector<16xf32>,
          %parallel_loop3A_127 = arith.mulf %parallel_loop3A_123, %parallel_loop3A_126 : vector<16xf32>
          %parallel_loop3A_128 = arith.addf %parallel_loop3A_120, %parallel_loop3A_127 : vector<16xf32>
          %parallel_loop3A_129 = arith.index_cast %parallel_loop3A_105 : i32 to index
          %parallel_loop3A_130 = arith.constant 48 : index
          %parallel_loop3A_131 = tpu.vector_load %arg10[%parallel_loop3A_129, %parallel_loop3A_130] {strides = array<i32>} : memref<160x128xf32, #tpu.memory_space<vmem>>, vector<16xf32>,
          %parallel_loop3A_132 = arith.index_cast %parallel_loop3A_105 : i32 to index
          %parallel_loop3A_133 = arith.constant 48 : index
          %parallel_loop3A_134 = tpu.vector_load %arg11[%parallel_loop3A_132, %parallel_loop3A_133] {strides = array<i32>} : memref<160x128xf32, #tpu.memory_space<vmem>>, vector<16xf32>,
          %parallel_loop3A_135 = arith.mulf %parallel_loop3A_131, %parallel_loop3A_134 : vector<16xf32>
          %parallel_loop3A_136 = arith.addf %parallel_loop3A_128, %parallel_loop3A_135 : vector<16xf32>
          %parallel_loop3A_137 = arith.index_cast %parallel_loop3A_105 : i32 to index
          %parallel_loop3A_138 = arith.constant 64 : index
          %parallel_loop3A_139 = tpu.vector_load %arg10[%parallel_loop3A_137, %parallel_loop3A_138] {strides = array<i32>} : memref<160x128xf32, #tpu.memory_space<vmem>>, vector<16xf32>,
          %parallel_loop3A_140 = arith.index_cast %parallel_loop3A_105 : i32 to index
          %parallel_loop3A_141 = arith.constant 64 : index
          %parallel_loop3A_142 = tpu.vector_load %arg11[%parallel_loop3A_140, %parallel_loop3A_141] {strides = array<i32>} : memref<160x128xf32, #tpu.memory_space<vmem>>, vector<16xf32>,
          %parallel_loop3A_143 = arith.mulf %parallel_loop3A_139, %parallel_loop3A_142 : vector<16xf32>
          %parallel_loop3A_144 = arith.addf %parallel_loop3A_136, %parallel_loop3A_143 : vector<16xf32>
          %parallel_loop3A_145 = arith.index_cast %parallel_loop3A_105 : i32 to index
          %parallel_loop3A_146 = arith.constant 80 : index
          %parallel_loop3A_147 = tpu.vector_load %arg10[%parallel_loop3A_145, %parallel_loop3A_146] {strides = array<i32>} : memref<160x128xf32, #tpu.memory_space<vmem>>, vector<16xf32>,
          %parallel_loop3A_148 = arith.index_cast %parallel_loop3A_105 : i32 to index
          %parallel_loop3A_149 = arith.constant 80 : index
          %parallel_loop3A_150 = tpu.vector_load %arg11[%parallel_loop3A_148, %parallel_loop3A_149] {strides = array<i32>} : memref<160x128xf32, #tpu.memory_space<vmem>>, vector<16xf32>,
          %parallel_loop3A_151 = arith.mulf %parallel_loop3A_147, %parallel_loop3A_150 : vector<16xf32>
          %parallel_loop3A_152 = arith.addf %parallel_loop3A_144, %parallel_loop3A_151 : vector<16xf32>
          %parallel_loop3A_153 = arith.index_cast %parallel_loop3A_105 : i32 to index
          %parallel_loop3A_154 = arith.constant 96 : index
          %parallel_loop3A_155 = tpu.vector_load %arg10[%parallel_loop3A_153, %parallel_loop3A_154] {strides = array<i32>} : memref<160x128xf32, #tpu.memory_space<vmem>>, vector<16xf32>,
          %parallel_loop3A_156 = arith.index_cast %parallel_loop3A_105 : i32 to index
          %parallel_loop3A_157 = arith.constant 96 : index
          %parallel_loop3A_158 = tpu.vector_load %arg11[%parallel_loop3A_156, %parallel_loop3A_157] {strides = array<i32>} : memref<160x128xf32, #tpu.memory_space<vmem>>, vector<16xf32>,
          %parallel_loop3A_159 = arith.mulf %parallel_loop3A_155, %parallel_loop3A_158 : vector<16xf32>
          %parallel_loop3A_160 = arith.addf %parallel_loop3A_152, %parallel_loop3A_159 : vector<16xf32>
          %parallel_loop3A_161 = arith.index_cast %parallel_loop3A_105 : i32 to index
          %parallel_loop3A_162 = arith.constant 112 : index
          %parallel_loop3A_163 = tpu.vector_load %arg10[%parallel_loop3A_161, %parallel_loop3A_162] {strides = array<i32>} : memref<160x128xf32, #tpu.memory_space<vmem>>, vector<16xf32>,
          %parallel_loop3A_164 = arith.index_cast %parallel_loop3A_105 : i32 to index
          %parallel_loop3A_165 = arith.constant 112 : index
          %parallel_loop3A_166 = tpu.vector_load %arg11[%parallel_loop3A_164, %parallel_loop3A_165] {strides = array<i32>} : memref<160x128xf32, #tpu.memory_space<vmem>>, vector<16xf32>,
          %parallel_loop3A_167 = arith.mulf %parallel_loop3A_163, %parallel_loop3A_166 : vector<16xf32>
          %parallel_loop3A_168 = arith.addf %parallel_loop3A_160, %parallel_loop3A_167 : vector<16xf32>
          %parallel_loop3A_169 = arith.constant true
          %parallel_loop3A_170 = vector.broadcast %parallel_loop3A_169 : i1 to vector<16xi1>
          %parallel_loop3A_171 = tpu.scan <sum>, %parallel_loop3A_168 masked %parallel_loop3A_170 : vector<16xf32>, vector<16xi1> -> vector<16xf32>
          %parallel_loop3A_172 = arith.index_cast %parallel_loop3A_105 : i32 to index
          %parallel_loop3A_173 = arith.constant 0 : index
          %parallel_loop3A_174 = tpu.vector_load %arg14[%parallel_loop3A_172, %parallel_loop3A_173] {strides = array<i32>} : memref<160x16xf32, #tpu.memory_space<vmem>>, vector<16xf32>,
          tpu.vector_store %arg14[%parallel_loop3A_172, %parallel_loop3A_173], %parallel_loop3A_171 {strides = array<i32>} : memref<160x16xf32, #tpu.memory_space<vmem>>, vector<16xf32>,
        } {sc.loop_unroll_factor = 4 : i64, sc.parallel_access}
        %parallel_loop3A_88 = arith.constant 0 : i32
        %parallel_loop3A_89 = arith.constant 160 : i32
        %parallel_loop3A_90 = arith.constant 16 : i32
        scf.for %parallel_loop3A_105 = %parallel_loop3A_88 to %parallel_loop3A_89 step %parallel_loop3A_90  : i32 {
          %parallel_loop3A_106 = tpu.iota {dimensions = array<i32: 0>} : vector<16xi32>
          %parallel_loop3A_107 = vector.broadcast %parallel_loop3A_105 : i32 to vector<16xi32>
          %parallel_loop3A_108 = arith.addi %parallel_loop3A_107, %parallel_loop3A_106 : vector<16xi32>
          %parallel_loop3A_109 = tpu.vector_load_idx %arg14[%parallel_loop3A_108, %broadcast_in_dim3A_23] : memref<160x16xf32, #tpu.memory_space<vmem>>[vector<16xi32>, vector<16xi32>], vector<16xf32>,
          %parallel_loop3A_110 = arith.constant 0.000000e+00 : f32
          %parallel_loop3A_111 = vector.broadcast %parallel_loop3A_110 : f32 to vector<16xf32>
          %parallel_loop3A_112 = arith.subf %parallel_loop3A_111, %parallel_loop3A_109 : vector<16xf32>
          %parallel_loop3A_113 = math.exp %parallel_loop3A_112 : vector<16xf32>
          %parallel_loop3A_114 = arith.constant 1.000000e+00 : f32
          %parallel_loop3A_115 = vector.broadcast %parallel_loop3A_114 : f32 to vector<16xf32>
          %parallel_loop3A_116 = arith.addf %parallel_loop3A_115, %parallel_loop3A_113 : vector<16xf32>
          %parallel_loop3A_117 = arith.constant 1.000000e+00 : f32
          %parallel_loop3A_118 = vector.broadcast %parallel_loop3A_117 : f32 to vector<16xf32>
          %parallel_loop3A_119 = arith.divf %parallel_loop3A_118, %parallel_loop3A_116 : vector<16xf32>
          %parallel_loop3A_120 = arith.index_cast %parallel_loop3A_105 : i32 to index
          %parallel_loop3A_121 = tpu.vector_load %arg15[%parallel_loop3A_120] {strides = array<i32>} : memref<160xf32, #tpu.memory_space<vmem>>, vector<16xf32>,
          tpu.vector_store %arg15[%parallel_loop3A_120], %parallel_loop3A_119 {strides = array<i32>} : memref<160xf32, #tpu.memory_space<vmem>>, vector<16xf32>,
        } {sc.loop_unroll_factor = 2 : i64, sc.parallel_access}
        %mul3A_91 = arith.constant 160 : i32
        %mul3A_92 = arith.muli %add3A_85, %mul3A_91 : i32
        "tpu.region"() ({
          %run_scoped3A = tpu.sem_alloc : memref<!tpu.dma_semaphore, #tpu.memory_space<semaphore_mem>>
          %dma_start3A_105 = tpu.memref_slice %arg5[%mul3A_92] : memref<100000xf32, #tpu.memory_space<hbm>> -> memref<160xf32, #tpu.memory_space<hbm>>
          %dma_start3A_106 = tpu.memref_slice %arg5[%mul3A_92] : memref<100000xf32, #tpu.memory_space<hbm>> -> memref<160xf32, #tpu.memory_space<hbm>>
          tpu.enqueue_dma source(%arg15 : memref<160xf32, #tpu.memory_space<vmem>>) target(%dma_start3A_106 : memref<160xf32, #tpu.memory_space<hbm>>) target_semaphore(%run_scoped3A : memref<!tpu.dma_semaphore, #tpu.memory_space<semaphore_mem>>)
          %dma_wait3A_107 = tpu.memref_slice %arg5[%mul3A_92] : memref<100000xf32, #tpu.memory_space<hbm>> -> memref<160xf32, #tpu.memory_space<hbm>>
          %dma_wait3A_108 = tpu.memref_slice %arg5[%mul3A_92] : memref<100000xf32, #tpu.memory_space<hbm>> -> memref<160xf32, #tpu.memory_space<hbm>>
          tpu.wait_dma2 semaphore(%run_scoped3A : memref<!tpu.dma_semaphore, #tpu.memory_space<semaphore_mem>>) src(%arg15 : memref<160xf32, #tpu.memory_space<vmem>>) dst(%dma_wait3A_108 : memref<160xf32, #tpu.memory_space<hbm>>)
          tpu.yield
        }) : () -> ()
        %add3A_93 = arith.constant 2 : i32
        %add3A_94 = arith.addi %add3A_71, %add3A_93 : i32
        %lt3A_95 = arith.cmpi slt, %add3A_94, %select_n3A : i32
        %convert_element_type3A_96 = arith.extui %lt3A_95 : i1 to i32
        %cond3A_97 = arith.constant 0 : i32
        %cond3A_98 = arith.cmpi ne, %convert_element_type3A_96, %cond3A_97 : i32
        scf.if %cond3A_98 {
          %add3A_105 = arith.constant 2 : i32
          %add3A_106 = arith.addi %add3A_71, %add3A_105 : i32
          %mul3A_107 = arith.constant 32 : i32
          %mul3A_108 = arith.muli %add3A_106, %mul3A_107 : i32
          %add3A_109 = arith.addi %add3A, %mul3A_108 : i32
          %mul3A_110 = arith.constant 160 : i32
          %mul3A_111 = arith.muli %add3A_109, %mul3A_110 : i32
          %dma_start3A_112 = tpu.memref_slice %arg3[%mul3A_111] : memref<100000xi32, #tpu.memory_space<hbm>> -> memref<160xi32, #tpu.memory_space<hbm>>
          %dma_start3A_113 = tpu.memref_slice %arg3[%mul3A_111] : memref<100000xi32, #tpu.memory_space<hbm>> -> memref<160xi32, #tpu.memory_space<hbm>>
          tpu.enqueue_dma source(%dma_start3A_113 : memref<160xi32, #tpu.memory_space<hbm>>) target(%arg6 : memref<160xi32, #tpu.memory_space<vmem>>) target_semaphore(%arg16 : memref<!tpu.dma_semaphore, #tpu.memory_space<semaphore_mem>>)
          %dma_start3A_114 = tpu.memref_slice %arg4[%mul3A_111] : memref<100000xi32, #tpu.memory_space<hbm>> -> memref<160xi32, #tpu.memory_space<hbm>>
          %dma_start3A_115 = tpu.memref_slice %arg4[%mul3A_111] : memref<100000xi32, #tpu.memory_space<hbm>> -> memref<160xi32, #tpu.memory_space<hbm>>
          tpu.enqueue_dma source(%dma_start3A_115 : memref<160xi32, #tpu.memory_space<hbm>>) target(%arg7 : memref<160xi32, #tpu.memory_space<vmem>>) target_semaphore(%arg16 : memref<!tpu.dma_semaphore, #tpu.memory_space<semaphore_mem>>)
          %dma_wait3A_116 = arith.constant 0 : i32
          %dma_wait3A_117 = tpu.memref_slice %arg3[%dma_wait3A_116] : memref<100000xi32, #tpu.memory_space<hbm>> -> memref<160xi32, #tpu.memory_space<hbm>>
          %dma_wait3A_118 = arith.constant 0 : i32
          %dma_wait3A_119 = tpu.memref_slice %arg3[%dma_wait3A_118] : memref<100000xi32, #tpu.memory_space<hbm>> -> memref<160xi32, #tpu.memory_space<hbm>>
          tpu.wait_dma2 semaphore(%arg16 : memref<!tpu.dma_semaphore, #tpu.memory_space<semaphore_mem>>) src(%dma_wait3A_119 : memref<160xi32, #tpu.memory_space<hbm>>) dst(%arg6 : memref<160xi32, #tpu.memory_space<vmem>>)
          %dma_wait3A_120 = arith.constant 0 : i32
          %dma_wait3A_121 = tpu.memref_slice %arg4[%dma_wait3A_120] : memref<100000xi32, #tpu.memory_space<hbm>> -> memref<160xi32, #tpu.memory_space<hbm>>
          %dma_wait3A_122 = arith.constant 0 : i32
          %dma_wait3A_123 = tpu.memref_slice %arg4[%dma_wait3A_122] : memref<100000xi32, #tpu.memory_space<hbm>> -> memref<160xi32, #tpu.memory_space<hbm>>
          tpu.wait_dma2 semaphore(%arg16 : memref<!tpu.dma_semaphore, #tpu.memory_space<semaphore_mem>>) src(%dma_wait3A_123 : memref<160xi32, #tpu.memory_space<hbm>>) dst(%arg7 : memref<160xi32, #tpu.memory_space<vmem>>)
          %dma_start3A_124 = arith.constant 0 : i32
          %dma_start3A_125 = arith.constant 0 : i32
          %dma_start3A_126 = tpu.memref_slice %arg2[%dma_start3A_124, %dma_start3A_125] : memref<10240x128xf32, #tpu.memory_space<hbm>> -> memref<10240x128xf32, #tpu.memory_space<hbm>>
          tpu.enqueue_indirect_dma source(%dma_start3A_126 : memref<10240x128xf32, #tpu.memory_space<hbm>>) target(%arg10 : memref<160x128xf32, #tpu.memory_space<vmem>>) offsets(%arg6 : memref<160xi32, #tpu.memory_space<vmem>>) semaphore(%arg18 : memref<!tpu.dma_semaphore, #tpu.memory_space<semaphore_mem>>)
          %dma_start3A_127 = arith.constant 0 : i32
          %dma_start3A_128 = arith.constant 0 : i32
          %dma_start3A_129 = tpu.memref_slice %arg2[%dma_start3A_127, %dma_start3A_128] : memref<10240x128xf32, #tpu.memory_space<hbm>> -> memref<10240x128xf32, #tpu.memory_space<hbm>>
          tpu.enqueue_indirect_dma source(%dma_start3A_129 : memref<10240x128xf32, #tpu.memory_space<hbm>>) target(%arg11 : memref<160x128xf32, #tpu.memory_space<vmem>>) offsets(%arg7 : memref<160xi32, #tpu.memory_space<vmem>>) semaphore(%arg18 : memref<!tpu.dma_semaphore, #tpu.memory_space<semaphore_mem>>)
        } else {
        }
        %add3A_99 = arith.constant 1 : i32
        %add3A_100 = arith.addi %add3A_71, %add3A_99 : i32
        %lt3A_101 = arith.cmpi slt, %add3A_100, %select_n3A : i32
        %convert_element_type3A_102 = arith.extui %lt3A_101 : i1 to i32
        %cond3A_103 = arith.constant 0 : i32
        %cond3A_104 = arith.cmpi ne, %convert_element_type3A_102, %cond3A_103 : i32
        scf.if %cond3A_104 {
          %dma_wait3A_105 = arith.constant 0 : i32
          %dma_wait3A_106 = arith.constant 0 : i32
          %dma_wait3A_107 = tpu.memref_slice %arg2[%dma_wait3A_105, %dma_wait3A_106] : memref<10240x128xf32, #tpu.memory_space<hbm>> -> memref<10240x128xf32, #tpu.memory_space<hbm>>
          tpu.wait_indirect_dma semaphore(%arg19 : memref<!tpu.dma_semaphore, #tpu.memory_space<semaphore_mem>>) src(%dma_wait3A_107 : memref<10240x128xf32, #tpu.memory_space<hbm>>) dst(%arg12 : memref<160x128xf32, #tpu.memory_space<vmem>>)
          %dma_wait3A_108 = arith.constant 0 : i32
          %dma_wait3A_109 = arith.constant 0 : i32
          %dma_wait3A_110 = tpu.memref_slice %arg2[%dma_wait3A_108, %dma_wait3A_109] : memref<10240x128xf32, #tpu.memory_space<hbm>> -> memref<10240x128xf32, #tpu.memory_space<hbm>>
          tpu.wait_indirect_dma semaphore(%arg19 : memref<!tpu.dma_semaphore, #tpu.memory_space<semaphore_mem>>) src(%dma_wait3A_110 : memref<10240x128xf32, #tpu.memory_space<hbm>>) dst(%arg13 : memref<160x128xf32, #tpu.memory_space<vmem>>)
          %add3A_111 = arith.constant 1 : i32
          %add3A_112 = arith.addi %add3A_71, %add3A_111 : i32
          %mul3A_113 = arith.constant 32 : i32
          %mul3A_114 = arith.muli %add3A_112, %mul3A_113 : i32
          %add3A_115 = arith.addi %add3A, %mul3A_114 : i32
          %parallel_loop3A_116 = arith.constant 0 : i32
          %parallel_loop3A_117 = arith.constant 160 : i32
          %parallel_loop3A_118 = arith.constant 1 : i32
          scf.for %parallel_loop3A_130 = %parallel_loop3A_116 to %parallel_loop3A_117 step %parallel_loop3A_118  : i32 {
            %parallel_loop3A_131 = arith.index_cast %parallel_loop3A_130 : i32 to index
            %parallel_loop3A_132 = arith.constant 0 : index
            %parallel_loop3A_133 = tpu.vector_load %arg12[%parallel_loop3A_131, %parallel_loop3A_132] {strides = array<i32>} : memref<160x128xf32, #tpu.memory_space<vmem>>, vector<16xf32>,
            %parallel_loop3A_134 = arith.index_cast %parallel_loop3A_130 : i32 to index
            %parallel_loop3A_135 = arith.constant 0 : index
            %parallel_loop3A_136 = tpu.vector_load %arg13[%parallel_loop3A_134, %parallel_loop3A_135] {strides = array<i32>} : memref<160x128xf32, #tpu.memory_space<vmem>>, vector<16xf32>,
            %parallel_loop3A_137 = arith.mulf %parallel_loop3A_133, %parallel_loop3A_136 : vector<16xf32>
            %parallel_loop3A_138 = arith.index_cast %parallel_loop3A_130 : i32 to index
            %parallel_loop3A_139 = arith.constant 16 : index
            %parallel_loop3A_140 = tpu.vector_load %arg12[%parallel_loop3A_138, %parallel_loop3A_139] {strides = array<i32>} : memref<160x128xf32, #tpu.memory_space<vmem>>, vector<16xf32>,
            %parallel_loop3A_141 = arith.index_cast %parallel_loop3A_130 : i32 to index
            %parallel_loop3A_142 = arith.constant 16 : index
            %parallel_loop3A_143 = tpu.vector_load %arg13[%parallel_loop3A_141, %parallel_loop3A_142] {strides = array<i32>} : memref<160x128xf32, #tpu.memory_space<vmem>>, vector<16xf32>,
            %parallel_loop3A_144 = arith.mulf %parallel_loop3A_140, %parallel_loop3A_143 : vector<16xf32>
            %parallel_loop3A_145 = arith.addf %parallel_loop3A_137, %parallel_loop3A_144 : vector<16xf32>
            %parallel_loop3A_146 = arith.index_cast %parallel_loop3A_130 : i32 to index
            %parallel_loop3A_147 = arith.constant 32 : index
            %parallel_loop3A_148 = tpu.vector_load %arg12[%parallel_loop3A_146, %parallel_loop3A_147] {strides = array<i32>} : memref<160x128xf32, #tpu.memory_space<vmem>>, vector<16xf32>,
            %parallel_loop3A_149 = arith.index_cast %parallel_loop3A_130 : i32 to index
            %parallel_loop3A_150 = arith.constant 32 : index
            %parallel_loop3A_151 = tpu.vector_load %arg13[%parallel_loop3A_149, %parallel_loop3A_150] {strides = array<i32>} : memref<160x128xf32, #tpu.memory_space<vmem>>, vector<16xf32>,
            %parallel_loop3A_152 = arith.mulf %parallel_loop3A_148, %parallel_loop3A_151 : vector<16xf32>
            %parallel_loop3A_153 = arith.addf %parallel_loop3A_145, %parallel_loop3A_152 : vector<16xf32>
            %parallel_loop3A_154 = arith.index_cast %parallel_loop3A_130 : i32 to index
            %parallel_loop3A_155 = arith.constant 48 : index
            %parallel_loop3A_156 = tpu.vector_load %arg12[%parallel_loop3A_154, %parallel_loop3A_155] {strides = array<i32>} : memref<160x128xf32, #tpu.memory_space<vmem>>, vector<16xf32>,
            %parallel_loop3A_157 = arith.index_cast %parallel_loop3A_130 : i32 to index
            %parallel_loop3A_158 = arith.constant 48 : index
            %parallel_loop3A_159 = tpu.vector_load %arg13[%parallel_loop3A_157, %parallel_loop3A_158] {strides = array<i32>} : memref<160x128xf32, #tpu.memory_space<vmem>>, vector<16xf32>,
            %parallel_loop3A_160 = arith.mulf %parallel_loop3A_156, %parallel_loop3A_159 : vector<16xf32>
            %parallel_loop3A_161 = arith.addf %parallel_loop3A_153, %parallel_loop3A_160 : vector<16xf32>
            %parallel_loop3A_162 = arith.index_cast %parallel_loop3A_130 : i32 to index
            %parallel_loop3A_163 = arith.constant 64 : index
            %parallel_loop3A_164 = tpu.vector_load %arg12[%parallel_loop3A_162, %parallel_loop3A_163] {strides = array<i32>} : memref<160x128xf32, #tpu.memory_space<vmem>>, vector<16xf32>,
            %parallel_loop3A_165 = arith.index_cast %parallel_loop3A_130 : i32 to index
            %parallel_loop3A_166 = arith.constant 64 : index
            %parallel_loop3A_167 = tpu.vector_load %arg13[%parallel_loop3A_165, %parallel_loop3A_166] {strides = array<i32>} : memref<160x128xf32, #tpu.memory_space<vmem>>, vector<16xf32>,
            %parallel_loop3A_168 = arith.mulf %parallel_loop3A_164, %parallel_loop3A_167 : vector<16xf32>
            %parallel_loop3A_169 = arith.addf %parallel_loop3A_161, %parallel_loop3A_168 : vector<16xf32>
            %parallel_loop3A_170 = arith.index_cast %parallel_loop3A_130 : i32 to index
            %parallel_loop3A_171 = arith.constant 80 : index
            %parallel_loop3A_172 = tpu.vector_load %arg12[%parallel_loop3A_170, %parallel_loop3A_171] {strides = array<i32>} : memref<160x128xf32, #tpu.memory_space<vmem>>, vector<16xf32>,
            %parallel_loop3A_173 = arith.index_cast %parallel_loop3A_130 : i32 to index
            %parallel_loop3A_174 = arith.constant 80 : index
            %parallel_loop3A_175 = tpu.vector_load %arg13[%parallel_loop3A_173, %parallel_loop3A_174] {strides = array<i32>} : memref<160x128xf32, #tpu.memory_space<vmem>>, vector<16xf32>,
            %parallel_loop3A_176 = arith.mulf %parallel_loop3A_172, %parallel_loop3A_175 : vector<16xf32>
            %parallel_loop3A_177 = arith.addf %parallel_loop3A_169, %parallel_loop3A_176 : vector<16xf32>
            %parallel_loop3A_178 = arith.index_cast %parallel_loop3A_130 : i32 to index
            %parallel_loop3A_179 = arith.constant 96 : index
            %parallel_loop3A_180 = tpu.vector_load %arg12[%parallel_loop3A_178, %parallel_loop3A_179] {strides = array<i32>} : memref<160x128xf32, #tpu.memory_space<vmem>>, vector<16xf32>,
            %parallel_loop3A_181 = arith.index_cast %parallel_loop3A_130 : i32 to index
            %parallel_loop3A_182 = arith.constant 96 : index
            %parallel_loop3A_183 = tpu.vector_load %arg13[%parallel_loop3A_181, %parallel_loop3A_182] {strides = array<i32>} : memref<160x128xf32, #tpu.memory_space<vmem>>, vector<16xf32>,
            %parallel_loop3A_184 = arith.mulf %parallel_loop3A_180, %parallel_loop3A_183 : vector<16xf32>
            %parallel_loop3A_185 = arith.addf %parallel_loop3A_177, %parallel_loop3A_184 : vector<16xf32>
            %parallel_loop3A_186 = arith.index_cast %parallel_loop3A_130 : i32 to index
            %parallel_loop3A_187 = arith.constant 112 : index
            %parallel_loop3A_188 = tpu.vector_load %arg12[%parallel_loop3A_186, %parallel_loop3A_187] {strides = array<i32>} : memref<160x128xf32, #tpu.memory_space<vmem>>, vector<16xf32>,
            %parallel_loop3A_189 = arith.index_cast %parallel_loop3A_130 : i32 to index
            %parallel_loop3A_190 = arith.constant 112 : index
            %parallel_loop3A_191 = tpu.vector_load %arg13[%parallel_loop3A_189, %parallel_loop3A_190] {strides = array<i32>} : memref<160x128xf32, #tpu.memory_space<vmem>>, vector<16xf32>,
            %parallel_loop3A_192 = arith.mulf %parallel_loop3A_188, %parallel_loop3A_191 : vector<16xf32>
            %parallel_loop3A_193 = arith.addf %parallel_loop3A_185, %parallel_loop3A_192 : vector<16xf32>
            %parallel_loop3A_194 = arith.constant true
            %parallel_loop3A_195 = vector.broadcast %parallel_loop3A_194 : i1 to vector<16xi1>
            %parallel_loop3A_196 = tpu.scan <sum>, %parallel_loop3A_193 masked %parallel_loop3A_195 : vector<16xf32>, vector<16xi1> -> vector<16xf32>
            %parallel_loop3A_197 = arith.index_cast %parallel_loop3A_130 : i32 to index
            %parallel_loop3A_198 = arith.constant 0 : index
            %parallel_loop3A_199 = tpu.vector_load %arg14[%parallel_loop3A_197, %parallel_loop3A_198] {strides = array<i32>} : memref<160x16xf32, #tpu.memory_space<vmem>>, vector<16xf32>,
            tpu.vector_store %arg14[%parallel_loop3A_197, %parallel_loop3A_198], %parallel_loop3A_196 {strides = array<i32>} : memref<160x16xf32, #tpu.memory_space<vmem>>, vector<16xf32>,
          } {sc.loop_unroll_factor = 4 : i64, sc.parallel_access}
          %parallel_loop3A_119 = arith.constant 0 : i32
          %parallel_loop3A_120 = arith.constant 160 : i32
          %parallel_loop3A_121 = arith.constant 16 : i32
          scf.for %parallel_loop3A_130 = %parallel_loop3A_119 to %parallel_loop3A_120 step %parallel_loop3A_121  : i32 {
            %parallel_loop3A_131 = tpu.iota {dimensions = array<i32: 0>} : vector<16xi32>
            %parallel_loop3A_132 = vector.broadcast %parallel_loop3A_130 : i32 to vector<16xi32>
            %parallel_loop3A_133 = arith.addi %parallel_loop3A_132, %parallel_loop3A_131 : vector<16xi32>
            %parallel_loop3A_134 = tpu.vector_load_idx %arg14[%parallel_loop3A_133, %broadcast_in_dim3A_23] : memref<160x16xf32, #tpu.memory_space<vmem>>[vector<16xi32>, vector<16xi32>], vector<16xf32>,
            %parallel_loop3A_135 = arith.constant 0.000000e+00 : f32
            %parallel_loop3A_136 = vector.broadcast %parallel_loop3A_135 : f32 to vector<16xf32>
            %parallel_loop3A_137 = arith.subf %parallel_loop3A_136, %parallel_loop3A_134 : vector<16xf32>
            %parallel_loop3A_138 = math.exp %parallel_loop3A_137 : vector<16xf32>
            %parallel_loop3A_139 = arith.constant 1.000000e+00 : f32
            %parallel_loop3A_140 = vector.broadcast %parallel_loop3A_139 : f32 to vector<16xf32>
            %parallel_loop3A_141 = arith.addf %parallel_loop3A_140, %parallel_loop3A_138 : vector<16xf32>
            %parallel_loop3A_142 = arith.constant 1.000000e+00 : f32
            %parallel_loop3A_143 = vector.broadcast %parallel_loop3A_142 : f32 to vector<16xf32>
            %parallel_loop3A_144 = arith.divf %parallel_loop3A_143, %parallel_loop3A_141 : vector<16xf32>
            %parallel_loop3A_145 = arith.index_cast %parallel_loop3A_130 : i32 to index
            %parallel_loop3A_146 = tpu.vector_load %arg15[%parallel_loop3A_145] {strides = array<i32>} : memref<160xf32, #tpu.memory_space<vmem>>, vector<16xf32>,
            tpu.vector_store %arg15[%parallel_loop3A_145], %parallel_loop3A_144 {strides = array<i32>} : memref<160xf32, #tpu.memory_space<vmem>>, vector<16xf32>,
          } {sc.loop_unroll_factor = 2 : i64, sc.parallel_access}
          %mul3A_122 = arith.constant 160 : i32
          %mul3A_123 = arith.muli %add3A_115, %mul3A_122 : i32
          "tpu.region"() ({
            %run_scoped3A = tpu.sem_alloc : memref<!tpu.dma_semaphore, #tpu.memory_space<semaphore_mem>>
            %dma_start3A_130 = tpu.memref_slice %arg5[%mul3A_123] : memref<100000xf32, #tpu.memory_space<hbm>> -> memref<160xf32, #tpu.memory_space<hbm>>
            %dma_start3A_131 = tpu.memref_slice %arg5[%mul3A_123] : memref<100000xf32, #tpu.memory_space<hbm>> -> memref<160xf32, #tpu.memory_space<hbm>>
            tpu.enqueue_dma source(%arg15 : memref<160xf32, #tpu.memory_space<vmem>>) target(%dma_start3A_131 : memref<160xf32, #tpu.memory_space<hbm>>) target_semaphore(%run_scoped3A : memref<!tpu.dma_semaphore, #tpu.memory_space<semaphore_mem>>)
            %dma_wait3A_132 = tpu.memref_slice %arg5[%mul3A_123] : memref<100000xf32, #tpu.memory_space<hbm>> -> memref<160xf32, #tpu.memory_space<hbm>>
            %dma_wait3A_133 = tpu.memref_slice %arg5[%mul3A_123] : memref<100000xf32, #tpu.memory_space<hbm>> -> memref<160xf32, #tpu.memory_space<hbm>>
            tpu.wait_dma2 semaphore(%run_scoped3A : memref<!tpu.dma_semaphore, #tpu.memory_space<semaphore_mem>>) src(%arg15 : memref<160xf32, #tpu.memory_space<vmem>>) dst(%dma_wait3A_133 : memref<160xf32, #tpu.memory_space<hbm>>)
            tpu.yield
          }) : () -> ()
          %add3A_124 = arith.constant 3 : i32
          %add3A_125 = arith.addi %add3A_71, %add3A_124 : i32
          %lt3A_126 = arith.cmpi slt, %add3A_125, %select_n3A : i32
          %convert_element_type3A_127 = arith.extui %lt3A_126 : i1 to i32
          %cond3A_128 = arith.constant 0 : i32
          %cond3A_129 = arith.cmpi ne, %convert_element_type3A_127, %cond3A_128 : i32
          scf.if %cond3A_129 {
            %add3A_130 = arith.constant 3 : i32
            %add3A_131 = arith.addi %add3A_71, %add3A_130 : i32
            %mul3A_132 = arith.constant 32 : i32
            %mul3A_133 = arith.muli %add3A_131, %mul3A_132 : i32
            %add3A_134 = arith.addi %add3A, %mul3A_133 : i32
            %mul3A_135 = arith.constant 160 : i32
            %mul3A_136 = arith.muli %add3A_134, %mul3A_135 : i32
            %dma_start3A_137 = tpu.memref_slice %arg3[%mul3A_136] : memref<100000xi32, #tpu.memory_space<hbm>> -> memref<160xi32, #tpu.memory_space<hbm>>
            %dma_start3A_138 = tpu.memref_slice %arg3[%mul3A_136] : memref<100000xi32, #tpu.memory_space<hbm>> -> memref<160xi32, #tpu.memory_space<hbm>>
            tpu.enqueue_dma source(%dma_start3A_138 : memref<160xi32, #tpu.memory_space<hbm>>) target(%arg8 : memref<160xi32, #tpu.memory_space<vmem>>) target_semaphore(%arg17 : memref<!tpu.dma_semaphore, #tpu.memory_space<semaphore_mem>>)
            %dma_start3A_139 = tpu.memref_slice %arg4[%mul3A_136] : memref<100000xi32, #tpu.memory_space<hbm>> -> memref<160xi32, #tpu.memory_space<hbm>>
            %dma_start3A_140 = tpu.memref_slice %arg4[%mul3A_136] : memref<100000xi32, #tpu.memory_space<hbm>> -> memref<160xi32, #tpu.memory_space<hbm>>
            tpu.enqueue_dma source(%dma_start3A_140 : memref<160xi32, #tpu.memory_space<hbm>>) target(%arg9 : memref<160xi32, #tpu.memory_space<vmem>>) target_semaphore(%arg17 : memref<!tpu.dma_semaphore, #tpu.memory_space<semaphore_mem>>)
          } else {
          }
        } else {
        }
      }
      %while3A_68 = arith.constant 1 : i32
      scf.for %while3A_69 = %while3A_66 to %while3A_62 step %while3A_68  : i32 {
        %mul3A_70 = arith.muli %while3A_69, %while3A : i32
        %add3A_71 = arith.addi %while3A_59, %mul3A_70 : i32
        %add3A_72 = arith.constant 1 : i32
        %add3A_73 = arith.addi %add3A_71, %add3A_72 : i32
        %lt3A = arith.cmpi slt, %add3A_73, %select_n3A : i32
        %convert_element_type3A_74 = arith.extui %lt3A : i1 to i32
        %cond3A_75 = arith.constant 0 : i32
        %cond3A_76 = arith.cmpi ne, %convert_element_type3A_74, %cond3A_75 : i32
        scf.if %cond3A_76 {
          %dma_wait3A_105 = arith.constant 0 : i32
          %dma_wait3A_106 = tpu.memref_slice %arg3[%dma_wait3A_105] : memref<100000xi32, #tpu.memory_space<hbm>> -> memref<160xi32, #tpu.memory_space<hbm>>
          %dma_wait3A_107 = arith.constant 0 : i32
          %dma_wait3A_108 = tpu.memref_slice %arg3[%dma_wait3A_107] : memref<100000xi32, #tpu.memory_space<hbm>> -> memref<160xi32, #tpu.memory_space<hbm>>
          tpu.wait_dma2 semaphore(%arg17 : memref<!tpu.dma_semaphore, #tpu.memory_space<semaphore_mem>>) src(%dma_wait3A_108 : memref<160xi32, #tpu.memory_space<hbm>>) dst(%arg8 : memref<160xi32, #tpu.memory_space<vmem>>)
          %dma_wait3A_109 = arith.constant 0 : i32
          %dma_wait3A_110 = tpu.memref_slice %arg4[%dma_wait3A_109] : memref<100000xi32, #tpu.memory_space<hbm>> -> memref<160xi32, #tpu.memory_space<hbm>>
          %dma_wait3A_111 = arith.constant 0 : i32
          %dma_wait3A_112 = tpu.memref_slice %arg4[%dma_wait3A_111] : memref<100000xi32, #tpu.memory_space<hbm>> -> memref<160xi32, #tpu.memory_space<hbm>>
          tpu.wait_dma2 semaphore(%arg17 : memref<!tpu.dma_semaphore, #tpu.memory_space<semaphore_mem>>) src(%dma_wait3A_112 : memref<160xi32, #tpu.memory_space<hbm>>) dst(%arg9 : memref<160xi32, #tpu.memory_space<vmem>>)
          %dma_start3A_113 = arith.constant 0 : i32
          %dma_start3A_114 = arith.constant 0 : i32
          %dma_start3A_115 = tpu.memref_slice %arg2[%dma_start3A_113, %dma_start3A_114] : memref<10240x128xf32, #tpu.memory_space<hbm>> -> memref<10240x128xf32, #tpu.memory_space<hbm>>
          tpu.enqueue_indirect_dma source(%dma_start3A_115 : memref<10240x128xf32, #tpu.memory_space<hbm>>) target(%arg12 : memref<160x128xf32, #tpu.memory_space<vmem>>) offsets(%arg8 : memref<160xi32, #tpu.memory_space<vmem>>) semaphore(%arg19 : memref<!tpu.dma_semaphore, #tpu.memory_space<semaphore_mem>>)
          %dma_start3A_116 = arith.constant 0 : i32
          %dma_start3A_117 = arith.constant 0 : i32
          %dma_start3A_118 = tpu.memref_slice %arg2[%dma_start3A_116, %dma_start3A_117] : memref<10240x128xf32, #tpu.memory_space<hbm>> -> memref<10240x128xf32, #tpu.memory_space<hbm>>
          tpu.enqueue_indirect_dma source(%dma_start3A_118 : memref<10240x128xf32, #tpu.memory_space<hbm>>) target(%arg13 : memref<160x128xf32, #tpu.memory_space<vmem>>) offsets(%arg9 : memref<160xi32, #tpu.memory_space<vmem>>) semaphore(%arg19 : memref<!tpu.dma_semaphore, #tpu.memory_space<semaphore_mem>>)
        } else {
        }
        %dma_wait3A_77 = arith.constant 0 : i32
        %dma_wait3A_78 = arith.constant 0 : i32
        %dma_wait3A_79 = tpu.memref_slice %arg2[%dma_wait3A_77, %dma_wait3A_78] : memref<10240x128xf32, #tpu.memory_space<hbm>> -> memref<10240x128xf32, #tpu.memory_space<hbm>>
        tpu.wait_indirect_dma semaphore(%arg18 : memref<!tpu.dma_semaphore, #tpu.memory_space<semaphore_mem>>) src(%dma_wait3A_79 : memref<10240x128xf32, #tpu.memory_space<hbm>>) dst(%arg10 : memref<160x128xf32, #tpu.memory_space<vmem>>)
        %dma_wait3A_80 = arith.constant 0 : i32
        %dma_wait3A_81 = arith.constant 0 : i32
        %dma_wait3A_82 = tpu.memref_slice %arg2[%dma_wait3A_80, %dma_wait3A_81] : memref<10240x128xf32, #tpu.memory_space<hbm>> -> memref<10240x128xf32, #tpu.memory_space<hbm>>
        tpu.wait_indirect_dma semaphore(%arg18 : memref<!tpu.dma_semaphore, #tpu.memory_space<semaphore_mem>>) src(%dma_wait3A_82 : memref<10240x128xf32, #tpu.memory_space<hbm>>) dst(%arg11 : memref<160x128xf32, #tpu.memory_space<vmem>>)
        %mul3A_83 = arith.constant 32 : i32
        %mul3A_84 = arith.muli %add3A_71, %mul3A_83 : i32
        %add3A_85 = arith.addi %add3A, %mul3A_84 : i32
        %parallel_loop3A = arith.constant 0 : i32
        %parallel_loop3A_86 = arith.constant 160 : i32
        %parallel_loop3A_87 = arith.constant 1 : i32
        scf.for %parallel_loop3A_105 = %parallel_loop3A to %parallel_loop3A_86 step %parallel_loop3A_87  : i32 {
          %parallel_loop3A_106 = arith.index_cast %parallel_loop3A_105 : i32 to index
          %parallel_loop3A_107 = arith.constant 0 : index
          %parallel_loop3A_108 = tpu.vector_load %arg10[%parallel_loop3A_106, %parallel_loop3A_107] {strides = array<i32>} : memref<160x128xf32, #tpu.memory_space<vmem>>, vector<16xf32>,
          %parallel_loop3A_109 = arith.index_cast %parallel_loop3A_105 : i32 to index
          %parallel_loop3A_110 = arith.constant 0 : index
          %parallel_loop3A_111 = tpu.vector_load %arg11[%parallel_loop3A_109, %parallel_loop3A_110] {strides = array<i32>} : memref<160x128xf32, #tpu.memory_space<vmem>>, vector<16xf32>,
          %parallel_loop3A_112 = arith.mulf %parallel_loop3A_108, %parallel_loop3A_111 : vector<16xf32>
          %parallel_loop3A_113 = arith.index_cast %parallel_loop3A_105 : i32 to index
          %parallel_loop3A_114 = arith.constant 16 : index
          %parallel_loop3A_115 = tpu.vector_load %arg10[%parallel_loop3A_113, %parallel_loop3A_114] {strides = array<i32>} : memref<160x128xf32, #tpu.memory_space<vmem>>, vector<16xf32>,
          %parallel_loop3A_116 = arith.index_cast %parallel_loop3A_105 : i32 to index
          %parallel_loop3A_117 = arith.constant 16 : index
          %parallel_loop3A_118 = tpu.vector_load %arg11[%parallel_loop3A_116, %parallel_loop3A_117] {strides = array<i32>} : memref<160x128xf32, #tpu.memory_space<vmem>>, vector<16xf32>,
          %parallel_loop3A_119 = arith.mulf %parallel_loop3A_115, %parallel_loop3A_118 : vector<16xf32>
          %parallel_loop3A_120 = arith.addf %parallel_loop3A_112, %parallel_loop3A_119 : vector<16xf32>
          %parallel_loop3A_121 = arith.index_cast %parallel_loop3A_105 : i32 to index
          %parallel_loop3A_122 = arith.constant 32 : index
          %parallel_loop3A_123 = tpu.vector_load %arg10[%parallel_loop3A_121, %parallel_loop3A_122] {strides = array<i32>} : memref<160x128xf32, #tpu.memory_space<vmem>>, vector<16xf32>,
          %parallel_loop3A_124 = arith.index_cast %parallel_loop3A_105 : i32 to index
          %parallel_loop3A_125 = arith.constant 32 : index
          %parallel_loop3A_126 = tpu.vector_load %arg11[%parallel_loop3A_124, %parallel_loop3A_125] {strides = array<i32>} : memref<160x128xf32, #tpu.memory_space<vmem>>, vector<16xf32>,
          %parallel_loop3A_127 = arith.mulf %parallel_loop3A_123, %parallel_loop3A_126 : vector<16xf32>
          %parallel_loop3A_128 = arith.addf %parallel_loop3A_120, %parallel_loop3A_127 : vector<16xf32>
          %parallel_loop3A_129 = arith.index_cast %parallel_loop3A_105 : i32 to index
          %parallel_loop3A_130 = arith.constant 48 : index
          %parallel_loop3A_131 = tpu.vector_load %arg10[%parallel_loop3A_129, %parallel_loop3A_130] {strides = array<i32>} : memref<160x128xf32, #tpu.memory_space<vmem>>, vector<16xf32>,
          %parallel_loop3A_132 = arith.index_cast %parallel_loop3A_105 : i32 to index
          %parallel_loop3A_133 = arith.constant 48 : index
          %parallel_loop3A_134 = tpu.vector_load %arg11[%parallel_loop3A_132, %parallel_loop3A_133] {strides = array<i32>} : memref<160x128xf32, #tpu.memory_space<vmem>>, vector<16xf32>,
          %parallel_loop3A_135 = arith.mulf %parallel_loop3A_131, %parallel_loop3A_134 : vector<16xf32>
          %parallel_loop3A_136 = arith.addf %parallel_loop3A_128, %parallel_loop3A_135 : vector<16xf32>
          %parallel_loop3A_137 = arith.index_cast %parallel_loop3A_105 : i32 to index
          %parallel_loop3A_138 = arith.constant 64 : index
          %parallel_loop3A_139 = tpu.vector_load %arg10[%parallel_loop3A_137, %parallel_loop3A_138] {strides = array<i32>} : memref<160x128xf32, #tpu.memory_space<vmem>>, vector<16xf32>,
          %parallel_loop3A_140 = arith.index_cast %parallel_loop3A_105 : i32 to index
          %parallel_loop3A_141 = arith.constant 64 : index
          %parallel_loop3A_142 = tpu.vector_load %arg11[%parallel_loop3A_140, %parallel_loop3A_141] {strides = array<i32>} : memref<160x128xf32, #tpu.memory_space<vmem>>, vector<16xf32>,
          %parallel_loop3A_143 = arith.mulf %parallel_loop3A_139, %parallel_loop3A_142 : vector<16xf32>
          %parallel_loop3A_144 = arith.addf %parallel_loop3A_136, %parallel_loop3A_143 : vector<16xf32>
          %parallel_loop3A_145 = arith.index_cast %parallel_loop3A_105 : i32 to index
          %parallel_loop3A_146 = arith.constant 80 : index
          %parallel_loop3A_147 = tpu.vector_load %arg10[%parallel_loop3A_145, %parallel_loop3A_146] {strides = array<i32>} : memref<160x128xf32, #tpu.memory_space<vmem>>, vector<16xf32>,
          %parallel_loop3A_148 = arith.index_cast %parallel_loop3A_105 : i32 to index
          %parallel_loop3A_149 = arith.constant 80 : index
          %parallel_loop3A_150 = tpu.vector_load %arg11[%parallel_loop3A_148, %parallel_loop3A_149] {strides = array<i32>} : memref<160x128xf32, #tpu.memory_space<vmem>>, vector<16xf32>,
          %parallel_loop3A_151 = arith.mulf %parallel_loop3A_147, %parallel_loop3A_150 : vector<16xf32>
          %parallel_loop3A_152 = arith.addf %parallel_loop3A_144, %parallel_loop3A_151 : vector<16xf32>
          %parallel_loop3A_153 = arith.index_cast %parallel_loop3A_105 : i32 to index
          %parallel_loop3A_154 = arith.constant 96 : index
          %parallel_loop3A_155 = tpu.vector_load %arg10[%parallel_loop3A_153, %parallel_loop3A_154] {strides = array<i32>} : memref<160x128xf32, #tpu.memory_space<vmem>>, vector<16xf32>,
          %parallel_loop3A_156 = arith.index_cast %parallel_loop3A_105 : i32 to index
          %parallel_loop3A_157 = arith.constant 96 : index
          %parallel_loop3A_158 = tpu.vector_load %arg11[%parallel_loop3A_156, %parallel_loop3A_157] {strides = array<i32>} : memref<160x128xf32, #tpu.memory_space<vmem>>, vector<16xf32>,
          %parallel_loop3A_159 = arith.mulf %parallel_loop3A_155, %parallel_loop3A_158 : vector<16xf32>
          %parallel_loop3A_160 = arith.addf %parallel_loop3A_152, %parallel_loop3A_159 : vector<16xf32>
          %parallel_loop3A_161 = arith.index_cast %parallel_loop3A_105 : i32 to index
          %parallel_loop3A_162 = arith.constant 112 : index
          %parallel_loop3A_163 = tpu.vector_load %arg10[%parallel_loop3A_161, %parallel_loop3A_162] {strides = array<i32>} : memref<160x128xf32, #tpu.memory_space<vmem>>, vector<16xf32>,
          %parallel_loop3A_164 = arith.index_cast %parallel_loop3A_105 : i32 to index
          %parallel_loop3A_165 = arith.constant 112 : index
          %parallel_loop3A_166 = tpu.vector_load %arg11[%parallel_loop3A_164, %parallel_loop3A_165] {strides = array<i32>} : memref<160x128xf32, #tpu.memory_space<vmem>>, vector<16xf32>,
          %parallel_loop3A_167 = arith.mulf %parallel_loop3A_163, %parallel_loop3A_166 : vector<16xf32>
          %parallel_loop3A_168 = arith.addf %parallel_loop3A_160, %parallel_loop3A_167 : vector<16xf32>
          %parallel_loop3A_169 = arith.constant true
          %parallel_loop3A_170 = vector.broadcast %parallel_loop3A_169 : i1 to vector<16xi1>
          %parallel_loop3A_171 = tpu.scan <sum>, %parallel_loop3A_168 masked %parallel_loop3A_170 : vector<16xf32>, vector<16xi1> -> vector<16xf32>
          %parallel_loop3A_172 = arith.index_cast %parallel_loop3A_105 : i32 to index
          %parallel_loop3A_173 = arith.constant 0 : index
          %parallel_loop3A_174 = tpu.vector_load %arg14[%parallel_loop3A_172, %parallel_loop3A_173] {strides = array<i32>} : memref<160x16xf32, #tpu.memory_space<vmem>>, vector<16xf32>,
          tpu.vector_store %arg14[%parallel_loop3A_172, %parallel_loop3A_173], %parallel_loop3A_171 {strides = array<i32>} : memref<160x16xf32, #tpu.memory_space<vmem>>, vector<16xf32>,
        } {sc.loop_unroll_factor = 4 : i64, sc.parallel_access}
        %parallel_loop3A_88 = arith.constant 0 : i32
        %parallel_loop3A_89 = arith.constant 160 : i32
        %parallel_loop3A_90 = arith.constant 16 : i32
        scf.for %parallel_loop3A_105 = %parallel_loop3A_88 to %parallel_loop3A_89 step %parallel_loop3A_90  : i32 {
          %parallel_loop3A_106 = tpu.iota {dimensions = array<i32: 0>} : vector<16xi32>
          %parallel_loop3A_107 = vector.broadcast %parallel_loop3A_105 : i32 to vector<16xi32>
          %parallel_loop3A_108 = arith.addi %parallel_loop3A_107, %parallel_loop3A_106 : vector<16xi32>
          %parallel_loop3A_109 = tpu.vector_load_idx %arg14[%parallel_loop3A_108, %broadcast_in_dim3A_23] : memref<160x16xf32, #tpu.memory_space<vmem>>[vector<16xi32>, vector<16xi32>], vector<16xf32>,
          %parallel_loop3A_110 = arith.constant 0.000000e+00 : f32
          %parallel_loop3A_111 = vector.broadcast %parallel_loop3A_110 : f32 to vector<16xf32>
          %parallel_loop3A_112 = arith.subf %parallel_loop3A_111, %parallel_loop3A_109 : vector<16xf32>
          %parallel_loop3A_113 = math.exp %parallel_loop3A_112 : vector<16xf32>
          %parallel_loop3A_114 = arith.constant 1.000000e+00 : f32
          %parallel_loop3A_115 = vector.broadcast %parallel_loop3A_114 : f32 to vector<16xf32>
          %parallel_loop3A_116 = arith.addf %parallel_loop3A_115, %parallel_loop3A_113 : vector<16xf32>
          %parallel_loop3A_117 = arith.constant 1.000000e+00 : f32
          %parallel_loop3A_118 = vector.broadcast %parallel_loop3A_117 : f32 to vector<16xf32>
          %parallel_loop3A_119 = arith.divf %parallel_loop3A_118, %parallel_loop3A_116 : vector<16xf32>
          %parallel_loop3A_120 = arith.index_cast %parallel_loop3A_105 : i32 to index
          %parallel_loop3A_121 = tpu.vector_load %arg15[%parallel_loop3A_120] {strides = array<i32>} : memref<160xf32, #tpu.memory_space<vmem>>, vector<16xf32>,
          tpu.vector_store %arg15[%parallel_loop3A_120], %parallel_loop3A_119 {strides = array<i32>} : memref<160xf32, #tpu.memory_space<vmem>>, vector<16xf32>,
        } {sc.loop_unroll_factor = 2 : i64, sc.parallel_access}
        %mul3A_91 = arith.constant 160 : i32
        %mul3A_92 = arith.muli %add3A_85, %mul3A_91 : i32
        "tpu.region"() ({
          %run_scoped3A = tpu.sem_alloc : memref<!tpu.dma_semaphore, #tpu.memory_space<semaphore_mem>>
          %dma_start3A_105 = tpu.memref_slice %arg5[%mul3A_92] : memref<100000xf32, #tpu.memory_space<hbm>> -> memref<160xf32, #tpu.memory_space<hbm>>
          %dma_start3A_106 = tpu.memref_slice %arg5[%mul3A_92] : memref<100000xf32, #tpu.memory_space<hbm>> -> memref<160xf32, #tpu.memory_space<hbm>>
          tpu.enqueue_dma source(%arg15 : memref<160xf32, #tpu.memory_space<vmem>>) target(%dma_start3A_106 : memref<160xf32, #tpu.memory_space<hbm>>) target_semaphore(%run_scoped3A : memref<!tpu.dma_semaphore, #tpu.memory_space<semaphore_mem>>)
          %dma_wait3A_107 = tpu.memref_slice %arg5[%mul3A_92] : memref<100000xf32, #tpu.memory_space<hbm>> -> memref<160xf32, #tpu.memory_space<hbm>>
          %dma_wait3A_108 = tpu.memref_slice %arg5[%mul3A_92] : memref<100000xf32, #tpu.memory_space<hbm>> -> memref<160xf32, #tpu.memory_space<hbm>>
          tpu.wait_dma2 semaphore(%run_scoped3A : memref<!tpu.dma_semaphore, #tpu.memory_space<semaphore_mem>>) src(%arg15 : memref<160xf32, #tpu.memory_space<vmem>>) dst(%dma_wait3A_108 : memref<160xf32, #tpu.memory_space<hbm>>)
          tpu.yield
        }) : () -> ()
        %add3A_93 = arith.constant 2 : i32
        %add3A_94 = arith.addi %add3A_71, %add3A_93 : i32
        %lt3A_95 = arith.cmpi slt, %add3A_94, %select_n3A : i32
        %convert_element_type3A_96 = arith.extui %lt3A_95 : i1 to i32
        %cond3A_97 = arith.constant 0 : i32
        %cond3A_98 = arith.cmpi ne, %convert_element_type3A_96, %cond3A_97 : i32
        scf.if %cond3A_98 {
          %add3A_105 = arith.constant 2 : i32
          %add3A_106 = arith.addi %add3A_71, %add3A_105 : i32
          %mul3A_107 = arith.constant 32 : i32
          %mul3A_108 = arith.muli %add3A_106, %mul3A_107 : i32
          %add3A_109 = arith.addi %add3A, %mul3A_108 : i32
          %mul3A_110 = arith.constant 160 : i32
          %mul3A_111 = arith.muli %add3A_109, %mul3A_110 : i32
          %dma_start3A_112 = tpu.memref_slice %arg3[%mul3A_111] : memref<100000xi32, #tpu.memory_space<hbm>> -> memref<160xi32, #tpu.memory_space<hbm>>
          %dma_start3A_113 = tpu.memref_slice %arg3[%mul3A_111] : memref<100000xi32, #tpu.memory_space<hbm>> -> memref<160xi32, #tpu.memory_space<hbm>>
          tpu.enqueue_dma source(%dma_start3A_113 : memref<160xi32, #tpu.memory_space<hbm>>) target(%arg6 : memref<160xi32, #tpu.memory_space<vmem>>) target_semaphore(%arg16 : memref<!tpu.dma_semaphore, #tpu.memory_space<semaphore_mem>>)
          %dma_start3A_114 = tpu.memref_slice %arg4[%mul3A_111] : memref<100000xi32, #tpu.memory_space<hbm>> -> memref<160xi32, #tpu.memory_space<hbm>>
          %dma_start3A_115 = tpu.memref_slice %arg4[%mul3A_111] : memref<100000xi32, #tpu.memory_space<hbm>> -> memref<160xi32, #tpu.memory_space<hbm>>
          tpu.enqueue_dma source(%dma_start3A_115 : memref<160xi32, #tpu.memory_space<hbm>>) target(%arg7 : memref<160xi32, #tpu.memory_space<vmem>>) target_semaphore(%arg16 : memref<!tpu.dma_semaphore, #tpu.memory_space<semaphore_mem>>)
          %dma_wait3A_116 = arith.constant 0 : i32
          %dma_wait3A_117 = tpu.memref_slice %arg3[%dma_wait3A_116] : memref<100000xi32, #tpu.memory_space<hbm>> -> memref<160xi32, #tpu.memory_space<hbm>>
          %dma_wait3A_118 = arith.constant 0 : i32
          %dma_wait3A_119 = tpu.memref_slice %arg3[%dma_wait3A_118] : memref<100000xi32, #tpu.memory_space<hbm>> -> memref<160xi32, #tpu.memory_space<hbm>>
          tpu.wait_dma2 semaphore(%arg16 : memref<!tpu.dma_semaphore, #tpu.memory_space<semaphore_mem>>) src(%dma_wait3A_119 : memref<160xi32, #tpu.memory_space<hbm>>) dst(%arg6 : memref<160xi32, #tpu.memory_space<vmem>>)
          %dma_wait3A_120 = arith.constant 0 : i32
          %dma_wait3A_121 = tpu.memref_slice %arg4[%dma_wait3A_120] : memref<100000xi32, #tpu.memory_space<hbm>> -> memref<160xi32, #tpu.memory_space<hbm>>
          %dma_wait3A_122 = arith.constant 0 : i32
          %dma_wait3A_123 = tpu.memref_slice %arg4[%dma_wait3A_122] : memref<100000xi32, #tpu.memory_space<hbm>> -> memref<160xi32, #tpu.memory_space<hbm>>
          tpu.wait_dma2 semaphore(%arg16 : memref<!tpu.dma_semaphore, #tpu.memory_space<semaphore_mem>>) src(%dma_wait3A_123 : memref<160xi32, #tpu.memory_space<hbm>>) dst(%arg7 : memref<160xi32, #tpu.memory_space<vmem>>)
          %dma_start3A_124 = arith.constant 0 : i32
          %dma_start3A_125 = arith.constant 0 : i32
          %dma_start3A_126 = tpu.memref_slice %arg2[%dma_start3A_124, %dma_start3A_125] : memref<10240x128xf32, #tpu.memory_space<hbm>> -> memref<10240x128xf32, #tpu.memory_space<hbm>>
          tpu.enqueue_indirect_dma source(%dma_start3A_126 : memref<10240x128xf32, #tpu.memory_space<hbm>>) target(%arg10 : memref<160x128xf32, #tpu.memory_space<vmem>>) offsets(%arg6 : memref<160xi32, #tpu.memory_space<vmem>>) semaphore(%arg18 : memref<!tpu.dma_semaphore, #tpu.memory_space<semaphore_mem>>)
          %dma_start3A_127 = arith.constant 0 : i32
          %dma_start3A_128 = arith.constant 0 : i32
          %dma_start3A_129 = tpu.memref_slice %arg2[%dma_start3A_127, %dma_start3A_128] : memref<10240x128xf32, #tpu.memory_space<hbm>> -> memref<10240x128xf32, #tpu.memory_space<hbm>>
          tpu.enqueue_indirect_dma source(%dma_start3A_129 : memref<10240x128xf32, #tpu.memory_space<hbm>>) target(%arg11 : memref<160x128xf32, #tpu.memory_space<vmem>>) offsets(%arg7 : memref<160xi32, #tpu.memory_space<vmem>>) semaphore(%arg18 : memref<!tpu.dma_semaphore, #tpu.memory_space<semaphore_mem>>)
        } else {
        }
        %add3A_99 = arith.constant 1 : i32
        %add3A_100 = arith.addi %add3A_71, %add3A_99 : i32
        %lt3A_101 = arith.cmpi slt, %add3A_100, %select_n3A : i32
        %convert_element_type3A_102 = arith.extui %lt3A_101 : i1 to i32
        %cond3A_103 = arith.constant 0 : i32
        %cond3A_104 = arith.cmpi ne, %convert_element_type3A_102, %cond3A_103 : i32
        scf.if %cond3A_104 {
          %dma_wait3A_105 = arith.constant 0 : i32
          %dma_wait3A_106 = arith.constant 0 : i32
          %dma_wait3A_107 = tpu.memref_slice %arg2[%dma_wait3A_105, %dma_wait3A_106] : memref<10240x128xf32, #tpu.memory_space<hbm>> -> memref<10240x128xf32, #tpu.memory_space<hbm>>
          tpu.wait_indirect_dma semaphore(%arg19 : memref<!tpu.dma_semaphore, #tpu.memory_space<semaphore_mem>>) src(%dma_wait3A_107 : memref<10240x128xf32, #tpu.memory_space<hbm>>) dst(%arg12 : memref<160x128xf32, #tpu.memory_space<vmem>>)
          %dma_wait3A_108 = arith.constant 0 : i32
          %dma_wait3A_109 = arith.constant 0 : i32
          %dma_wait3A_110 = tpu.memref_slice %arg2[%dma_wait3A_108, %dma_wait3A_109] : memref<10240x128xf32, #tpu.memory_space<hbm>> -> memref<10240x128xf32, #tpu.memory_space<hbm>>
          tpu.wait_indirect_dma semaphore(%arg19 : memref<!tpu.dma_semaphore, #tpu.memory_space<semaphore_mem>>) src(%dma_wait3A_110 : memref<10240x128xf32, #tpu.memory_space<hbm>>) dst(%arg13 : memref<160x128xf32, #tpu.memory_space<vmem>>)
          %add3A_111 = arith.constant 1 : i32
          %add3A_112 = arith.addi %add3A_71, %add3A_111 : i32
          %mul3A_113 = arith.constant 32 : i32
          %mul3A_114 = arith.muli %add3A_112, %mul3A_113 : i32
          %add3A_115 = arith.addi %add3A, %mul3A_114 : i32
          %parallel_loop3A_116 = arith.constant 0 : i32
          %parallel_loop3A_117 = arith.constant 160 : i32
          %parallel_loop3A_118 = arith.constant 1 : i32
          scf.for %parallel_loop3A_130 = %parallel_loop3A_116 to %parallel_loop3A_117 step %parallel_loop3A_118  : i32 {
            %parallel_loop3A_131 = arith.index_cast %parallel_loop3A_130 : i32 to index
            %parallel_loop3A_132 = arith.constant 0 : index
            %parallel_loop3A_133 = tpu.vector_load %arg12[%parallel_loop3A_131, %parallel_loop3A_132] {strides = array<i32>} : memref<160x128xf32, #tpu.memory_space<vmem>>, vector<16xf32>,
            %parallel_loop3A_134 = arith.index_cast %parallel_loop3A_130 : i32 to index
            %parallel_loop3A_135 = arith.constant 0 : index
            %parallel_loop3A_136 = tpu.vector_load %arg13[%parallel_loop3A_134, %parallel_loop3A_135] {strides = array<i32>} : memref<160x128xf32, #tpu.memory_space<vmem>>, vector<16xf32>,
            %parallel_loop3A_137 = arith.mulf %parallel_loop3A_133, %parallel_loop3A_136 : vector<16xf32>
            %parallel_loop3A_138 = arith.index_cast %parallel_loop3A_130 : i32 to index
            %parallel_loop3A_139 = arith.constant 16 : index
            %parallel_loop3A_140 = tpu.vector_load %arg12[%parallel_loop3A_138, %parallel_loop3A_139] {strides = array<i32>} : memref<160x128xf32, #tpu.memory_space<vmem>>, vector<16xf32>,
            %parallel_loop3A_141 = arith.index_cast %parallel_loop3A_130 : i32 to index
            %parallel_loop3A_142 = arith.constant 16 : index
            %parallel_loop3A_143 = tpu.vector_load %arg13[%parallel_loop3A_141, %parallel_loop3A_142] {strides = array<i32>} : memref<160x128xf32, #tpu.memory_space<vmem>>, vector<16xf32>,
            %parallel_loop3A_144 = arith.mulf %parallel_loop3A_140, %parallel_loop3A_143 : vector<16xf32>
            %parallel_loop3A_145 = arith.addf %parallel_loop3A_137, %parallel_loop3A_144 : vector<16xf32>
            %parallel_loop3A_146 = arith.index_cast %parallel_loop3A_130 : i32 to index
            %parallel_loop3A_147 = arith.constant 32 : index
            %parallel_loop3A_148 = tpu.vector_load %arg12[%parallel_loop3A_146, %parallel_loop3A_147] {strides = array<i32>} : memref<160x128xf32, #tpu.memory_space<vmem>>, vector<16xf32>,
            %parallel_loop3A_149 = arith.index_cast %parallel_loop3A_130 : i32 to index
            %parallel_loop3A_150 = arith.constant 32 : index
            %parallel_loop3A_151 = tpu.vector_load %arg13[%parallel_loop3A_149, %parallel_loop3A_150] {strides = array<i32>} : memref<160x128xf32, #tpu.memory_space<vmem>>, vector<16xf32>,
            %parallel_loop3A_152 = arith.mulf %parallel_loop3A_148, %parallel_loop3A_151 : vector<16xf32>
            %parallel_loop3A_153 = arith.addf %parallel_loop3A_145, %parallel_loop3A_152 : vector<16xf32>
            %parallel_loop3A_154 = arith.index_cast %parallel_loop3A_130 : i32 to index
            %parallel_loop3A_155 = arith.constant 48 : index
            %parallel_loop3A_156 = tpu.vector_load %arg12[%parallel_loop3A_154, %parallel_loop3A_155] {strides = array<i32>} : memref<160x128xf32, #tpu.memory_space<vmem>>, vector<16xf32>,
            %parallel_loop3A_157 = arith.index_cast %parallel_loop3A_130 : i32 to index
            %parallel_loop3A_158 = arith.constant 48 : index
            %parallel_loop3A_159 = tpu.vector_load %arg13[%parallel_loop3A_157, %parallel_loop3A_158] {strides = array<i32>} : memref<160x128xf32, #tpu.memory_space<vmem>>, vector<16xf32>,
            %parallel_loop3A_160 = arith.mulf %parallel_loop3A_156, %parallel_loop3A_159 : vector<16xf32>
            %parallel_loop3A_161 = arith.addf %parallel_loop3A_153, %parallel_loop3A_160 : vector<16xf32>
            %parallel_loop3A_162 = arith.index_cast %parallel_loop3A_130 : i32 to index
            %parallel_loop3A_163 = arith.constant 64 : index
            %parallel_loop3A_164 = tpu.vector_load %arg12[%parallel_loop3A_162, %parallel_loop3A_163] {strides = array<i32>} : memref<160x128xf32, #tpu.memory_space<vmem>>, vector<16xf32>,
            %parallel_loop3A_165 = arith.index_cast %parallel_loop3A_130 : i32 to index
            %parallel_loop3A_166 = arith.constant 64 : index
            %parallel_loop3A_167 = tpu.vector_load %arg13[%parallel_loop3A_165, %parallel_loop3A_166] {strides = array<i32>} : memref<160x128xf32, #tpu.memory_space<vmem>>, vector<16xf32>,
            %parallel_loop3A_168 = arith.mulf %parallel_loop3A_164, %parallel_loop3A_167 : vector<16xf32>
            %parallel_loop3A_169 = arith.addf %parallel_loop3A_161, %parallel_loop3A_168 : vector<16xf32>
            %parallel_loop3A_170 = arith.index_cast %parallel_loop3A_130 : i32 to index
            %parallel_loop3A_171 = arith.constant 80 : index
            %parallel_loop3A_172 = tpu.vector_load %arg12[%parallel_loop3A_170, %parallel_loop3A_171] {strides = array<i32>} : memref<160x128xf32, #tpu.memory_space<vmem>>, vector<16xf32>,
            %parallel_loop3A_173 = arith.index_cast %parallel_loop3A_130 : i32 to index
            %parallel_loop3A_174 = arith.constant 80 : index
            %parallel_loop3A_175 = tpu.vector_load %arg13[%parallel_loop3A_173, %parallel_loop3A_174] {strides = array<i32>} : memref<160x128xf32, #tpu.memory_space<vmem>>, vector<16xf32>,
            %parallel_loop3A_176 = arith.mulf %parallel_loop3A_172, %parallel_loop3A_175 : vector<16xf32>
            %parallel_loop3A_177 = arith.addf %parallel_loop3A_169, %parallel_loop3A_176 : vector<16xf32>
            %parallel_loop3A_178 = arith.index_cast %parallel_loop3A_130 : i32 to index
            %parallel_loop3A_179 = arith.constant 96 : index
            %parallel_loop3A_180 = tpu.vector_load %arg12[%parallel_loop3A_178, %parallel_loop3A_179] {strides = array<i32>} : memref<160x128xf32, #tpu.memory_space<vmem>>, vector<16xf32>,
            %parallel_loop3A_181 = arith.index_cast %parallel_loop3A_130 : i32 to index
            %parallel_loop3A_182 = arith.constant 96 : index
            %parallel_loop3A_183 = tpu.vector_load %arg13[%parallel_loop3A_181, %parallel_loop3A_182] {strides = array<i32>} : memref<160x128xf32, #tpu.memory_space<vmem>>, vector<16xf32>,
            %parallel_loop3A_184 = arith.mulf %parallel_loop3A_180, %parallel_loop3A_183 : vector<16xf32>
            %parallel_loop3A_185 = arith.addf %parallel_loop3A_177, %parallel_loop3A_184 : vector<16xf32>
            %parallel_loop3A_186 = arith.index_cast %parallel_loop3A_130 : i32 to index
            %parallel_loop3A_187 = arith.constant 112 : index
            %parallel_loop3A_188 = tpu.vector_load %arg12[%parallel_loop3A_186, %parallel_loop3A_187] {strides = array<i32>} : memref<160x128xf32, #tpu.memory_space<vmem>>, vector<16xf32>,
            %parallel_loop3A_189 = arith.index_cast %parallel_loop3A_130 : i32 to index
            %parallel_loop3A_190 = arith.constant 112 : index
            %parallel_loop3A_191 = tpu.vector_load %arg13[%parallel_loop3A_189, %parallel_loop3A_190] {strides = array<i32>} : memref<160x128xf32, #tpu.memory_space<vmem>>, vector<16xf32>,
            %parallel_loop3A_192 = arith.mulf %parallel_loop3A_188, %parallel_loop3A_191 : vector<16xf32>
            %parallel_loop3A_193 = arith.addf %parallel_loop3A_185, %parallel_loop3A_192 : vector<16xf32>
            %parallel_loop3A_194 = arith.constant true
            %parallel_loop3A_195 = vector.broadcast %parallel_loop3A_194 : i1 to vector<16xi1>
            %parallel_loop3A_196 = tpu.scan <sum>, %parallel_loop3A_193 masked %parallel_loop3A_195 : vector<16xf32>, vector<16xi1> -> vector<16xf32>
            %parallel_loop3A_197 = arith.index_cast %parallel_loop3A_130 : i32 to index
            %parallel_loop3A_198 = arith.constant 0 : index
            %parallel_loop3A_199 = tpu.vector_load %arg14[%parallel_loop3A_197, %parallel_loop3A_198] {strides = array<i32>} : memref<160x16xf32, #tpu.memory_space<vmem>>, vector<16xf32>,
            tpu.vector_store %arg14[%parallel_loop3A_197, %parallel_loop3A_198], %parallel_loop3A_196 {strides = array<i32>} : memref<160x16xf32, #tpu.memory_space<vmem>>, vector<16xf32>,
          } {sc.loop_unroll_factor = 4 : i64, sc.parallel_access}
          %parallel_loop3A_119 = arith.constant 0 : i32
          %parallel_loop3A_120 = arith.constant 160 : i32
          %parallel_loop3A_121 = arith.constant 16 : i32
          scf.for %parallel_loop3A_130 = %parallel_loop3A_119 to %parallel_loop3A_120 step %parallel_loop3A_121  : i32 {
            %parallel_loop3A_131 = tpu.iota {dimensions = array<i32: 0>} : vector<16xi32>
            %parallel_loop3A_132 = vector.broadcast %parallel_loop3A_130 : i32 to vector<16xi32>
            %parallel_loop3A_133 = arith.addi %parallel_loop3A_132, %parallel_loop3A_131 : vector<16xi32>
            %parallel_loop3A_134 = tpu.vector_load_idx %arg14[%parallel_loop3A_133, %broadcast_in_dim3A_23] : memref<160x16xf32, #tpu.memory_space<vmem>>[vector<16xi32>, vector<16xi32>], vector<16xf32>,
            %parallel_loop3A_135 = arith.constant 0.000000e+00 : f32
            %parallel_loop3A_136 = vector.broadcast %parallel_loop3A_135 : f32 to vector<16xf32>
            %parallel_loop3A_137 = arith.subf %parallel_loop3A_136, %parallel_loop3A_134 : vector<16xf32>
            %parallel_loop3A_138 = math.exp %parallel_loop3A_137 : vector<16xf32>
            %parallel_loop3A_139 = arith.constant 1.000000e+00 : f32
            %parallel_loop3A_140 = vector.broadcast %parallel_loop3A_139 : f32 to vector<16xf32>
            %parallel_loop3A_141 = arith.addf %parallel_loop3A_140, %parallel_loop3A_138 : vector<16xf32>
            %parallel_loop3A_142 = arith.constant 1.000000e+00 : f32
            %parallel_loop3A_143 = vector.broadcast %parallel_loop3A_142 : f32 to vector<16xf32>
            %parallel_loop3A_144 = arith.divf %parallel_loop3A_143, %parallel_loop3A_141 : vector<16xf32>
            %parallel_loop3A_145 = arith.index_cast %parallel_loop3A_130 : i32 to index
            %parallel_loop3A_146 = tpu.vector_load %arg15[%parallel_loop3A_145] {strides = array<i32>} : memref<160xf32, #tpu.memory_space<vmem>>, vector<16xf32>,
            tpu.vector_store %arg15[%parallel_loop3A_145], %parallel_loop3A_144 {strides = array<i32>} : memref<160xf32, #tpu.memory_space<vmem>>, vector<16xf32>,
          } {sc.loop_unroll_factor = 2 : i64, sc.parallel_access}
          %mul3A_122 = arith.constant 160 : i32
          %mul3A_123 = arith.muli %add3A_115, %mul3A_122 : i32
          "tpu.region"() ({
            %run_scoped3A = tpu.sem_alloc : memref<!tpu.dma_semaphore, #tpu.memory_space<semaphore_mem>>
            %dma_start3A_130 = tpu.memref_slice %arg5[%mul3A_123] : memref<100000xf32, #tpu.memory_space<hbm>> -> memref<160xf32, #tpu.memory_space<hbm>>
            %dma_start3A_131 = tpu.memref_slice %arg5[%mul3A_123] : memref<100000xf32, #tpu.memory_space<hbm>> -> memref<160xf32, #tpu.memory_space<hbm>>
            tpu.enqueue_dma source(%arg15 : memref<160xf32, #tpu.memory_space<vmem>>) target(%dma_start3A_131 : memref<160xf32, #tpu.memory_space<hbm>>) target_semaphore(%run_scoped3A : memref<!tpu.dma_semaphore, #tpu.memory_space<semaphore_mem>>)
            %dma_wait3A_132 = tpu.memref_slice %arg5[%mul3A_123] : memref<100000xf32, #tpu.memory_space<hbm>> -> memref<160xf32, #tpu.memory_space<hbm>>
            %dma_wait3A_133 = tpu.memref_slice %arg5[%mul3A_123] : memref<100000xf32, #tpu.memory_space<hbm>> -> memref<160xf32, #tpu.memory_space<hbm>>
            tpu.wait_dma2 semaphore(%run_scoped3A : memref<!tpu.dma_semaphore, #tpu.memory_space<semaphore_mem>>) src(%arg15 : memref<160xf32, #tpu.memory_space<vmem>>) dst(%dma_wait3A_133 : memref<160xf32, #tpu.memory_space<hbm>>)
            tpu.yield
          }) : () -> ()
          %add3A_124 = arith.constant 3 : i32
          %add3A_125 = arith.addi %add3A_71, %add3A_124 : i32
          %lt3A_126 = arith.cmpi slt, %add3A_125, %select_n3A : i32
          %convert_element_type3A_127 = arith.extui %lt3A_126 : i1 to i32
          %cond3A_128 = arith.constant 0 : i32
          %cond3A_129 = arith.cmpi ne, %convert_element_type3A_127, %cond3A_128 : i32
          scf.if %cond3A_129 {
            %add3A_130 = arith.constant 3 : i32
            %add3A_131 = arith.addi %add3A_71, %add3A_130 : i32
            %mul3A_132 = arith.constant 32 : i32
            %mul3A_133 = arith.muli %add3A_131, %mul3A_132 : i32
            %add3A_134 = arith.addi %add3A, %mul3A_133 : i32
            %mul3A_135 = arith.constant 160 : i32
            %mul3A_136 = arith.muli %add3A_134, %mul3A_135 : i32
            %dma_start3A_137 = tpu.memref_slice %arg3[%mul3A_136] : memref<100000xi32, #tpu.memory_space<hbm>> -> memref<160xi32, #tpu.memory_space<hbm>>
            %dma_start3A_138 = tpu.memref_slice %arg3[%mul3A_136] : memref<100000xi32, #tpu.memory_space<hbm>> -> memref<160xi32, #tpu.memory_space<hbm>>
            tpu.enqueue_dma source(%dma_start3A_138 : memref<160xi32, #tpu.memory_space<hbm>>) target(%arg8 : memref<160xi32, #tpu.memory_space<vmem>>) target_semaphore(%arg17 : memref<!tpu.dma_semaphore, #tpu.memory_space<semaphore_mem>>)
            %dma_start3A_139 = tpu.memref_slice %arg4[%mul3A_136] : memref<100000xi32, #tpu.memory_space<hbm>> -> memref<160xi32, #tpu.memory_space<hbm>>
            %dma_start3A_140 = tpu.memref_slice %arg4[%mul3A_136] : memref<100000xi32, #tpu.memory_space<hbm>> -> memref<160xi32, #tpu.memory_space<hbm>>
            tpu.enqueue_dma source(%dma_start3A_140 : memref<160xi32, #tpu.memory_space<hbm>>) target(%arg9 : memref<160xi32, #tpu.memory_space<vmem>>) target_semaphore(%arg17 : memref<!tpu.dma_semaphore, #tpu.memory_space<semaphore_mem>>)
          } else {
          }
        } else {
        }
      }
    } else {
    }
    return
  }
}

module attributes {stable_mosaic.version = 14 : i64} {
  func.func @body(%arg0: i32, %arg1: memref<2x1x2048xf32, #tpu.memory_space<vmem>>, %arg2: memref<2x1x2048xf32, #tpu.memory_space<vmem>>, %arg3: memref<2048x128xf32, #tpu.memory_space<vmem>>, %arg4: memref<2048x128xf32, #tpu.memory_space<vmem>>, %arg5: memref<10240xf32, #tpu.memory_space<vmem>>, %arg6: memref<10240xf32, #tpu.memory_space<vmem>>) attributes {dimension_semantics = [#tpu.dimension_semantics<arbitrary>], iteration_bounds = array<i64: 5>, scalar_prefetch = 0 : i64, scratch_operands = 0 : i64, tpu.core_type = #tpu.core_type<tc>, window_params = [{transform_indices = @transform_0, window_bounds = array<i64: 2, 1, 2048>}, {transform_indices = @transform_1, window_bounds = array<i64: 2, 1, 2048>}, {transform_indices = @transform_2, window_bounds = array<i64: 2048, 128>}, {transform_indices = @transform_3, window_bounds = array<i64: 2048, 128>}, {pipeline_mode = #tpu.pipeline_mode<synchronous>, transform_indices = @transform_4, window_bounds = array<i64: 10240>}, {pipeline_mode = #tpu.pipeline_mode<synchronous>, transform_indices = @transform_5, window_bounds = array<i64: 10240>}]} {
    %mul3A = arith.constant 2048 : i32
    %mul3A_0 = arith.muli %arg0, %mul3A : i32
    %get3A = arith.constant 0 : index
    %get3A_1 = arith.constant 0 : index
    %get3A_2 = arith.constant 0 : index
    %get3A_3 = vector.load %arg1[%get3A, %get3A_1, %get3A_2] : memref<2x1x2048xf32, #tpu.memory_space<vmem>>, vector<1x1x2048xf32>
    %get3A_4 = vector.shape_cast %get3A_3 : vector<1x1x2048xf32> to vector<2048xf32>
    %get3A_5 = arith.constant 1 : index
    %get3A_6 = arith.constant 0 : index
    %get3A_7 = arith.constant 0 : index
    %get3A_8 = vector.load %arg1[%get3A_5, %get3A_6, %get3A_7] : memref<2x1x2048xf32, #tpu.memory_space<vmem>>, vector<1x1x2048xf32>
    %get3A_9 = vector.shape_cast %get3A_8 : vector<1x1x2048xf32> to vector<2048xf32>
    %add3A = arith.addf %get3A_4, %get3A_9 : vector<2048xf32>
    %get3A_10 = arith.constant 0 : index
    %get3A_11 = arith.constant 0 : index
    %get3A_12 = arith.constant 0 : index
    %get3A_13 = vector.load %arg2[%get3A_10, %get3A_11, %get3A_12] : memref<2x1x2048xf32, #tpu.memory_space<vmem>>, vector<1x1x2048xf32>
    %get3A_14 = vector.shape_cast %get3A_13 : vector<1x1x2048xf32> to vector<2048xf32>
    %get3A_15 = arith.constant 1 : index
    %get3A_16 = arith.constant 0 : index
    %get3A_17 = arith.constant 0 : index
    %get3A_18 = vector.load %arg2[%get3A_15, %get3A_16, %get3A_17] : memref<2x1x2048xf32, #tpu.memory_space<vmem>>, vector<1x1x2048xf32>
    %get3A_19 = vector.shape_cast %get3A_18 : vector<1x1x2048xf32> to vector<2048xf32>
    %add3A_20 = arith.addf %get3A_14, %get3A_19 : vector<2048xf32>
    %max3A = arith.constant 1.000000e+00 : f32
    %max3A_21 = vector.broadcast %max3A : f32 to vector<2048xf32>
    %max3A_22 = arith.maximumf %add3A, %max3A_21 : vector<2048xf32>
    %rsqrt3A = math.rsqrt %max3A_22 : vector<2048xf32>
    %max3A_23 = arith.constant 1.000000e+00 : f32
    %max3A_24 = vector.broadcast %max3A_23 : f32 to vector<2048xf32>
    %max3A_25 = arith.maximumf %add3A_20, %max3A_24 : vector<2048xf32>
    %rsqrt3A_26 = math.rsqrt %max3A_25 : vector<2048xf32>
    %swap3A = arith.index_cast %mul3A_0 : i32 to index
    %swap3A_27 = vector.load %arg5[%swap3A] : memref<10240xf32, #tpu.memory_space<vmem>>, vector<2048xf32>
    tpu.vector_store %arg5[%swap3A], %rsqrt3A {strides = array<i32>} : memref<10240xf32, #tpu.memory_space<vmem>>, vector<2048xf32>,
    %swap3A_28 = arith.index_cast %mul3A_0 : i32 to index
    %swap3A_29 = vector.load %arg6[%swap3A_28] : memref<10240xf32, #tpu.memory_space<vmem>>, vector<2048xf32>
    tpu.vector_store %arg6[%swap3A_28], %rsqrt3A_26 {strides = array<i32>} : memref<10240xf32, #tpu.memory_space<vmem>>, vector<2048xf32>,
    %get3A_30 = arith.constant 0 : index
    %get3A_31 = arith.constant 0 : index
    %get3A_32 = vector.load %arg3[%get3A_30, %get3A_31] : memref<2048x128xf32, #tpu.memory_space<vmem>>, vector<2048x128xf32>
    %broadcast_in_dim3A = vector.shape_cast %rsqrt3A : vector<2048xf32> to vector<2048x1xf32>
    %mul3A_33 = vector.broadcast %broadcast_in_dim3A : vector<2048x1xf32> to vector<2048x128xf32>
    %mul3A_34 = arith.mulf %get3A_32, %mul3A_33 : vector<2048x128xf32>
    %swap3A_35 = arith.constant 0 : index
    %swap3A_36 = arith.constant 0 : index
    %swap3A_37 = vector.load %arg4[%swap3A_35, %swap3A_36] : memref<2048x128xf32, #tpu.memory_space<vmem>>, vector<2048x128xf32>
    tpu.vector_store %arg4[%swap3A_35, %swap3A_36], %mul3A_34 {strides = array<i32>} : memref<2048x128xf32, #tpu.memory_space<vmem>>, vector<2048x128xf32>,
    return
  }
  func.func @transform_0(%arg0: i32) -> (i32, i32, i32) {
    %c0_i32 = arith.constant 0 : i32
    %c0_i32_0 = arith.constant 0 : i32
    %c0_i32_1 = arith.constant 0 : i32
    return %c0_i32, %c0_i32_0, %arg0 : i32, i32, i32
  }
  func.func @transform_1(%arg0: i32) -> (i32, i32, i32) {
    %c0_i32 = arith.constant 0 : i32
    %c0_i32_0 = arith.constant 0 : i32
    %c0_i32_1 = arith.constant 0 : i32
    return %c0_i32, %c0_i32_0, %arg0 : i32, i32, i32
  }
  func.func @transform_2(%arg0: i32) -> (i32, i32) {
    %c0_i32 = arith.constant 0 : i32
    %c0_i32_0 = arith.constant 0 : i32
    return %arg0, %c0_i32 : i32, i32
  }
  func.func @transform_3(%arg0: i32) -> (i32, i32) {
    %c0_i32 = arith.constant 0 : i32
    %c0_i32_0 = arith.constant 0 : i32
    return %arg0, %c0_i32 : i32, i32
  }
  func.func @transform_4(%arg0: i32) -> i32 {
    %c0_i32 = arith.constant 0 : i32
    %c0_i32_0 = arith.constant 0 : i32
    return %c0_i32 : i32
  }
  func.func @transform_5(%arg0: i32) -> i32 {
    %c0_i32 = arith.constant 0 : i32
    %c0_i32_0 = arith.constant 0 : i32
    return %c0_i32 : i32
  }
}

module attributes {stable_mosaic.version = 14 : i64} {
  func.func @body(%arg0: i32, %arg1: memref<2x2048x128xf32, #tpu.memory_space<vmem>>, %arg2: memref<10240xf32, #tpu.memory_space<vmem>>, %arg3: memref<128x128xf32, #tpu.memory_space<vmem>>, %arg4: memref<1x128xf32, #tpu.memory_space<vmem>>, %arg5: memref<10240xf32, #tpu.memory_space<vmem>>, %arg6: memref<2048x128xf32, #tpu.memory_space<vmem>>) attributes {dimension_semantics = [#tpu.dimension_semantics<arbitrary>], iteration_bounds = array<i64: 5>, scalar_prefetch = 0 : i64, scratch_operands = 0 : i64, tpu.core_type = #tpu.core_type<tc>, window_params = [{transform_indices = @transform_0, window_bounds = array<i64: 2, 2048, 128>}, {pipeline_mode = #tpu.pipeline_mode<synchronous>, transform_indices = @transform_1, window_bounds = array<i64: 10240>}, {pipeline_mode = #tpu.pipeline_mode<synchronous>, transform_indices = @transform_2, window_bounds = array<i64: 128, 128>}, {pipeline_mode = #tpu.pipeline_mode<synchronous>, transform_indices = @transform_3, window_bounds = array<i64: 1, 128>}, {pipeline_mode = #tpu.pipeline_mode<synchronous>, transform_indices = @transform_4, window_bounds = array<i64: 10240>}, {transform_indices = @transform_5, window_bounds = array<i64: 2048, 128>}]} {
    %mul3A = arith.constant 2048 : i32
    %mul3A_0 = arith.muli %arg0, %mul3A : i32
    %get3A = arith.constant 0 : index
    %get3A_1 = arith.constant 0 : index
    %get3A_2 = arith.constant 0 : index
    %get3A_3 = vector.load %arg1[%get3A, %get3A_1, %get3A_2] : memref<2x2048x128xf32, #tpu.memory_space<vmem>>, vector<1x2048x128xf32>
    %get3A_4 = vector.shape_cast %get3A_3 : vector<1x2048x128xf32> to vector<2048x128xf32>
    %get3A_5 = arith.constant 1 : index
    %get3A_6 = arith.constant 0 : index
    %get3A_7 = arith.constant 0 : index
    %get3A_8 = vector.load %arg1[%get3A_5, %get3A_6, %get3A_7] : memref<2x2048x128xf32, #tpu.memory_space<vmem>>, vector<1x2048x128xf32>
    %get3A_9 = vector.shape_cast %get3A_8 : vector<1x2048x128xf32> to vector<2048x128xf32>
    %add3A = arith.addf %get3A_4, %get3A_9 : vector<2048x128xf32>
    %get3A_10 = arith.index_cast %mul3A_0 : i32 to index
    %get3A_11 = vector.load %arg2[%get3A_10] : memref<10240xf32, #tpu.memory_space<vmem>>, vector<2048xf32>
    %broadcast_in_dim3A = vector.shape_cast %get3A_11 : vector<2048xf32> to vector<2048x1xf32>
    %mul3A_12 = vector.broadcast %broadcast_in_dim3A : vector<2048x1xf32> to vector<2048x128xf32>
    %mul3A_13 = arith.mulf %add3A, %mul3A_12 : vector<2048x128xf32>
    %get3A_14 = arith.constant 0 : index
    %get3A_15 = arith.constant 0 : index
    %get3A_16 = vector.load %arg3[%get3A_14, %get3A_15] : memref<128x128xf32, #tpu.memory_space<vmem>>, vector<128x128xf32>
    %dot_general3A = arith.constant dense<0.000000e+00> : vector<2048x128xf32>
    %dot_general3A_17 = tpu.matmul %mul3A_13, %get3A_16, %dot_general3A {dimension_numbers = #tpu.dot_dimension_numbers<[1], [0], [0], [1], [0, 0, 1, 1], [], []>, transpose_lhs_hint = false} : vector<2048x128xf32>, vector<128x128xf32>, vector<2048x128xf32> -> vector<2048x128xf32>
    %get3A_18 = arith.constant 0 : index
    %get3A_19 = arith.constant 0 : index
    %get3A_20 = vector.load %arg4[%get3A_18, %get3A_19] : memref<1x128xf32, #tpu.memory_space<vmem>>, vector<1x128xf32>
    %add3A_21 = vector.broadcast %get3A_20 : vector<1x128xf32> to vector<2048x128xf32>
    %add3A_22 = arith.addf %dot_general3A_17, %add3A_21 : vector<2048x128xf32>
    %max3A = arith.constant 0.000000e+00 : f32
    %max3A_23 = vector.broadcast %max3A : f32 to vector<2048x128xf32>
    %max3A_24 = arith.maximumf %add3A_22, %max3A_23 : vector<2048x128xf32>
    %get3A_25 = arith.index_cast %mul3A_0 : i32 to index
    %get3A_26 = vector.load %arg5[%get3A_25] : memref<10240xf32, #tpu.memory_space<vmem>>, vector<2048xf32>
    %broadcast_in_dim3A_27 = vector.shape_cast %get3A_26 : vector<2048xf32> to vector<2048x1xf32>
    %mul3A_28 = vector.broadcast %broadcast_in_dim3A_27 : vector<2048x1xf32> to vector<2048x128xf32>
    %mul3A_29 = arith.mulf %max3A_24, %mul3A_28 : vector<2048x128xf32>
    %swap3A = arith.constant 0 : index
    %swap3A_30 = arith.constant 0 : index
    %swap3A_31 = vector.load %arg6[%swap3A, %swap3A_30] : memref<2048x128xf32, #tpu.memory_space<vmem>>, vector<2048x128xf32>
    tpu.vector_store %arg6[%swap3A, %swap3A_30], %mul3A_29 {strides = array<i32>} : memref<2048x128xf32, #tpu.memory_space<vmem>>, vector<2048x128xf32>,
    return
  }
  func.func @transform_0(%arg0: i32) -> (i32, i32, i32) {
    %c0_i32 = arith.constant 0 : i32
    %c0_i32_0 = arith.constant 0 : i32
    %c0_i32_1 = arith.constant 0 : i32
    return %c0_i32, %arg0, %c0_i32_0 : i32, i32, i32
  }
  func.func @transform_1(%arg0: i32) -> i32 {
    %c0_i32 = arith.constant 0 : i32
    %c0_i32_0 = arith.constant 0 : i32
    return %c0_i32 : i32
  }
  func.func @transform_2(%arg0: i32) -> (i32, i32) {
    %c0_i32 = arith.constant 0 : i32
    %c0_i32_0 = arith.constant 0 : i32
    %c0_i32_1 = arith.constant 0 : i32
    return %c0_i32, %c0_i32_0 : i32, i32
  }
  func.func @transform_3(%arg0: i32) -> (i32, i32) {
    %c0_i32 = arith.constant 0 : i32
    %c0_i32_0 = arith.constant 0 : i32
    %c0_i32_1 = arith.constant 0 : i32
    return %c0_i32, %c0_i32_0 : i32, i32
  }
  func.func @transform_4(%arg0: i32) -> i32 {
    %c0_i32 = arith.constant 0 : i32
    %c0_i32_0 = arith.constant 0 : i32
    return %c0_i32 : i32
  }
  func.func @transform_5(%arg0: i32) -> (i32, i32) {
    %c0_i32 = arith.constant 0 : i32
    %c0_i32_0 = arith.constant 0 : i32
    return %arg0, %c0_i32 : i32, i32
  }
}

module attributes {stable_mosaic.version = 14 : i64} {
  func.func @body(%arg0: i32, %arg1: memref<2x2048x128xf32, #tpu.memory_space<vmem>>, %arg2: memref<10240xf32, #tpu.memory_space<vmem>>, %arg3: memref<128x128xf32, #tpu.memory_space<vmem>>, %arg4: memref<1x128xf32, #tpu.memory_space<vmem>>, %arg5: memref<2048x128xf32, #tpu.memory_space<vmem>>) attributes {dimension_semantics = [#tpu.dimension_semantics<arbitrary>], iteration_bounds = array<i64: 5>, scalar_prefetch = 0 : i64, scratch_operands = 0 : i64, tpu.core_type = #tpu.core_type<tc>, window_params = [{transform_indices = @transform_0, window_bounds = array<i64: 2, 2048, 128>}, {pipeline_mode = #tpu.pipeline_mode<synchronous>, transform_indices = @transform_1, window_bounds = array<i64: 10240>}, {pipeline_mode = #tpu.pipeline_mode<synchronous>, transform_indices = @transform_2, window_bounds = array<i64: 128, 128>}, {pipeline_mode = #tpu.pipeline_mode<synchronous>, transform_indices = @transform_3, window_bounds = array<i64: 1, 128>}, {transform_indices = @transform_4, window_bounds = array<i64: 2048, 128>}]} {
    %mul3A = arith.constant 2048 : i32
    %mul3A_0 = arith.muli %arg0, %mul3A : i32
    %get3A = arith.constant 0 : index
    %get3A_1 = arith.constant 0 : index
    %get3A_2 = arith.constant 0 : index
    %get3A_3 = vector.load %arg1[%get3A, %get3A_1, %get3A_2] : memref<2x2048x128xf32, #tpu.memory_space<vmem>>, vector<1x2048x128xf32>
    %get3A_4 = vector.shape_cast %get3A_3 : vector<1x2048x128xf32> to vector<2048x128xf32>
    %get3A_5 = arith.constant 1 : index
    %get3A_6 = arith.constant 0 : index
    %get3A_7 = arith.constant 0 : index
    %get3A_8 = vector.load %arg1[%get3A_5, %get3A_6, %get3A_7] : memref<2x2048x128xf32, #tpu.memory_space<vmem>>, vector<1x2048x128xf32>
    %get3A_9 = vector.shape_cast %get3A_8 : vector<1x2048x128xf32> to vector<2048x128xf32>
    %add3A = arith.addf %get3A_4, %get3A_9 : vector<2048x128xf32>
    %get3A_10 = arith.index_cast %mul3A_0 : i32 to index
    %get3A_11 = vector.load %arg2[%get3A_10] : memref<10240xf32, #tpu.memory_space<vmem>>, vector<2048xf32>
    %broadcast_in_dim3A = vector.shape_cast %get3A_11 : vector<2048xf32> to vector<2048x1xf32>
    %mul3A_12 = vector.broadcast %broadcast_in_dim3A : vector<2048x1xf32> to vector<2048x128xf32>
    %mul3A_13 = arith.mulf %add3A, %mul3A_12 : vector<2048x128xf32>
    %get3A_14 = arith.constant 0 : index
    %get3A_15 = arith.constant 0 : index
    %get3A_16 = vector.load %arg3[%get3A_14, %get3A_15] : memref<128x128xf32, #tpu.memory_space<vmem>>, vector<128x128xf32>
    %dot_general3A = arith.constant dense<0.000000e+00> : vector<2048x128xf32>
    %dot_general3A_17 = tpu.matmul %mul3A_13, %get3A_16, %dot_general3A {dimension_numbers = #tpu.dot_dimension_numbers<[1], [0], [0], [1], [0, 0, 1, 1], [], []>, transpose_lhs_hint = false} : vector<2048x128xf32>, vector<128x128xf32>, vector<2048x128xf32> -> vector<2048x128xf32>
    %get3A_18 = arith.constant 0 : index
    %get3A_19 = arith.constant 0 : index
    %get3A_20 = vector.load %arg4[%get3A_18, %get3A_19] : memref<1x128xf32, #tpu.memory_space<vmem>>, vector<1x128xf32>
    %add3A_21 = vector.broadcast %get3A_20 : vector<1x128xf32> to vector<2048x128xf32>
    %add3A_22 = arith.addf %dot_general3A_17, %add3A_21 : vector<2048x128xf32>
    %swap3A = arith.constant 0 : index
    %swap3A_23 = arith.constant 0 : index
    %swap3A_24 = vector.load %arg5[%swap3A, %swap3A_23] : memref<2048x128xf32, #tpu.memory_space<vmem>>, vector<2048x128xf32>
    tpu.vector_store %arg5[%swap3A, %swap3A_23], %add3A_22 {strides = array<i32>} : memref<2048x128xf32, #tpu.memory_space<vmem>>, vector<2048x128xf32>,
    return
  }
  func.func @transform_0(%arg0: i32) -> (i32, i32, i32) {
    %c0_i32 = arith.constant 0 : i32
    %c0_i32_0 = arith.constant 0 : i32
    %c0_i32_1 = arith.constant 0 : i32
    return %c0_i32, %arg0, %c0_i32_0 : i32, i32, i32
  }
  func.func @transform_1(%arg0: i32) -> i32 {
    %c0_i32 = arith.constant 0 : i32
    %c0_i32_0 = arith.constant 0 : i32
    return %c0_i32 : i32
  }
  func.func @transform_2(%arg0: i32) -> (i32, i32) {
    %c0_i32 = arith.constant 0 : i32
    %c0_i32_0 = arith.constant 0 : i32
    %c0_i32_1 = arith.constant 0 : i32
    return %c0_i32, %c0_i32_0 : i32, i32
  }
  func.func @transform_3(%arg0: i32) -> (i32, i32) {
    %c0_i32 = arith.constant 0 : i32
    %c0_i32_0 = arith.constant 0 : i32
    %c0_i32_1 = arith.constant 0 : i32
    return %c0_i32, %c0_i32_0 : i32, i32
  }
  func.func @transform_4(%arg0: i32) -> (i32, i32) {
    %c0_i32 = arith.constant 0 : i32
    %c0_i32_0 = arith.constant 0 : i32
    return %arg0, %c0_i32 : i32, i32
  }
}

</mosaic_0001>

<sc_bundles>
// kernel: kernel.12.cloned.1.call-start
scs
__scs_entry_jumppad:
0x0: {  	(pc) =	sbr.rel $0x88, $3  }
0x1: {  	(tag) =	ssettag $0x0;
	lr =	simm.s32 $0x1  }
0x2: {  	[smem:$0x3F99] =	sst lr;
	_ =	strace $0xD0000000  }
0x3: {  	_ = 	snop  }
0x4: {  	_ = 	snop  }
0x5: {  	_ = 	snop  }
0x6: {  	_ = 	snop  }
0x7: {  	_ = 	snop  }
__scs_overlays_trampoline_lowered:
0x8: {  	[smem:$0x3FA8] =	sst s0  }
0x9: {  	[smem:$0x3FA9] =	sst s1  }
0xa: {  	[smem:$0x3FAA] =	sst s2  }
0xb: {  	[smem:$0x3FAB] =	sst s3  }
0xc: {  	[smem:$0x3FAC] =	sst s4  }
0xd: {  	[smem:$0x3FAD] =	sst s5  }
0xe: {  	[smem:$0x3FAE] =	sst s6  }
0xf: {  	[smem:$0x3FAF] =	sst s7  }
0x10: {  	[smem:$0x3FB0] =	sst s8  }
0x11: {  	[smem:$0x3FB1] =	sst s9;
	s0 =	simm.s32 @!p0 $0x0  }
0x12: {  	s1 =	sld [smem:$0x3F97];
	s0 =	simm.s32 @p0 $0x1  }
0x13: {  	[smem:$0x3FB2] =	sst s0;
	s0 =	simm.s32 @!p1 $0x0  }
0x14: {  	s2 =	sld [smem:$0x3F96];
	s0 =	simm.s32 @p1 $0x1  }
0x15: {  	[smem:$0x3FB3] =	sst s0;
	s0 =	simm.s32 @!p2 $0x0  }
0x16: {  	s3 =	sld [smem:$0x3FDB];
	s0 =	simm.s32 @p2 $0x1  }
0x17: {  	s4 =	simm.s32 $0x1BF5;
	[smem:$0x3FB5] =	sst s0  }
0x18: {  	s0 =	sld [smem:$0x3F98];
	_ =	swait.ge [sflag:s4], $0x0  }
0x19: {  	s7 =	sld [smem:$0x3F99]  }
0x1a: {  	s8 =	sadd.s32 $0xFFFFE003, lr  }
0x1b: {  	s9 =	sadd.s32 $0xFFFFFEF7, lr;
	s5 =	simm.s32 $0xFFFFFFFF;
	p2 =	slt.u32 s8, $0xFFFFF086  }
0x1c: {  	p1 =	slt.u32 s9, $0xF7A;
	s5 =	simm.s32 @!p2 $0x0  }
0x1d: {  	s5 =	simm.s32 @p1 $0x1;
	p0 =	seq.s32 s7, s2  }
0x1e: {  	s7 =	smul.u32 @!p0 $0xF7A, s2;
	p2 =	seq.s32 @!p0 s5, $0x0  }
0x1f: {  	s9 =	smul.u32 $0xF7A, s1;
	s8 =	simm.s32 @!p0 $0x1BF5;
	p2 =	por !p2, p0  }
0x20: {  	[sflag:s8] =	ssyncset.s32 @!p0 $0xFFFFF086;
	s6 =	sadd.s32 @!p0 s3, s7;
	s7 =	simm.s32 @!p0 $0x108  }
0x21: {  	s3 =	sadd.s32 s3, s9;
	s6 =	sadd.s32 @!p0 $0x88, s6;
	s7 =	simm.s32 @p2 $0x1082  }
0x22: {  	[simem:s7], [sflag:s8] =	dma.local @!p0 [hbm:s6], $0xF7A  }
0x23: {  	s9 =	sor.u32 $0xD0000000, s2;
	s6 =	simm.s32 $0x108;
	_ =	swait.ge @!p0 [sflag:s8], $0x0  }
0x24: {  	s3 =	sadd.s32 $0x88, s3;
	s6 =	simm.s32 @!p1 $0x1082;
	[sflag:s4] =	ssyncset.s32 $0xFFFFF086  }
0x25: {  	[simem:s6], [sflag:s4] =	dma.local [hbm:s3], $0xF7A  }
0x26: {  	[smem:$0x3F99] =	sst s1;
	(tag) =	ssettag s2;
	_ =	strace s9  }
0x27: {  	s1 =	sld [smem:$0x3FA9]  }
0x28: {  	s2 =	sld [smem:$0x3FAA]  }
0x29: {  	s4 =	sld [smem:$0x3FAC]  }
0x2a: {  	p0 =	seq.s32 s5, $0x0;
	s5 =	sld [smem:$0x3FAD]  }
0x2b: {  	s6 =	sld [smem:$0x3FAE]  }
0x2c: {  	s7 =	sld [smem:$0x3FAF]  }
0x2d: {  	s3 =	simm.s32 $0x108;
	s8 =	sld [smem:$0x3FB0]  }
0x2e: {  	s3 =	simm.s32 @!p0 $0x1082;
	s9 =	sld [smem:$0x3FB1]  }
0x2f: {  	lr =	sadd.s32 s0, s3;
	s0 =	sld [smem:$0x3FA8]  }
0x30: {  	s3 =	sld [smem:$0x3FAB]  }
0x31: {  	[smem:$0x3FB4] =	sst s10  }
0x32: {  	s10 =	sld [smem:$0x3FB2];
	_ =	sdelay $0x3  }
0x33: {  	p0 =	seq.s32 s10, $0x1;
	s10 =	sld [smem:$0x3FB4];
	_ =	sdelay $0x3  }
0x34: {  	[smem:$0x3FB4] =	sst s10  }
0x35: {  	s10 =	sld [smem:$0x3FB3];
	_ =	sdelay $0x3  }
0x36: {  	p1 =	seq.s32 s10, $0x1;
	s10 =	sld [smem:$0x3FB4];
	_ =	sdelay $0x3  }
0x37: {  	[smem:$0x3FB4] =	sst s10  }
0x38: {  	s10 =	sld [smem:$0x3FB5]  }
0x39: {  	_ = 	snop;
	(pc) =	sbr.ind lr, $3  }
0x3a: {  	_ = 	snop  }
0x3b: {  	_ = 	snop  }
0x3c: {  	p2 =	seq.s32 s10, $0x1;
	s10 =	sld [smem:$0x3FB4]  }
0x3d: {  	_ =	shalt  }
0x3e: {  	_ =	shalt  }
0x3f: {  	_ =	shalt  }
0x40: {  	_ =	shalt  }
0x41: {  	_ =	shalt  }
0x42: {  	_ =	shalt  }
0x43: {  	_ =	shalt  }
0x44: {  	_ =	shalt  }
0x45: {  	_ =	shalt  }
0x46: {  	_ =	shalt  }
0x47: {  	_ =	shalt  }
0x48: {  	_ =	shalt  }
0x49: {  	_ =	shalt  }
0x4a: {  	_ =	shalt  }
0x4b: {  	_ =	shalt  }
0x4c: {  	_ =	shalt  }
0x4d: {  	_ =	shalt  }
0x4e: {  	_ =	shalt  }
0x4f: {  	_ =	shalt  }
0x50: {  	_ =	shalt  }
0x51: {  	_ =	shalt  }
0x52: {  	_ =	shalt  }
0x53: {  	_ =	shalt  }
0x54: {  	_ =	shalt  }
0x55: {  	_ =	shalt  }
0x56: {  	_ =	shalt  }
0x57: {  	_ =	shalt  }
0x58: {  	_ =	shalt  }
0x59: {  	_ =	shalt  }
0x5a: {  	_ =	shalt  }
0x5b: {  	_ =	shalt  }
0x5c: {  	_ =	shalt  }
0x5d: {  	_ =	shalt  }
0x5e: {  	_ =	shalt  }
0x5f: {  	_ =	shalt  }
0x60: {  	_ =	shalt  }
0x61: {  	_ =	shalt  }
0x62: {  	_ =	shalt  }
0x63: {  	_ =	shalt  }
0x64: {  	_ =	shalt  }
0x65: {  	_ =	shalt  }
0x66: {  	_ =	shalt  }
0x67: {  	_ =	shalt  }
0x68: {  	_ =	shalt  }
0x69: {  	_ =	shalt  }
0x6a: {  	_ =	shalt  }
0x6b: {  	_ =	shalt  }
0x6c: {  	_ =	shalt  }
0x6d: {  	_ =	shalt  }
0x6e: {  	_ =	shalt  }
0x6f: {  	_ =	shalt  }
0x70: {  	_ =	shalt  }
0x71: {  	_ =	shalt  }
0x72: {  	_ =	shalt  }
0x73: {  	_ =	shalt  }
0x74: {  	_ =	shalt  }
0x75: {  	_ =	shalt  }
0x76: {  	_ =	shalt  }
0x77: {  	_ =	shalt  }
0x78: {  	_ =	shalt  }
0x79: {  	_ =	shalt  }
0x7a: {  	_ =	shalt  }
0x7b: {  	_ =	shalt  }
0x7c: {  	_ =	shalt  }
0x7d: {  	_ =	shalt  }
0x7e: {  	_ =	shalt  }
0x7f: {  	_ =	shalt  }
0x80: {  	_ =	shalt  }
0x81: {  	_ =	shalt  }
0x82: {  	_ =	shalt  }
0x83: {  	_ =	shalt  }
0x84: {  	_ =	shalt  }
0x85: {  	_ =	shalt  }
0x86: {  	_ =	shalt  }
0x87: {  	_ =	shalt  }
.Lfunc_end0:
.L_simem_size_0:
called_computation.1_lowered:
.L_overlay_start_0:
0x88: {  	s2 =	sld [smem:$0x3FD9]  }
0x89: {  	s3 =	sld [smem:$0x3FFE];
	_ =	sdelay $0x1  }
0x8a: {  	s1 =	srdreg.scid  }
0x8b: {  	s0 =	sand.u32 $0x1, s1  }
0x8c: {  	s16 =	sshll.u32 s0, $0xA;
	s2 =	sadd.s32 s3, s2  }
0x8d: {  	s2 =	sadd.s32 s2, s16  }
0x8e: {  	[smem:$0x3FC0] =	sst s2  }
0x8f: {  	_ = 	snop  }
0x90: {  	(tm) =	ssettm $0x1  }
0x91: {  	s17 =	sld [smem:$0x3FFB];
	_ =	sdelay $0x3  }
0x92: {  	_ =	strace s17  }
0x93: {  	s2 =	sld [smem:$0x3FFC];
	_ =	sdelay $0x3  }
0x94: {  	_ =	strace s2  }
0x95: {  	s2 =	sld [smem:$0x3FFD];
	_ =	sdelay $0x3  }
0x96: {  	_ =	strace s2  }
0x97: {  	_ =	strace $0x8FFFFFFF  }
0x98: {  	s18 =	sld [smem:$0x3FDB];
	_ =	sdelay $0x1  }
0x99: {  	s19 =	simm.s32 $_scs_section_size  }
0x9a: {  	s4 =	simm.s32 $_size__tile_overlayer_lowered;
	s5 =	simm.s32 $_tile_overlayer_lowered  }
0x9b: {  	s22 =	simm.s32 $0x1BFF;
	s21 =	sshll.u32 s5, $0x1;
	s2 =	sadd.s32 s19, s18  }
0x9c: {  	s6 =	simm.s32 $0x0;
	s20 =	sshll.u32 s4, $0x1;
	s4 =	sadd.s32 s21, s2  }
0x9d: {  	[timem:s6], [sflag:s22] =	dma.local [hbm:s4], s20  }
0x9e: {  	_ =	swait.ge [sflag:s22], s20  }
0x9f: {  	s3 =	ssub.s32 $0x0, s20;
	[sflag:s22] =	ssyncset.done $0x0  }
0xa0: {  	[sflag:s22] =	ssyncadd.s32 s3;
	_ =	sdelay $0x1  }
0xa1: {  	s23 =	simm.s32 $0x1B8B  }
0xa2: {  	_ =	swait.ge [sflag:s23], $0x1  }
0xa3: {  	[sflag:s23] =	ssyncset.done $0x0  }
0xa4: {  	s25 =	simm.s32 $0x1B8E;
	s24 =	sld [smem:$0x3FFE];
	[sflag:s23] =	ssyncadd.s32 $0xFFFFFFFF  }
0xa5: {  	s26 =	simm.s32 $execute0_lowered;
	[smem:$0x3FD2] =	sst s25  }
0xa6: {  	s4 =	sshll.u32 s26, $0x1;
	_ =	strace $0x80000049;
	[dreg:$0x1] =	wrdreg $0xFFFFFFFF  }
0xa7: {  	s28 =	simm.s32 $_size_execute0_lowered;
	s2 =	sadd.s32 s2, s4;
	[dreg:$0x0] =	wrdreg $0x0  }
0xa8: {  	s4 =	sshll.u32 s28, $0x1;
	[dreg:$0x2] =	wrdreg s2  }
0xa9: {  	[dreg:$0x3] =	wrdreg s4  }
0xaa: {  	[dreg:$0x4] =	wrdreg $0xC0  }
0xab: {  	_ =	task [dreg:s6], $0x5FFFF  }
0xac: {  	[dreg:$0x1] =	wrdreg $0xFFFFFFFF  }
0xad: {  	[dreg:$0x0] =	wrdreg $0x60  }
0xae: {  	[dreg:$0x2] =	wrdreg s24  }
0xaf: {  	[dreg:$0x3] =	wrdreg $0xBD000  }
0xb0: {  	[dreg:$0x4] =	wrdreg $0x9  }
0xb1: {  	_ =	task.clear_ibuf [dreg:s6], $0x5FFFF;
	_ =	strace $0x90000049  }
0xb2: {  	s29 =	simm.s32 $0x9;
	_ =	strace $0x8000004B  }
0xb3: {  	_ =	swait.ge [sflag:s29], $0x1  }
0xb4: {  	[sflag:s29] =	ssyncadd.s32 $0xFFFFFFFF  }
0xb5: {  	_ =	strace $0x9000004B  }
0xb6: {  	_ =	sfence  }
0xb7: {  	s30 =	sld [smem:$0x0];
	_ =	sdelay $0x2  }
0xb8: {  	s31 =	sshll.u32 s1, $0xD;
	s1 =	sshrl.u32 s1, $0x2  }
0xb9: {  	s3 =	sand.u32 $0x4000, s31;
	s1 =	sadd.s32 s1, s30  }
0xba: {  	s0 =	sor.u32 s3, s0;
	s1 =	sshll.u32 s1, $0x11  }
0xbb: {  	s0 =	sor.u32 s1, s0  }
0xbc: {  	s0 =	sadd.s32 $0x8F2B, s0  }
0xbd: {  	[sflag:s0] =	ssyncadd.remote.s32 $0x1  }
0xbe: {  	_ =	sfence.sel $0xFFFF  }
0xbf: {  	[dreg:$0x0] =	wrdreg $0xFFFFFFFF;
	(pc) =	sbr.abs _section_cstart, $3  }
0xc0: {  	[dreg:$0x1] =	wrdreg $0xFFFFFFFF  }
0xc1: {  	_ =	task.clear_ibuf [dreg:s6], $0x2FFFF;
	_ =	strace $0x9FFFFFFF  }
0xc2: {  	(tm) =	ssettm $0x7FFFFFFF  }
0xc3: {  	_ =	shalt  }
tec
execute0_lowered:
.L_overlay_start_1:
0x0: {  	(tag) =	ssettag $0x1  }
0x1: {  	s0 =	rddreg [dreg:$0x0]  }
0x2: {  	s1 =	srdreg.scid;
	s2 =	rddreg [dreg:$0x1]  }
0x3: {  	s12 =	stileid.u32;
	s3 =	simm.s32 $0x0;
	s28 =	simm.s32 $0x200  }
0x4: {  	s29 =	simm.s32 $0x300;
	s30 =	simm.s32 $0x2;
	s6 =	smul.u32 $0x14000, s12  }
0x5: {  	s31 =	simm.s32 $0x6100;
	s1 =	sand.u32 $0x1, s1;
	s8 =	smul.u32 $0x50000, s12  }
0x6: {  	[smem:$0x7FF] =	sst s3;
	s4 =	sadd.s32 $0x16800, s0;
	s20 =	smul.u32 $0x2710, s12  }
0x7: {  	s5 =	smul.u32 $0x140000, s1;
	_ =	strace $0x8000004A;
	s14 =	sshll.u32 s1, $0x4  }
0x8: {  	s9 =	ssub.s32 $0x2, s1;
	s1 =	smul.u32 $0x27100, s1;
	s8 =	sshrl.u32 s8, $0x2  }
0x9: {  	s10 =	sor.u32 s12, s14;
	s11 =	sshrl.u32 s9, $0x1;
	s6 =	sadd.s32 s6, s5  }
0xa: {  	s5 =	sadd.s32 $0xCA00, s0;
	s15 =	smul.u32 $0x2710, s10;
	s9 =	ssub.s32 s9, s11  }
0xb: {  	s1 =	sadd.s32 s20, s1;
	s11 =	simm.s32 $0x0;
	s7 =	sshrl.u32 s6, $0x3  }
0xc: {  	s6 =	sadd.s32 $0x2C00, s0;
	s25 =	sadd.s32 $0x228, s1;
	s0 =	sadd.s32 s7, s0  }
0xd: {  	s7 =	sadd.s32 s8, s2;
	s19 =	sadd.s32 $0xB8, s15;
	s8 =	sshrl.u32 s15, $0x3  }
0xe: {  	s26 =	sshrl.u32 s25, $0x3;
	s25 =	simm.s32 $0x1;
	s16 =	sadd.s32 $0x5C00, s7  }
0xf: {  	s17 =	sadd.s32 $0xB800, s7;
	s18 =	sadd.s32 $0x11400, s7;
	[dreg:$0x3] =	wrdreg s16  }
0x10: {  	s10 =	sshrl.u32 s19, $0x3;
	s21 =	sadd.s32 s5, s8;
	[dreg:$0x4] =	wrdreg s17  }
0x11: {  	s22 =	sadd.s32 s6, s8;
	s8 =	sadd.s32 $0x4DA, s8;
	[dreg:$0x5] =	wrdreg s18  }
0x12: {  	s19 =	sadd.s32 s26, s6;
	s20 =	sadd.s32 s26, s5;
	[dreg:$0x6] =	wrdreg s21  }
0x13: {  	s26 =	simm.s32 $0xB8;
	[dreg:$0x7] =	wrdreg s22;
	s23 =	sadd.s32 s5, s10  }
0x14: {  	s10 =	sadd.s32 s6, s10;
	s24 =	sadd.s32 s5, s8;
	s8 =	sadd.s32 s6, s8  }
0x15: {  	s17 =	sadd.s32 $0x3E800, s0;
	s18 =	smax.u32 s9, $0x1;
	[dreg:$0x8] =	wrdreg s23  }
0x16: {  	s21 =	sadd.s32 $0x170, s1;
	s22 =	simm.s32 $0x500;
	[dreg:$0x9] =	wrdreg s10  }
0x17: {  	s0 =	simm.s32 $0x3;
	s1 =	simm.s32 $0x4;
	[dreg:$0xa] =	wrdreg s24  }
0x18: {  	s9 =	simm.s32 $0x480;
	[dreg:$0xb] =	wrdreg s8;
	s23 =	simm.s32 $0x5  }
0x19: {  	v0 =	vimm.f32 $0.0e+00;
	s24 =	simm.s32 $0x100;
	s8 =	simm.s32 $0x400;
	s10 =	simm.s32 $0x40  }
.LBB2_1:
0x1a: {  	s12 =	simm.s32 $0x0;
	s13 =	simm.s32 $0x200  }
.LBB2_2:
0x1b: {  	p0 =	sne.s32 s13, $0x16E00;
	[tilespmem:s12+$0x570] =	vst v0  }
0x1c: {  	[tilespmem:s12+$0x500] =	vst v0  }
0x1d: {  	[tilespmem:s12+$0x510] =	vst v0  }
.Ltmp0:
0x1e: {  	[tilespmem:s12+$0x520] =	vst v0;
	(pc) =	sbr.rel @p0 .LBB2_2-.Ltmp0, $4  }
0x1f: {  	[tilespmem:s12+$0x530] =	vst v0  }
0x20: {  	[tilespmem:s12+$0x540] =	vst v0  }
0x21: {  	[tilespmem:s12+$0x550] =	vst v0  }
0x22: {  	[tilespmem:s12+$0x560] =	vst v0;
	s12 =	sshra.s32 s13, $0x2;
	s13 =	sadd.s32 $0x200, s13  }
0x23: {  	[tilespmem:s12+$0x570] =	vst v0  }
0x24: {  	[tilespmem:s12+$0x500] =	vst v0  }
0x25: {  	[tilespmem:s12+$0x510] =	vst v0  }
0x26: {  	[tilespmem:s12+$0x520] =	vst v0  }
0x27: {  	[tilespmem:s12+$0x530] =	vst v0  }
0x28: {  	[tilespmem:s12+$0x540] =	vst v0  }
0x29: {  	[tilespmem:s12+$0x550] =	vst v0  }
0x2a: {  	[tilespmem:s12+$0x560] =	vst v0  }
0x2b: {  	[spmem:s7] =	stream.linear.scatter [tilespmem:s22], [sflag:$0x5], $0x5C00, $0x38;
	[tilespmem:$0x1FD00] =	vst v63  }
0x2c: {  	_ =	swait.ge [sflag:s23], $0x5C00  }
0x2d: {  	[sflag:s23] =	ssyncset.done $0x0  }
0x2e: {  	s15 =	rddreg [dreg:$0x3];
	[sflag:s23] =	ssyncadd.s32 $0xFFFFA400  }
0x2f: {  	[spmem:s15] =	stream.linear.scatter [tilespmem:s22], [sflag:$0x5], $0x5C00, $0x38;
	[tilespmem:$0x1FD00] =	vst v63  }
0x30: {  	_ =	swait.ge [sflag:s23], $0x5C00  }
0x31: {  	[sflag:s23] =	ssyncset.done $0x0  }
0x32: {  	s16 =	rddreg [dreg:$0x4];
	[sflag:s23] =	ssyncadd.s32 $0xFFFFA400  }
0x33: {  	[spmem:s16] =	stream.linear.scatter [tilespmem:s22], [sflag:$0x5], $0x5C00, $0x38;
	[tilespmem:$0x1FD00] =	vst v63  }
0x34: {  	_ =	swait.ge [sflag:s23], $0x5C00  }
0x35: {  	[sflag:s23] =	ssyncset.done $0x0  }
0x36: {  	s13 =	rddreg [dreg:$0x5];
	[sflag:s23] =	ssyncadd.s32 $0xFFFFA400  }
0x37: {  	[spmem:s13] =	stream.linear.scatter [tilespmem:s22], [sflag:$0x5], $0x2C00, $0x38;
	[tilespmem:$0x1FD00] =	vst v63  }
0x38: {  	_ =	swait.ge [sflag:s23], $0x2C00  }
0x39: {  	[sflag:s23] =	ssyncset.done $0x0  }
0x3a: {  	[sflag:s23] =	ssyncadd.s32 $0xFFFFD400  }
0x3b: {  	[bflag:$0x0] =	sbarrier.arrive $0xFFFF  }
0x3c: {  	s12 =	simm.s32 $0x0;
	s13 =	rddreg [dreg:$0x6]  }
0x3d: {  	[tilespmem:s12], [sflag:$0x1] =	stream.linear.gather [hbm4b:s13+s12], $0xB8, $0x38;
	[tilespmem:$0x1FD00] =	vst v63  }
0x3e: {  	s14 =	rddreg [dreg:$0x7]  }
0x3f: {  	[tilespmem:s24], [sflag:$0x1] =	stream.linear.gather [hbm4b:s14+s12], $0xB8, $0x38;
	[tilespmem:$0x1FD00] =	vst v63  }
0x40: {  	_ =	swait.ge [sflag:s25], $0xB8  }
0x41: {  	[sflag:s25] =	ssyncset.done $0x0  }
0x42: {  	[sflag:s25] =	ssyncadd.s32 $0xFFFFFF48  }
0x43: {  	_ =	swait.ge [sflag:s25], $0xB8  }
0x44: {  	[sflag:s25] =	ssyncset.done $0x0  }
0x45: {  	[sflag:s25] =	ssyncadd.s32 $0xFFFFFF48  }
0x46: {  	[tilespmem:s22], [sflag:$0x3] =	stream.indirect.gather [hbm4b:s4+s26], $0x80, s12, s26, $0xb8;
	[tilespmem:$0x1FD00] =	vst v63  }
0x47: {  	s15 =	rddreg [dreg:$0x8]  }
0x48: {  	[tilespmem:s28], [sflag:$0x2] =	stream.linear.gather [hbm4b:s15+s12], $0xB8, $0x38;
	[tilespmem:$0x1FD00] =	vst v63  }
0x49: {  	s16 =	rddreg [dreg:$0x9]  }
0x4a: {  	[tilespmem:s29], [sflag:$0x2] =	stream.linear.gather [hbm4b:s16+s12], $0xB8, $0x38;
	[tilespmem:$0x1FD00] =	vst v63  }
0x4b: {  	_ =	swait.ge [sflag:s30], $0xB8  }
0x4c: {  	[sflag:s30] =	ssyncset.done $0x0  }
0x4d: {  	[sflag:s30] =	ssyncadd.s32 $0xFFFFFF48  }
0x4e: {  	_ =	swait.ge [sflag:s30], $0xB8  }
0x4f: {  	[sflag:s30] =	ssyncset.done $0x0  }
0x50: {  	[sflag:s30] =	ssyncadd.s32 $0xFFFFFF48  }
0x51: {  	[tilespmem:s31], [sflag:$0x4] =	stream.indirect.gather [hbm4b:s4+s26], $0x80, s28, s26, $0xb8;
	[tilespmem:$0x1FD00] =	vst v63  }
0x52: {  	_ =	swait.ge [sflag:s0], $0x5C00  }
0x53: {  	[sflag:s0] =	ssyncset.done $0x0  }
0x54: {  	[sflag:s0] =	ssyncadd.s32 $0xFFFFA400  }
0x55: {  	[spmem:s2] =	stream.indirect.scatter.add.f32 [tilespmem:s22], [sflag:$0x5], $0x80, s24, s26, $0xb8;
	[tilespmem:$0x1FD00] =	vst v63  }
0x56: {  	_ =	swait.ge [sflag:s23], $0x5C00  }
0x57: {  	s14 =	sshrl.u32 s21, $0x3;
	[sflag:s23] =	ssyncset.done $0x0  }
0x58: {  	s15 =	sadd.s32 s5, s14;
	[sflag:s23] =	ssyncadd.s32 $0xFFFFA400  }
0x59: {  	[tilespmem:s3], [sflag:$0x1] =	stream.linear.gather [hbm4b:s15+s3], $0xB8, $0x38;
	[tilespmem:$0x1FD00] =	vst v63  }
0x5a: {  	s12 =	sadd.s32 s6, s14  }
0x5b: {  	[tilespmem:s24], [sflag:$0x1] =	stream.linear.gather [hbm4b:s12+s3], $0xB8, $0x38;
	[tilespmem:$0x1FD00] =	vst v63  }
0x5c: {  	_ =	swait.ge [sflag:s25], $0xB8  }
0x5d: {  	[sflag:s25] =	ssyncset.done $0x0  }
0x5e: {  	[sflag:s25] =	ssyncadd.s32 $0xFFFFFF48  }
0x5f: {  	_ =	swait.ge [sflag:s25], $0xB8  }
0x60: {  	[sflag:s25] =	ssyncset.done $0x0  }
0x61: {  	[sflag:s25] =	ssyncadd.s32 $0xFFFFFF48  }
0x62: {  	[tilespmem:s22], [sflag:$0x3] =	stream.indirect.gather [hbm4b:s4+s26], $0x80, s3, s26, $0xb8;
	[tilespmem:$0x1FD00] =	vst v63  }
0x63: {  	_ =	swait.ge [sflag:s1], $0x5C00  }
0x64: {  	[sflag:s1] =	ssyncset.done $0x0  }
0x65: {  	[sflag:s1] =	ssyncadd.s32 $0xFFFFA400  }
0x66: {  	[spmem:s2] =	stream.indirect.scatter.add.f32 [tilespmem:s31], [sflag:$0x5], $0x80, s29, s26, $0xb8;
	[tilespmem:$0x1FD00] =	vst v63  }
0x67: {  	_ =	swait.ge [sflag:s23], $0x5C00  }
0x68: {  	s13 =	sadd.s32 $0x170, s21;
	s16 =	sadd.s32 $0x0, s20;
	[sflag:s23] =	ssyncset.done $0x0  }
0x69: {  	s14 =	sadd.s32 $0x0, s19;
	s12 =	simm.s32 $0x2E;
	[sflag:s23] =	ssyncadd.s32 $0xFFFFA400  }
0x6a: {  	[tilespmem:s28], [sflag:$0x2] =	stream.linear.gather [hbm4b:s16+s3], $0xB8, $0x38;
	[tilespmem:$0x1FD00] =	vst v63  }
.LBB2_4:
0x6b: {  	[tilespmem:s29], [sflag:$0x2] =	stream.linear.gather [hbm4b:s14+s3], $0xB8, $0x38;
	[tilespmem:$0x1FD00] =	vst v63  }
0x6c: {  	s14 =	smov.u32 s12  }
0x6d: {  	p0 =	sne.s32 s12, $0x47E;
	s12 =	sadd.s32 $0x2E, s12;
	_ =	swait.ge [sflag:s30], $0xB8  }
0x6e: {  	[sflag:s30] =	ssyncset.done $0x0  }
0x6f: {  	[sflag:s30] =	ssyncadd.s32 $0xFFFFFF48  }
0x70: {  	_ =	swait.ge [sflag:s30], $0xB8  }
0x71: {  	[sflag:s30] =	ssyncset.done $0x0  }
0x72: {  	[sflag:s30] =	ssyncadd.s32 $0xFFFFFF48  }
0x73: {  	[tilespmem:s31], [sflag:$0x4] =	stream.indirect.gather [hbm4b:s4+s26], $0x80, s28, s26, $0xb8;
	[tilespmem:$0x1FD00] =	vst v63  }
0x74: {  	_ =	swait.ge [sflag:s0], $0x5C00  }
0x75: {  	[sflag:s0] =	ssyncset.done $0x0  }
0x76: {  	[sflag:s0] =	ssyncadd.s32 $0xFFFFA400  }
0x77: {  	[spmem:s2] =	stream.indirect.scatter.add.f32 [tilespmem:s22], [sflag:$0x5], $0x80, s24, s26, $0xb8;
	[tilespmem:$0x1FD00] =	vst v63  }
0x78: {  	_ =	swait.ge [sflag:s23], $0x5C00  }
0x79: {  	s15 =	sshrl.u32 s13, $0x3;
	[sflag:s23] =	ssyncset.done $0x0  }
0x7a: {  	s16 =	sadd.s32 s5, s15;
	[sflag:s23] =	ssyncadd.s32 $0xFFFFA400  }
0x7b: {  	[tilespmem:s3], [sflag:$0x1] =	stream.linear.gather [hbm4b:s16+s3], $0xB8, $0x38;
	[tilespmem:$0x1FD00] =	vst v63  }
0x7c: {  	s15 =	sadd.s32 s6, s15  }
0x7d: {  	[tilespmem:s24], [sflag:$0x1] =	stream.linear.gather [hbm4b:s15+s3], $0xB8, $0x38;
	[tilespmem:$0x1FD00] =	vst v63  }
0x7e: {  	_ =	swait.ge [sflag:s25], $0xB8  }
0x7f: {  	[sflag:s25] =	ssyncset.done $0x0  }
0x80: {  	[sflag:s25] =	ssyncadd.s32 $0xFFFFFF48  }
0x81: {  	_ =	swait.ge [sflag:s25], $0xB8  }
0x82: {  	[sflag:s25] =	ssyncset.done $0x0  }
0x83: {  	[sflag:s25] =	ssyncadd.s32 $0xFFFFFF48  }
0x84: {  	[tilespmem:s22], [sflag:$0x3] =	stream.indirect.gather [hbm4b:s4+s26], $0x80, s3, s26, $0xb8;
	[tilespmem:$0x1FD00] =	vst v63  }
0x85: {  	_ =	swait.ge [sflag:s1], $0x5C00  }
0x86: {  	[sflag:s1] =	ssyncset.done $0x0  }
0x87: {  	[sflag:s1] =	ssyncadd.s32 $0xFFFFA400  }
0x88: {  	[spmem:s2] =	stream.indirect.scatter.add.f32 [tilespmem:s31], [sflag:$0x5], $0x80, s29, s26, $0xb8;
	[tilespmem:$0x1FD00] =	vst v63  }
.Ltmp1:
0x89: {  	_ =	swait.ge [sflag:s23], $0x5C00;
	(pc) =	sbr.rel @p0 .LBB2_4-.Ltmp1, $4  }
0x8a: {  	[sflag:s23] =	ssyncset.done $0x0  }
0x8b: {  	s15 =	sadd.s32 s14, s20;
	[sflag:s23] =	ssyncadd.s32 $0xFFFFA400  }
0x8c: {  	[tilespmem:s28], [sflag:$0x2] =	stream.linear.gather [hbm4b:s15+s3], $0xB8, $0x38;
	[tilespmem:$0x1FD00] =	vst v63  }
0x8d: {  	s13 =	sadd.s32 $0x170, s13;
	s14 =	sadd.s32 s14, s19  }
0x8e: {  	[tilespmem:s29], [sflag:$0x2] =	stream.linear.gather [hbm4b:s14+s3], $0xB8, $0x38;
	[tilespmem:$0x1FD00] =	vst v63  }
0x8f: {  	_ =	swait.ge [sflag:s30], $0xB8  }
0x90: {  	[sflag:s30] =	ssyncset.done $0x0  }
0x91: {  	[sflag:s30] =	ssyncadd.s32 $0xFFFFFF48  }
0x92: {  	_ =	swait.ge [sflag:s30], $0xB8  }
0x93: {  	[sflag:s30] =	ssyncset.done $0x0  }
0x94: {  	[sflag:s30] =	ssyncadd.s32 $0xFFFFFF48  }
0x95: {  	[tilespmem:s31], [sflag:$0x4] =	stream.indirect.gather [hbm4b:s4+s26], $0x80, s28, s26, $0xb8;
	[tilespmem:$0x1FD00] =	vst v63  }
0x96: {  	_ =	swait.ge [sflag:s0], $0x5C00  }
0x97: {  	[sflag:s0] =	ssyncset.done $0x0  }
0x98: {  	[sflag:s0] =	ssyncadd.s32 $0xFFFFA400  }
0x99: {  	[spmem:s2] =	stream.indirect.scatter.add.f32 [tilespmem:s22], [sflag:$0x5], $0x80, s24, s26, $0xb8;
	[tilespmem:$0x1FD00] =	vst v63  }
0x9a: {  	_ =	swait.ge [sflag:s23], $0x5C00  }
0x9b: {  	[sflag:s23] =	ssyncset.done $0x0  }
0x9c: {  	[sflag:s23] =	ssyncadd.s32 $0xFFFFA400  }
0x9d: {  	_ =	swait.ge [sflag:s1], $0x5C00  }
0x9e: {  	[sflag:s1] =	ssyncset.done $0x0  }
0x9f: {  	[sflag:s1] =	ssyncadd.s32 $0xFFFFA400  }
0xa0: {  	[spmem:s2] =	stream.indirect.scatter.add.f32 [tilespmem:s31], [sflag:$0x5], $0x80, s29, s26, $0xb8;
	[tilespmem:$0x1FD00] =	vst v63  }
0xa1: {  	_ =	swait.ge [sflag:s23], $0x5C00  }
0xa2: {  	[sflag:s23] =	ssyncset.done $0x0  }
0xa3: {  	s12 =	rddreg [dreg:$0xa];
	[sflag:s23] =	ssyncadd.s32 $0xFFFFA400  }
0xa4: {  	[tilespmem:s8], [sflag:$0x5] =	stream.linear.gather [hbm4b:s12+s3], $0x40, $0x38;
	[tilespmem:$0x1FD00] =	vst v63  }
0xa5: {  	_ =	swait.ge [sflag:s23], $0x40  }
0xa6: {  	[sflag:s23] =	ssyncset.done $0x0  }
0xa7: {  	s15 =	rddreg [dreg:$0xb];
	[sflag:s23] =	ssyncadd.s32 $0xFFFFFFC0  }
0xa8: {  	[tilespmem:s9], [sflag:$0x5] =	stream.linear.gather [hbm4b:s15+s3], $0x40, $0x38;
	[tilespmem:$0x1FD00] =	vst v63  }
0xa9: {  	_ =	swait.ge [sflag:s23], $0x40  }
0xaa: {  	[sflag:s23] =	ssyncset.done $0x0  }
0xab: {  	[sflag:s23] =	ssyncadd.s32 $0xFFFFFFC0  }
0xac: {  	[tilespmem:s22], [sflag:$0x3] =	stream.indirect.gather [hbm4b:s4+s10], $0x80, s8, s10, $0xb8;
	[tilespmem:$0x1FD00] =	vst v63  }
0xad: {  	_ =	swait.ge [sflag:s0], $0x2000  }
0xae: {  	[sflag:s0] =	ssyncset.done $0x0  }
0xaf: {  	[sflag:s0] =	ssyncadd.s32 $0xFFFFE000  }
0xb0: {  	[spmem:s2] =	stream.indirect.scatter.add.f32 [tilespmem:s22], [sflag:$0x5], $0x80, s9, s10, $0xb8;
	[tilespmem:$0x1FD00] =	vst v63  }
0xb1: {  	s16 =	stileid.u32;
	_ =	swait.ge [sflag:s23], $0x2000  }
0xb2: {  	s13 =	sshrl.u32 s7, $0x3;
	s11 =	sadd.s32 $0x1, s11;
	[sflag:s23] =	ssyncset.done $0x0  }
0xb3: {  	p0 =	sne.s32 s11, s18;
	s12 =	sshll.u32 s16, $0x6;
	[sflag:s23] =	ssyncadd.s32 $0xFFFFE000  }
.Ltmp2:
0xb4: {  	s12 =	sor.u32 $0x1C05, s12;
	[bflag:$0x0] =	sbarrier.arrive $0xFFFF;
	(pc) =	sbr.rel @p0 .LBB2_1-.Ltmp2, $4  }
0xb5: {  	[hbm:s17], [sflag:s12] =	dma.local [spmem:s13], $0x2800  }
0xb6: {  	_ =	swait.ge [sflag:s23], $0x2800  }
0xb7: {  	[sflag:s23] =	ssyncset.done $0x0  }
0xb8: {  	[sflag:s23] =	ssyncadd.s32 $0xFFFFD800  }
0xb9: {  	_ =	sfence.sel $0x180000  }
0xba: {  	[bflag:$0x0] =	sbarrier.arrive $0xFFFF  }
0xbb: {  	_ =	strace $0x9000004A  }
0xbc: {  	s0 =	stileid.u32;
	[bflag:$0x2] =	sbarrier.arrive $0xFFFF  }
0xbd: {  	p0 =	sne.s32 s0, $0x0;
	s0 =	rddreg [dreg:$0x2]  }
0xbe: {  	s0 =	sadd.s32 @!p0 $0x100000, s0  }
0xbf: {  	[sflag:s0] =	ssyncadd.tile.s32 @!p0 $0x1;
	_ =	shalt  }
.Lfunc_end2:
_tile_overlayer_lowered:
.L_overlay_start_2:
0xc0: {  	(tag) =	ssettag $0x2  }
0xc1: {  	s0 =	rddreg [dreg:$0x0];
	s2 =	stileid.u32  }
0xc2: {  	s1 =	rddreg [dreg:$0x1];
	p0 =	sne.s32 s2, $0x0  }
0xc3: {  	s3 =	rddreg [dreg:$0x2];
	[bflag:$0x3] =	sbarrier.arrive $0xFFFF;
	s2 =	simm.s32 @!p0 $0x1C05  }
0xc4: {  	[timem:s3], [sflag:s2] =	dma.local @!p0 [hbm:s0], s1  }
0xc5: {  	s0 =	simm.s32 @!p0 $0x5  }
0xc6: {  	_ =	swait.ge @!p0 [sflag:s0], s1  }
0xc7: {  	s1 =	ssub.s32 @!p0 $0x0, s1;
	[sflag:s0] =	ssyncset.done @!p0 $0x0  }
0xc8: {  	[sflag:s0] =	ssyncadd.s32 @!p0 s1  }
0xc9: {  	[bflag:$0x3] =	sbarrier.arrive $0xFFFF  }
0xca: {  	_ =	shalt  }

// kernel: kernel.15.cloned.1.call-start
scs
__scs_entry_jumppad:
0x0: {  	(pc) =	sbr.rel $0x88, $3  }
0x1: {  	(tag) =	ssettag $0x0;
	lr =	simm.s32 $0x1  }
0x2: {  	[smem:$0x3F99] =	sst lr;
	_ =	strace $0xD0000000  }
0x3: {  	_ = 	snop  }
0x4: {  	_ = 	snop  }
0x5: {  	_ = 	snop  }
0x6: {  	_ = 	snop  }
0x7: {  	_ = 	snop  }
__scs_overlays_trampoline_lowered:
0x8: {  	[smem:$0x3FA8] =	sst s0  }
0x9: {  	[smem:$0x3FA9] =	sst s1  }
0xa: {  	[smem:$0x3FAA] =	sst s2  }
0xb: {  	[smem:$0x3FAB] =	sst s3  }
0xc: {  	[smem:$0x3FAC] =	sst s4  }
0xd: {  	[smem:$0x3FAD] =	sst s5  }
0xe: {  	[smem:$0x3FAE] =	sst s6  }
0xf: {  	[smem:$0x3FAF] =	sst s7  }
0x10: {  	[smem:$0x3FB0] =	sst s8  }
0x11: {  	[smem:$0x3FB1] =	sst s9;
	s0 =	simm.s32 @!p0 $0x0  }
0x12: {  	s1 =	sld [smem:$0x3F97];
	s0 =	simm.s32 @p0 $0x1  }
0x13: {  	[smem:$0x3FB2] =	sst s0;
	s0 =	simm.s32 @!p1 $0x0  }
0x14: {  	s2 =	sld [smem:$0x3F96];
	s0 =	simm.s32 @p1 $0x1  }
0x15: {  	[smem:$0x3FB3] =	sst s0;
	s0 =	simm.s32 @!p2 $0x0  }
0x16: {  	s3 =	sld [smem:$0x3FDB];
	s0 =	simm.s32 @p2 $0x1  }
0x17: {  	s4 =	simm.s32 $0x1BF5;
	[smem:$0x3FB5] =	sst s0  }
0x18: {  	s0 =	sld [smem:$0x3F98];
	_ =	swait.ge [sflag:s4], $0x0  }
0x19: {  	s7 =	sld [smem:$0x3F99]  }
0x1a: {  	s8 =	sadd.s32 $0xFFFFE003, lr  }
0x1b: {  	s9 =	sadd.s32 $0xFFFFFEF7, lr;
	s5 =	simm.s32 $0xFFFFFFFF;
	p2 =	slt.u32 s8, $0xFFFFF086  }
0x1c: {  	p1 =	slt.u32 s9, $0xF7A;
	s5 =	simm.s32 @!p2 $0x0  }
0x1d: {  	s5 =	simm.s32 @p1 $0x1;
	p0 =	seq.s32 s7, s2  }
0x1e: {  	s7 =	smul.u32 @!p0 $0xF7A, s2;
	p2 =	seq.s32 @!p0 s5, $0x0  }
0x1f: {  	s9 =	smul.u32 $0xF7A, s1;
	s8 =	simm.s32 @!p0 $0x1BF5;
	p2 =	por !p2, p0  }
0x20: {  	[sflag:s8] =	ssyncset.s32 @!p0 $0xFFFFF086;
	s6 =	sadd.s32 @!p0 s3, s7;
	s7 =	simm.s32 @!p0 $0x108  }
0x21: {  	s3 =	sadd.s32 s3, s9;
	s6 =	sadd.s32 @!p0 $0x88, s6;
	s7 =	simm.s32 @p2 $0x1082  }
0x22: {  	[simem:s7], [sflag:s8] =	dma.local @!p0 [hbm:s6], $0xF7A  }
0x23: {  	s9 =	sor.u32 $0xD0000000, s2;
	s6 =	simm.s32 $0x108;
	_ =	swait.ge @!p0 [sflag:s8], $0x0  }
0x24: {  	s3 =	sadd.s32 $0x88, s3;
	s6 =	simm.s32 @!p1 $0x1082;
	[sflag:s4] =	ssyncset.s32 $0xFFFFF086  }
0x25: {  	[simem:s6], [sflag:s4] =	dma.local [hbm:s3], $0xF7A  }
0x26: {  	[smem:$0x3F99] =	sst s1;
	(tag) =	ssettag s2;
	_ =	strace s9  }
0x27: {  	s1 =	sld [smem:$0x3FA9]  }
0x28: {  	s2 =	sld [smem:$0x3FAA]  }
0x29: {  	s4 =	sld [smem:$0x3FAC]  }
0x2a: {  	p0 =	seq.s32 s5, $0x0;
	s5 =	sld [smem:$0x3FAD]  }
0x2b: {  	s6 =	sld [smem:$0x3FAE]  }
0x2c: {  	s7 =	sld [smem:$0x3FAF]  }
0x2d: {  	s3 =	simm.s32 $0x108;
	s8 =	sld [smem:$0x3FB0]  }
0x2e: {  	s3 =	simm.s32 @!p0 $0x1082;
	s9 =	sld [smem:$0x3FB1]  }
0x2f: {  	lr =	sadd.s32 s0, s3;
	s0 =	sld [smem:$0x3FA8]  }
0x30: {  	s3 =	sld [smem:$0x3FAB]  }
0x31: {  	[smem:$0x3FB4] =	sst s10  }
0x32: {  	s10 =	sld [smem:$0x3FB2];
	_ =	sdelay $0x3  }
0x33: {  	p0 =	seq.s32 s10, $0x1;
	s10 =	sld [smem:$0x3FB4];
	_ =	sdelay $0x3  }
0x34: {  	[smem:$0x3FB4] =	sst s10  }
0x35: {  	s10 =	sld [smem:$0x3FB3];
	_ =	sdelay $0x3  }
0x36: {  	p1 =	seq.s32 s10, $0x1;
	s10 =	sld [smem:$0x3FB4];
	_ =	sdelay $0x3  }
0x37: {  	[smem:$0x3FB4] =	sst s10  }
0x38: {  	s10 =	sld [smem:$0x3FB5]  }
0x39: {  	_ = 	snop;
	(pc) =	sbr.ind lr, $3  }
0x3a: {  	_ = 	snop  }
0x3b: {  	_ = 	snop  }
0x3c: {  	p2 =	seq.s32 s10, $0x1;
	s10 =	sld [smem:$0x3FB4]  }
0x3d: {  	_ =	shalt  }
0x3e: {  	_ =	shalt  }
0x3f: {  	_ =	shalt  }
0x40: {  	_ =	shalt  }
0x41: {  	_ =	shalt  }
0x42: {  	_ =	shalt  }
0x43: {  	_ =	shalt  }
0x44: {  	_ =	shalt  }
0x45: {  	_ =	shalt  }
0x46: {  	_ =	shalt  }
0x47: {  	_ =	shalt  }
0x48: {  	_ =	shalt  }
0x49: {  	_ =	shalt  }
0x4a: {  	_ =	shalt  }
0x4b: {  	_ =	shalt  }
0x4c: {  	_ =	shalt  }
0x4d: {  	_ =	shalt  }
0x4e: {  	_ =	shalt  }
0x4f: {  	_ =	shalt  }
0x50: {  	_ =	shalt  }
0x51: {  	_ =	shalt  }
0x52: {  	_ =	shalt  }
0x53: {  	_ =	shalt  }
0x54: {  	_ =	shalt  }
0x55: {  	_ =	shalt  }
0x56: {  	_ =	shalt  }
0x57: {  	_ =	shalt  }
0x58: {  	_ =	shalt  }
0x59: {  	_ =	shalt  }
0x5a: {  	_ =	shalt  }
0x5b: {  	_ =	shalt  }
0x5c: {  	_ =	shalt  }
0x5d: {  	_ =	shalt  }
0x5e: {  	_ =	shalt  }
0x5f: {  	_ =	shalt  }
0x60: {  	_ =	shalt  }
0x61: {  	_ =	shalt  }
0x62: {  	_ =	shalt  }
0x63: {  	_ =	shalt  }
0x64: {  	_ =	shalt  }
0x65: {  	_ =	shalt  }
0x66: {  	_ =	shalt  }
0x67: {  	_ =	shalt  }
0x68: {  	_ =	shalt  }
0x69: {  	_ =	shalt  }
0x6a: {  	_ =	shalt  }
0x6b: {  	_ =	shalt  }
0x6c: {  	_ =	shalt  }
0x6d: {  	_ =	shalt  }
0x6e: {  	_ =	shalt  }
0x6f: {  	_ =	shalt  }
0x70: {  	_ =	shalt  }
0x71: {  	_ =	shalt  }
0x72: {  	_ =	shalt  }
0x73: {  	_ =	shalt  }
0x74: {  	_ =	shalt  }
0x75: {  	_ =	shalt  }
0x76: {  	_ =	shalt  }
0x77: {  	_ =	shalt  }
0x78: {  	_ =	shalt  }
0x79: {  	_ =	shalt  }
0x7a: {  	_ =	shalt  }
0x7b: {  	_ =	shalt  }
0x7c: {  	_ =	shalt  }
0x7d: {  	_ =	shalt  }
0x7e: {  	_ =	shalt  }
0x7f: {  	_ =	shalt  }
0x80: {  	_ =	shalt  }
0x81: {  	_ =	shalt  }
0x82: {  	_ =	shalt  }
0x83: {  	_ =	shalt  }
0x84: {  	_ =	shalt  }
0x85: {  	_ =	shalt  }
0x86: {  	_ =	shalt  }
0x87: {  	_ =	shalt  }
.Lfunc_end0:
.L_simem_size_0:
called_computation.2_lowered:
.L_overlay_start_0:
0x88: {  	s2 =	sld [smem:$0x3FD9]  }
0x89: {  	s3 =	sld [smem:$0x3FFE];
	_ =	sdelay $0x1  }
0x8a: {  	s1 =	srdreg.scid  }
0x8b: {  	s0 =	sand.u32 $0x1, s1  }
0x8c: {  	s16 =	sshll.u32 s0, $0xA;
	s2 =	sadd.s32 s3, s2  }
0x8d: {  	s2 =	sadd.s32 s2, s16  }
0x8e: {  	[smem:$0x3FC0] =	sst s2  }
0x8f: {  	_ = 	snop  }
0x90: {  	(tm) =	ssettm $0x1  }
0x91: {  	s17 =	sld [smem:$0x3FFB];
	_ =	sdelay $0x3  }
0x92: {  	_ =	strace s17  }
0x93: {  	s2 =	sld [smem:$0x3FFC];
	_ =	sdelay $0x3  }
0x94: {  	_ =	strace s2  }
0x95: {  	s2 =	sld [smem:$0x3FFD];
	_ =	sdelay $0x3  }
0x96: {  	_ =	strace s2  }
0x97: {  	_ =	strace $0x8FFFFFFF  }
0x98: {  	s18 =	sld [smem:$0x3FDB];
	_ =	sdelay $0x1  }
0x99: {  	s19 =	simm.s32 $_scs_section_size  }
0x9a: {  	s4 =	simm.s32 $_size__tile_overlayer_lowered;
	s5 =	simm.s32 $_tile_overlayer_lowered  }
0x9b: {  	s22 =	simm.s32 $0x1BFF;
	s21 =	sshll.u32 s5, $0x1;
	s2 =	sadd.s32 s19, s18  }
0x9c: {  	s6 =	simm.s32 $0x0;
	s20 =	sshll.u32 s4, $0x1;
	s4 =	sadd.s32 s21, s2  }
0x9d: {  	[timem:s6], [sflag:s22] =	dma.local [hbm:s4], s20  }
0x9e: {  	_ =	swait.ge [sflag:s22], s20  }
0x9f: {  	s3 =	ssub.s32 $0x0, s20;
	[sflag:s22] =	ssyncset.done $0x0  }
0xa0: {  	[sflag:s22] =	ssyncadd.s32 s3;
	_ =	sdelay $0x1  }
0xa1: {  	s23 =	simm.s32 $0x1B8B  }
0xa2: {  	_ =	swait.ge [sflag:s23], $0x1  }
0xa3: {  	[sflag:s23] =	ssyncset.done $0x0  }
0xa4: {  	s25 =	simm.s32 $0x1B8E;
	s24 =	sld [smem:$0x3FFE];
	[sflag:s23] =	ssyncadd.s32 $0xFFFFFFFF  }
0xa5: {  	s26 =	simm.s32 $execute0_lowered;
	[smem:$0x3FD2] =	sst s25  }
0xa6: {  	s4 =	sshll.u32 s26, $0x1;
	_ =	strace $0x8000004C;
	[dreg:$0x1] =	wrdreg $0xFFFFFFFF  }
0xa7: {  	s28 =	simm.s32 $_size_execute0_lowered;
	s2 =	sadd.s32 s2, s4;
	[dreg:$0x0] =	wrdreg $0x0  }
0xa8: {  	s4 =	sshll.u32 s28, $0x1;
	[dreg:$0x2] =	wrdreg s2  }
0xa9: {  	[dreg:$0x3] =	wrdreg s4  }
0xaa: {  	[dreg:$0x4] =	wrdreg $0xC0  }
0xab: {  	_ =	task [dreg:s6], $0x5FFFF  }
0xac: {  	[dreg:$0x1] =	wrdreg $0xFFFFFFFF  }
0xad: {  	[dreg:$0x0] =	wrdreg $0x60  }
0xae: {  	[dreg:$0x2] =	wrdreg s24  }
0xaf: {  	[dreg:$0x3] =	wrdreg $0xBD000  }
0xb0: {  	[dreg:$0x4] =	wrdreg $0x9  }
0xb1: {  	_ =	task.clear_ibuf [dreg:s6], $0x5FFFF;
	_ =	strace $0x9000004C  }
0xb2: {  	s29 =	simm.s32 $0x9;
	_ =	strace $0x8000004E  }
0xb3: {  	_ =	swait.ge [sflag:s29], $0x1  }
0xb4: {  	[sflag:s29] =	ssyncadd.s32 $0xFFFFFFFF  }
0xb5: {  	_ =	strace $0x9000004E  }
0xb6: {  	_ =	sfence  }
0xb7: {  	s30 =	sld [smem:$0x0];
	_ =	sdelay $0x2  }
0xb8: {  	s31 =	sshll.u32 s1, $0xD;
	s1 =	sshrl.u32 s1, $0x2  }
0xb9: {  	s3 =	sand.u32 $0x4000, s31;
	s1 =	sadd.s32 s1, s30  }
0xba: {  	s0 =	sor.u32 s3, s0;
	s1 =	sshll.u32 s1, $0x11  }
0xbb: {  	s0 =	sor.u32 s1, s0  }
0xbc: {  	s0 =	sadd.s32 $0x8F2B, s0  }
0xbd: {  	[sflag:s0] =	ssyncadd.remote.s32 $0x1  }
0xbe: {  	_ =	sfence.sel $0xFFFF  }
0xbf: {  	[dreg:$0x0] =	wrdreg $0xFFFFFFFF;
	(pc) =	sbr.abs _section_cstart, $3  }
0xc0: {  	[dreg:$0x1] =	wrdreg $0xFFFFFFFF  }
0xc1: {  	_ =	task.clear_ibuf [dreg:s6], $0x2FFFF;
	_ =	strace $0x9FFFFFFF  }
0xc2: {  	(tm) =	ssettm $0x7FFFFFFF  }
0xc3: {  	_ =	shalt  }
tec
execute0_lowered:
.L_overlay_start_1:
0x0: {  	(tag) =	ssettag $0x1  }
0x1: {  	s0 =	rddreg [dreg:$0x0]  }
0x2: {  	s1 =	srdreg.scid;
	s2 =	rddreg [dreg:$0x1]  }
0x3: {  	s12 =	stileid.u32;
	s3 =	simm.s32 $0x0;
	s28 =	simm.s32 $0x200  }
0x4: {  	s29 =	simm.s32 $0x300;
	s30 =	simm.s32 $0x2;
	s6 =	smul.u32 $0x14000, s12  }
0x5: {  	s31 =	simm.s32 $0x6100;
	s1 =	sand.u32 $0x1, s1;
	s8 =	smul.u32 $0x50000, s12  }
0x6: {  	[smem:$0x7FF] =	sst s3;
	s4 =	sadd.s32 $0x16800, s0;
	s20 =	smul.u32 $0x2710, s12  }
0x7: {  	s5 =	smul.u32 $0x140000, s1;
	_ =	strace $0x8000004D;
	s14 =	sshll.u32 s1, $0x4  }
0x8: {  	s9 =	ssub.s32 $0x2, s1;
	s1 =	smul.u32 $0x27100, s1;
	s8 =	sshrl.u32 s8, $0x2  }
0x9: {  	s10 =	sor.u32 s12, s14;
	s11 =	sshrl.u32 s9, $0x1;
	s6 =	sadd.s32 s6, s5  }
0xa: {  	s5 =	sadd.s32 $0xCA00, s0;
	s15 =	smul.u32 $0x2710, s10;
	s9 =	ssub.s32 s9, s11  }
0xb: {  	s1 =	sadd.s32 s20, s1;
	s11 =	simm.s32 $0x0;
	s7 =	sshrl.u32 s6, $0x3  }
0xc: {  	s6 =	sadd.s32 $0x2C00, s0;
	s25 =	sadd.s32 $0x228, s1;
	s0 =	sadd.s32 s7, s0  }
0xd: {  	s7 =	sadd.s32 s8, s2;
	s19 =	sadd.s32 $0xB8, s15;
	s8 =	sshrl.u32 s15, $0x3  }
0xe: {  	s26 =	sshrl.u32 s25, $0x3;
	s25 =	simm.s32 $0x1;
	s16 =	sadd.s32 $0x5C00, s7  }
0xf: {  	s17 =	sadd.s32 $0xB800, s7;
	s18 =	sadd.s32 $0x11400, s7;
	[dreg:$0x3] =	wrdreg s16  }
0x10: {  	s10 =	sshrl.u32 s19, $0x3;
	s21 =	sadd.s32 s5, s8;
	[dreg:$0x4] =	wrdreg s17  }
0x11: {  	s22 =	sadd.s32 s6, s8;
	s8 =	sadd.s32 $0x4DA, s8;
	[dreg:$0x5] =	wrdreg s18  }
0x12: {  	s19 =	sadd.s32 s26, s6;
	s20 =	sadd.s32 s26, s5;
	[dreg:$0x6] =	wrdreg s21  }
0x13: {  	s26 =	simm.s32 $0xB8;
	[dreg:$0x7] =	wrdreg s22;
	s23 =	sadd.s32 s5, s10  }
0x14: {  	s10 =	sadd.s32 s6, s10;
	s24 =	sadd.s32 s5, s8;
	s8 =	sadd.s32 s6, s8  }
0x15: {  	s17 =	sadd.s32 $0x3E800, s0;
	s18 =	smax.u32 s9, $0x1;
	[dreg:$0x8] =	wrdreg s23  }
0x16: {  	s21 =	sadd.s32 $0x170, s1;
	s22 =	simm.s32 $0x500;
	[dreg:$0x9] =	wrdreg s10  }
0x17: {  	s0 =	simm.s32 $0x3;
	s1 =	simm.s32 $0x4;
	[dreg:$0xa] =	wrdreg s24  }
0x18: {  	s9 =	simm.s32 $0x480;
	[dreg:$0xb] =	wrdreg s8;
	s23 =	simm.s32 $0x5  }
0x19: {  	v0 =	vimm.f32 $0.0e+00;
	s24 =	simm.s32 $0x100;
	s8 =	simm.s32 $0x400;
	s10 =	simm.s32 $0x40  }
.LBB2_1:
0x1a: {  	s12 =	simm.s32 $0x0;
	s13 =	simm.s32 $0x200  }
.LBB2_2:
0x1b: {  	p0 =	sne.s32 s13, $0x16E00;
	[tilespmem:s12+$0x570] =	vst v0  }
0x1c: {  	[tilespmem:s12+$0x500] =	vst v0  }
0x1d: {  	[tilespmem:s12+$0x510] =	vst v0  }
.Ltmp0:
0x1e: {  	[tilespmem:s12+$0x520] =	vst v0;
	(pc) =	sbr.rel @p0 .LBB2_2-.Ltmp0, $4  }
0x1f: {  	[tilespmem:s12+$0x530] =	vst v0  }
0x20: {  	[tilespmem:s12+$0x540] =	vst v0  }
0x21: {  	[tilespmem:s12+$0x550] =	vst v0  }
0x22: {  	[tilespmem:s12+$0x560] =	vst v0;
	s12 =	sshra.s32 s13, $0x2;
	s13 =	sadd.s32 $0x200, s13  }
0x23: {  	[tilespmem:s12+$0x570] =	vst v0  }
0x24: {  	[tilespmem:s12+$0x500] =	vst v0  }
0x25: {  	[tilespmem:s12+$0x510] =	vst v0  }
0x26: {  	[tilespmem:s12+$0x520] =	vst v0  }
0x27: {  	[tilespmem:s12+$0x530] =	vst v0  }
0x28: {  	[tilespmem:s12+$0x540] =	vst v0  }
0x29: {  	[tilespmem:s12+$0x550] =	vst v0  }
0x2a: {  	[tilespmem:s12+$0x560] =	vst v0  }
0x2b: {  	[spmem:s7] =	stream.linear.scatter [tilespmem:s22], [sflag:$0x5], $0x5C00, $0x38;
	[tilespmem:$0x1FD00] =	vst v63  }
0x2c: {  	_ =	swait.ge [sflag:s23], $0x5C00  }
0x2d: {  	[sflag:s23] =	ssyncset.done $0x0  }
0x2e: {  	s15 =	rddreg [dreg:$0x3];
	[sflag:s23] =	ssyncadd.s32 $0xFFFFA400  }
0x2f: {  	[spmem:s15] =	stream.linear.scatter [tilespmem:s22], [sflag:$0x5], $0x5C00, $0x38;
	[tilespmem:$0x1FD00] =	vst v63  }
0x30: {  	_ =	swait.ge [sflag:s23], $0x5C00  }
0x31: {  	[sflag:s23] =	ssyncset.done $0x0  }
0x32: {  	s16 =	rddreg [dreg:$0x4];
	[sflag:s23] =	ssyncadd.s32 $0xFFFFA400  }
0x33: {  	[spmem:s16] =	stream.linear.scatter [tilespmem:s22], [sflag:$0x5], $0x5C00, $0x38;
	[tilespmem:$0x1FD00] =	vst v63  }
0x34: {  	_ =	swait.ge [sflag:s23], $0x5C00  }
0x35: {  	[sflag:s23] =	ssyncset.done $0x0  }
0x36: {  	s13 =	rddreg [dreg:$0x5];
	[sflag:s23] =	ssyncadd.s32 $0xFFFFA400  }
0x37: {  	[spmem:s13] =	stream.linear.scatter [tilespmem:s22], [sflag:$0x5], $0x2C00, $0x38;
	[tilespmem:$0x1FD00] =	vst v63  }
0x38: {  	_ =	swait.ge [sflag:s23], $0x2C00  }
0x39: {  	[sflag:s23] =	ssyncset.done $0x0  }
0x3a: {  	[sflag:s23] =	ssyncadd.s32 $0xFFFFD400  }
0x3b: {  	[bflag:$0x0] =	sbarrier.arrive $0xFFFF  }
0x3c: {  	s12 =	simm.s32 $0x0;
	s13 =	rddreg [dreg:$0x6]  }
0x3d: {  	[tilespmem:s12], [sflag:$0x1] =	stream.linear.gather [hbm4b:s13+s12], $0xB8, $0x38;
	[tilespmem:$0x1FD00] =	vst v63  }
0x3e: {  	s14 =	rddreg [dreg:$0x7]  }
0x3f: {  	[tilespmem:s24], [sflag:$0x1] =	stream.linear.gather [hbm4b:s14+s12], $0xB8, $0x38;
	[tilespmem:$0x1FD00] =	vst v63  }
0x40: {  	_ =	swait.ge [sflag:s25], $0xB8  }
0x41: {  	[sflag:s25] =	ssyncset.done $0x0  }
0x42: {  	[sflag:s25] =	ssyncadd.s32 $0xFFFFFF48  }
0x43: {  	_ =	swait.ge [sflag:s25], $0xB8  }
0x44: {  	[sflag:s25] =	ssyncset.done $0x0  }
0x45: {  	[sflag:s25] =	ssyncadd.s32 $0xFFFFFF48  }
0x46: {  	[tilespmem:s22], [sflag:$0x3] =	stream.indirect.gather [hbm4b:s4+s26], $0x80, s12, s26, $0xb8;
	[tilespmem:$0x1FD00] =	vst v63  }
0x47: {  	s15 =	rddreg [dreg:$0x8]  }
0x48: {  	[tilespmem:s28], [sflag:$0x2] =	stream.linear.gather [hbm4b:s15+s12], $0xB8, $0x38;
	[tilespmem:$0x1FD00] =	vst v63  }
0x49: {  	s16 =	rddreg [dreg:$0x9]  }
0x4a: {  	[tilespmem:s29], [sflag:$0x2] =	stream.linear.gather [hbm4b:s16+s12], $0xB8, $0x38;
	[tilespmem:$0x1FD00] =	vst v63  }
0x4b: {  	_ =	swait.ge [sflag:s30], $0xB8  }
0x4c: {  	[sflag:s30] =	ssyncset.done $0x0  }
0x4d: {  	[sflag:s30] =	ssyncadd.s32 $0xFFFFFF48  }
0x4e: {  	_ =	swait.ge [sflag:s30], $0xB8  }
0x4f: {  	[sflag:s30] =	ssyncset.done $0x0  }
0x50: {  	[sflag:s30] =	ssyncadd.s32 $0xFFFFFF48  }
0x51: {  	[tilespmem:s31], [sflag:$0x4] =	stream.indirect.gather [hbm4b:s4+s26], $0x80, s28, s26, $0xb8;
	[tilespmem:$0x1FD00] =	vst v63  }
0x52: {  	_ =	swait.ge [sflag:s0], $0x5C00  }
0x53: {  	[sflag:s0] =	ssyncset.done $0x0  }
0x54: {  	[sflag:s0] =	ssyncadd.s32 $0xFFFFA400  }
0x55: {  	[spmem:s2] =	stream.indirect.scatter.add.f32 [tilespmem:s22], [sflag:$0x5], $0x80, s24, s26, $0xb8;
	[tilespmem:$0x1FD00] =	vst v63  }
0x56: {  	_ =	swait.ge [sflag:s23], $0x5C00  }
0x57: {  	s14 =	sshrl.u32 s21, $0x3;
	[sflag:s23] =	ssyncset.done $0x0  }
0x58: {  	s15 =	sadd.s32 s5, s14;
	[sflag:s23] =	ssyncadd.s32 $0xFFFFA400  }
0x59: {  	[tilespmem:s3], [sflag:$0x1] =	stream.linear.gather [hbm4b:s15+s3], $0xB8, $0x38;
	[tilespmem:$0x1FD00] =	vst v63  }
0x5a: {  	s12 =	sadd.s32 s6, s14  }
0x5b: {  	[tilespmem:s24], [sflag:$0x1] =	stream.linear.gather [hbm4b:s12+s3], $0xB8, $0x38;
	[tilespmem:$0x1FD00] =	vst v63  }
0x5c: {  	_ =	swait.ge [sflag:s25], $0xB8  }
0x5d: {  	[sflag:s25] =	ssyncset.done $0x0  }
0x5e: {  	[sflag:s25] =	ssyncadd.s32 $0xFFFFFF48  }
0x5f: {  	_ =	swait.ge [sflag:s25], $0xB8  }
0x60: {  	[sflag:s25] =	ssyncset.done $0x0  }
0x61: {  	[sflag:s25] =	ssyncadd.s32 $0xFFFFFF48  }
0x62: {  	[tilespmem:s22], [sflag:$0x3] =	stream.indirect.gather [hbm4b:s4+s26], $0x80, s3, s26, $0xb8;
	[tilespmem:$0x1FD00] =	vst v63  }
0x63: {  	_ =	swait.ge [sflag:s1], $0x5C00  }
0x64: {  	[sflag:s1] =	ssyncset.done $0x0  }
0x65: {  	[sflag:s1] =	ssyncadd.s32 $0xFFFFA400  }
0x66: {  	[spmem:s2] =	stream.indirect.scatter.add.f32 [tilespmem:s31], [sflag:$0x5], $0x80, s29, s26, $0xb8;
	[tilespmem:$0x1FD00] =	vst v63  }
0x67: {  	_ =	swait.ge [sflag:s23], $0x5C00  }
0x68: {  	s13 =	sadd.s32 $0x170, s21;
	s16 =	sadd.s32 $0x0, s20;
	[sflag:s23] =	ssyncset.done $0x0  }
0x69: {  	s14 =	sadd.s32 $0x0, s19;
	s12 =	simm.s32 $0x2E;
	[sflag:s23] =	ssyncadd.s32 $0xFFFFA400  }
0x6a: {  	[tilespmem:s28], [sflag:$0x2] =	stream.linear.gather [hbm4b:s16+s3], $0xB8, $0x38;
	[tilespmem:$0x1FD00] =	vst v63  }
.LBB2_4:
0x6b: {  	[tilespmem:s29], [sflag:$0x2] =	stream.linear.gather [hbm4b:s14+s3], $0xB8, $0x38;
	[tilespmem:$0x1FD00] =	vst v63  }
0x6c: {  	s14 =	smov.u32 s12  }
0x6d: {  	p0 =	sne.s32 s12, $0x47E;
	s12 =	sadd.s32 $0x2E, s12;
	_ =	swait.ge [sflag:s30], $0xB8  }
0x6e: {  	[sflag:s30] =	ssyncset.done $0x0  }
0x6f: {  	[sflag:s30] =	ssyncadd.s32 $0xFFFFFF48  }
0x70: {  	_ =	swait.ge [sflag:s30], $0xB8  }
0x71: {  	[sflag:s30] =	ssyncset.done $0x0  }
0x72: {  	[sflag:s30] =	ssyncadd.s32 $0xFFFFFF48  }
0x73: {  	[tilespmem:s31], [sflag:$0x4] =	stream.indirect.gather [hbm4b:s4+s26], $0x80, s28, s26, $0xb8;
	[tilespmem:$0x1FD00] =	vst v63  }
0x74: {  	_ =	swait.ge [sflag:s0], $0x5C00  }
0x75: {  	[sflag:s0] =	ssyncset.done $0x0  }
0x76: {  	[sflag:s0] =	ssyncadd.s32 $0xFFFFA400  }
0x77: {  	[spmem:s2] =	stream.indirect.scatter.add.f32 [tilespmem:s22], [sflag:$0x5], $0x80, s24, s26, $0xb8;
	[tilespmem:$0x1FD00] =	vst v63  }
0x78: {  	_ =	swait.ge [sflag:s23], $0x5C00  }
0x79: {  	s15 =	sshrl.u32 s13, $0x3;
	[sflag:s23] =	ssyncset.done $0x0  }
0x7a: {  	s16 =	sadd.s32 s5, s15;
	[sflag:s23] =	ssyncadd.s32 $0xFFFFA400  }
0x7b: {  	[tilespmem:s3], [sflag:$0x1] =	stream.linear.gather [hbm4b:s16+s3], $0xB8, $0x38;
	[tilespmem:$0x1FD00] =	vst v63  }
0x7c: {  	s15 =	sadd.s32 s6, s15  }
0x7d: {  	[tilespmem:s24], [sflag:$0x1] =	stream.linear.gather [hbm4b:s15+s3], $0xB8, $0x38;
	[tilespmem:$0x1FD00] =	vst v63  }
0x7e: {  	_ =	swait.ge [sflag:s25], $0xB8  }
0x7f: {  	[sflag:s25] =	ssyncset.done $0x0  }
0x80: {  	[sflag:s25] =	ssyncadd.s32 $0xFFFFFF48  }
0x81: {  	_ =	swait.ge [sflag:s25], $0xB8  }
0x82: {  	[sflag:s25] =	ssyncset.done $0x0  }
0x83: {  	[sflag:s25] =	ssyncadd.s32 $0xFFFFFF48  }
0x84: {  	[tilespmem:s22], [sflag:$0x3] =	stream.indirect.gather [hbm4b:s4+s26], $0x80, s3, s26, $0xb8;
	[tilespmem:$0x1FD00] =	vst v63  }
0x85: {  	_ =	swait.ge [sflag:s1], $0x5C00  }
0x86: {  	[sflag:s1] =	ssyncset.done $0x0  }
0x87: {  	[sflag:s1] =	ssyncadd.s32 $0xFFFFA400  }
0x88: {  	[spmem:s2] =	stream.indirect.scatter.add.f32 [tilespmem:s31], [sflag:$0x5], $0x80, s29, s26, $0xb8;
	[tilespmem:$0x1FD00] =	vst v63  }
.Ltmp1:
0x89: {  	_ =	swait.ge [sflag:s23], $0x5C00;
	(pc) =	sbr.rel @p0 .LBB2_4-.Ltmp1, $4  }
0x8a: {  	[sflag:s23] =	ssyncset.done $0x0  }
0x8b: {  	s15 =	sadd.s32 s14, s20;
	[sflag:s23] =	ssyncadd.s32 $0xFFFFA400  }
0x8c: {  	[tilespmem:s28], [sflag:$0x2] =	stream.linear.gather [hbm4b:s15+s3], $0xB8, $0x38;
	[tilespmem:$0x1FD00] =	vst v63  }
0x8d: {  	s13 =	sadd.s32 $0x170, s13;
	s14 =	sadd.s32 s14, s19  }
0x8e: {  	[tilespmem:s29], [sflag:$0x2] =	stream.linear.gather [hbm4b:s14+s3], $0xB8, $0x38;
	[tilespmem:$0x1FD00] =	vst v63  }
0x8f: {  	_ =	swait.ge [sflag:s30], $0xB8  }
0x90: {  	[sflag:s30] =	ssyncset.done $0x0  }
0x91: {  	[sflag:s30] =	ssyncadd.s32 $0xFFFFFF48  }
0x92: {  	_ =	swait.ge [sflag:s30], $0xB8  }
0x93: {  	[sflag:s30] =	ssyncset.done $0x0  }
0x94: {  	[sflag:s30] =	ssyncadd.s32 $0xFFFFFF48  }
0x95: {  	[tilespmem:s31], [sflag:$0x4] =	stream.indirect.gather [hbm4b:s4+s26], $0x80, s28, s26, $0xb8;
	[tilespmem:$0x1FD00] =	vst v63  }
0x96: {  	_ =	swait.ge [sflag:s0], $0x5C00  }
0x97: {  	[sflag:s0] =	ssyncset.done $0x0  }
0x98: {  	[sflag:s0] =	ssyncadd.s32 $0xFFFFA400  }
0x99: {  	[spmem:s2] =	stream.indirect.scatter.add.f32 [tilespmem:s22], [sflag:$0x5], $0x80, s24, s26, $0xb8;
	[tilespmem:$0x1FD00] =	vst v63  }
0x9a: {  	_ =	swait.ge [sflag:s23], $0x5C00  }
0x9b: {  	[sflag:s23] =	ssyncset.done $0x0  }
0x9c: {  	[sflag:s23] =	ssyncadd.s32 $0xFFFFA400  }
0x9d: {  	_ =	swait.ge [sflag:s1], $0x5C00  }
0x9e: {  	[sflag:s1] =	ssyncset.done $0x0  }
0x9f: {  	[sflag:s1] =	ssyncadd.s32 $0xFFFFA400  }
0xa0: {  	[spmem:s2] =	stream.indirect.scatter.add.f32 [tilespmem:s31], [sflag:$0x5], $0x80, s29, s26, $0xb8;
	[tilespmem:$0x1FD00] =	vst v63  }
0xa1: {  	_ =	swait.ge [sflag:s23], $0x5C00  }
0xa2: {  	[sflag:s23] =	ssyncset.done $0x0  }
0xa3: {  	s12 =	rddreg [dreg:$0xa];
	[sflag:s23] =	ssyncadd.s32 $0xFFFFA400  }
0xa4: {  	[tilespmem:s8], [sflag:$0x5] =	stream.linear.gather [hbm4b:s12+s3], $0x40, $0x38;
	[tilespmem:$0x1FD00] =	vst v63  }
0xa5: {  	_ =	swait.ge [sflag:s23], $0x40  }
0xa6: {  	[sflag:s23] =	ssyncset.done $0x0  }
0xa7: {  	s15 =	rddreg [dreg:$0xb];
	[sflag:s23] =	ssyncadd.s32 $0xFFFFFFC0  }
0xa8: {  	[tilespmem:s9], [sflag:$0x5] =	stream.linear.gather [hbm4b:s15+s3], $0x40, $0x38;
	[tilespmem:$0x1FD00] =	vst v63  }
0xa9: {  	_ =	swait.ge [sflag:s23], $0x40  }
0xaa: {  	[sflag:s23] =	ssyncset.done $0x0  }
0xab: {  	[sflag:s23] =	ssyncadd.s32 $0xFFFFFFC0  }
0xac: {  	[tilespmem:s22], [sflag:$0x3] =	stream.indirect.gather [hbm4b:s4+s10], $0x80, s8, s10, $0xb8;
	[tilespmem:$0x1FD00] =	vst v63  }
0xad: {  	_ =	swait.ge [sflag:s0], $0x2000  }
0xae: {  	[sflag:s0] =	ssyncset.done $0x0  }
0xaf: {  	[sflag:s0] =	ssyncadd.s32 $0xFFFFE000  }
0xb0: {  	[spmem:s2] =	stream.indirect.scatter.add.f32 [tilespmem:s22], [sflag:$0x5], $0x80, s9, s10, $0xb8;
	[tilespmem:$0x1FD00] =	vst v63  }
0xb1: {  	s16 =	stileid.u32;
	_ =	swait.ge [sflag:s23], $0x2000  }
0xb2: {  	s13 =	sshrl.u32 s7, $0x3;
	s11 =	sadd.s32 $0x1, s11;
	[sflag:s23] =	ssyncset.done $0x0  }
0xb3: {  	p0 =	sne.s32 s11, s18;
	s12 =	sshll.u32 s16, $0x6;
	[sflag:s23] =	ssyncadd.s32 $0xFFFFE000  }
.Ltmp2:
0xb4: {  	s12 =	sor.u32 $0x1C05, s12;
	[bflag:$0x0] =	sbarrier.arrive $0xFFFF;
	(pc) =	sbr.rel @p0 .LBB2_1-.Ltmp2, $4  }
0xb5: {  	[hbm:s17], [sflag:s12] =	dma.local [spmem:s13], $0x2800  }
0xb6: {  	_ =	swait.ge [sflag:s23], $0x2800  }
0xb7: {  	[sflag:s23] =	ssyncset.done $0x0  }
0xb8: {  	[sflag:s23] =	ssyncadd.s32 $0xFFFFD800  }
0xb9: {  	_ =	sfence.sel $0x180000  }
0xba: {  	[bflag:$0x0] =	sbarrier.arrive $0xFFFF  }
0xbb: {  	_ =	strace $0x9000004D  }
0xbc: {  	s0 =	stileid.u32;
	[bflag:$0x2] =	sbarrier.arrive $0xFFFF  }
0xbd: {  	p0 =	sne.s32 s0, $0x0;
	s0 =	rddreg [dreg:$0x2]  }
0xbe: {  	s0 =	sadd.s32 @!p0 $0x100000, s0  }
0xbf: {  	[sflag:s0] =	ssyncadd.tile.s32 @!p0 $0x1;
	_ =	shalt  }
.Lfunc_end2:
_tile_overlayer_lowered:
.L_overlay_start_2:
0xc0: {  	(tag) =	ssettag $0x2  }
0xc1: {  	s0 =	rddreg [dreg:$0x0];
	s2 =	stileid.u32  }
0xc2: {  	s1 =	rddreg [dreg:$0x1];
	p0 =	sne.s32 s2, $0x0  }
0xc3: {  	s3 =	rddreg [dreg:$0x2];
	[bflag:$0x3] =	sbarrier.arrive $0xFFFF;
	s2 =	simm.s32 @!p0 $0x1C05  }
0xc4: {  	[timem:s3], [sflag:s2] =	dma.local @!p0 [hbm:s0], s1  }
0xc5: {  	s0 =	simm.s32 @!p0 $0x5  }
0xc6: {  	_ =	swait.ge @!p0 [sflag:s0], s1  }
0xc7: {  	s1 =	ssub.s32 @!p0 $0x0, s1;
	[sflag:s0] =	ssyncset.done @!p0 $0x0  }
0xc8: {  	[sflag:s0] =	ssyncadd.s32 @!p0 s1  }
0xc9: {  	[bflag:$0x3] =	sbarrier.arrive $0xFFFF  }
0xca: {  	_ =	shalt  }

// kernel: kernel.18.cloned.1.call-start
scs
__scs_entry_jumppad:
0x0: {  	(pc) =	sbr.rel $0x88, $3  }
0x1: {  	(tag) =	ssettag $0x0;
	lr =	simm.s32 $0x1  }
0x2: {  	[smem:$0x3F99] =	sst lr;
	_ =	strace $0xD0000000  }
0x3: {  	_ = 	snop  }
0x4: {  	_ = 	snop  }
0x5: {  	_ = 	snop  }
0x6: {  	_ = 	snop  }
0x7: {  	_ = 	snop  }
__scs_overlays_trampoline_lowered:
0x8: {  	[smem:$0x3FA8] =	sst s0  }
0x9: {  	[smem:$0x3FA9] =	sst s1  }
0xa: {  	[smem:$0x3FAA] =	sst s2  }
0xb: {  	[smem:$0x3FAB] =	sst s3  }
0xc: {  	[smem:$0x3FAC] =	sst s4  }
0xd: {  	[smem:$0x3FAD] =	sst s5  }
0xe: {  	[smem:$0x3FAE] =	sst s6  }
0xf: {  	[smem:$0x3FAF] =	sst s7  }
0x10: {  	[smem:$0x3FB0] =	sst s8  }
0x11: {  	[smem:$0x3FB1] =	sst s9;
	s0 =	simm.s32 @!p0 $0x0  }
0x12: {  	s1 =	sld [smem:$0x3F97];
	s0 =	simm.s32 @p0 $0x1  }
0x13: {  	[smem:$0x3FB2] =	sst s0;
	s0 =	simm.s32 @!p1 $0x0  }
0x14: {  	s2 =	sld [smem:$0x3F96];
	s0 =	simm.s32 @p1 $0x1  }
0x15: {  	[smem:$0x3FB3] =	sst s0;
	s0 =	simm.s32 @!p2 $0x0  }
0x16: {  	s3 =	sld [smem:$0x3FDB];
	s0 =	simm.s32 @p2 $0x1  }
0x17: {  	s4 =	simm.s32 $0x1BF5;
	[smem:$0x3FB5] =	sst s0  }
0x18: {  	s0 =	sld [smem:$0x3F98];
	_ =	swait.ge [sflag:s4], $0x0  }
0x19: {  	s7 =	sld [smem:$0x3F99]  }
0x1a: {  	s8 =	sadd.s32 $0xFFFFE003, lr  }
0x1b: {  	s9 =	sadd.s32 $0xFFFFFEF7, lr;
	s5 =	simm.s32 $0xFFFFFFFF;
	p2 =	slt.u32 s8, $0xFFFFF086  }
0x1c: {  	p1 =	slt.u32 s9, $0xF7A;
	s5 =	simm.s32 @!p2 $0x0  }
0x1d: {  	s5 =	simm.s32 @p1 $0x1;
	p0 =	seq.s32 s7, s2  }
0x1e: {  	s7 =	smul.u32 @!p0 $0xF7A, s2;
	p2 =	seq.s32 @!p0 s5, $0x0  }
0x1f: {  	s9 =	smul.u32 $0xF7A, s1;
	s8 =	simm.s32 @!p0 $0x1BF5;
	p2 =	por !p2, p0  }
0x20: {  	[sflag:s8] =	ssyncset.s32 @!p0 $0xFFFFF086;
	s6 =	sadd.s32 @!p0 s3, s7;
	s7 =	simm.s32 @!p0 $0x108  }
0x21: {  	s3 =	sadd.s32 s3, s9;
	s6 =	sadd.s32 @!p0 $0x88, s6;
	s7 =	simm.s32 @p2 $0x1082  }
0x22: {  	[simem:s7], [sflag:s8] =	dma.local @!p0 [hbm:s6], $0xF7A  }
0x23: {  	s9 =	sor.u32 $0xD0000000, s2;
	s6 =	simm.s32 $0x108;
	_ =	swait.ge @!p0 [sflag:s8], $0x0  }
0x24: {  	s3 =	sadd.s32 $0x88, s3;
	s6 =	simm.s32 @!p1 $0x1082;
	[sflag:s4] =	ssyncset.s32 $0xFFFFF086  }
0x25: {  	[simem:s6], [sflag:s4] =	dma.local [hbm:s3], $0xF7A  }
0x26: {  	[smem:$0x3F99] =	sst s1;
	(tag) =	ssettag s2;
	_ =	strace s9  }
0x27: {  	s1 =	sld [smem:$0x3FA9]  }
0x28: {  	s2 =	sld [smem:$0x3FAA]  }
0x29: {  	s4 =	sld [smem:$0x3FAC]  }
0x2a: {  	p0 =	seq.s32 s5, $0x0;
	s5 =	sld [smem:$0x3FAD]  }
0x2b: {  	s6 =	sld [smem:$0x3FAE]  }
0x2c: {  	s7 =	sld [smem:$0x3FAF]  }
0x2d: {  	s3 =	simm.s32 $0x108;
	s8 =	sld [smem:$0x3FB0]  }
0x2e: {  	s3 =	simm.s32 @!p0 $0x1082;
	s9 =	sld [smem:$0x3FB1]  }
0x2f: {  	lr =	sadd.s32 s0, s3;
	s0 =	sld [smem:$0x3FA8]  }
0x30: {  	s3 =	sld [smem:$0x3FAB]  }
0x31: {  	[smem:$0x3FB4] =	sst s10  }
0x32: {  	s10 =	sld [smem:$0x3FB2];
	_ =	sdelay $0x3  }
0x33: {  	p0 =	seq.s32 s10, $0x1;
	s10 =	sld [smem:$0x3FB4];
	_ =	sdelay $0x3  }
0x34: {  	[smem:$0x3FB4] =	sst s10  }
0x35: {  	s10 =	sld [smem:$0x3FB3];
	_ =	sdelay $0x3  }
0x36: {  	p1 =	seq.s32 s10, $0x1;
	s10 =	sld [smem:$0x3FB4];
	_ =	sdelay $0x3  }
0x37: {  	[smem:$0x3FB4] =	sst s10  }
0x38: {  	s10 =	sld [smem:$0x3FB5]  }
0x39: {  	_ = 	snop;
	(pc) =	sbr.ind lr, $3  }
0x3a: {  	_ = 	snop  }
0x3b: {  	_ = 	snop  }
0x3c: {  	p2 =	seq.s32 s10, $0x1;
	s10 =	sld [smem:$0x3FB4]  }
0x3d: {  	_ =	shalt  }
0x3e: {  	_ =	shalt  }
0x3f: {  	_ =	shalt  }
0x40: {  	_ =	shalt  }
0x41: {  	_ =	shalt  }
0x42: {  	_ =	shalt  }
0x43: {  	_ =	shalt  }
0x44: {  	_ =	shalt  }
0x45: {  	_ =	shalt  }
0x46: {  	_ =	shalt  }
0x47: {  	_ =	shalt  }
0x48: {  	_ =	shalt  }
0x49: {  	_ =	shalt  }
0x4a: {  	_ =	shalt  }
0x4b: {  	_ =	shalt  }
0x4c: {  	_ =	shalt  }
0x4d: {  	_ =	shalt  }
0x4e: {  	_ =	shalt  }
0x4f: {  	_ =	shalt  }
0x50: {  	_ =	shalt  }
0x51: {  	_ =	shalt  }
0x52: {  	_ =	shalt  }
0x53: {  	_ =	shalt  }
0x54: {  	_ =	shalt  }
0x55: {  	_ =	shalt  }
0x56: {  	_ =	shalt  }
0x57: {  	_ =	shalt  }
0x58: {  	_ =	shalt  }
0x59: {  	_ =	shalt  }
0x5a: {  	_ =	shalt  }
0x5b: {  	_ =	shalt  }
0x5c: {  	_ =	shalt  }
0x5d: {  	_ =	shalt  }
0x5e: {  	_ =	shalt  }
0x5f: {  	_ =	shalt  }
0x60: {  	_ =	shalt  }
0x61: {  	_ =	shalt  }
0x62: {  	_ =	shalt  }
0x63: {  	_ =	shalt  }
0x64: {  	_ =	shalt  }
0x65: {  	_ =	shalt  }
0x66: {  	_ =	shalt  }
0x67: {  	_ =	shalt  }
0x68: {  	_ =	shalt  }
0x69: {  	_ =	shalt  }
0x6a: {  	_ =	shalt  }
0x6b: {  	_ =	shalt  }
0x6c: {  	_ =	shalt  }
0x6d: {  	_ =	shalt  }
0x6e: {  	_ =	shalt  }
0x6f: {  	_ =	shalt  }
0x70: {  	_ =	shalt  }
0x71: {  	_ =	shalt  }
0x72: {  	_ =	shalt  }
0x73: {  	_ =	shalt  }
0x74: {  	_ =	shalt  }
0x75: {  	_ =	shalt  }
0x76: {  	_ =	shalt  }
0x77: {  	_ =	shalt  }
0x78: {  	_ =	shalt  }
0x79: {  	_ =	shalt  }
0x7a: {  	_ =	shalt  }
0x7b: {  	_ =	shalt  }
0x7c: {  	_ =	shalt  }
0x7d: {  	_ =	shalt  }
0x7e: {  	_ =	shalt  }
0x7f: {  	_ =	shalt  }
0x80: {  	_ =	shalt  }
0x81: {  	_ =	shalt  }
0x82: {  	_ =	shalt  }
0x83: {  	_ =	shalt  }
0x84: {  	_ =	shalt  }
0x85: {  	_ =	shalt  }
0x86: {  	_ =	shalt  }
0x87: {  	_ =	shalt  }
.Lfunc_end0:
.L_simem_size_0:
called_computation.3_lowered:
.L_overlay_start_0:
0x88: {  	s2 =	sld [smem:$0x3FD9]  }
0x89: {  	s3 =	sld [smem:$0x3FFE];
	_ =	sdelay $0x1  }
0x8a: {  	s1 =	srdreg.scid  }
0x8b: {  	s0 =	sand.u32 $0x1, s1  }
0x8c: {  	s17 =	sshll.u32 s0, $0xA;
	s2 =	sadd.s32 s3, s2  }
0x8d: {  	s2 =	sadd.s32 s2, s17  }
0x8e: {  	[smem:$0x3FC0] =	sst s2  }
0x8f: {  	_ = 	snop  }
0x90: {  	s2 =	sld [smem:$0x3FC7]  }
0x91: {  	s18 =	sld [smem:$0x3FC6]  }
0x92: {  	s4 =	sld [smem:$0x3FD0];
	(tm) =	ssettm $0x1  }
0x93: {  	s5 =	sld [smem:$0x3FFB];
	_ =	sdelay $0x3  }
0x94: {  	_ =	strace s5  }
0x95: {  	s5 =	sld [smem:$0x3FFC];
	_ =	sdelay $0x3  }
0x96: {  	_ =	strace s5  }
0x97: {  	s5 =	sld [smem:$0x3FFD];
	_ =	sdelay $0x3  }
0x98: {  	_ =	strace s5  }
0x99: {  	_ =	strace $0x8FFFFFFF  }
0x9a: {  	s19 =	sld [smem:$0x3FDB];
	_ =	sdelay $0x1  }
0x9b: {  	s6 =	simm.s32 $_scs_section_size  }
0x9c: {  	s7 =	simm.s32 $_size__tile_overlayer_lowered;
	s8 =	simm.s32 $_tile_overlayer_lowered  }
0x9d: {  	s22 =	simm.s32 $0x1BFF;
	s21 =	sshll.u32 s8, $0x1;
	s5 =	sadd.s32 s6, s19  }
0x9e: {  	s9 =	simm.s32 $0x0;
	s20 =	sshll.u32 s7, $0x1;
	s7 =	sadd.s32 s21, s5  }
0x9f: {  	[timem:s9], [sflag:s22] =	dma.local [hbm:s7], s20  }
0xa0: {  	_ =	swait.ge [sflag:s22], s20  }
0xa1: {  	s6 =	ssub.s32 $0x0, s20;
	[sflag:s22] =	ssyncset.done $0x0  }
0xa2: {  	[sflag:s22] =	ssyncadd.s32 s6;
	_ =	sdelay $0x1  }
0xa3: {  	s23 =	simm.s32 $0x1B8B  }
0xa4: {  	_ =	swait.ge [sflag:s23], $0x1  }
0xa5: {  	[sflag:s23] =	ssyncset.done $0x0  }
0xa6: {  	s25 =	simm.s32 $0x1B8E;
	s24 =	sld [smem:$0x3FFE];
	[sflag:s23] =	ssyncadd.s32 $0xFFFFFFFF  }
0xa7: {  	s26 =	simm.s32 $execute0_lowered;
	[smem:$0x3FD2] =	sst s25  }
0xa8: {  	s7 =	sshll.u32 s26, $0x1;
	_ =	strace $0x8000004F;
	[dreg:$0x1] =	wrdreg $0xFFFFFFFF  }
0xa9: {  	s28 =	simm.s32 $_size_execute0_lowered;
	s5 =	sadd.s32 s5, s7;
	[dreg:$0x0] =	wrdreg $0x0  }
0xaa: {  	s7 =	sshll.u32 s28, $0x1;
	[dreg:$0x2] =	wrdreg s5  }
0xab: {  	[dreg:$0x3] =	wrdreg s7  }
0xac: {  	[dreg:$0x4] =	wrdreg $0xC0  }
0xad: {  	_ =	task [dreg:s9], $0x5FFFF  }
0xae: {  	[dreg:$0x1] =	wrdreg $0xFFFFFFFF  }
0xaf: {  	[dreg:$0x0] =	wrdreg $0x60  }
0xb0: {  	[dreg:$0x2] =	wrdreg s24  }
0xb1: {  	[dreg:$0x3] =	wrdreg s2  }
0xb2: {  	[dreg:$0x4] =	wrdreg s18  }
0xb3: {  	[dreg:$0x5] =	wrdreg s4  }
0xb4: {  	[dreg:$0x6] =	wrdreg $0x9  }
0xb5: {  	_ =	task.clear_ibuf [dreg:s9], $0x7FFFF;
	_ =	strace $0x9000004F  }
0xb6: {  	s29 =	simm.s32 $0x9;
	_ =	strace $0x80000051  }
0xb7: {  	_ =	swait.ge [sflag:s29], $0x1  }
0xb8: {  	[sflag:s29] =	ssyncadd.s32 $0xFFFFFFFF  }
0xb9: {  	_ =	strace $0x90000051  }
0xba: {  	_ =	sfence  }
0xbb: {  	s30 =	sld [smem:$0x0];
	_ =	sdelay $0x2  }
0xbc: {  	s31 =	sshll.u32 s1, $0xD;
	s1 =	sshrl.u32 s1, $0x2  }
0xbd: {  	s3 =	sand.u32 $0x4000, s31;
	s1 =	sadd.s32 s1, s30  }
0xbe: {  	s0 =	sor.u32 s3, s0;
	s1 =	sshll.u32 s1, $0x11  }
0xbf: {  	s0 =	sor.u32 s1, s0  }
0xc0: {  	s0 =	sadd.s32 $0x8F2B, s0  }
0xc1: {  	[sflag:s0] =	ssyncadd.remote.s32 $0x1  }
0xc2: {  	_ =	sfence.sel $0xFFFF  }
0xc3: {  	[dreg:$0x0] =	wrdreg $0xFFFFFFFF;
	(pc) =	sbr.abs _section_cstart, $3  }
0xc4: {  	[dreg:$0x1] =	wrdreg $0xFFFFFFFF  }
0xc5: {  	_ =	task.clear_ibuf [dreg:s9], $0x2FFFF;
	_ =	strace $0x9FFFFFFF  }
0xc6: {  	(tm) =	ssettm $0x7FFFFFFF  }
0xc7: {  	_ =	shalt  }
tec
execute0_lowered:
.L_overlay_start_1:
0x0: {  	(tag) =	ssettag $0x1  }
0x1: {  	s1 =	rddreg [dreg:$0x0]  }
0x2: {  	s0 =	rddreg [dreg:$0x1]  }
0x3: {  	s3 =	rddreg [dreg:$0x2]  }
0x4: {  	s2 =	srdreg.scid;
	s4 =	rddreg [dreg:$0x3]  }
0x5: {  	s7 =	stileid.u32;
	s5 =	simm.s32 $0x0;
	s14 =	simm.s32 $0x100  }
0x6: {  	s15 =	simm.s32 $0x1;
	s16 =	simm.s32 $0xA0;
	s20 =	simm.s32 $0x300  }
0x7: {  	s21 =	simm.s32 $0x3;
	s22 =	simm.s32 $0x14400;
	s2 =	sand.u32 $0x1, s2  }
0x8: {  	s23 =	simm.s32 $0x19400;
	s24 =	simm.s32 $0x5;
	s6 =	sshll.u32 s2, $0x4  }
0x9: {  	s25 =	simm.s32 $0x4;
	s26 =	simm.s32 $0x0;
	s6 =	sor.u32 s7, s6  }
0xa: {  	[smem:$0x7FF] =	sst s5;
	s2 =	ssub.s32 $0x2, s2;
	s8 =	smul.u32 $0xA0, s6  }
.Ltmp0:
0xb: {  	_ =	strace $0x80000050;
	s30 =	sshrl.u32 s2, $0x1;
	(pc) =	sbr.rel .LBB2_1-.Ltmp0, $4  }
0xc: {  	s7 =	sadd.s32 $0x2C00, s1;
	s10 =	smul.u32 $0x14, s6;
	s1 =	ssub.s32 s2, s30  }
0xd: {  	s9 =	ssub.s32 $0x290, s6;
	s13 =	smax.u32 s1, $0x1;
	s11 =	sshrl.u32 s8, $0x3  }
0xe: {  	v0 =	vlaneseq.u32;
	s8 =	sshrl.u32 s9, $0x5;
	s9 =	sadd.s32 s0, s10;
	s31 =	sadd.s32 $0x280, s11  }
0xf: {  	v0 =	vmul.u32 $0x80, v0;
	s10 =	sadd.s32 s3, s10;
	s11 =	sadd.s32 s0, s31;
	s12 =	sadd.s32 s3, s31  }
.LBB2_13:
0x10: {  	s26 =	sadd.s32 $0x1, s26  }
0x11: {  	p0 =	sne.s32 s26, s13  }
.Ltmp1:
0x12: {  	_ = 	snop;
	(pc) =	sbr.rel @!p0 .LBB2_14-.Ltmp1, $1  }
0x13: {  	_ =	sdelay $0x3  }
.LBB2_1:
0x14: {  	[tilespmem:s5], [sflag:$0x1] =	stream.linear.gather [hbm4b:s9+s5], $0xA0, $0x38;
	[tilespmem:$0x19500] =	vst v63  }
0x15: {  	_ = 	snop  }
0x16: {  	[tilespmem:s14], [sflag:$0x1] =	stream.linear.gather [hbm4b:s10+s5], $0xA0, $0x38;
	[tilespmem:$0x19500] =	vst v63  }
0x17: {  	_ =	swait.ge [sflag:s15], $0xA0  }
0x18: {  	[sflag:s15] =	ssyncset.done $0x0  }
0x19: {  	[sflag:s15] =	ssyncadd.s32 $0xFFFFFF60  }
0x1a: {  	_ =	swait.ge [sflag:s15], $0xA0  }
0x1b: {  	[sflag:s15] =	ssyncset.done $0x0  }
0x1c: {  	s1 =	simm.s32 $0x400;
	[sflag:s15] =	ssyncadd.s32 $0xFFFFFF60  }
0x1d: {  	[tilespmem:s1], [sflag:$0x3] =	stream.indirect.gather [hbm4b:s7+s16], $0x80, s5, s16, $0xb8;
	[tilespmem:$0x19500] =	vst v63  }
0x1e: {  	s30 =	simm.s32 $0x5400  }
0x1f: {  	[tilespmem:s30], [sflag:$0x3] =	stream.indirect.gather [hbm4b:s7+s16], $0x80, s14, s16, $0xb8;
	[tilespmem:$0x19500] =	vst v63  }
.Ltmp2:
0x20: {  	_ = 	snop;
	(pc) =	sbr.rel .LBB2_2-.Ltmp2, $4  }
0x21: {  	s31 =	simm.s32 $0x200  }
0x22: {  	[tilespmem:s31], [sflag:$0x2] =	stream.linear.gather [hbm4b:s11+s5], $0xA0, $0x38;
	[tilespmem:$0x19500] =	vst v63  }
0x23: {  	s28 =	simm.s32 $0x0  }
0x24: {  	[tilespmem:s20], [sflag:$0x2] =	stream.linear.gather [hbm4b:s12+s5], $0xA0, $0x38;
	[tilespmem:$0x19500] =	vst v63  }
.LBB2_12:
0x25: {  	s28 =	sadd.s32 $0x1, s28  }
0x26: {  	p0 =	sne.s32 s28, $0xA  }
.Ltmp3:
0x27: {  	_ = 	snop;
	(pc) =	sbr.rel @!p0 .LBB2_13-.Ltmp3, $1  }
0x28: {  	_ =	sdelay $0x3  }
.LBB2_2:
0x29: {  	s29 =	sshllo.u32 s28, $0x1  }
0x2a: {  	p0 =	sge.u32 s29, s8  }
0x2b: {  	s1 =	simm.s32 @!p0 $0x2  }
0x2c: {  	_ =	swait.ge @!p0 [sflag:s1], $0xA0  }
0x2d: {  	[sflag:s1] =	ssyncset.done @!p0 $0x0  }
0x2e: {  	[sflag:s1] =	ssyncadd.s32 @!p0 $0xFFFFFF60  }
0x2f: {  	_ =	swait.ge @!p0 [sflag:s1], $0xA0  }
0x30: {  	s2 =	simm.s32 @!p0 $0x200;
	[sflag:s1] =	ssyncset.done @!p0 $0x0  }
0x31: {  	s17 =	simm.s32 @!p0 $0xA400;
	[sflag:s1] =	ssyncadd.s32 @!p0 $0xFFFFFF60;
	s1 =	simm.s32 @!p0 $0xA0  }
0x32: {  	[tilespmem:s17], [sflag:$0x4] =	stream.indirect.gather @!p0 [hbm4b:s7+s1], $0x80, s2, s1, $0xb8;
	[tilespmem:$0x19500] =	vst v63  }
0x33: {  	s2 =	simm.s32 @!p0 $0x300;
	s17 =	simm.s32 @!p0 $0xF400  }
0x34: {  	[tilespmem:s17], [sflag:$0x4] =	stream.indirect.gather @!p0 [hbm4b:s7+s1], $0x80, s2, s1, $0xb8;
	[tilespmem:$0x19500] =	vst v63  }
0x35: {  	_ =	swait.ge [sflag:s21], $0x5000  }
0x36: {  	[sflag:s21] =	ssyncset.done $0x0  }
0x37: {  	[sflag:s21] =	ssyncadd.s32 $0xFFFFB000  }
0x38: {  	_ =	swait.ge [sflag:s21], $0x5000  }
0x39: {  	[sflag:s21] =	ssyncset.done $0x0  }
0x3a: {  	s19 =	simm.s32 $0x500;
	[sflag:s21] =	ssyncadd.s32 $0xFFFFB000  }
0x3b: {  	s1 =	simm.s32 $0x5500;
	v1 =	vld [tilespmem:s19+$0x80]  }
0x3c: {  	v2 =	vld [tilespmem:s1+$0x80]  }
0x3d: {  	v3 =	vld [tilespmem:s19+$0x90]  }
0x3e: {  	v4 =	vld [tilespmem:s1+$0x90]  }
0x3f: {  	v5 =	vld [tilespmem:s19+$0xA0]  }
0x40: {  	v6 =	vld [tilespmem:s1+$0xA0]  }
0x41: {  	v7 =	vld [tilespmem:s19+$0xB0]  }
0x42: {  	v8 =	vld [tilespmem:s1+$0xB0]  }
0x43: {  	v9 =	vld [tilespmem:s19+$0xC0]  }
0x44: {  	v10 =	vld [tilespmem:s1+$0xC0]  }
0x45: {  	v11 =	vld [tilespmem:s19+$0xD0]  }
0x46: {  	v12 =	vld [tilespmem:s1+$0xD0]  }
0x47: {  	v13 =	vld [tilespmem:s19+$0xE0]  }
0x48: {  	v14 =	vld [tilespmem:s1+$0xE0]  }
0x49: {  	v15 =	vld [tilespmem:s19+$0xF0]  }
0x4a: {  	v16 =	vld [tilespmem:s1+$0xF0]  }
0x4b: {  	v17 =	vld [tilespmem:s1+$0xFFFFFF00]  }
0x4c: {  	v18 =	vld [tilespmem:s19+$0xFFFFFF10]  }
0x4d: {  	v19 =	vld [tilespmem:s1+$0xFFFFFF10]  }
0x4e: {  	v20 =	vld [tilespmem:s19+$0xFFFFFF80]  }
0x4f: {  	v21 =	vld [tilespmem:s1+$0xFFFFFF80]  }
0x50: {  	v22 =	vld [tilespmem:s19+$0xFFFFFF90]  }
0x51: {  	v23 =	vld [tilespmem:s1+$0xFFFFFF90]  }
0x52: {  	v24 =	vld [tilespmem:s19+$0x0]  }
0x53: {  	v25 =	vld [tilespmem:s1+$0x0]  }
0x54: {  	v26 =	vld [tilespmem:s19+$0x10]  }
0x55: {  	v27 =	vld [tilespmem:s1+$0x10]  }
0x56: {  	v28 =	vld [tilespmem:s19+$0xFFFFFF00]  }
0x57: {  	v29 =	vld [tilespmem:s19+$0xFFFFFF20]  }
0x58: {  	v30 =	vld [tilespmem:s1+$0xFFFFFF20]  }
0x59: {  	v31 =	vld [tilespmem:s19+$0xFFFFFFA0]  }
0x5a: {  	v32 =	vld [tilespmem:s1+$0xFFFFFFA0]  }
0x5b: {  	v33 =	vld [tilespmem:s19+$0x20]  }
0x5c: {  	v34 =	vld [tilespmem:s1+$0x20]  }
0x5d: {  	v35 =	vld [tilespmem:s19+$0xFFFFFF30]  }
0x5e: {  	v36 =	vld [tilespmem:s1+$0xFFFFFF30];
	v1 =	vmul.f32 v2, v1;
	v2 =	vmul.f32 v4, v3  }
0x5f: {  	v45 =	vld [tilespmem:s1+$0x40]  }
0x60: {  	v46 =	vld [tilespmem:s19+$0xFFFFFF50];
	v1 =	vadd.f32 v2, v1;
	v2 =	vmul.f32 v6, v5  }
0x61: {  	v47 =	vld [tilespmem:s1+$0xFFFFFF50]  }
0x62: {  	v48 =	vld [tilespmem:s19+$0xFFFFFFD0];
	v1 =	vadd.f32 v2, v1;
	v2 =	vmul.f32 v8, v7  }
0x63: {  	v51 =	vld [tilespmem:s1+$0xFFFFFFD0]  }
0x64: {  	v52 =	vld [tilespmem:s19+$0x50];
	v1 =	vadd.f32 v2, v1;
	v2 =	vmul.f32 v10, v9  }
0x65: {  	v55 =	vld [tilespmem:s1+$0x50]  }
0x66: {  	v57 =	vld [tilespmem:s19+$0xFFFFFF60];
	v1 =	vadd.f32 v2, v1;
	v2 =	vmul.f32 v12, v11  }
0x67: {  	v3 =	vld [tilespmem:s19+$0xFFFFFFB0]  }
0x68: {  	v4 =	vld [tilespmem:s1+$0xFFFFFFB0];
	v1 =	vadd.f32 v2, v1;
	v2 =	vmul.f32 v14, v13  }
0x69: {  	v5 =	vld [tilespmem:s19+$0x30]  }
0x6a: {  	v6 =	vld [tilespmem:s1+$0x30];
	v1 =	vadd.f32 v2, v1;
	v2 =	vmul.f32 v16, v15  }
0x6b: {  	v49 =	vmul.f32 v21, v20;
	v7 =	vld [tilespmem:s19+$0xFFFFFF40]  }
0x6c: {  	v17 =	vmul.f32 v17, v28;
	v8 =	vld [tilespmem:s1+$0xFFFFFF40];
	v1 =	vadd.f32 v2, v1;
	v2 =	vmul.f32 v19, v18  }
0x6d: {  	v50 =	vmul.f32 v23, v22;
	v53 =	vmul.f32 v25, v24;
	v9 =	vld [tilespmem:s19+$0xFFFFFFC0]  }
0x6e: {  	v54 =	vmul.f32 v27, v26;
	v10 =	vld [tilespmem:s1+$0xFFFFFFC0];
	(xrf2) =	vadd.scan.msk.f32 $0xffff, v1;
	v1 =	vadd.f32 v2, v17;
	v2 =	vmul.f32 v30, v29  }
0x6f: {  	v56 =	vmul.f32 v32, v31;
	v58 =	vmul.f32 v34, v33;
	v11 =	vld [tilespmem:s19+$0x40];
	v16 =	vadd.f32 v50, v49  }
0x70: {  	v59 =	vld [tilespmem:s1+$0xFFFFFF60];
	v60 =	vmul.f32 v36, v35;
	v19 =	vadd.f32 v54, v53;
	v1 =	vadd.f32 v2, v1  }
0x71: {  	v61 =	vld [tilespmem:s19+$0xFFFFFFE0];
	v3 =	vmul.f32 v4, v3;
	v4 =	vmul.f32 v6, v5;
	v2 =	vadd.f32 v56, v16  }
0x72: {  	v5 =	vld [tilespmem:s1+$0xFFFFFFE0];
	v6 =	vmul.f32 v8, v7;
	v19 =	vadd.f32 v58, v19;
	v1 =	vadd.f32 v60, v1  }
0x73: {  	v62 =	vld [tilespmem:s19+$0x60];
	v8 =	vmul.f32 v47, v46;
	v2 =	vadd.f32 v3, v2;
	v3 =	vmul.f32 v10, v9  }
0x74: {  	v7 =	vmul.f32 v45, v11;
	v4 =	vadd.f32 v4, v19;
	v9 =	vld [tilespmem:s1+$0x60];
	v6 =	vadd.f32 v6, v1  }
0x75: {  	v11 =	vmul.f32 v51, v48;
	v1 =	vld [tilespmem:s19+$0xFFFFFF70];
	v10 =	vadd.f32 v3, v2  }
0x76: {  	v4 =	vadd.f32 v7, v4;
	v7 =	vmul.f32 v55, v52;
	v3 =	vld [tilespmem:s1+$0xFFFFFF70];
	v6 =	vadd.f32 v8, v6  }
0x77: {  	v2 =	vld [tilespmem:s19+$0xFFFFFFF0];
	v10 =	vadd.f32 v11, v10;
	v8 =	vmul.f32 v59, v57;
	v11 =	vmul.f32 v5, v61  }
0x78: {  	v7 =	vadd.f32 v7, v4;
	v5 =	vld [tilespmem:s1+$0xFFFFFFF0]  }
0x79: {  	s30 =	sshll.u32 s28, $0x1;
	s2 =	simm.s32 $0x14500;
	v4 =	vld [tilespmem:s19+$0x70];
	v63, _, _ =	vpop (xrf2);
	v8 =	vadd.f32 v8, v6;
	v6 =	vadd.f32 v11, v10;
	v10 =	vmul.f32 v9, v62  }
0x7a: {  	s31 =	simm.s32 $0x19410;
	s18 =	simm.s32 $0x700;
	s17 =	simm.s32 $0x0;
	v9 =	vld [tilespmem:s1+$0x70];
	[tilespmem:s2+$0x80] =	vst v63  }
.LBB2_3:
0x7b: {  	v11 =	vld [tilespmem:s18+$0x80];
	v1 =	vmul.f32 v3, v1;
	v3 =	vadd.f32 v10, v7;
	s1 =	sadd.s32 $0x200, s1  }
0x7c: {  	v7 =	vld [tilespmem:s1+$0x80]  }
0x7d: {  	v10 =	vld [tilespmem:s18+$0x90];
	v1 =	vadd.f32 v1, v8;
	v2 =	vmul.f32 v5, v2  }
0x7e: {  	s17 =	sadd.s32 $0x4, s17;
	v5 =	vld [tilespmem:s1+$0x90]  }
0x7f: {  	p1 =	slt.u32 s17, $0x9C;
	v8 =	vld [tilespmem:s18+$0xA0];
	v2 =	vadd.f32 v2, v6;
	v4 =	vmul.f32 v9, v4;
	(xrf2) =	vadd.scan.msk.f32 $0xffff, v1  }
0x80: {  	v1 =	vld [tilespmem:s1+$0xA0]  }
0x81: {  	v6 =	vld [tilespmem:s18+$0xB0];
	v3 =	vadd.f32 v4, v3  }
0x82: {  	v4 =	vld [tilespmem:s1+$0xB0];
	(xrf2) =	vadd.scan.msk.f32 $0xffff, v2  }
0x83: {  	v2 =	vmul.f32 v7, v11;
	v5 =	vmul.f32 v5, v10;
	v7 =	vld [tilespmem:s18+$0xC0]  }
0x84: {  	v9 =	vld [tilespmem:s1+$0xC0]  }
0x85: {  	v2 =	vadd.f32 v5, v2;
	v1 =	vmul.f32 v1, v8;
	v5 =	vld [tilespmem:s18+$0xD0];
	(xrf2) =	vadd.scan.msk.f32 $0xffff, v3  }
0x86: {  	v3 =	vld [tilespmem:s1+$0xD0]  }
0x87: {  	v1 =	vadd.f32 v1, v2;
	v2 =	vmul.f32 v4, v6;
	v4 =	vld [tilespmem:s18+$0xE0]  }
0x88: {  	v6 =	vld [tilespmem:s1+$0xE0]  }
0x89: {  	v1 =	vadd.f32 v2, v1;
	v2 =	vmul.f32 v9, v7;
	v7 =	vld [tilespmem:s18+$0xF0];
	v8, _, _ =	vpop (xrf2)  }
0x8a: {  	v9 =	vld [tilespmem:s1+$0xF0];
	[tilespmem:s2+$0xFFFFFF00] =	vst v8  }
0x8b: {  	v8 =	vld [tilespmem:s1+$0xFFFFFF00];
	v1 =	vadd.f32 v2, v1;
	v2 =	vmul.f32 v3, v5  }
0x8c: {  	v3 =	vld [tilespmem:s18+$0xFFFFFF10];
	v5, _, _ =	vpop (xrf2)  }
0x8d: {  	v10 =	vld [tilespmem:s1+$0xFFFFFF10];
	v1 =	vadd.f32 v2, v1;
	v2 =	vmul.f32 v6, v4;
	[tilespmem:s2+$0xFFFFFF80] =	vst v5  }
0x8e: {  	v4 =	vld [tilespmem:s18+$0xFFFFFF80]  }
0x8f: {  	v5 =	vld [tilespmem:s1+$0xFFFFFF80];
	v1 =	vadd.f32 v2, v1;
	v2 =	vmul.f32 v9, v7;
	v6, _, _ =	vpop (xrf2)  }
0x90: {  	v7 =	vld [tilespmem:s18+$0xFFFFFF90];
	[tilespmem:s2+$0x0] =	vst v6  }
0x91: {  	v6 =	vld [tilespmem:s1+$0xFFFFFF90];
	v1 =	vadd.f32 v2, v1  }
0x92: {  	v2 =	vmul.f32 v10, v3;
	v3 =	vld [tilespmem:s18+$0x0]  }
0x93: {  	v9 =	vld [tilespmem:s1+$0x0];
	(xrf2) =	vadd.scan.msk.f32 $0xffff, v1  }
0x94: {  	v1 =	vmul.f32 v5, v4;
	v4 =	vld [tilespmem:s18+$0x10]  }
0x95: {  	v5 =	vld [tilespmem:s1+$0x10]  }
0x96: {  	v10 =	vld [tilespmem:s18+$0xFFFFFF00];
	v6 =	vmul.f32 v6, v7  }
0x97: {  	v7 =	vld [tilespmem:s18+$0xFFFFFF20]  }
0x98: {  	v11 =	vld [tilespmem:s1+$0xFFFFFF20];
	v1 =	vadd.f32 v6, v1;
	v3 =	vmul.f32 v9, v3  }
0x99: {  	v6 =	vld [tilespmem:s18+$0xFFFFFFA0]  }
0x9a: {  	v9 =	vld [tilespmem:s1+$0xFFFFFFA0];
	v4 =	vmul.f32 v5, v4  }
0x9b: {  	v5 =	vmul.f32 v8, v10;
	v8 =	vld [tilespmem:s18+$0x20]  }
0x9c: {  	v3 =	vadd.f32 v4, v3;
	v4 =	vld [tilespmem:s1+$0x20]  }
0x9d: {  	s2 =	sadd.s32 $0x200, s2;
	v2 =	vadd.f32 v2, v5;
	v5 =	vmul.f32 v11, v7;
	v7 =	vld [tilespmem:s18+$0xFFFFFF30];
	v10, _, _ =	vpop (xrf2)  }
0x9e: {  	s19 =	simm.s32 $0x0;
	v11 =	vld [tilespmem:s1+$0xFFFFFF30];
	[tilespmem:s2+$0x80] =	vst v10  }
0x9f: {  	v2 =	vadd.f32 v5, v2;
	v5 =	vmul.f32 v9, v6;
	v6 =	vld [tilespmem:s18+$0xFFFFFFB0]  }
0xa0: {  	v9 =	vld [tilespmem:s1+$0xFFFFFFB0]  }
0xa1: {  	v1 =	vadd.f32 v5, v1;
	v4 =	vmul.f32 v4, v8;
	v5 =	vld [tilespmem:s18+$0x30]  }
0xa2: {  	v8 =	vld [tilespmem:s1+$0x30]  }
0xa3: {  	v7 =	vmul.f32 v11, v7;
	v10 =	vld [tilespmem:s18+$0xFFFFFF40];
	v3 =	vadd.f32 v4, v3  }
0xa4: {  	v4 =	vld [tilespmem:s1+$0xFFFFFF40]  }
0xa5: {  	v2 =	vadd.f32 v7, v2;
	v6 =	vmul.f32 v9, v6;
	v7 =	vld [tilespmem:s18+$0xFFFFFFC0]  }
0xa6: {  	v9 =	vld [tilespmem:s1+$0xFFFFFFC0]  }
0xa7: {  	v1 =	vadd.f32 v6, v1;
	v5 =	vmul.f32 v8, v5;
	v6 =	vld [tilespmem:s18+$0x40]  }
0xa8: {  	v8 =	vld [tilespmem:s1+$0x40]  }
0xa9: {  	v4 =	vmul.f32 v4, v10;
	v10 =	vld [tilespmem:s18+$0xFFFFFF50];
	v3 =	vadd.f32 v5, v3  }
0xaa: {  	v5 =	vld [tilespmem:s1+$0xFFFFFF50]  }
0xab: {  	v2 =	vadd.f32 v4, v2;
	v4 =	vmul.f32 v9, v7;
	v7 =	vld [tilespmem:s18+$0xFFFFFFD0]  }
0xac: {  	v9 =	vld [tilespmem:s1+$0xFFFFFFD0]  }
0xad: {  	v1 =	vadd.f32 v4, v1;
	v4 =	vmul.f32 v8, v6;
	v6 =	vld [tilespmem:s18+$0x50]  }
0xae: {  	v8 =	vld [tilespmem:s1+$0x50]  }
0xaf: {  	v5 =	vmul.f32 v5, v10;
	v10 =	vld [tilespmem:s18+$0xFFFFFF60];
	v3 =	vadd.f32 v4, v3  }
0xb0: {  	v4 =	vld [tilespmem:s1+$0xFFFFFF60]  }
0xb1: {  	v2 =	vadd.f32 v5, v2;
	v5 =	vmul.f32 v9, v7;
	v9 =	vld [tilespmem:s18+$0xFFFFFFE0]  }
0xb2: {  	v11 =	vld [tilespmem:s1+$0xFFFFFFE0]  }
0xb3: {  	v12 =	vadd.f32 v5, v1;
	v5 =	vmul.f32 v8, v6;
	v13 =	vld [tilespmem:s18+$0x60]  }
0xb4: {  	v14 =	vld [tilespmem:s1+$0x60]  }
0xb5: {  	v4 =	vmul.f32 v4, v10;
	v1 =	vld [tilespmem:s18+$0xFFFFFF70];
	v7 =	vadd.f32 v5, v3  }
.Ltmp4:
0xb6: {  	v3 =	vld [tilespmem:s1+$0xFFFFFF70];
	(pc) =	sbr.rel @p1 .LBB2_3-.Ltmp4, $4  }
0xb7: {  	v8 =	vadd.f32 v4, v2;
	v4 =	vmul.f32 v11, v9;
	v2 =	vld [tilespmem:s18+$0xFFFFFFF0]  }
0xb8: {  	v5 =	vld [tilespmem:s1+$0xFFFFFFF0]  }
0xb9: {  	v6 =	vadd.f32 v4, v12;
	v10 =	vmul.f32 v14, v13;
	v4 =	vld [tilespmem:s18+$0x70]  }
0xba: {  	s18 =	sadd.s32 $0x200, s18;
	v9 =	vld [tilespmem:s1+$0x70]  }
0xbb: {  	_ =	sdelay $0x1  }
0xbc: {  	v1 =	vmul.f32 v3, v1  }
0xbd: {  	v2 =	vmul.f32 v5, v2  }
0xbe: {  	v3 =	vadd.f32 v10, v7;
	v1 =	vadd.f32 v1, v8;
	v4 =	vmul.f32 v9, v4  }
0xbf: {  	v2 =	vadd.f32 v2, v6  }
0xc0: {  	(xrf2) =	vadd.scan.msk.f32 $0xffff, v1;
	v1 =	vadd.f32 v4, v3  }
0xc1: {  	(xrf2) =	vadd.scan.msk.f32 $0xffff, v2  }
0xc2: {  	(xrf2) =	vadd.scan.msk.f32 $0xffff, v1;
	_ =	sdelay $0x3  }
0xc3: {  	v1 =	vmov s19  }
0xc4: {  	v1 =	vshll.u32 v1, $0x7  }
0xc5: {  	s1 =	simm.s32 $0x10;
	v1 =	vor.u32 v0, v1  }
0xc6: {  	v2 =	vmov s1;
	v1 =	vor.u32 $0xF, v1  }
0xc7: {  	v2 =	vshll.u32 v2, $0x7;
	v3, _, _ =	vpop (xrf2)  }
0xc8: {  	v2 =	vor.u32 v0, v2;
	[tilespmem:s2+$0xFFFFFF00] =	vst v3;
	v3, _, _ =	vpop (xrf2)  }
0xc9: {  	v2 =	vor.u32 $0xF, v2;
	[tilespmem:s2+$0xFFFFFF80] =	vst v3;
	v3, _, _ =	vpop (xrf2)  }
0xca: {  	[tilespmem:s2+$0x0] =	vst v3  }
0xcb: {  	v1 =	vld.idx.msk [tilespmem:v1+s22+$0x0], $0xffff;
	_ =	sdelay $0x2  }
0xcc: {  	v2 =	vld.idx.msk [tilespmem:v2+s22+$0x0], $0xffff  }
0xcd: {  	s2 =	simm.s32 $0x20  }
0xce: {  	s17 =	simm.s32 $0x30;
	v3 =	vmov s2;
	v1 =	vsub.f32 $0.0e+00, v1  }
0xcf: {  	v59 =	vmov s17;
	v3 =	vshll.u32 v3, $0x7  }
0xd0: {  	v4 =	vshll.u32 v59, $0x7;
	v3 =	vor.u32 v0, v3;
	v1 =	vmul.f32 $1.442695020e+00, v1  }
0xd1: {  	v4 =	vor.u32 v0, v4;
	v3 =	vor.u32 $0xF, v3;
	v2 =	vsub.f32 $0.0e+00, v2  }
0xd2: {  	v4 =	vor.u32 $0xF, v4;
	(erf) = vpow2.f32 v1  }
0xd3: {  	v1 =	vmul.f32 $1.442695020e+00, v2;
	_ =	sdelay $0x1  }
0xd4: {  	(erf) = vpow2.f32 v1  }
0xd5: {  	v1 =	vld.idx.msk [tilespmem:v3+s22+$0x0], $0xffff  }
0xd6: {  	v2 =	vld.idx.msk [tilespmem:v4+s22+$0x0], $0xffff  }
0xd7: {  	s18 =	simm.s32 $0x50;
	s19 =	simm.s32 $0x40  }
0xd8: {  	v60 =	vmov s19;
	v3 =	vmov s18  }
0xd9: {  	v4 =	vshll.u32 v60, $0x7;
	v3 =	vshll.u32 v3, $0x7  }
0xda: {  	v4 =	vor.u32 v0, v4;
	v3 =	vor.u32 v0, v3;
	v1 =	vsub.f32 $0.0e+00, v1;
	v61 =	vpop (erf)  }
0xdb: {  	v3 =	vor.u32 $0xF, v3;
	v2 =	vsub.f32 $0.0e+00, v2;
	v5 =	vadd.f32 $1.000000000e+00, v61  }
0xdc: {  	v4 =	vor.u32 $0xF, v4;
	v1 =	vmul.f32 $1.442695020e+00, v1  }
0xdd: {  	v2 =	vmul.f32 $1.442695020e+00, v2;
	v62 =	vpop (erf);
	(erf) = vrcp.f32 v5  }
0xde: {  	v63 =	vadd.f32 $1.000000000e+00, v62;
	(erf) = vpow2.f32 v1  }
0xdf: {  	(erf) = vpow2.f32 v2  }
0xe0: {  	v1 =	vld.idx.msk [tilespmem:v3+s22+$0x0], $0xffff;
	(erf) = vrcp.f32 v63  }
0xe1: {  	s1 =	simm.s32 $0x19410;
	s2 =	simm.s32 $0x60;
	v2 =	vld.idx.msk [tilespmem:v4+s22+$0x0], $0xffff  }
.LBB2_5:
0xe2: {  	_ = 	snop  }
0xe3: {  	p1 =	slt.u32 s2, $0x80  }
0xe4: {  	s31 =	sadd.s32 $0x20, s31;
	s17 =	smov.u32 s2;
	s2 =	sadd.s32 $0x20, s2  }
0xe5: {  	v3 =	vmov s17;
	s17 =	sadd.s32 $0x10, s17  }
0xe6: {  	v4 =	vmov s17;
	v1 =	vsub.f32 $0.0e+00, v1;
	v5 =	vpop (erf)  }
0xe7: {  	v3 =	vshll.u32 v3, $0x7;
	v4 =	vshll.u32 v4, $0x7;
	v2 =	vsub.f32 $0.0e+00, v2;
	v6 =	vpop (erf);
	[tilespmem:s1+$0xFFFFFFF0] =	vst v5  }
0xe8: {  	v3 =	vor.u32 v0, v3;
	v4 =	vor.u32 v0, v4;
	v5 =	vpop (erf)  }
0xe9: {  	v3 =	vor.u32 $0xF, v3;
	v4 =	vor.u32 $0xF, v4;
	v6 =	vadd.f32 $1.000000000e+00, v6;
	v7 =	vpop (erf)  }
0xea: {  	v1 =	vmul.f32 $1.442695020e+00, v1;
	v2 =	vmul.f32 $1.442695020e+00, v2;
	v5 =	vadd.f32 $1.000000000e+00, v5;
	[tilespmem:s1+$0x0] =	vst v7;
	s1 =	smov.u32 s31  }
.Ltmp5:
0xeb: {  	(erf) = vrcp.f32 v6;
	(pc) =	sbr.rel @p1 .LBB2_5-.Ltmp5, $4  }
0xec: {  	(erf) = vpow2.f32 v2  }
0xed: {  	(erf) = vpow2.f32 v1  }
0xee: {  	v1 =	vld.idx.msk [tilespmem:v4+s22+$0x0], $0xffff;
	(erf) = vrcp.f32 v5  }
0xef: {  	v2 =	vld.idx.msk [tilespmem:v3+s22+$0x0], $0xffff  }
0xf0: {  	_ =	sdelay $0x3  }
0xf1: {  	v3 =	vpop (erf)  }
0xf2: {  	v2 =	vsub.f32 $0.0e+00, v2;
	v4 =	vpop (erf)  }
0xf3: {  	v1 =	vsub.f32 $0.0e+00, v1;
	v4 =	vadd.f32 $1.000000000e+00, v4  }
0xf4: {  	v2 =	vmul.f32 $1.442695020e+00, v2  }
0xf5: {  	v1 =	vmul.f32 $1.442695020e+00, v1;
	(erf) = vrcp.f32 v4  }
0xf6: {  	(erf) = vpow2.f32 v2  }
0xf7: {  	(erf) = vpow2.f32 v1;
	_ =	sdelay $0x4  }
0xf8: {  	v1 =	vpop (erf)  }
0xf9: {  	v2 =	vpop (erf)  }
0xfa: {  	v4 =	vpop (erf)  }
0xfb: {  	v1 =	vadd.f32 $1.000000000e+00, v1;
	v5 =	vpop (erf)  }
0xfc: {  	v6 =	vpop (erf);
	v5 =	vadd.f32 $1.000000000e+00, v5  }
0xfd: {  	(erf) = vrcp.f32 v1;
	v1 =	vadd.f32 $1.000000000e+00, v6  }
0xfe: {  	(erf) = vrcp.f32 v5  }
0xff: {  	(erf) = vrcp.f32 v1;
	_ =	sdelay $0x4  }
0x100: {  	[tilespmem:s1+$0xFFFFFFF0] =	vst v3  }
0x101: {  	s2 =	sadd.s32 $0x20, s31;
	s31 =	sshll.u32 s28, $0x6;
	[tilespmem:s1+$0x0] =	vst v2  }
0x102: {  	s1 =	sor.u32 s6, s31;
	[tilespmem:s2+$0xFFFFFFF0] =	vst v4;
	v1 =	vpop (erf)  }
0x103: {  	s17 =	sadd.s32 $0x20, s2;
	s1 =	smul.u32 $0x14, s1;
	[tilespmem:s2+$0x0] =	vst v1;
	v1 =	vpop (erf)  }
0x104: {  	[tilespmem:s17+$0xFFFFFFF0] =	vst v1;
	v1 =	vpop (erf)  }
0x105: {  	s1 =	sadd.s32 s4, s1;
	[tilespmem:s17+$0x0] =	vst v1  }
0x106: {  	[hbm4b:s1+s5] =	stream.linear.scatter [tilespmem:s23], [sflag:$0x5], $0xA0, $0x38;
	[tilespmem:$0x19500] =	vst v63  }
0x107: {  	s1 =	sadd.s32 $0x2, s30  }
0x108: {  	p1 =	sge.u32 s1, s8  }
0x109: {  	s1 =	sshll.u32 @!p1 s1, $0x5  }
0x10a: {  	s1 =	sor.u32 @!p1 s6, s1  }
0x10b: {  	_ =	swait.ge [sflag:s24], $0xA0;
	s1 =	smul.u32 @!p1 $0x14, s1  }
0x10c: {  	[sflag:s24] =	ssyncset.done $0x0  }
0x10d: {  	s17 =	simm.s32 @!p1 $0x0;
	[sflag:s24] =	ssyncadd.s32 $0xFFFFFF60;
	s2 =	sadd.s32 @!p1 s0, s1  }
0x10e: {  	[tilespmem:s17], [sflag:$0x1] =	stream.linear.gather @!p1 [hbm4b:s2+s17], $0xA0, $0x38;
	[tilespmem:$0x19500] =	vst v63  }
0x10f: {  	s1 =	sadd.s32 @!p1 s3, s1;
	s2 =	simm.s32 @!p1 $0x100  }
0x110: {  	[tilespmem:s2], [sflag:$0x1] =	stream.linear.gather @!p1 [hbm4b:s1+s17], $0xA0, $0x38;
	[tilespmem:$0x19500] =	vst v63  }
0x111: {  	s1 =	simm.s32 @!p1 $0x1  }
0x112: {  	_ =	swait.ge @!p1 [sflag:s1], $0xA0  }
0x113: {  	[sflag:s1] =	ssyncset.done @!p1 $0x0  }
0x114: {  	[sflag:s1] =	ssyncadd.s32 @!p1 $0xFFFFFF60  }
0x115: {  	_ =	swait.ge @!p1 [sflag:s1], $0xA0  }
.Ltmp6:
0x116: {  	[sflag:s1] =	ssyncset.done @!p1 $0x0;
	(pc) =	sbr.rel @p0 .LBB2_12-.Ltmp6, $4  }
0x117: {  	s18 =	simm.s32 @!p1 $0x400;
	[sflag:s1] =	ssyncadd.s32 @!p1 $0xFFFFFF60;
	s1 =	simm.s32 @!p1 $0xA0  }
0x118: {  	[tilespmem:s18], [sflag:$0x3] =	stream.indirect.gather @!p1 [hbm4b:s7+s1], $0x80, s17, s1, $0xb8;
	[tilespmem:$0x19500] =	vst v63  }
0x119: {  	s17 =	simm.s32 @!p1 $0x5400  }
0x11a: {  	[tilespmem:s17], [sflag:$0x3] =	stream.indirect.gather @!p1 [hbm4b:s7+s1], $0x80, s2, s1, $0xb8;
	[tilespmem:$0x19500] =	vst v63  }
0x11b: {  	_ =	swait.ge [sflag:s25], $0x5000  }
0x11c: {  	[sflag:s25] =	ssyncset.done $0x0  }
0x11d: {  	[sflag:s25] =	ssyncadd.s32 $0xFFFFB000  }
0x11e: {  	_ =	swait.ge [sflag:s25], $0x5000  }
0x11f: {  	[sflag:s25] =	ssyncset.done $0x0  }
0x120: {  	s17 =	simm.s32 $0xA500;
	[sflag:s25] =	ssyncadd.s32 $0xFFFFB000  }
0x121: {  	s1 =	simm.s32 $0xF500;
	v1 =	vld [tilespmem:s17+$0x80]  }
0x122: {  	v2 =	vld [tilespmem:s1+$0x80]  }
0x123: {  	v3 =	vld [tilespmem:s17+$0x90]  }
0x124: {  	v4 =	vld [tilespmem:s1+$0x90]  }
0x125: {  	v5 =	vld [tilespmem:s17+$0xA0]  }
0x126: {  	v6 =	vld [tilespmem:s1+$0xA0]  }
0x127: {  	v7 =	vld [tilespmem:s17+$0xB0]  }
0x128: {  	v8 =	vld [tilespmem:s1+$0xB0]  }
0x129: {  	v9 =	vld [tilespmem:s17+$0xC0]  }
0x12a: {  	v10 =	vld [tilespmem:s1+$0xC0]  }
0x12b: {  	v11 =	vld [tilespmem:s17+$0xD0]  }
0x12c: {  	v12 =	vld [tilespmem:s1+$0xD0]  }
0x12d: {  	v13 =	vld [tilespmem:s17+$0xE0]  }
0x12e: {  	v14 =	vld [tilespmem:s1+$0xE0]  }
0x12f: {  	v15 =	vld [tilespmem:s17+$0xF0]  }
0x130: {  	v16 =	vld [tilespmem:s1+$0xF0]  }
0x131: {  	v17 =	vld [tilespmem:s1+$0xFFFFFF00]  }
0x132: {  	v18 =	vld [tilespmem:s17+$0xFFFFFF10]  }
0x133: {  	v19 =	vld [tilespmem:s1+$0xFFFFFF10]  }
0x134: {  	v20 =	vld [tilespmem:s17+$0xFFFFFF80]  }
0x135: {  	v21 =	vld [tilespmem:s1+$0xFFFFFF80]  }
0x136: {  	v22 =	vld [tilespmem:s17+$0xFFFFFF90]  }
0x137: {  	v23 =	vld [tilespmem:s1+$0xFFFFFF90]  }
0x138: {  	v24 =	vld [tilespmem:s17+$0x0]  }
0x139: {  	v25 =	vld [tilespmem:s1+$0x0]  }
0x13a: {  	v26 =	vld [tilespmem:s17+$0x10]  }
0x13b: {  	v27 =	vld [tilespmem:s1+$0x10]  }
0x13c: {  	v28 =	vld [tilespmem:s17+$0xFFFFFF00]  }
0x13d: {  	v29 =	vld [tilespmem:s17+$0xFFFFFF20]  }
0x13e: {  	v30 =	vld [tilespmem:s1+$0xFFFFFF20]  }
0x13f: {  	v31 =	vld [tilespmem:s17+$0xFFFFFFA0]  }
0x140: {  	v32 =	vld [tilespmem:s1+$0xFFFFFFA0]  }
0x141: {  	v33 =	vld [tilespmem:s17+$0x20]  }
0x142: {  	v34 =	vld [tilespmem:s1+$0x20]  }
0x143: {  	v35 =	vld [tilespmem:s17+$0xFFFFFF30]  }
0x144: {  	v36 =	vld [tilespmem:s1+$0xFFFFFF30]  }
0x145: {  	v45 =	vld [tilespmem:s1+$0x40];
	v1 =	vmul.f32 v2, v1;
	v2 =	vmul.f32 v4, v3  }
0x146: {  	v46 =	vld [tilespmem:s17+$0xFFFFFF50]  }
0x147: {  	v47 =	vld [tilespmem:s1+$0xFFFFFF50];
	v1 =	vadd.f32 v2, v1;
	v2 =	vmul.f32 v6, v5  }
0x148: {  	v48 =	vld [tilespmem:s17+$0xFFFFFFD0]  }
0x149: {  	v51 =	vld [tilespmem:s1+$0xFFFFFFD0];
	v1 =	vadd.f32 v2, v1;
	v2 =	vmul.f32 v8, v7  }
0x14a: {  	v52 =	vld [tilespmem:s17+$0x50]  }
0x14b: {  	v55 =	vld [tilespmem:s1+$0x50];
	v1 =	vadd.f32 v2, v1;
	v2 =	vmul.f32 v10, v9  }
0x14c: {  	v57 =	vld [tilespmem:s17+$0xFFFFFF60]  }
0x14d: {  	v3 =	vld [tilespmem:s17+$0xFFFFFFB0];
	v1 =	vadd.f32 v2, v1;
	v2 =	vmul.f32 v12, v11  }
0x14e: {  	v4 =	vld [tilespmem:s1+$0xFFFFFFB0]  }
0x14f: {  	v5 =	vld [tilespmem:s17+$0x30];
	v1 =	vadd.f32 v2, v1;
	v2 =	vmul.f32 v14, v13  }
0x150: {  	v49 =	vmul.f32 v21, v20;
	v6 =	vld [tilespmem:s1+$0x30]  }
0x151: {  	v50 =	vmul.f32 v23, v22;
	v7 =	vld [tilespmem:s17+$0xFFFFFF40];
	v1 =	vadd.f32 v2, v1;
	v2 =	vmul.f32 v16, v15  }
0x152: {  	v17 =	vmul.f32 v17, v28;
	v53 =	vmul.f32 v25, v24;
	v8 =	vld [tilespmem:s1+$0xFFFFFF40]  }
0x153: {  	v54 =	vmul.f32 v27, v26;
	v9 =	vld [tilespmem:s17+$0xFFFFFFC0];
	v1 =	vadd.f32 v2, v1;
	v2 =	vmul.f32 v19, v18  }
0x154: {  	v56 =	vmul.f32 v32, v31;
	v58 =	vmul.f32 v34, v33;
	v10 =	vld [tilespmem:s1+$0xFFFFFFC0]  }
0x155: {  	v11 =	vld [tilespmem:s17+$0x40];
	v16 =	vadd.f32 v50, v49;
	(xrf2) =	vadd.scan.msk.f32 $0xffff, v1;
	v1 =	vadd.f32 v2, v17;
	v2 =	vmul.f32 v30, v29  }
0x156: {  	v61 =	vld [tilespmem:s17+$0xFFFFFFE0];
	v60 =	vmul.f32 v36, v35;
	v3 =	vmul.f32 v4, v3;
	v19 =	vadd.f32 v54, v53  }
0x157: {  	v4 =	vmul.f32 v6, v5;
	v5 =	vld [tilespmem:s1+$0xFFFFFFE0];
	v1 =	vadd.f32 v2, v1;
	v2 =	vadd.f32 v56, v16  }
0x158: {  	v59 =	vld [tilespmem:s1+$0xFFFFFF60];
	v6 =	vmul.f32 v8, v7;
	v19 =	vadd.f32 v58, v19  }
0x159: {  	v62 =	vld [tilespmem:s17+$0x60];
	v1 =	vadd.f32 v60, v1;
	v2 =	vadd.f32 v3, v2;
	v3 =	vmul.f32 v10, v9  }
0x15a: {  	v7 =	vmul.f32 v45, v11;
	v4 =	vadd.f32 v4, v19;
	v9 =	vld [tilespmem:s1+$0x60]  }
0x15b: {  	v11 =	vmul.f32 v51, v48;
	v6 =	vadd.f32 v6, v1;
	v1 =	vld [tilespmem:s17+$0xFFFFFF70];
	v10 =	vadd.f32 v3, v2  }
0x15c: {  	v8 =	vmul.f32 v47, v46;
	v5 =	vmul.f32 v5, v61;
	v3 =	vld [tilespmem:s1+$0xFFFFFF70]  }
0x15d: {  	v4 =	vadd.f32 v7, v4;
	v7 =	vmul.f32 v55, v52;
	v2 =	vld [tilespmem:s17+$0xFFFFFFF0];
	v10 =	vadd.f32 v11, v10  }
0x15e: {  	v8 =	vadd.f32 v8, v6;
	v11 =	vmul.f32 v59, v57;
	v6 =	vld [tilespmem:s1+$0xFFFFFFF0]  }
0x15f: {  	s2 =	simm.s32 $0x14500;
	v7 =	vadd.f32 v7, v4;
	v4 =	vld [tilespmem:s17+$0x70];
	v63, _, _ =	vpop (xrf2);
	v5 =	vadd.f32 v5, v10;
	v10 =	vmul.f32 v9, v62  }
0x160: {  	s18 =	simm.s32 $0xA700;
	s17 =	simm.s32 $0x0;
	v8 =	vadd.f32 v11, v8;
	v9 =	vld [tilespmem:s1+$0x70];
	[tilespmem:s2+$0x80] =	vst v63  }
.LBB2_8:
0x161: {  	v11 =	vld [tilespmem:s18+$0x80];
	v1 =	vmul.f32 v3, v1;
	v3 =	vadd.f32 v10, v7;
	s1 =	sadd.s32 $0x200, s1  }
0x162: {  	v7 =	vld [tilespmem:s1+$0x80]  }
0x163: {  	v10 =	vld [tilespmem:s18+$0x90];
	v1 =	vadd.f32 v1, v8;
	v2 =	vmul.f32 v6, v2  }
0x164: {  	s17 =	sadd.s32 $0x4, s17;
	v6 =	vld [tilespmem:s1+$0x90]  }
0x165: {  	p0 =	slt.u32 s17, $0x9C;
	v8 =	vld [tilespmem:s18+$0xA0];
	v2 =	vadd.f32 v2, v5;
	v4 =	vmul.f32 v9, v4;
	(xrf2) =	vadd.scan.msk.f32 $0xffff, v1  }
0x166: {  	v1 =	vld [tilespmem:s1+$0xA0]  }
0x167: {  	v5 =	vld [tilespmem:s18+$0xB0];
	v3 =	vadd.f32 v4, v3  }
0x168: {  	v4 =	vld [tilespmem:s1+$0xB0];
	(xrf2) =	vadd.scan.msk.f32 $0xffff, v2  }
0x169: {  	v2 =	vmul.f32 v7, v11;
	v6 =	vmul.f32 v6, v10;
	v7 =	vld [tilespmem:s18+$0xC0]  }
0x16a: {  	v9 =	vld [tilespmem:s1+$0xC0]  }
0x16b: {  	v2 =	vadd.f32 v6, v2;
	v1 =	vmul.f32 v1, v8;
	v6 =	vld [tilespmem:s18+$0xD0];
	(xrf2) =	vadd.scan.msk.f32 $0xffff, v3  }
0x16c: {  	v3 =	vld [tilespmem:s1+$0xD0]  }
0x16d: {  	v1 =	vadd.f32 v1, v2;
	v2 =	vmul.f32 v4, v5;
	v4 =	vld [tilespmem:s18+$0xE0]  }
0x16e: {  	v5 =	vld [tilespmem:s1+$0xE0]  }
0x16f: {  	v1 =	vadd.f32 v2, v1;
	v2 =	vmul.f32 v9, v7;
	v7 =	vld [tilespmem:s18+$0xF0];
	v8, _, _ =	vpop (xrf2)  }
0x170: {  	v9 =	vld [tilespmem:s1+$0xF0];
	[tilespmem:s2+$0xFFFFFF00] =	vst v8  }
0x171: {  	v8 =	vld [tilespmem:s1+$0xFFFFFF00];
	v1 =	vadd.f32 v2, v1;
	v2 =	vmul.f32 v3, v6  }
0x172: {  	v3 =	vld [tilespmem:s18+$0xFFFFFF10];
	v6, _, _ =	vpop (xrf2)  }
0x173: {  	v10 =	vld [tilespmem:s1+$0xFFFFFF10];
	v1 =	vadd.f32 v2, v1;
	v2 =	vmul.f32 v5, v4;
	[tilespmem:s2+$0xFFFFFF80] =	vst v6  }
0x174: {  	v4 =	vld [tilespmem:s18+$0xFFFFFF80]  }
0x175: {  	v5 =	vld [tilespmem:s1+$0xFFFFFF80];
	v1 =	vadd.f32 v2, v1;
	v2 =	vmul.f32 v9, v7;
	v6, _, _ =	vpop (xrf2)  }
0x176: {  	v7 =	vld [tilespmem:s18+$0xFFFFFF90];
	[tilespmem:s2+$0x0] =	vst v6  }
0x177: {  	v6 =	vld [tilespmem:s1+$0xFFFFFF90];
	v1 =	vadd.f32 v2, v1  }
0x178: {  	v2 =	vmul.f32 v10, v3;
	v3 =	vld [tilespmem:s18+$0x0]  }
0x179: {  	v9 =	vld [tilespmem:s1+$0x0];
	(xrf2) =	vadd.scan.msk.f32 $0xffff, v1  }
0x17a: {  	v1 =	vmul.f32 v5, v4;
	v4 =	vld [tilespmem:s18+$0x10]  }
0x17b: {  	v5 =	vld [tilespmem:s1+$0x10]  }
0x17c: {  	v10 =	vld [tilespmem:s18+$0xFFFFFF00];
	v6 =	vmul.f32 v6, v7  }
0x17d: {  	v7 =	vld [tilespmem:s18+$0xFFFFFF20]  }
0x17e: {  	v11 =	vld [tilespmem:s1+$0xFFFFFF20];
	v1 =	vadd.f32 v6, v1;
	v3 =	vmul.f32 v9, v3  }
0x17f: {  	v6 =	vld [tilespmem:s18+$0xFFFFFFA0]  }
0x180: {  	v9 =	vld [tilespmem:s1+$0xFFFFFFA0];
	v4 =	vmul.f32 v5, v4  }
0x181: {  	v5 =	vmul.f32 v8, v10;
	v8 =	vld [tilespmem:s18+$0x20]  }
0x182: {  	v3 =	vadd.f32 v4, v3;
	v4 =	vld [tilespmem:s1+$0x20]  }
0x183: {  	s2 =	sadd.s32 $0x200, s2;
	v2 =	vadd.f32 v2, v5;
	v5 =	vmul.f32 v11, v7;
	v7 =	vld [tilespmem:s18+$0xFFFFFF30];
	v10, _, _ =	vpop (xrf2)  }
0x184: {  	s19 =	simm.s32 $0x0;
	s31 =	simm.s32 $0x19410;
	v11 =	vld [tilespmem:s1+$0xFFFFFF30];
	[tilespmem:s2+$0x80] =	vst v10  }
0x185: {  	v2 =	vadd.f32 v5, v2;
	v5 =	vmul.f32 v9, v6;
	v6 =	vld [tilespmem:s18+$0xFFFFFFB0]  }
0x186: {  	v9 =	vld [tilespmem:s1+$0xFFFFFFB0]  }
0x187: {  	v1 =	vadd.f32 v5, v1;
	v4 =	vmul.f32 v4, v8;
	v5 =	vld [tilespmem:s18+$0x30]  }
0x188: {  	v8 =	vld [tilespmem:s1+$0x30]  }
0x189: {  	v7 =	vmul.f32 v11, v7;
	v10 =	vld [tilespmem:s18+$0xFFFFFF40];
	v3 =	vadd.f32 v4, v3  }
0x18a: {  	v4 =	vld [tilespmem:s1+$0xFFFFFF40]  }
0x18b: {  	v2 =	vadd.f32 v7, v2;
	v6 =	vmul.f32 v9, v6;
	v7 =	vld [tilespmem:s18+$0xFFFFFFC0]  }
0x18c: {  	v9 =	vld [tilespmem:s1+$0xFFFFFFC0]  }
0x18d: {  	v1 =	vadd.f32 v6, v1;
	v5 =	vmul.f32 v8, v5;
	v6 =	vld [tilespmem:s18+$0x40]  }
0x18e: {  	v8 =	vld [tilespmem:s1+$0x40]  }
0x18f: {  	v4 =	vmul.f32 v4, v10;
	v10 =	vld [tilespmem:s18+$0xFFFFFF50];
	v3 =	vadd.f32 v5, v3  }
0x190: {  	v5 =	vld [tilespmem:s1+$0xFFFFFF50]  }
0x191: {  	v2 =	vadd.f32 v4, v2;
	v4 =	vmul.f32 v9, v7;
	v7 =	vld [tilespmem:s18+$0xFFFFFFD0]  }
0x192: {  	v9 =	vld [tilespmem:s1+$0xFFFFFFD0]  }
0x193: {  	v1 =	vadd.f32 v4, v1;
	v4 =	vmul.f32 v8, v6;
	v6 =	vld [tilespmem:s18+$0x50]  }
0x194: {  	v8 =	vld [tilespmem:s1+$0x50]  }
0x195: {  	v5 =	vmul.f32 v5, v10;
	v10 =	vld [tilespmem:s18+$0xFFFFFF60];
	v3 =	vadd.f32 v4, v3  }
0x196: {  	v4 =	vld [tilespmem:s1+$0xFFFFFF60]  }
0x197: {  	v2 =	vadd.f32 v5, v2;
	v5 =	vmul.f32 v9, v7;
	v9 =	vld [tilespmem:s18+$0xFFFFFFE0]  }
0x198: {  	v11 =	vld [tilespmem:s1+$0xFFFFFFE0]  }
0x199: {  	v5 =	vadd.f32 v5, v1;
	v6 =	vmul.f32 v8, v6;
	v12 =	vld [tilespmem:s18+$0x60]  }
0x19a: {  	v13 =	vld [tilespmem:s1+$0x60]  }
0x19b: {  	v4 =	vmul.f32 v4, v10;
	v1 =	vld [tilespmem:s18+$0xFFFFFF70];
	v7 =	vadd.f32 v6, v3  }
.Ltmp7:
0x19c: {  	v3 =	vld [tilespmem:s1+$0xFFFFFF70];
	(pc) =	sbr.rel @p0 .LBB2_8-.Ltmp7, $4  }
0x19d: {  	v8 =	vadd.f32 v4, v2;
	v4 =	vmul.f32 v11, v9;
	v2 =	vld [tilespmem:s18+$0xFFFFFFF0]  }
0x19e: {  	v6 =	vld [tilespmem:s1+$0xFFFFFFF0]  }
0x19f: {  	v5 =	vadd.f32 v4, v5;
	v10 =	vmul.f32 v13, v12;
	v4 =	vld [tilespmem:s18+$0x70]  }
0x1a0: {  	s18 =	sadd.s32 $0x200, s18;
	v9 =	vld [tilespmem:s1+$0x70]  }
0x1a1: {  	_ =	sdelay $0x1  }
0x1a2: {  	v1 =	vmul.f32 v3, v1  }
0x1a3: {  	v2 =	vmul.f32 v6, v2  }
0x1a4: {  	v3 =	vadd.f32 v10, v7;
	v1 =	vadd.f32 v1, v8;
	v4 =	vmul.f32 v9, v4  }
0x1a5: {  	v2 =	vadd.f32 v2, v5  }
0x1a6: {  	(xrf2) =	vadd.scan.msk.f32 $0xffff, v1;
	v1 =	vadd.f32 v4, v3  }
0x1a7: {  	(xrf2) =	vadd.scan.msk.f32 $0xffff, v2  }
0x1a8: {  	(xrf2) =	vadd.scan.msk.f32 $0xffff, v1;
	_ =	sdelay $0x3  }
0x1a9: {  	v1 =	vmov s19  }
0x1aa: {  	v1 =	vshll.u32 v1, $0x7  }
0x1ab: {  	s1 =	simm.s32 $0x10;
	v1 =	vor.u32 v0, v1  }
0x1ac: {  	v2 =	vmov s1;
	v1 =	vor.u32 $0xF, v1  }
0x1ad: {  	v2 =	vshll.u32 v2, $0x7;
	v3, _, _ =	vpop (xrf2)  }
0x1ae: {  	v2 =	vor.u32 v0, v2;
	[tilespmem:s2+$0xFFFFFF00] =	vst v3;
	v3, _, _ =	vpop (xrf2)  }
0x1af: {  	v2 =	vor.u32 $0xF, v2;
	[tilespmem:s2+$0xFFFFFF80] =	vst v3;
	v3, _, _ =	vpop (xrf2)  }
0x1b0: {  	[tilespmem:s2+$0x0] =	vst v3  }
0x1b1: {  	v1 =	vld.idx.msk [tilespmem:v1+s22+$0x0], $0xffff;
	_ =	sdelay $0x2  }
0x1b2: {  	v2 =	vld.idx.msk [tilespmem:v2+s22+$0x0], $0xffff  }
0x1b3: {  	s2 =	simm.s32 $0x20  }
0x1b4: {  	s17 =	simm.s32 $0x30;
	v3 =	vmov s2;
	v1 =	vsub.f32 $0.0e+00, v1  }
0x1b5: {  	v59 =	vmov s17;
	v3 =	vshll.u32 v3, $0x7  }
0x1b6: {  	v4 =	vshll.u32 v59, $0x7;
	v3 =	vor.u32 v0, v3;
	v1 =	vmul.f32 $1.442695020e+00, v1  }
0x1b7: {  	v4 =	vor.u32 v0, v4;
	v3 =	vor.u32 $0xF, v3;
	v2 =	vsub.f32 $0.0e+00, v2  }
0x1b8: {  	v4 =	vor.u32 $0xF, v4;
	(erf) = vpow2.f32 v1  }
0x1b9: {  	v1 =	vmul.f32 $1.442695020e+00, v2;
	_ =	sdelay $0x1  }
0x1ba: {  	(erf) = vpow2.f32 v1  }
0x1bb: {  	v1 =	vld.idx.msk [tilespmem:v3+s22+$0x0], $0xffff  }
0x1bc: {  	v2 =	vld.idx.msk [tilespmem:v4+s22+$0x0], $0xffff  }
0x1bd: {  	s18 =	simm.s32 $0x50;
	s19 =	simm.s32 $0x40  }
0x1be: {  	v60 =	vmov s19;
	v3 =	vmov s18  }
0x1bf: {  	v4 =	vshll.u32 v60, $0x7;
	v3 =	vshll.u32 v3, $0x7  }
0x1c0: {  	v4 =	vor.u32 v0, v4;
	v3 =	vor.u32 v0, v3;
	v1 =	vsub.f32 $0.0e+00, v1;
	v61 =	vpop (erf)  }
0x1c1: {  	v3 =	vor.u32 $0xF, v3;
	v2 =	vsub.f32 $0.0e+00, v2;
	v5 =	vadd.f32 $1.000000000e+00, v61  }
0x1c2: {  	v4 =	vor.u32 $0xF, v4;
	v1 =	vmul.f32 $1.442695020e+00, v1  }
0x1c3: {  	v2 =	vmul.f32 $1.442695020e+00, v2;
	v62 =	vpop (erf);
	(erf) = vrcp.f32 v5  }
0x1c4: {  	v63 =	vadd.f32 $1.000000000e+00, v62;
	(erf) = vpow2.f32 v1  }
0x1c5: {  	(erf) = vpow2.f32 v2  }
0x1c6: {  	v1 =	vld.idx.msk [tilespmem:v3+s22+$0x0], $0xffff;
	(erf) = vrcp.f32 v63  }
0x1c7: {  	s1 =	simm.s32 $0x19410;
	s2 =	simm.s32 $0x60;
	v2 =	vld.idx.msk [tilespmem:v4+s22+$0x0], $0xffff  }
.LBB2_10:
0x1c8: {  	_ = 	snop  }
0x1c9: {  	p0 =	slt.u32 s2, $0x80  }
0x1ca: {  	s31 =	sadd.s32 $0x20, s31;
	s17 =	smov.u32 s2;
	s2 =	sadd.s32 $0x20, s2  }
0x1cb: {  	v3 =	vmov s17;
	s17 =	sadd.s32 $0x10, s17  }
0x1cc: {  	v4 =	vmov s17;
	v1 =	vsub.f32 $0.0e+00, v1;
	v5 =	vpop (erf)  }
0x1cd: {  	v3 =	vshll.u32 v3, $0x7;
	v4 =	vshll.u32 v4, $0x7;
	v2 =	vsub.f32 $0.0e+00, v2;
	v6 =	vpop (erf);
	[tilespmem:s1+$0xFFFFFFF0] =	vst v5  }
0x1ce: {  	v3 =	vor.u32 v0, v3;
	v4 =	vor.u32 v0, v4;
	v5 =	vpop (erf)  }
0x1cf: {  	v3 =	vor.u32 $0xF, v3;
	v4 =	vor.u32 $0xF, v4;
	v6 =	vadd.f32 $1.000000000e+00, v6;
	v7 =	vpop (erf)  }
0x1d0: {  	v1 =	vmul.f32 $1.442695020e+00, v1;
	v2 =	vmul.f32 $1.442695020e+00, v2;
	v5 =	vadd.f32 $1.000000000e+00, v5;
	[tilespmem:s1+$0x0] =	vst v7;
	s1 =	smov.u32 s31  }
.Ltmp8:
0x1d1: {  	(erf) = vrcp.f32 v6;
	(pc) =	sbr.rel @p0 .LBB2_10-.Ltmp8, $4  }
0x1d2: {  	(erf) = vpow2.f32 v2  }
0x1d3: {  	(erf) = vpow2.f32 v1  }
0x1d4: {  	v1 =	vld.idx.msk [tilespmem:v4+s22+$0x0], $0xffff;
	(erf) = vrcp.f32 v5  }
0x1d5: {  	v2 =	vld.idx.msk [tilespmem:v3+s22+$0x0], $0xffff  }
0x1d6: {  	_ =	sdelay $0x3  }
0x1d7: {  	v3 =	vpop (erf)  }
0x1d8: {  	v2 =	vsub.f32 $0.0e+00, v2;
	v4 =	vpop (erf)  }
0x1d9: {  	v1 =	vsub.f32 $0.0e+00, v1;
	v4 =	vadd.f32 $1.000000000e+00, v4  }
0x1da: {  	v2 =	vmul.f32 $1.442695020e+00, v2  }
0x1db: {  	v1 =	vmul.f32 $1.442695020e+00, v1;
	(erf) = vrcp.f32 v4  }
0x1dc: {  	(erf) = vpow2.f32 v2  }
0x1dd: {  	(erf) = vpow2.f32 v1;
	_ =	sdelay $0x4  }
0x1de: {  	v1 =	vpop (erf)  }
0x1df: {  	v2 =	vpop (erf)  }
0x1e0: {  	v4 =	vpop (erf)  }
0x1e1: {  	v1 =	vadd.f32 $1.000000000e+00, v1;
	v5 =	vpop (erf)  }
0x1e2: {  	v6 =	vpop (erf);
	v5 =	vadd.f32 $1.000000000e+00, v5  }
0x1e3: {  	(erf) = vrcp.f32 v1;
	v1 =	vadd.f32 $1.000000000e+00, v6  }
0x1e4: {  	(erf) = vrcp.f32 v5  }
0x1e5: {  	(erf) = vrcp.f32 v1;
	_ =	sdelay $0x4  }
0x1e6: {  	[tilespmem:s1+$0xFFFFFFF0] =	vst v3  }
0x1e7: {  	s2 =	sadd.s32 $0x20, s31;
	s31 =	sshll.u32 s29, $0x5;
	[tilespmem:s1+$0x0] =	vst v2  }
0x1e8: {  	s1 =	sor.u32 s6, s31;
	[tilespmem:s2+$0xFFFFFFF0] =	vst v4;
	v1 =	vpop (erf)  }
0x1e9: {  	s17 =	sadd.s32 $0x20, s2;
	s1 =	smul.u32 $0x14, s1;
	[tilespmem:s2+$0x0] =	vst v1;
	v1 =	vpop (erf)  }
0x1ea: {  	[tilespmem:s17+$0xFFFFFFF0] =	vst v1;
	v1 =	vpop (erf)  }
0x1eb: {  	s1 =	sadd.s32 s4, s1;
	[tilespmem:s17+$0x0] =	vst v1  }
0x1ec: {  	[hbm4b:s1+s5] =	stream.linear.scatter [tilespmem:s23], [sflag:$0x5], $0xA0, $0x38;
	[tilespmem:$0x19500] =	vst v63  }
0x1ed: {  	s1 =	sadd.s32 $0x3, s30  }
0x1ee: {  	p0 =	sge.u32 s1, s8  }
0x1ef: {  	s1 =	sshll.u32 @!p0 s1, $0x5  }
0x1f0: {  	s1 =	sor.u32 @!p0 s6, s1  }
0x1f1: {  	_ =	swait.ge [sflag:s24], $0xA0;
	s1 =	smul.u32 @!p0 $0x14, s1  }
.Ltmp9:
0x1f2: {  	[sflag:s24] =	ssyncset.done $0x0;
	s17 =	simm.s32 @!p0 $0x0;
	(pc) =	sbr.rel .LBB2_12-.Ltmp9, $4  }
0x1f3: {  	s18 =	simm.s32 @!p0 $0x200;
	[sflag:s24] =	ssyncadd.s32 $0xFFFFFF60;
	s2 =	sadd.s32 @!p0 s0, s1  }
0x1f4: {  	[tilespmem:s18], [sflag:$0x2] =	stream.linear.gather @!p0 [hbm4b:s2+s17], $0xA0, $0x38;
	[tilespmem:$0x19500] =	vst v63  }
0x1f5: {  	s1 =	sadd.s32 @!p0 s3, s1;
	s2 =	simm.s32 @!p0 $0x300  }
0x1f6: {  	[tilespmem:s2], [sflag:$0x2] =	stream.linear.gather @!p0 [hbm4b:s1+s17], $0xA0, $0x38;
	[tilespmem:$0x19500] =	vst v63  }
.LBB2_14:
0x1f7: {  	_ =	sfence.sel $0x180000  }
0x1f8: {  	[bflag:$0x0] =	sbarrier.arrive $0xFFFF  }
0x1f9: {  	_ =	strace $0x90000050  }
0x1fa: {  	s0 =	stileid.u32;
	[bflag:$0x2] =	sbarrier.arrive $0xFFFF  }
0x1fb: {  	p0 =	sne.s32 s0, $0x0;
	s0 =	rddreg [dreg:$0x4]  }
0x1fc: {  	s0 =	sadd.s32 @!p0 $0x100000, s0  }
0x1fd: {  	[sflag:s0] =	ssyncadd.tile.s32 @!p0 $0x1;
	_ =	shalt  }
.Lfunc_end2:
_tile_overlayer_lowered:
.L_overlay_start_2:
0x1fe: {  	(tag) =	ssettag $0x2  }
0x1ff: {  	s0 =	rddreg [dreg:$0x0];
	s2 =	stileid.u32  }
0x200: {  	s1 =	rddreg [dreg:$0x1];
	p0 =	sne.s32 s2, $0x0  }
0x201: {  	s3 =	rddreg [dreg:$0x2];
	[bflag:$0x3] =	sbarrier.arrive $0xFFFF;
	s2 =	simm.s32 @!p0 $0x1C05  }
0x202: {  	[timem:s3], [sflag:s2] =	dma.local @!p0 [hbm:s0], s1  }
0x203: {  	s0 =	simm.s32 @!p0 $0x5  }
0x204: {  	_ =	swait.ge @!p0 [sflag:s0], s1  }
0x205: {  	s1 =	ssub.s32 @!p0 $0x0, s1;
	[sflag:s0] =	ssyncset.done @!p0 $0x0  }
0x206: {  	[sflag:s0] =	ssyncadd.s32 @!p0 s1  }
0x207: {  	[bflag:$0x3] =	sbarrier.arrive $0xFFFF  }
0x208: {  	_ =	shalt  }

// kernel: kernel.9.cloned.1.call-start
scs
__scs_entry_jumppad:
0x0: {  	(pc) =	sbr.rel $0x88, $3  }
0x1: {  	(tag) =	ssettag $0x0;
	lr =	simm.s32 $0x1  }
0x2: {  	[smem:$0x3F99] =	sst lr;
	_ =	strace $0xD0000000  }
0x3: {  	_ = 	snop  }
0x4: {  	_ = 	snop  }
0x5: {  	_ = 	snop  }
0x6: {  	_ = 	snop  }
0x7: {  	_ = 	snop  }
__scs_overlays_trampoline_lowered:
0x8: {  	[smem:$0x3FA8] =	sst s0  }
0x9: {  	[smem:$0x3FA9] =	sst s1  }
0xa: {  	[smem:$0x3FAA] =	sst s2  }
0xb: {  	[smem:$0x3FAB] =	sst s3  }
0xc: {  	[smem:$0x3FAC] =	sst s4  }
0xd: {  	[smem:$0x3FAD] =	sst s5  }
0xe: {  	[smem:$0x3FAE] =	sst s6  }
0xf: {  	[smem:$0x3FAF] =	sst s7  }
0x10: {  	[smem:$0x3FB0] =	sst s8  }
0x11: {  	[smem:$0x3FB1] =	sst s9;
	s0 =	simm.s32 @!p0 $0x0  }
0x12: {  	s1 =	sld [smem:$0x3F97];
	s0 =	simm.s32 @p0 $0x1  }
0x13: {  	[smem:$0x3FB2] =	sst s0;
	s0 =	simm.s32 @!p1 $0x0  }
0x14: {  	s2 =	sld [smem:$0x3F96];
	s0 =	simm.s32 @p1 $0x1  }
0x15: {  	[smem:$0x3FB3] =	sst s0;
	s0 =	simm.s32 @!p2 $0x0  }
0x16: {  	s3 =	sld [smem:$0x3FDB];
	s0 =	simm.s32 @p2 $0x1  }
0x17: {  	s4 =	simm.s32 $0x1BF5;
	[smem:$0x3FB5] =	sst s0  }
0x18: {  	s0 =	sld [smem:$0x3F98];
	_ =	swait.ge [sflag:s4], $0x0  }
0x19: {  	s7 =	sld [smem:$0x3F99]  }
0x1a: {  	s8 =	sadd.s32 $0xFFFFE003, lr  }
0x1b: {  	s9 =	sadd.s32 $0xFFFFFEF7, lr;
	s5 =	simm.s32 $0xFFFFFFFF;
	p2 =	slt.u32 s8, $0xFFFFF086  }
0x1c: {  	p1 =	slt.u32 s9, $0xF7A;
	s5 =	simm.s32 @!p2 $0x0  }
0x1d: {  	s5 =	simm.s32 @p1 $0x1;
	p0 =	seq.s32 s7, s2  }
0x1e: {  	s7 =	smul.u32 @!p0 $0xF7A, s2;
	p2 =	seq.s32 @!p0 s5, $0x0  }
0x1f: {  	s9 =	smul.u32 $0xF7A, s1;
	s8 =	simm.s32 @!p0 $0x1BF5;
	p2 =	por !p2, p0  }
0x20: {  	[sflag:s8] =	ssyncset.s32 @!p0 $0xFFFFF086;
	s6 =	sadd.s32 @!p0 s3, s7;
	s7 =	simm.s32 @!p0 $0x108  }
0x21: {  	s3 =	sadd.s32 s3, s9;
	s6 =	sadd.s32 @!p0 $0x88, s6;
	s7 =	simm.s32 @p2 $0x1082  }
0x22: {  	[simem:s7], [sflag:s8] =	dma.local @!p0 [hbm:s6], $0xF7A  }
0x23: {  	s9 =	sor.u32 $0xD0000000, s2;
	s6 =	simm.s32 $0x108;
	_ =	swait.ge @!p0 [sflag:s8], $0x0  }
0x24: {  	s3 =	sadd.s32 $0x88, s3;
	s6 =	simm.s32 @!p1 $0x1082;
	[sflag:s4] =	ssyncset.s32 $0xFFFFF086  }
0x25: {  	[simem:s6], [sflag:s4] =	dma.local [hbm:s3], $0xF7A  }
0x26: {  	[smem:$0x3F99] =	sst s1;
	(tag) =	ssettag s2;
	_ =	strace s9  }
0x27: {  	s1 =	sld [smem:$0x3FA9]  }
0x28: {  	s2 =	sld [smem:$0x3FAA]  }
0x29: {  	s4 =	sld [smem:$0x3FAC]  }
0x2a: {  	p0 =	seq.s32 s5, $0x0;
	s5 =	sld [smem:$0x3FAD]  }
0x2b: {  	s6 =	sld [smem:$0x3FAE]  }
0x2c: {  	s7 =	sld [smem:$0x3FAF]  }
0x2d: {  	s3 =	simm.s32 $0x108;
	s8 =	sld [smem:$0x3FB0]  }
0x2e: {  	s3 =	simm.s32 @!p0 $0x1082;
	s9 =	sld [smem:$0x3FB1]  }
0x2f: {  	lr =	sadd.s32 s0, s3;
	s0 =	sld [smem:$0x3FA8]  }
0x30: {  	s3 =	sld [smem:$0x3FAB]  }
0x31: {  	[smem:$0x3FB4] =	sst s10  }
0x32: {  	s10 =	sld [smem:$0x3FB2];
	_ =	sdelay $0x3  }
0x33: {  	p0 =	seq.s32 s10, $0x1;
	s10 =	sld [smem:$0x3FB4];
	_ =	sdelay $0x3  }
0x34: {  	[smem:$0x3FB4] =	sst s10  }
0x35: {  	s10 =	sld [smem:$0x3FB3];
	_ =	sdelay $0x3  }
0x36: {  	p1 =	seq.s32 s10, $0x1;
	s10 =	sld [smem:$0x3FB4];
	_ =	sdelay $0x3  }
0x37: {  	[smem:$0x3FB4] =	sst s10  }
0x38: {  	s10 =	sld [smem:$0x3FB5]  }
0x39: {  	_ = 	snop;
	(pc) =	sbr.ind lr, $3  }
0x3a: {  	_ = 	snop  }
0x3b: {  	_ = 	snop  }
0x3c: {  	p2 =	seq.s32 s10, $0x1;
	s10 =	sld [smem:$0x3FB4]  }
0x3d: {  	_ =	shalt  }
0x3e: {  	_ =	shalt  }
0x3f: {  	_ =	shalt  }
0x40: {  	_ =	shalt  }
0x41: {  	_ =	shalt  }
0x42: {  	_ =	shalt  }
0x43: {  	_ =	shalt  }
0x44: {  	_ =	shalt  }
0x45: {  	_ =	shalt  }
0x46: {  	_ =	shalt  }
0x47: {  	_ =	shalt  }
0x48: {  	_ =	shalt  }
0x49: {  	_ =	shalt  }
0x4a: {  	_ =	shalt  }
0x4b: {  	_ =	shalt  }
0x4c: {  	_ =	shalt  }
0x4d: {  	_ =	shalt  }
0x4e: {  	_ =	shalt  }
0x4f: {  	_ =	shalt  }
0x50: {  	_ =	shalt  }
0x51: {  	_ =	shalt  }
0x52: {  	_ =	shalt  }
0x53: {  	_ =	shalt  }
0x54: {  	_ =	shalt  }
0x55: {  	_ =	shalt  }
0x56: {  	_ =	shalt  }
0x57: {  	_ =	shalt  }
0x58: {  	_ =	shalt  }
0x59: {  	_ =	shalt  }
0x5a: {  	_ =	shalt  }
0x5b: {  	_ =	shalt  }
0x5c: {  	_ =	shalt  }
0x5d: {  	_ =	shalt  }
0x5e: {  	_ =	shalt  }
0x5f: {  	_ =	shalt  }
0x60: {  	_ =	shalt  }
0x61: {  	_ =	shalt  }
0x62: {  	_ =	shalt  }
0x63: {  	_ =	shalt  }
0x64: {  	_ =	shalt  }
0x65: {  	_ =	shalt  }
0x66: {  	_ =	shalt  }
0x67: {  	_ =	shalt  }
0x68: {  	_ =	shalt  }
0x69: {  	_ =	shalt  }
0x6a: {  	_ =	shalt  }
0x6b: {  	_ =	shalt  }
0x6c: {  	_ =	shalt  }
0x6d: {  	_ =	shalt  }
0x6e: {  	_ =	shalt  }
0x6f: {  	_ =	shalt  }
0x70: {  	_ =	shalt  }
0x71: {  	_ =	shalt  }
0x72: {  	_ =	shalt  }
0x73: {  	_ =	shalt  }
0x74: {  	_ =	shalt  }
0x75: {  	_ =	shalt  }
0x76: {  	_ =	shalt  }
0x77: {  	_ =	shalt  }
0x78: {  	_ =	shalt  }
0x79: {  	_ =	shalt  }
0x7a: {  	_ =	shalt  }
0x7b: {  	_ =	shalt  }
0x7c: {  	_ =	shalt  }
0x7d: {  	_ =	shalt  }
0x7e: {  	_ =	shalt  }
0x7f: {  	_ =	shalt  }
0x80: {  	_ =	shalt  }
0x81: {  	_ =	shalt  }
0x82: {  	_ =	shalt  }
0x83: {  	_ =	shalt  }
0x84: {  	_ =	shalt  }
0x85: {  	_ =	shalt  }
0x86: {  	_ =	shalt  }
0x87: {  	_ =	shalt  }
.Lfunc_end0:
.L_simem_size_0:
called_computation_lowered:
.L_overlay_start_0:
0x88: {  	s2 =	sld [smem:$0x3FD9]  }
0x89: {  	s3 =	sld [smem:$0x3FFE];
	_ =	sdelay $0x1  }
0x8a: {  	s1 =	srdreg.scid  }
0x8b: {  	s0 =	sand.u32 $0x1, s1  }
0x8c: {  	s17 =	sshll.u32 s0, $0xA;
	s2 =	sadd.s32 s3, s2  }
0x8d: {  	s2 =	sadd.s32 s2, s17  }
0x8e: {  	[smem:$0x3FC0] =	sst s2  }
0x8f: {  	_ = 	snop  }
0x90: {  	s2 =	sld [smem:$0x3FD0];
	(tm) =	ssettm $0x1  }
0x91: {  	s18 =	sld [smem:$0x3FFB];
	_ =	sdelay $0x3  }
0x92: {  	_ =	strace s18  }
0x93: {  	s3 =	sld [smem:$0x3FFC];
	_ =	sdelay $0x3  }
0x94: {  	_ =	strace s3  }
0x95: {  	s3 =	sld [smem:$0x3FFD];
	_ =	sdelay $0x3  }
0x96: {  	_ =	strace s3  }
0x97: {  	_ =	strace $0x8FFFFFFF  }
0x98: {  	s19 =	sld [smem:$0x3FDB];
	_ =	sdelay $0x1  }
0x99: {  	s4 =	simm.s32 $_scs_section_size  }
0x9a: {  	s5 =	simm.s32 $_size__tile_overlayer_lowered;
	s6 =	simm.s32 $_tile_overlayer_lowered  }
0x9b: {  	s22 =	simm.s32 $0x1BFF;
	s21 =	sshll.u32 s6, $0x1;
	s3 =	sadd.s32 s4, s19  }
0x9c: {  	s7 =	simm.s32 $0x0;
	s20 =	sshll.u32 s5, $0x1;
	s5 =	sadd.s32 s21, s3  }
0x9d: {  	[timem:s7], [sflag:s22] =	dma.local [hbm:s5], s20  }
0x9e: {  	_ =	swait.ge [sflag:s22], s20  }
0x9f: {  	s4 =	ssub.s32 $0x0, s20;
	[sflag:s22] =	ssyncset.done $0x0  }
0xa0: {  	[sflag:s22] =	ssyncadd.s32 s4;
	_ =	sdelay $0x1  }
0xa1: {  	s23 =	simm.s32 $0x1B8B  }
0xa2: {  	_ =	swait.ge [sflag:s23], $0x1  }
0xa3: {  	[sflag:s23] =	ssyncset.done $0x0  }
0xa4: {  	s25 =	simm.s32 $0x1B8E;
	s24 =	sld [smem:$0x3FFE];
	[sflag:s23] =	ssyncadd.s32 $0xFFFFFFFF  }
0xa5: {  	s26 =	simm.s32 $execute0_lowered;
	[smem:$0x3FD2] =	sst s25  }
0xa6: {  	s5 =	sshll.u32 s26, $0x1;
	_ =	strace $0x80000046;
	[dreg:$0x1] =	wrdreg $0xFFFFFFFF  }
0xa7: {  	s28 =	simm.s32 $_size_execute0_lowered;
	s3 =	sadd.s32 s3, s5;
	[dreg:$0x0] =	wrdreg $0x0  }
0xa8: {  	s5 =	sshll.u32 s28, $0x1;
	[dreg:$0x2] =	wrdreg s3  }
0xa9: {  	[dreg:$0x3] =	wrdreg s5  }
0xaa: {  	[dreg:$0x4] =	wrdreg $0xC0  }
0xab: {  	_ =	task [dreg:s7], $0x5FFFF  }
0xac: {  	[dreg:$0x1] =	wrdreg $0xFFFFFFFF  }
0xad: {  	[dreg:$0x0] =	wrdreg $0x60  }
0xae: {  	[dreg:$0x2] =	wrdreg s24  }
0xaf: {  	[dreg:$0x3] =	wrdreg s2  }
0xb0: {  	[dreg:$0x4] =	wrdreg $0x14000  }
0xb1: {  	[dreg:$0x5] =	wrdreg $0x16800  }
0xb2: {  	[dreg:$0x6] =	wrdreg $0x9  }
0xb3: {  	_ =	task.clear_ibuf [dreg:s7], $0x7FFFF;
	_ =	strace $0x90000046  }
0xb4: {  	s29 =	simm.s32 $0x9;
	_ =	strace $0x80000048  }
0xb5: {  	_ =	swait.ge [sflag:s29], $0x1  }
0xb6: {  	[sflag:s29] =	ssyncadd.s32 $0xFFFFFFFF  }
0xb7: {  	_ =	strace $0x90000048  }
0xb8: {  	_ =	sfence  }
0xb9: {  	s30 =	sld [smem:$0x0];
	_ =	sdelay $0x2  }
0xba: {  	s31 =	sshll.u32 s1, $0xD;
	s1 =	sshrl.u32 s1, $0x2  }
0xbb: {  	s3 =	sand.u32 $0x4000, s31;
	s1 =	sadd.s32 s1, s30  }
0xbc: {  	s0 =	sor.u32 s3, s0;
	s1 =	sshll.u32 s1, $0x11  }
0xbd: {  	s0 =	sor.u32 s1, s0  }
0xbe: {  	s0 =	sadd.s32 $0x8F2B, s0  }
0xbf: {  	[sflag:s0] =	ssyncadd.remote.s32 $0x1  }
0xc0: {  	_ =	sfence.sel $0xFFFF  }
0xc1: {  	[dreg:$0x0] =	wrdreg $0xFFFFFFFF;
	(pc) =	sbr.abs _section_cstart, $3  }
0xc2: {  	[dreg:$0x1] =	wrdreg $0xFFFFFFFF  }
0xc3: {  	_ =	task.clear_ibuf [dreg:s7], $0x2FFFF;
	_ =	strace $0x9FFFFFFF  }
0xc4: {  	(tm) =	ssettm $0x7FFFFFFF  }
0xc5: {  	_ =	shalt  }
tec
execute0_lowered:
.L_overlay_start_1:
0x0: {  	(tag) =	ssettag $0x1  }
0x1: {  	s7 =	rddreg [dreg:$0x0]  }
0x2: {  	s11 =	rddreg [dreg:$0x1]  }
0x3: {  	s1 =	rddreg [dreg:$0x2]  }
0x4: {  	s2 =	rddreg [dreg:$0x3];
	s3 =	simm.s32 $0x0;
	s4 =	srdreg.scid  }
0x5: {  	s18 =	stileid.u32;
	s19 =	simm.s32 $0xC00;
	s21 =	simm.s32 $0x1  }
0x6: {  	s22 =	simm.s32 $0x3E8;
	s23 =	simm.s32 $0x1000;
	s24 =	simm.s32 $0x3  }
0x7: {  	s25 =	simm.s32 $0x2;
	[smem:$0x7FF] =	sst s3;
	s8 =	sand.u32 $0x1, s4  }
0x8: {  	s4 =	sadd.s32 $0xCA00, s7;
	s6 =	sadd.s32 $0x16800, s7;
	s15 =	smul.u32 $0x2710, s18  }
0x9: {  	p0 =	sne.s32 s18, $0x0;
	_ =	strace $0x80000047;
	s12 =	smul.u32 $0x500, s8  }
0xa: {  	s5 =	sshll.u32 s8, $0x4;
	s26 =	ssub.s32 $0x2, s8;
	s10 =	smul.u32 $0x27100, s8  }
0xb: {  	s20 =	sshrl.u32 @!p0 s1, $0x3;
	s9 =	sor.u32 s18, s5;
	s5 =	sadd.s32 $0x2C00, s7  }
0xc: {  	s28 =	sshrl.u32 s26, $0x1;
	s18 =	simm.s32 $0x800;
	s9 =	smul.u32 $0x2710, s9  }
0xd: {  	s13 =	sadd.s32 s12, s7;
	s16 =	ssub.s32 s26, s28;
	s17 =	sadd.s32 s15, s10  }
0xe: {  	s11 =	sadd.s32 s11, s12;
	s26 =	simm.s32 $0x0;
	s30 =	sadd.s32 $0xBB8, s17  }
0xf: {  	s12 =	sadd.s32 $0x16E00, s13;
	s13 =	smax.u32 s16, $0x1;
	s16 =	sadd.s32 $0x7D0, s17  }
0x10: {  	s17 =	simm.s32 $0x400;
	s14 =	sshrl.u32 s9, $0x3;
	s9 =	sadd.s32 $0x3E8, s9  }
0x11: {  	s31 =	sshrl.u32 s30, $0x3;
	s0 =	sadd.s32 s4, s14;
	s8 =	sadd.s32 s5, s14  }
0x12: {  	s29 =	sshrl.u32 s9, $0x3;
	s14 =	sadd.s32 s31, s5;
	s15 =	sadd.s32 s31, s4  }
0x13: {  	v0 =	vimm.f32 $1.000000000e+00;
	[dreg:$0x5] =	wrdreg s0;
	s9 =	sadd.s32 s4, s29;
	s10 =	sadd.s32 s5, s29  }
.LBB2_1:
0x14: {  	s0 =	rddreg [dreg:$0x5]  }
0x15: {  	[tilespmem:s3], [sflag:$0x1] =	stream.linear.gather [hbm4b:s0+s3], $0x3E8, $0x38;
	[tilespmem:$0x1900] =	vst v63  }
0x16: {  	_ = 	snop  }
0x17: {  	[tilespmem:s17], [sflag:$0x1] =	stream.linear.gather [hbm4b:s8+s3], $0x3E8, $0x38;
	[tilespmem:$0x1900] =	vst v63  }
0x18: {  	_ = 	snop  }
0x19: {  	[tilespmem:s18], [sflag:$0x2] =	stream.linear.gather [hbm4b:s9+s3], $0x3E8, $0x38;
	[tilespmem:$0x1900] =	vst v63  }
0x1a: {  	s28 =	simm.s32 $0x40;
	s29 =	simm.s32 $0x0  }
0x1b: {  	[tilespmem:s19], [sflag:$0x2] =	stream.linear.gather [hbm4b:s10+s3], $0x3E8, $0x38;
	[tilespmem:$0x1900] =	vst v63  }
.LBB2_2:
0x1c: {  	p1 =	sne.s32 s28, $0xF80;
	[tilespmem:s29+$0x1000] =	vst v0;
	s29 =	smov.u32 s28;
	s28 =	sadd.s32 $0x40, s28  }
.Ltmp0:
0x1d: {  	(pc) =	sbr.rel @p1 .LBB2_2-.Ltmp0, $2  }
0x1e: {  	_ =	sdelay $0x2  }
0x1f: {  	s29 =	sshra.s32 s29, $0x2  }
0x20: {  	[tilespmem:s29+$0x1000] =	vst v0;
	s29 =	simm.s32 @!p0 $0x1C03;
	s30 =	simm.s32 @!p0 $0x3  }
0x21: {  	[spmem:s20], [sflag:s29] =	dma.local @!p0 [hbm:s6], $0x500  }
0x22: {  	_ =	swait.ge @!p0 [sflag:s30], $0x500  }
0x23: {  	[sflag:s30] =	ssyncset.done @!p0 $0x0  }
0x24: {  	s28 =	sshrl.u32 @!p0 s2, $0x3;
	[sflag:s30] =	ssyncadd.s32 @!p0 $0xFFFFFB00  }
0x25: {  	[spmem:s28], [sflag:s29] =	dma.local @!p0 [hbm:s6], $0x500  }
0x26: {  	_ =	swait.ge @!p0 [sflag:s30], $0x500  }
0x27: {  	[sflag:s30] =	ssyncset.done @!p0 $0x0  }
0x28: {  	[sflag:s30] =	ssyncadd.s32 @!p0 $0xFFFFFB00  }
0x29: {  	[bflag:$0x0] =	sbarrier.arrive $0xFFFF  }
0x2a: {  	_ =	swait.ge [sflag:s21], $0x3E8  }
0x2b: {  	[sflag:s21] =	ssyncset.done $0x0  }
0x2c: {  	[sflag:s21] =	ssyncadd.s32 $0xFFFFFC18  }
0x2d: {  	_ =	swait.ge [sflag:s21], $0x3E8  }
0x2e: {  	[sflag:s21] =	ssyncset.done $0x0  }
0x2f: {  	[sflag:s21] =	ssyncadd.s32 $0xFFFFFC18  }
0x30: {  	[spmem:s1] =	stream.indirect.scatter.add.f32 [tilespmem:s23], [sflag:$0x3], $0x1, s3, s22, $0xb8;
	[tilespmem:$0x1900] =	vst v63  }
0x31: {  	_ =	swait.ge [sflag:s24], $0x3E8  }
0x32: {  	[sflag:s24] =	ssyncset.done $0x0  }
0x33: {  	[sflag:s24] =	ssyncadd.s32 $0xFFFFFC18  }
0x34: {  	[spmem:s2] =	stream.indirect.scatter.add.f32 [tilespmem:s23], [sflag:$0x3], $0x1, s17, s22, $0xb8;
	[tilespmem:$0x1900] =	vst v63  }
0x35: {  	_ =	swait.ge [sflag:s24], $0x3E8  }
0x36: {  	s29 =	sshrl.u32 s16, $0x3;
	[sflag:s24] =	ssyncset.done $0x0  }
0x37: {  	s30 =	sadd.s32 s4, s29;
	[sflag:s24] =	ssyncadd.s32 $0xFFFFFC18  }
0x38: {  	[tilespmem:s3], [sflag:$0x1] =	stream.linear.gather [hbm4b:s30+s3], $0x3E8, $0x38;
	[tilespmem:$0x1900] =	vst v63  }
0x39: {  	s29 =	sadd.s32 s5, s29  }
0x3a: {  	[tilespmem:s17], [sflag:$0x1] =	stream.linear.gather [hbm4b:s29+s3], $0x3E8, $0x38;
	[tilespmem:$0x1900] =	vst v63  }
0x3b: {  	_ =	swait.ge [sflag:s25], $0x3E8  }
0x3c: {  	[sflag:s25] =	ssyncset.done $0x0  }
0x3d: {  	[sflag:s25] =	ssyncadd.s32 $0xFFFFFC18  }
0x3e: {  	_ =	swait.ge [sflag:s25], $0x3E8  }
0x3f: {  	[sflag:s25] =	ssyncset.done $0x0  }
0x40: {  	[sflag:s25] =	ssyncadd.s32 $0xFFFFFC18  }
0x41: {  	[spmem:s1] =	stream.indirect.scatter.add.f32 [tilespmem:s23], [sflag:$0x3], $0x1, s18, s22, $0xb8;
	[tilespmem:$0x1900] =	vst v63  }
0x42: {  	_ =	swait.ge [sflag:s24], $0x3E8  }
0x43: {  	[sflag:s24] =	ssyncset.done $0x0  }
0x44: {  	[sflag:s24] =	ssyncadd.s32 $0xFFFFFC18  }
0x45: {  	[spmem:s2] =	stream.indirect.scatter.add.f32 [tilespmem:s23], [sflag:$0x3], $0x1, s19, s22, $0xb8;
	[tilespmem:$0x1900] =	vst v63  }
0x46: {  	_ =	swait.ge [sflag:s24], $0x3E8  }
0x47: {  	[sflag:s24] =	ssyncset.done $0x0  }
0x48: {  	s29 =	sadd.s32 $0x0, s15;
	[sflag:s24] =	ssyncadd.s32 $0xFFFFFC18  }
0x49: {  	[tilespmem:s18], [sflag:$0x2] =	stream.linear.gather [hbm4b:s29+s3], $0x3E8, $0x38;
	[tilespmem:$0x1900] =	vst v63  }
0x4a: {  	s31 =	sadd.s32 $0x0, s14;
	s30 =	sadd.s32 $0x7D0, s16;
	s29 =	simm.s32 $0xFA  }
.LBB2_4:
0x4b: {  	[tilespmem:s19], [sflag:$0x2] =	stream.linear.gather [hbm4b:s31+s3], $0x3E8, $0x38;
	[tilespmem:$0x1900] =	vst v63  }
0x4c: {  	s31 =	smov.u32 s29  }
0x4d: {  	p1 =	sne.s32 s29, $0x2EE;
	s29 =	sadd.s32 $0xFA, s29;
	_ =	swait.ge [sflag:s21], $0x3E8  }
0x4e: {  	[sflag:s21] =	ssyncset.done $0x0  }
0x4f: {  	[sflag:s21] =	ssyncadd.s32 $0xFFFFFC18  }
0x50: {  	_ =	swait.ge [sflag:s21], $0x3E8  }
0x51: {  	[sflag:s21] =	ssyncset.done $0x0  }
0x52: {  	[sflag:s21] =	ssyncadd.s32 $0xFFFFFC18  }
0x53: {  	[spmem:s1] =	stream.indirect.scatter.add.f32 [tilespmem:s23], [sflag:$0x3], $0x1, s3, s22, $0xb8;
	[tilespmem:$0x1900] =	vst v63  }
0x54: {  	_ =	swait.ge [sflag:s24], $0x3E8  }
0x55: {  	[sflag:s24] =	ssyncset.done $0x0  }
0x56: {  	[sflag:s24] =	ssyncadd.s32 $0xFFFFFC18  }
0x57: {  	[spmem:s2] =	stream.indirect.scatter.add.f32 [tilespmem:s23], [sflag:$0x3], $0x1, s17, s22, $0xb8;
	[tilespmem:$0x1900] =	vst v63  }
0x58: {  	_ =	swait.ge [sflag:s24], $0x3E8  }
0x59: {  	s0 =	sshrl.u32 s30, $0x3;
	[sflag:s24] =	ssyncset.done $0x0  }
0x5a: {  	s7 =	sadd.s32 s4, s0;
	[sflag:s24] =	ssyncadd.s32 $0xFFFFFC18  }
0x5b: {  	[tilespmem:s3], [sflag:$0x1] =	stream.linear.gather [hbm4b:s7+s3], $0x3E8, $0x38;
	[tilespmem:$0x1900] =	vst v63  }
0x5c: {  	s0 =	sadd.s32 s5, s0  }
0x5d: {  	[tilespmem:s17], [sflag:$0x1] =	stream.linear.gather [hbm4b:s0+s3], $0x3E8, $0x38;
	[tilespmem:$0x1900] =	vst v63  }
0x5e: {  	_ =	swait.ge [sflag:s25], $0x3E8  }
0x5f: {  	[sflag:s25] =	ssyncset.done $0x0  }
0x60: {  	[sflag:s25] =	ssyncadd.s32 $0xFFFFFC18  }
0x61: {  	_ =	swait.ge [sflag:s25], $0x3E8  }
0x62: {  	[sflag:s25] =	ssyncset.done $0x0  }
0x63: {  	[sflag:s25] =	ssyncadd.s32 $0xFFFFFC18  }
0x64: {  	[spmem:s1] =	stream.indirect.scatter.add.f32 [tilespmem:s23], [sflag:$0x3], $0x1, s18, s22, $0xb8;
	[tilespmem:$0x1900] =	vst v63  }
0x65: {  	_ =	swait.ge [sflag:s24], $0x3E8  }
0x66: {  	[sflag:s24] =	ssyncset.done $0x0  }
0x67: {  	[sflag:s24] =	ssyncadd.s32 $0xFFFFFC18  }
0x68: {  	[spmem:s2] =	stream.indirect.scatter.add.f32 [tilespmem:s23], [sflag:$0x3], $0x1, s19, s22, $0xb8;
	[tilespmem:$0x1900] =	vst v63  }
.Ltmp1:
0x69: {  	_ =	swait.ge [sflag:s24], $0x3E8;
	(pc) =	sbr.rel @p1 .LBB2_4-.Ltmp1, $4  }
0x6a: {  	[sflag:s24] =	ssyncset.done $0x0  }
0x6b: {  	s0 =	sadd.s32 s31, s15;
	[sflag:s24] =	ssyncadd.s32 $0xFFFFFC18  }
0x6c: {  	[tilespmem:s18], [sflag:$0x2] =	stream.linear.gather [hbm4b:s0+s3], $0x3E8, $0x38;
	[tilespmem:$0x1900] =	vst v63  }
0x6d: {  	s30 =	sadd.s32 $0x7D0, s30;
	s31 =	sadd.s32 s31, s14  }
0x6e: {  	[tilespmem:s19], [sflag:$0x2] =	stream.linear.gather [hbm4b:s31+s3], $0x3E8, $0x38;
	[tilespmem:$0x1900] =	vst v63  }
0x6f: {  	_ =	swait.ge [sflag:s21], $0x3E8  }
0x70: {  	[sflag:s21] =	ssyncset.done $0x0  }
0x71: {  	[sflag:s21] =	ssyncadd.s32 $0xFFFFFC18  }
0x72: {  	_ =	swait.ge [sflag:s21], $0x3E8  }
0x73: {  	[sflag:s21] =	ssyncset.done $0x0  }
0x74: {  	[sflag:s21] =	ssyncadd.s32 $0xFFFFFC18  }
0x75: {  	[spmem:s1] =	stream.indirect.scatter.add.f32 [tilespmem:s23], [sflag:$0x3], $0x1, s3, s22, $0xb8;
	[tilespmem:$0x1900] =	vst v63  }
0x76: {  	_ =	swait.ge [sflag:s24], $0x3E8  }
0x77: {  	[sflag:s24] =	ssyncset.done $0x0  }
0x78: {  	[sflag:s24] =	ssyncadd.s32 $0xFFFFFC18  }
0x79: {  	[spmem:s2] =	stream.indirect.scatter.add.f32 [tilespmem:s23], [sflag:$0x3], $0x1, s17, s22, $0xb8;
	[tilespmem:$0x1900] =	vst v63  }
0x7a: {  	_ =	swait.ge [sflag:s24], $0x3E8  }
0x7b: {  	[sflag:s24] =	ssyncset.done $0x0  }
0x7c: {  	[sflag:s24] =	ssyncadd.s32 $0xFFFFFC18  }
0x7d: {  	_ =	swait.ge [sflag:s25], $0x3E8  }
0x7e: {  	[sflag:s25] =	ssyncset.done $0x0  }
0x7f: {  	[sflag:s25] =	ssyncadd.s32 $0xFFFFFC18  }
0x80: {  	_ =	swait.ge [sflag:s25], $0x3E8  }
0x81: {  	[sflag:s25] =	ssyncset.done $0x0  }
0x82: {  	[sflag:s25] =	ssyncadd.s32 $0xFFFFFC18  }
0x83: {  	[spmem:s1] =	stream.indirect.scatter.add.f32 [tilespmem:s23], [sflag:$0x3], $0x1, s18, s22, $0xb8;
	[tilespmem:$0x1900] =	vst v63  }
0x84: {  	_ =	swait.ge [sflag:s24], $0x3E8  }
0x85: {  	[sflag:s24] =	ssyncset.done $0x0  }
0x86: {  	[sflag:s24] =	ssyncadd.s32 $0xFFFFFC18  }
0x87: {  	[spmem:s2] =	stream.indirect.scatter.add.f32 [tilespmem:s23], [sflag:$0x3], $0x1, s19, s22, $0xb8;
	[tilespmem:$0x1900] =	vst v63  }
0x88: {  	_ =	swait.ge [sflag:s24], $0x3E8  }
0x89: {  	[sflag:s24] =	ssyncset.done $0x0  }
0x8a: {  	[sflag:s24] =	ssyncadd.s32 $0xFFFFFC18  }
0x8b: {  	s0 =	simm.s32 @!p0 $0x1C03;
	s7 =	simm.s32 @!p0 $0x3;
	[bflag:$0x0] =	sbarrier.arrive $0xFFFF  }
0x8c: {  	[hbm:s11], [sflag:s0] =	dma.local @!p0 [spmem:s20], $0x500  }
0x8d: {  	s26 =	sadd.s32 $0x1, s26;
	_ =	swait.ge @!p0 [sflag:s7], $0x500  }
0x8e: {  	p1 =	sne.s32 s26, s13;
	[sflag:s7] =	ssyncset.done @!p0 $0x0  }
.Ltmp2:
0x8f: {  	[sflag:s7] =	ssyncadd.s32 @!p0 $0xFFFFFB00;
	(pc) =	sbr.rel @p1 .LBB2_1-.Ltmp2, $4  }
0x90: {  	[hbm:s12], [sflag:s0] =	dma.local @!p0 [spmem:s28], $0x500  }
0x91: {  	_ =	swait.ge @!p0 [sflag:s7], $0x500  }
0x92: {  	[sflag:s7] =	ssyncset.done @!p0 $0x0  }
0x93: {  	[sflag:s7] =	ssyncadd.s32 @!p0 $0xFFFFFB00  }
0x94: {  	_ =	sfence.sel $0x180000  }
0x95: {  	[bflag:$0x0] =	sbarrier.arrive $0xFFFF  }
0x96: {  	_ =	strace $0x90000047  }
0x97: {  	[bflag:$0x2] =	sbarrier.arrive $0xFFFF  }
0x98: {  	s0 =	rddreg [dreg:$0x4]  }
0x99: {  	s0 =	sadd.s32 @!p0 $0x100000, s0  }
0x9a: {  	[sflag:s0] =	ssyncadd.tile.s32 @!p0 $0x1;
	_ =	shalt  }
.Lfunc_end2:
_tile_overlayer_lowered:
.L_overlay_start_2:
0x9b: {  	(tag) =	ssettag $0x2  }
0x9c: {  	s0 =	rddreg [dreg:$0x0];
	s2 =	stileid.u32  }
0x9d: {  	s1 =	rddreg [dreg:$0x1];
	p0 =	sne.s32 s2, $0x0  }
0x9e: {  	s3 =	rddreg [dreg:$0x2];
	[bflag:$0x3] =	sbarrier.arrive $0xFFFF;
	s2 =	simm.s32 @!p0 $0x1C03  }
0x9f: {  	[timem:s3], [sflag:s2] =	dma.local @!p0 [hbm:s0], s1  }
0xa0: {  	s0 =	simm.s32 @!p0 $0x3  }
0xa1: {  	_ =	swait.ge @!p0 [sflag:s0], s1  }
0xa2: {  	s1 =	ssub.s32 @!p0 $0x0, s1;
	[sflag:s0] =	ssyncset.done @!p0 $0x0  }
0xa3: {  	[sflag:s0] =	ssyncadd.s32 @!p0 s1  }
0xa4: {  	[bflag:$0x3] =	sbarrier.arrive $0xFFFF  }
0xa5: {  	_ =	shalt  }

</sc_bundles>
